<compile_context>
chip_gen: v7x
topology: tpu7x:2x2x1
jax: 0.10.2.dev20260603
libtpu: 0.0.44.dev20260713+nightly
codegen_flags: <defaults>
</compile_context>

<pallas_src>
import functools

import jax
import jax.numpy as jnp
from jax import lax
from jax.experimental import pallas as pl
from jax.experimental.pallas import tpu as pltpu
from jax.experimental.pallas import tpu_sc as plsc

_N = 50000
_K = 10
_V = 100000
_D = 128

_NC, _NS = 2, 16
_C = 32
_TOTC = 1600
_CPS = _TOTC // _NS
_NC0, _NC1 = 50, 50
_NI = _C * _K
_STREAMS = ((0, 128), (128, 128), (256, 64))

_mesh = plsc.VectorSubcoreMesh(
    core_axis_name="c", subcore_axis_name="s", num_cores=_NC, num_subcores=_NS
)


@functools.partial(
    pl.kernel,
    out_type=jax.ShapeDtypeStruct((_N, _D), jnp.float32),
    mesh=_mesh,
    scratch_types=[
        pltpu.VMEM((_NI,), jnp.int32),
        pltpu.VMEM((_NI,), jnp.int32),
        pltpu.VMEM((_C,), jnp.int32),
        pltpu.VMEM((_C,), jnp.int32),
        pltpu.VMEM((_NI + 16,), jnp.float32),
        pltpu.VMEM((_NI + 16,), jnp.float32),
        pltpu.VMEM((_NI, _D), jnp.float32),
        pltpu.VMEM((_NI, _D), jnp.float32),
        pltpu.VMEM((_C, _D), jnp.float32),
        pltpu.VMEM((_C, _D), jnp.float32),
        pltpu.VMEM((_C, _D), jnp.float32),
        pltpu.VMEM((_C, _D), jnp.float32),
        pltpu.SemaphoreType.DMA,
        pltpu.SemaphoreType.DMA,
        pltpu.SemaphoreType.DMA,
        pltpu.SemaphoreType.DMA,
        pltpu.SemaphoreType.DMA,
        pltpu.SemaphoreType.DMA,
    ],
)
def _sc_aggregate(nidx_hbm, pocket_hbm, wm_hbm, table_hbm, out_hbm,
                  nidx0, nidx1, self0, self1, wm0, wm1,
                  nrows0, nrows1, srows0, srows1, outv0, outv1,
                  sm0, sm1, sr0, sr1, so0, so1):
    core = lax.axis_index("c")
    sub = lax.axis_index("s")
    chunk0 = sub * _CPS + jnp.where(core == 0, 0, _NC0)
    n_my = jnp.where(core == 0, _NC0, _NC1)

    def node_base(g_local):
        return jnp.minimum((chunk0 + g_local) * _C, _N - _C)

    def meta_descs(g_local, iv, sv, wv, sem):
        nb = node_base(g_local)
        return [
            pltpu.make_async_copy(nidx_hbm.at[pl.ds(nb * _K, _NI)], iv, sem),
            pltpu.make_async_copy(pocket_hbm.at[pl.ds(nb, _C)], sv, sem),
            pltpu.make_async_copy(wm_hbm.at[pl.ds(nb * _K, _NI)],
                                  wv.at[pl.ds(0, _NI)], sem),
        ]

    def gather_descs(iv, sv, nr, srws, sem):
        descs = [
            pltpu.make_async_copy(
                table_hbm.at[iv.at[pl.ds(off, cnt)]],
                nr.at[pl.ds(off, cnt), :], sem)
            for off, cnt in _STREAMS
        ]
        descs.append(pltpu.make_async_copy(table_hbm.at[sv], srws, sem))
        return descs

    def store_desc(g_local, ov, sem):
        return pltpu.make_async_copy(
            ov, out_hbm.at[pl.ds(node_base(g_local), _C), :], sem)

    lanes = lax.iota(jnp.int32, 16)
    valid = lanes < _K

    def compute(wv, nr, srws, ov):
        def node_body(i, carry):
            wmv = jnp.where(valid, wv[pl.ds(i * _K, 16)], 0.0)
            wks = [wmv[k] for k in range(_K)]
            denom = 1.0 + wks[0]
            for k in range(1, _K):
                denom = denom + wks[k]
            inv = 1.0 / jnp.maximum(jnp.full((16,), denom, jnp.float32), 1e-6)
            rbase = i * _K
            acc = [None] * (_D // 16)
            for d in range(_D // 16):
                acc[d] = srws[i, pl.ds(d * 16, 16)]
            for k in range(_K):
                wk = wks[k]
                for d in range(_D // 16):
                    acc[d] = acc[d] + wk * nr[rbase + k, pl.ds(d * 16, 16)]
            for d in range(_D // 16):
                ov[i, pl.ds(d * 16, 16)] = acc[d] * inv
            return carry

        lax.fori_loop(0, _C, node_body, 0)

    for d in meta_descs(0, nidx0, self0, wm0, sm0):
        d.start()
    for d in meta_descs(1, nidx1, self1, wm1, sm1):
        d.start()
    for d in meta_descs(0, nidx0, self0, wm0, sm0):
        d.wait()
    for d in gather_descs(nidx0, self0, nrows0, srows0, sr0):
        d.start()

    def chunk_pair(i, carry):
        cA = 2 * i
        cB = 2 * i + 1
        for d in meta_descs(lax.rem(cA + 1, n_my), nidx1, self1, wm1, sm1):
            d.wait()
        for d in gather_descs(nidx1, self1, nrows1, srows1, sr1):
            d.start()
        for d in gather_descs(nidx0, self0, nrows0, srows0, sr0):
            d.wait()

        @pl.when(cA >= 2)
        def _():
            store_desc(cA - 2, outv0, so0).wait()

        compute(wm0, nrows0, srows0, outv0)
        store_desc(cA, outv0, so0).start()
        for d in meta_descs(lax.rem(cA + 2, n_my), nidx0, self0, wm0, sm0):
            d.start()
        for d in meta_descs(lax.rem(cB + 1, n_my), nidx0, self0, wm0, sm0):
            d.wait()
        for d in gather_descs(nidx0, self0, nrows0, srows0, sr0):
            d.start()
        for d in gather_descs(nidx1, self1, nrows1, srows1, sr1):
            d.wait()

        @pl.when(cB >= 2)
        def _():
            store_desc(cB - 2, outv1, so1).wait()

        compute(wm1, nrows1, srows1, outv1)
        store_desc(cB, outv1, so1).start()
        for d in meta_descs(lax.rem(cB + 2, n_my), nidx1, self1, wm1, sm1):
            d.start()
        return carry

    lax.fori_loop(0, n_my // 2, chunk_pair, 0)

    for d in meta_descs(1, nidx1, self1, wm1, sm1):
        d.wait()
    for d in gather_descs(nidx0, self0, nrows0, srows0, sr0):
        d.wait()
    store_desc(n_my - 2, outv0, so0).wait()
    store_desc(n_my - 1, outv1, so1).wait()


def kernel(embed_weight, neighbor_weight, neighbor_mask, nodes_pocket, neighbor_idx):
    nidx = neighbor_idx.astype(jnp.int32).reshape(-1)
    wm = (neighbor_weight * neighbor_mask).reshape(-1)
    return _sc_aggregate(nidx, nodes_pocket.astype(jnp.int32), wm,
                         embed_weight)

# --- scband reference (transcript-rebuilt; emitter-appended) ---
"""Pipeline reference for scband-plencoder-53463752900615 (READ-ONLY COPY).

The authoritative reference and input builder live on the scoring server;
editing this copy changes nothing except your own understanding.
"""

import jax, jax.numpy as jnp
import numpy as np

N = 50000   # batch of pocket nodes
K = 10      # max_sample neighbors per pocket
V = 100000  # molecule (smi) vocabulary size
D = 128     # embed_dim


def setup_inputs(seed: int = 0) -> dict:
    key = jax.random.key(seed)
    k1, k2, k3, k4, k5 = jax.random.split(key, 5)
    # pocket node -> self smi/embedding index
    nodes_pocket = jax.random.randint(k1, (N,), 0, V)
    # dense neighbor table: smi2idx of each neighbor pocket's ligand
    neighbor_idx = jax.random.randint(k2, (N, K), 0, V)
    # int((score - 0.5) * 10) discretized similarity weights, kept as float for aggregation
    neighbor_weight = jax.random.randint(k3, (N, K), 0, 6).astype(jnp.float32)
    # validity mask: neighbors filtered out (same assay / same smi / not in train set) get 0
    neighbor_mask = jax.random.bernoulli(k4, 0.8, (N, K)).astype(jnp.float32)
    # learned molecule embedding table (the aggregator's feature source)
    embed_weight = jax.random.normal(k5, (V, D), dtype=jnp.float32) * 0.1
    return {
        "embed_weight": embed_weight,
        "neighbor_weight": neighbor_weight,
        "neighbor_mask": neighbor_mask,
        "nodes_pocket": nodes_pocket,
        "neighbor_idx": neighbor_idx,
    }


def reference(embed_weight, neighbor_weight, neighbor_mask, nodes_pocket, neighbor_idx):
    # gather neighbor ligand embeddings: [N, K, D]
    nbr_emb = jnp.take(embed_weight, neighbor_idx, axis=0)
    # self pocket embedding (uv=True includes self, GCN-style): [N, D]
    self_emb = jnp.take(embed_weight, nodes_pocket, axis=0)
    w = (neighbor_weight * neighbor_mask)[..., None]  # [N, K, 1]
    weighted_sum = jnp.sum(nbr_emb * w, axis=1) + self_emb  # self has weight 1
    denom = jnp.sum(w, axis=1) + 1.0
    neigh_feats = weighted_sum / jnp.clip(denom, 1e-6)
    return neigh_feats

if __name__ == "__main__":
    import jax
    _d = setup_inputs()
    print(jax.jit(kernel)(*tuple(_d.values())))

</pallas_src>

<mosaic_0001>
#map = affine_map<(d0, d1) -> (0)>
#map1 = affine_map<(d0, d1) -> (0, 0)>
module attributes {stable_mosaic.version = 14 : i64} {
  func.func @_sc_aggregate(%arg0: i32, %arg1: i32, %arg2: memref<500000xi32, #tpu.memory_space<hbm>>, %arg3: memref<50000xi32, #tpu.memory_space<hbm>>, %arg4: memref<500000xf32, #tpu.memory_space<hbm>>, %arg5: memref<100000x128xf32, #tpu.memory_space<hbm>>, %arg6: memref<50000x128xf32, #tpu.memory_space<hbm>>, %arg7: memref<320xi32, #tpu.memory_space<vmem>>, %arg8: memref<320xi32, #tpu.memory_space<vmem>>, %arg9: memref<32xi32, #tpu.memory_space<vmem>>, %arg10: memref<32xi32, #tpu.memory_space<vmem>>, %arg11: memref<336xf32, #tpu.memory_space<vmem>>, %arg12: memref<336xf32, #tpu.memory_space<vmem>>, %arg13: memref<320x128xf32, #tpu.memory_space<vmem>>, %arg14: memref<320x128xf32, #tpu.memory_space<vmem>>, %arg15: memref<32x128xf32, #tpu.memory_space<vmem>>, %arg16: memref<32x128xf32, #tpu.memory_space<vmem>>, %arg17: memref<32x128xf32, #tpu.memory_space<vmem>>, %arg18: memref<32x128xf32, #tpu.memory_space<vmem>>, %arg19: memref<!tpu.dma_semaphore, #tpu.memory_space<semaphore_mem>>, %arg20: memref<!tpu.dma_semaphore, #tpu.memory_space<semaphore_mem>>, %arg21: memref<!tpu.dma_semaphore, #tpu.memory_space<semaphore_mem>>, %arg22: memref<!tpu.dma_semaphore, #tpu.memory_space<semaphore_mem>>, %arg23: memref<!tpu.dma_semaphore, #tpu.memory_space<semaphore_mem>>, %arg24: memref<!tpu.dma_semaphore, #tpu.memory_space<semaphore_mem>>) attributes {dimension_semantics = [#tpu.dimension_semantics<core_parallel>, #tpu.dimension_semantics<subcore_parallel>], iteration_bounds = array<i64: 2, 16>, scalar_prefetch = 0 : i64, scratch_operands = 18 : i64, tpu.core_type = #tpu.core_type<sc_vector_subcore>, window_params = [{transform_indices = #map}, {transform_indices = #map}, {transform_indices = #map}, {transform_indices = #map1}, {transform_indices = #map1}]} {
    %mul3A = arith.constant 100 : i32
    %mul3A_0 = arith.muli %arg1, %mul3A : i32
    %eq3A = arith.constant 0 : i32
    %eq3A_1 = arith.cmpi eq, %arg0, %eq3A : i32
    %jit3A = arith.constant 0 : i32
    %jit3A_2 = arith.constant 50 : i32
    %select_n3A = arith.select %eq3A_1, %jit3A, %jit3A_2 : i32
    %add3A = arith.addi %mul3A_0, %select_n3A : i32
    %eq3A_3 = arith.constant 0 : i32
    %eq3A_4 = arith.cmpi eq, %arg0, %eq3A_3 : i32
    %jit3A_5 = arith.constant 50 : i32
    %jit3A_6 = arith.constant 50 : i32
    %select_n3A_7 = arith.select %eq3A_4, %jit3A_5, %jit3A_6 : i32
    %iota3A = tpu.iota {dimensions = array<i32: 0>} : vector<16xi32>
    %lt3A = arith.constant 10 : i32
    %lt3A_8 = vector.broadcast %lt3A : i32 to vector<16xi32>
    %lt3A_9 = arith.cmpi slt, %iota3A, %lt3A_8 : vector<16xi32>
    %add3A_10 = arith.constant 0 : i32
    %add3A_11 = arith.addi %add3A, %add3A_10 : i32
    %mul3A_12 = arith.constant 32 : i32
    %mul3A_13 = arith.muli %add3A_11, %mul3A_12 : i32
    %min3A = arith.constant 49968 : i32
    %min3A_14 = arith.minsi %mul3A_13, %min3A : i32
    %mul3A_15 = arith.constant 10 : i32
    %mul3A_16 = arith.muli %min3A_14, %mul3A_15 : i32
    %mul3A_17 = arith.constant 10 : i32
    %mul3A_18 = arith.muli %min3A_14, %mul3A_17 : i32
    %dma_start3A = tpu.memref_slice %arg2[%mul3A_16] : memref<500000xi32, #tpu.memory_space<hbm>> -> memref<320xi32, #tpu.memory_space<hbm>>
    %dma_start3A_19 = tpu.memref_slice %arg2[%mul3A_16] : memref<500000xi32, #tpu.memory_space<hbm>> -> memref<320xi32, #tpu.memory_space<hbm>>
    tpu.enqueue_dma source(%dma_start3A_19 : memref<320xi32, #tpu.memory_space<hbm>>) target(%arg7 : memref<320xi32, #tpu.memory_space<vmem>>) target_semaphore(%arg19 : memref<!tpu.dma_semaphore, #tpu.memory_space<semaphore_mem>>)
    %dma_start3A_20 = tpu.memref_slice %arg3[%min3A_14] : memref<50000xi32, #tpu.memory_space<hbm>> -> memref<32xi32, #tpu.memory_space<hbm>>
    %dma_start3A_21 = tpu.memref_slice %arg3[%min3A_14] : memref<50000xi32, #tpu.memory_space<hbm>> -> memref<32xi32, #tpu.memory_space<hbm>>
    tpu.enqueue_dma source(%dma_start3A_21 : memref<32xi32, #tpu.memory_space<hbm>>) target(%arg9 : memref<32xi32, #tpu.memory_space<vmem>>) target_semaphore(%arg19 : memref<!tpu.dma_semaphore, #tpu.memory_space<semaphore_mem>>)
    %dma_start3A_22 = arith.constant 0 : i32
    %dma_start3A_23 = tpu.memref_slice %arg11[%dma_start3A_22] : memref<336xf32, #tpu.memory_space<vmem>> -> memref<320xf32, #tpu.memory_space<vmem>>
    %dma_start3A_24 = tpu.memref_slice %arg4[%mul3A_18] : memref<500000xf32, #tpu.memory_space<hbm>> -> memref<320xf32, #tpu.memory_space<hbm>>
    %dma_start3A_25 = arith.constant 0 : i32
    %dma_start3A_26 = tpu.memref_slice %arg11[%dma_start3A_25] : memref<336xf32, #tpu.memory_space<vmem>> -> memref<320xf32, #tpu.memory_space<vmem>>
    %dma_start3A_27 = tpu.memref_slice %arg4[%mul3A_18] : memref<500000xf32, #tpu.memory_space<hbm>> -> memref<320xf32, #tpu.memory_space<hbm>>
    tpu.enqueue_dma source(%dma_start3A_27 : memref<320xf32, #tpu.memory_space<hbm>>) target(%dma_start3A_26 : memref<320xf32, #tpu.memory_space<vmem>>) target_semaphore(%arg19 : memref<!tpu.dma_semaphore, #tpu.memory_space<semaphore_mem>>)
    %add3A_28 = arith.constant 1 : i32
    %add3A_29 = arith.addi %add3A, %add3A_28 : i32
    %mul3A_30 = arith.constant 32 : i32
    %mul3A_31 = arith.muli %add3A_29, %mul3A_30 : i32
    %min3A_32 = arith.constant 49968 : i32
    %min3A_33 = arith.minsi %mul3A_31, %min3A_32 : i32
    %mul3A_34 = arith.constant 10 : i32
    %mul3A_35 = arith.muli %min3A_33, %mul3A_34 : i32
    %mul3A_36 = arith.constant 10 : i32
    %mul3A_37 = arith.muli %min3A_33, %mul3A_36 : i32
    %dma_start3A_38 = tpu.memref_slice %arg2[%mul3A_35] : memref<500000xi32, #tpu.memory_space<hbm>> -> memref<320xi32, #tpu.memory_space<hbm>>
    %dma_start3A_39 = tpu.memref_slice %arg2[%mul3A_35] : memref<500000xi32, #tpu.memory_space<hbm>> -> memref<320xi32, #tpu.memory_space<hbm>>
    tpu.enqueue_dma source(%dma_start3A_39 : memref<320xi32, #tpu.memory_space<hbm>>) target(%arg8 : memref<320xi32, #tpu.memory_space<vmem>>) target_semaphore(%arg20 : memref<!tpu.dma_semaphore, #tpu.memory_space<semaphore_mem>>)
    %dma_start3A_40 = tpu.memref_slice %arg3[%min3A_33] : memref<50000xi32, #tpu.memory_space<hbm>> -> memref<32xi32, #tpu.memory_space<hbm>>
    %dma_start3A_41 = tpu.memref_slice %arg3[%min3A_33] : memref<50000xi32, #tpu.memory_space<hbm>> -> memref<32xi32, #tpu.memory_space<hbm>>
    tpu.enqueue_dma source(%dma_start3A_41 : memref<32xi32, #tpu.memory_space<hbm>>) target(%arg10 : memref<32xi32, #tpu.memory_space<vmem>>) target_semaphore(%arg20 : memref<!tpu.dma_semaphore, #tpu.memory_space<semaphore_mem>>)
    %dma_start3A_42 = arith.constant 0 : i32
    %dma_start3A_43 = tpu.memref_slice %arg12[%dma_start3A_42] : memref<336xf32, #tpu.memory_space<vmem>> -> memref<320xf32, #tpu.memory_space<vmem>>
    %dma_start3A_44 = tpu.memref_slice %arg4[%mul3A_37] : memref<500000xf32, #tpu.memory_space<hbm>> -> memref<320xf32, #tpu.memory_space<hbm>>
    %dma_start3A_45 = arith.constant 0 : i32
    %dma_start3A_46 = tpu.memref_slice %arg12[%dma_start3A_45] : memref<336xf32, #tpu.memory_space<vmem>> -> memref<320xf32, #tpu.memory_space<vmem>>
    %dma_start3A_47 = tpu.memref_slice %arg4[%mul3A_37] : memref<500000xf32, #tpu.memory_space<hbm>> -> memref<320xf32, #tpu.memory_space<hbm>>
    tpu.enqueue_dma source(%dma_start3A_47 : memref<320xf32, #tpu.memory_space<hbm>>) target(%dma_start3A_46 : memref<320xf32, #tpu.memory_space<vmem>>) target_semaphore(%arg20 : memref<!tpu.dma_semaphore, #tpu.memory_space<semaphore_mem>>)
    %add3A_48 = arith.constant 0 : i32
    %add3A_49 = arith.addi %add3A, %add3A_48 : i32
    %mul3A_50 = arith.constant 32 : i32
    %mul3A_51 = arith.muli %add3A_49, %mul3A_50 : i32
    %min3A_52 = arith.constant 49968 : i32
    %min3A_53 = arith.minsi %mul3A_51, %min3A_52 : i32
    %mul3A_54 = arith.constant 10 : i32
    %mul3A_55 = arith.muli %min3A_53, %mul3A_54 : i32
    %mul3A_56 = arith.constant 10 : i32
    %mul3A_57 = arith.muli %min3A_53, %mul3A_56 : i32
    %dma_wait3A = tpu.memref_slice %arg2[%mul3A_55] : memref<500000xi32, #tpu.memory_space<hbm>> -> memref<320xi32, #tpu.memory_space<hbm>>
    %dma_wait3A_58 = tpu.memref_slice %arg2[%mul3A_55] : memref<500000xi32, #tpu.memory_space<hbm>> -> memref<320xi32, #tpu.memory_space<hbm>>
    tpu.wait_dma2 semaphore(%arg19 : memref<!tpu.dma_semaphore, #tpu.memory_space<semaphore_mem>>) src(%dma_wait3A_58 : memref<320xi32, #tpu.memory_space<hbm>>) dst(%arg7 : memref<320xi32, #tpu.memory_space<vmem>>)
    %dma_wait3A_59 = tpu.memref_slice %arg3[%min3A_53] : memref<50000xi32, #tpu.memory_space<hbm>> -> memref<32xi32, #tpu.memory_space<hbm>>
    %dma_wait3A_60 = tpu.memref_slice %arg3[%min3A_53] : memref<50000xi32, #tpu.memory_space<hbm>> -> memref<32xi32, #tpu.memory_space<hbm>>
    tpu.wait_dma2 semaphore(%arg19 : memref<!tpu.dma_semaphore, #tpu.memory_space<semaphore_mem>>) src(%dma_wait3A_60 : memref<32xi32, #tpu.memory_space<hbm>>) dst(%arg9 : memref<32xi32, #tpu.memory_space<vmem>>)
    %dma_wait3A_61 = arith.constant 0 : i32
    %dma_wait3A_62 = tpu.memref_slice %arg11[%dma_wait3A_61] : memref<336xf32, #tpu.memory_space<vmem>> -> memref<320xf32, #tpu.memory_space<vmem>>
    %dma_wait3A_63 = tpu.memref_slice %arg4[%mul3A_57] : memref<500000xf32, #tpu.memory_space<hbm>> -> memref<320xf32, #tpu.memory_space<hbm>>
    %dma_wait3A_64 = arith.constant 0 : i32
    %dma_wait3A_65 = tpu.memref_slice %arg11[%dma_wait3A_64] : memref<336xf32, #tpu.memory_space<vmem>> -> memref<320xf32, #tpu.memory_space<vmem>>
    %dma_wait3A_66 = tpu.memref_slice %arg4[%mul3A_57] : memref<500000xf32, #tpu.memory_space<hbm>> -> memref<320xf32, #tpu.memory_space<hbm>>
    tpu.wait_dma2 semaphore(%arg19 : memref<!tpu.dma_semaphore, #tpu.memory_space<semaphore_mem>>) src(%dma_wait3A_66 : memref<320xf32, #tpu.memory_space<hbm>>) dst(%dma_wait3A_65 : memref<320xf32, #tpu.memory_space<vmem>>)
    %dma_start3A_67 = arith.constant 0 : i32
    %dma_start3A_68 = arith.constant 0 : i32
    %dma_start3A_69 = tpu.memref_slice %arg13[%dma_start3A_67, %dma_start3A_68] : memref<320x128xf32, #tpu.memory_space<vmem>> -> memref<128x128xf32, #tpu.memory_space<vmem>>
    %dma_start3A_70 = arith.constant 0 : i32
    %dma_start3A_71 = tpu.memref_slice %arg7[%dma_start3A_70] : memref<320xi32, #tpu.memory_space<vmem>> -> memref<128xi32, #tpu.memory_space<vmem>>
    %dma_start3A_72 = arith.constant 0 : i32
    %dma_start3A_73 = arith.constant 0 : i32
    %dma_start3A_74 = tpu.memref_slice %arg5[%dma_start3A_72, %dma_start3A_73] : memref<100000x128xf32, #tpu.memory_space<hbm>> -> memref<100000x128xf32, #tpu.memory_space<hbm>>
    tpu.enqueue_indirect_dma source(%dma_start3A_74 : memref<100000x128xf32, #tpu.memory_space<hbm>>) target(%dma_start3A_69 : memref<128x128xf32, #tpu.memory_space<vmem>>) offsets(%dma_start3A_71 : memref<128xi32, #tpu.memory_space<vmem>>) semaphore(%arg21 : memref<!tpu.dma_semaphore, #tpu.memory_space<semaphore_mem>>)
    %dma_start3A_75 = arith.constant 128 : i32
    %dma_start3A_76 = arith.constant 0 : i32
    %dma_start3A_77 = tpu.memref_slice %arg13[%dma_start3A_75, %dma_start3A_76] : memref<320x128xf32, #tpu.memory_space<vmem>> -> memref<128x128xf32, #tpu.memory_space<vmem>>
    %dma_start3A_78 = arith.constant 128 : i32
    %dma_start3A_79 = tpu.memref_slice %arg7[%dma_start3A_78] : memref<320xi32, #tpu.memory_space<vmem>> -> memref<128xi32, #tpu.memory_space<vmem>>
    %dma_start3A_80 = arith.constant 0 : i32
    %dma_start3A_81 = arith.constant 0 : i32
    %dma_start3A_82 = tpu.memref_slice %arg5[%dma_start3A_80, %dma_start3A_81] : memref<100000x128xf32, #tpu.memory_space<hbm>> -> memref<100000x128xf32, #tpu.memory_space<hbm>>
    tpu.enqueue_indirect_dma source(%dma_start3A_82 : memref<100000x128xf32, #tpu.memory_space<hbm>>) target(%dma_start3A_77 : memref<128x128xf32, #tpu.memory_space<vmem>>) offsets(%dma_start3A_79 : memref<128xi32, #tpu.memory_space<vmem>>) semaphore(%arg21 : memref<!tpu.dma_semaphore, #tpu.memory_space<semaphore_mem>>)
    %dma_start3A_83 = arith.constant 256 : i32
    %dma_start3A_84 = arith.constant 0 : i32
    %dma_start3A_85 = tpu.memref_slice %arg13[%dma_start3A_83, %dma_start3A_84] : memref<320x128xf32, #tpu.memory_space<vmem>> -> memref<64x128xf32, #tpu.memory_space<vmem>>
    %dma_start3A_86 = arith.constant 256 : i32
    %dma_start3A_87 = tpu.memref_slice %arg7[%dma_start3A_86] : memref<320xi32, #tpu.memory_space<vmem>> -> memref<64xi32, #tpu.memory_space<vmem>>
    %dma_start3A_88 = arith.constant 0 : i32
    %dma_start3A_89 = arith.constant 0 : i32
    %dma_start3A_90 = tpu.memref_slice %arg5[%dma_start3A_88, %dma_start3A_89] : memref<100000x128xf32, #tpu.memory_space<hbm>> -> memref<100000x128xf32, #tpu.memory_space<hbm>>
    tpu.enqueue_indirect_dma source(%dma_start3A_90 : memref<100000x128xf32, #tpu.memory_space<hbm>>) target(%dma_start3A_85 : memref<64x128xf32, #tpu.memory_space<vmem>>) offsets(%dma_start3A_87 : memref<64xi32, #tpu.memory_space<vmem>>) semaphore(%arg21 : memref<!tpu.dma_semaphore, #tpu.memory_space<semaphore_mem>>)
    %dma_start3A_91 = arith.constant 0 : i32
    %dma_start3A_92 = arith.constant 0 : i32
    %dma_start3A_93 = tpu.memref_slice %arg5[%dma_start3A_91, %dma_start3A_92] : memref<100000x128xf32, #tpu.memory_space<hbm>> -> memref<100000x128xf32, #tpu.memory_space<hbm>>
    tpu.enqueue_indirect_dma source(%dma_start3A_93 : memref<100000x128xf32, #tpu.memory_space<hbm>>) target(%arg15 : memref<32x128xf32, #tpu.memory_space<vmem>>) offsets(%arg9 : memref<32xi32, #tpu.memory_space<vmem>>) semaphore(%arg21 : memref<!tpu.dma_semaphore, #tpu.memory_space<semaphore_mem>>)
    %jit3A_94 = arith.constant 2 : i32
    %div3A = arith.divsi %select_n3A_7, %jit3A_94 : i32
    %sign3A = arith.constant 0 : i32
    %sign3A_95 = arith.cmpi sgt, %select_n3A_7, %sign3A : i32
    %sign3A_96 = arith.extui %sign3A_95 : i1 to i32
    %sign3A_97 = arith.constant 0 : i32
    %sign3A_98 = arith.cmpi slt, %select_n3A_7, %sign3A_97 : i32
    %sign3A_99 = arith.extui %sign3A_98 : i1 to i32
    %sign3A_100 = arith.subi %sign3A_96, %sign3A_99 : i32
    %sign3A_101 = arith.constant 0 : i32
    %sign3A_102 = arith.cmpi sgt, %jit3A_94, %sign3A_101 : i32
    %sign3A_103 = arith.extui %sign3A_102 : i1 to i32
    %sign3A_104 = arith.constant 0 : i32
    %sign3A_105 = arith.cmpi slt, %jit3A_94, %sign3A_104 : i32
    %sign3A_106 = arith.extui %sign3A_105 : i1 to i32
    %sign3A_107 = arith.subi %sign3A_103, %sign3A_106 : i32
    %ne3A = arith.cmpi ne, %sign3A_100, %sign3A_107 : i32
    %rem3A = arith.remsi %select_n3A_7, %jit3A_94 : i32
    %ne3A_108 = arith.constant 0 : i32
    %ne3A_109 = arith.cmpi ne, %rem3A, %ne3A_108 : i32
    %and3A = arith.andi %ne3A, %ne3A_109 : i1
    %sub3A = arith.constant 1 : i32
    %sub3A_110 = arith.subi %div3A, %sub3A : i32
    %select_n3A_111 = arith.select %and3A, %sub3A_110, %div3A : i32
    %while3A = arith.constant 0 : i32
    %while3A_112 = arith.constant 0 : i32
    %while3A_113 = arith.subi %select_n3A_111, %while3A_112 : i32
    %while3A_114 = arith.addi %while3A_112, %while3A_113 : i32
    %while3A_115 = arith.constant 1 : i32
    %while3A_116 = arith.divsi %while3A_113, %while3A_115 : i32
    %while3A_117 = arith.muli %while3A_116, %while3A_115 : i32
    %while3A_118 = arith.addi %while3A_112, %while3A_117 : i32
    %while3A_119 = arith.constant 1 : i32
    scf.for %while3A_190 = %while3A_112 to %while3A_118 step %while3A_119  : i32 {
      %mul3A_191 = arith.constant 2 : i32
      %mul3A_192 = arith.muli %mul3A_191, %while3A_190 : i32
      %mul3A_193 = arith.constant 2 : i32
      %mul3A_194 = arith.muli %mul3A_193, %while3A_190 : i32
      %add3A_195 = arith.constant 1 : i32
      %add3A_196 = arith.addi %mul3A_194, %add3A_195 : i32
      %add3A_197 = arith.constant 1 : i32
      %add3A_198 = arith.addi %mul3A_192, %add3A_197 : i32
      %rem3A_199 = arith.remsi %add3A_198, %select_n3A_7 : i32
      %add3A_200 = arith.addi %add3A, %rem3A_199 : i32
      %mul3A_201 = arith.constant 32 : i32
      %mul3A_202 = arith.muli %add3A_200, %mul3A_201 : i32
      %min3A_203 = arith.constant 49968 : i32
      %min3A_204 = arith.minsi %mul3A_202, %min3A_203 : i32
      %mul3A_205 = arith.constant 10 : i32
      %mul3A_206 = arith.muli %min3A_204, %mul3A_205 : i32
      %mul3A_207 = arith.constant 10 : i32
      %mul3A_208 = arith.muli %min3A_204, %mul3A_207 : i32
      %dma_wait3A_209 = tpu.memref_slice %arg2[%mul3A_206] : memref<500000xi32, #tpu.memory_space<hbm>> -> memref<320xi32, #tpu.memory_space<hbm>>
      %dma_wait3A_210 = tpu.memref_slice %arg2[%mul3A_206] : memref<500000xi32, #tpu.memory_space<hbm>> -> memref<320xi32, #tpu.memory_space<hbm>>
      tpu.wait_dma2 semaphore(%arg20 : memref<!tpu.dma_semaphore, #tpu.memory_space<semaphore_mem>>) src(%dma_wait3A_210 : memref<320xi32, #tpu.memory_space<hbm>>) dst(%arg8 : memref<320xi32, #tpu.memory_space<vmem>>)
      %dma_wait3A_211 = tpu.memref_slice %arg3[%min3A_204] : memref<50000xi32, #tpu.memory_space<hbm>> -> memref<32xi32, #tpu.memory_space<hbm>>
      %dma_wait3A_212 = tpu.memref_slice %arg3[%min3A_204] : memref<50000xi32, #tpu.memory_space<hbm>> -> memref<32xi32, #tpu.memory_space<hbm>>
      tpu.wait_dma2 semaphore(%arg20 : memref<!tpu.dma_semaphore, #tpu.memory_space<semaphore_mem>>) src(%dma_wait3A_212 : memref<32xi32, #tpu.memory_space<hbm>>) dst(%arg10 : memref<32xi32, #tpu.memory_space<vmem>>)
      %dma_wait3A_213 = arith.constant 0 : i32
      %dma_wait3A_214 = tpu.memref_slice %arg12[%dma_wait3A_213] : memref<336xf32, #tpu.memory_space<vmem>> -> memref<320xf32, #tpu.memory_space<vmem>>
      %dma_wait3A_215 = tpu.memref_slice %arg4[%mul3A_208] : memref<500000xf32, #tpu.memory_space<hbm>> -> memref<320xf32, #tpu.memory_space<hbm>>
      %dma_wait3A_216 = arith.constant 0 : i32
      %dma_wait3A_217 = tpu.memref_slice %arg12[%dma_wait3A_216] : memref<336xf32, #tpu.memory_space<vmem>> -> memref<320xf32, #tpu.memory_space<vmem>>
      %dma_wait3A_218 = tpu.memref_slice %arg4[%mul3A_208] : memref<500000xf32, #tpu.memory_space<hbm>> -> memref<320xf32, #tpu.memory_space<hbm>>
      tpu.wait_dma2 semaphore(%arg20 : memref<!tpu.dma_semaphore, #tpu.memory_space<semaphore_mem>>) src(%dma_wait3A_218 : memref<320xf32, #tpu.memory_space<hbm>>) dst(%dma_wait3A_217 : memref<320xf32, #tpu.memory_space<vmem>>)
      %dma_start3A_219 = arith.constant 0 : i32
      %dma_start3A_220 = arith.constant 0 : i32
      %dma_start3A_221 = tpu.memref_slice %arg14[%dma_start3A_219, %dma_start3A_220] : memref<320x128xf32, #tpu.memory_space<vmem>> -> memref<128x128xf32, #tpu.memory_space<vmem>>
      %dma_start3A_222 = arith.constant 0 : i32
      %dma_start3A_223 = tpu.memref_slice %arg8[%dma_start3A_222] : memref<320xi32, #tpu.memory_space<vmem>> -> memref<128xi32, #tpu.memory_space<vmem>>
      %dma_start3A_224 = arith.constant 0 : i32
      %dma_start3A_225 = arith.constant 0 : i32
      %dma_start3A_226 = tpu.memref_slice %arg5[%dma_start3A_224, %dma_start3A_225] : memref<100000x128xf32, #tpu.memory_space<hbm>> -> memref<100000x128xf32, #tpu.memory_space<hbm>>
      tpu.enqueue_indirect_dma source(%dma_start3A_226 : memref<100000x128xf32, #tpu.memory_space<hbm>>) target(%dma_start3A_221 : memref<128x128xf32, #tpu.memory_space<vmem>>) offsets(%dma_start3A_223 : memref<128xi32, #tpu.memory_space<vmem>>) semaphore(%arg22 : memref<!tpu.dma_semaphore, #tpu.memory_space<semaphore_mem>>)
      %dma_start3A_227 = arith.constant 128 : i32
      %dma_start3A_228 = arith.constant 0 : i32
      %dma_start3A_229 = tpu.memref_slice %arg14[%dma_start3A_227, %dma_start3A_228] : memref<320x128xf32, #tpu.memory_space<vmem>> -> memref<128x128xf32, #tpu.memory_space<vmem>>
      %dma_start3A_230 = arith.constant 128 : i32
      %dma_start3A_231 = tpu.memref_slice %arg8[%dma_start3A_230] : memref<320xi32, #tpu.memory_space<vmem>> -> memref<128xi32, #tpu.memory_space<vmem>>
      %dma_start3A_232 = arith.constant 0 : i32
      %dma_start3A_233 = arith.constant 0 : i32
      %dma_start3A_234 = tpu.memref_slice %arg5[%dma_start3A_232, %dma_start3A_233] : memref<100000x128xf32, #tpu.memory_space<hbm>> -> memref<100000x128xf32, #tpu.memory_space<hbm>>
      tpu.enqueue_indirect_dma source(%dma_start3A_234 : memref<100000x128xf32, #tpu.memory_space<hbm>>) target(%dma_start3A_229 : memref<128x128xf32, #tpu.memory_space<vmem>>) offsets(%dma_start3A_231 : memref<128xi32, #tpu.memory_space<vmem>>) semaphore(%arg22 : memref<!tpu.dma_semaphore, #tpu.memory_space<semaphore_mem>>)
      %dma_start3A_235 = arith.constant 256 : i32
      %dma_start3A_236 = arith.constant 0 : i32
      %dma_start3A_237 = tpu.memref_slice %arg14[%dma_start3A_235, %dma_start3A_236] : memref<320x128xf32, #tpu.memory_space<vmem>> -> memref<64x128xf32, #tpu.memory_space<vmem>>
      %dma_start3A_238 = arith.constant 256 : i32
      %dma_start3A_239 = tpu.memref_slice %arg8[%dma_start3A_238] : memref<320xi32, #tpu.memory_space<vmem>> -> memref<64xi32, #tpu.memory_space<vmem>>
      %dma_start3A_240 = arith.constant 0 : i32
      %dma_start3A_241 = arith.constant 0 : i32
      %dma_start3A_242 = tpu.memref_slice %arg5[%dma_start3A_240, %dma_start3A_241] : memref<100000x128xf32, #tpu.memory_space<hbm>> -> memref<100000x128xf32, #tpu.memory_space<hbm>>
      tpu.enqueue_indirect_dma source(%dma_start3A_242 : memref<100000x128xf32, #tpu.memory_space<hbm>>) target(%dma_start3A_237 : memref<64x128xf32, #tpu.memory_space<vmem>>) offsets(%dma_start3A_239 : memref<64xi32, #tpu.memory_space<vmem>>) semaphore(%arg22 : memref<!tpu.dma_semaphore, #tpu.memory_space<semaphore_mem>>)
      %dma_start3A_243 = arith.constant 0 : i32
      %dma_start3A_244 = arith.constant 0 : i32
      %dma_start3A_245 = tpu.memref_slice %arg5[%dma_start3A_243, %dma_start3A_244] : memref<100000x128xf32, #tpu.memory_space<hbm>> -> memref<100000x128xf32, #tpu.memory_space<hbm>>
      tpu.enqueue_indirect_dma source(%dma_start3A_245 : memref<100000x128xf32, #tpu.memory_space<hbm>>) target(%arg16 : memref<32x128xf32, #tpu.memory_space<vmem>>) offsets(%arg10 : memref<32xi32, #tpu.memory_space<vmem>>) semaphore(%arg22 : memref<!tpu.dma_semaphore, #tpu.memory_space<semaphore_mem>>)
      %dma_wait3A_246 = arith.constant 0 : i32
      %dma_wait3A_247 = arith.constant 0 : i32
      %dma_wait3A_248 = tpu.memref_slice %arg13[%dma_wait3A_246, %dma_wait3A_247] : memref<320x128xf32, #tpu.memory_space<vmem>> -> memref<128x128xf32, #tpu.memory_space<vmem>>
      %dma_wait3A_249 = arith.constant 0 : i32
      %dma_wait3A_250 = tpu.memref_slice %arg7[%dma_wait3A_249] : memref<320xi32, #tpu.memory_space<vmem>> -> memref<128xi32, #tpu.memory_space<vmem>>
      %dma_wait3A_251 = arith.constant 0 : i32
      %dma_wait3A_252 = arith.constant 0 : i32
      %dma_wait3A_253 = tpu.memref_slice %arg5[%dma_wait3A_251, %dma_wait3A_252] : memref<100000x128xf32, #tpu.memory_space<hbm>> -> memref<100000x128xf32, #tpu.memory_space<hbm>>
      tpu.wait_indirect_dma semaphore(%arg21 : memref<!tpu.dma_semaphore, #tpu.memory_space<semaphore_mem>>) src(%dma_wait3A_253 : memref<100000x128xf32, #tpu.memory_space<hbm>>) dst(%dma_wait3A_248 : memref<128x128xf32, #tpu.memory_space<vmem>>)
      %dma_wait3A_254 = arith.constant 128 : i32
      %dma_wait3A_255 = arith.constant 0 : i32
      %dma_wait3A_256 = tpu.memref_slice %arg13[%dma_wait3A_254, %dma_wait3A_255] : memref<320x128xf32, #tpu.memory_space<vmem>> -> memref<128x128xf32, #tpu.memory_space<vmem>>
      %dma_wait3A_257 = arith.constant 128 : i32
      %dma_wait3A_258 = tpu.memref_slice %arg7[%dma_wait3A_257] : memref<320xi32, #tpu.memory_space<vmem>> -> memref<128xi32, #tpu.memory_space<vmem>>
      %dma_wait3A_259 = arith.constant 0 : i32
      %dma_wait3A_260 = arith.constant 0 : i32
      %dma_wait3A_261 = tpu.memref_slice %arg5[%dma_wait3A_259, %dma_wait3A_260] : memref<100000x128xf32, #tpu.memory_space<hbm>> -> memref<100000x128xf32, #tpu.memory_space<hbm>>
      tpu.wait_indirect_dma semaphore(%arg21 : memref<!tpu.dma_semaphore, #tpu.memory_space<semaphore_mem>>) src(%dma_wait3A_261 : memref<100000x128xf32, #tpu.memory_space<hbm>>) dst(%dma_wait3A_256 : memref<128x128xf32, #tpu.memory_space<vmem>>)
      %dma_wait3A_262 = arith.constant 256 : i32
      %dma_wait3A_263 = arith.constant 0 : i32
      %dma_wait3A_264 = tpu.memref_slice %arg13[%dma_wait3A_262, %dma_wait3A_263] : memref<320x128xf32, #tpu.memory_space<vmem>> -> memref<64x128xf32, #tpu.memory_space<vmem>>
      %dma_wait3A_265 = arith.constant 256 : i32
      %dma_wait3A_266 = tpu.memref_slice %arg7[%dma_wait3A_265] : memref<320xi32, #tpu.memory_space<vmem>> -> memref<64xi32, #tpu.memory_space<vmem>>
      %dma_wait3A_267 = arith.constant 0 : i32
      %dma_wait3A_268 = arith.constant 0 : i32
      %dma_wait3A_269 = tpu.memref_slice %arg5[%dma_wait3A_267, %dma_wait3A_268] : memref<100000x128xf32, #tpu.memory_space<hbm>> -> memref<100000x128xf32, #tpu.memory_space<hbm>>
      tpu.wait_indirect_dma semaphore(%arg21 : memref<!tpu.dma_semaphore, #tpu.memory_space<semaphore_mem>>) src(%dma_wait3A_269 : memref<100000x128xf32, #tpu.memory_space<hbm>>) dst(%dma_wait3A_264 : memref<64x128xf32, #tpu.memory_space<vmem>>)
      %dma_wait3A_270 = arith.constant 0 : i32
      %dma_wait3A_271 = arith.constant 0 : i32
      %dma_wait3A_272 = tpu.memref_slice %arg5[%dma_wait3A_270, %dma_wait3A_271] : memref<100000x128xf32, #tpu.memory_space<hbm>> -> memref<100000x128xf32, #tpu.memory_space<hbm>>
      tpu.wait_indirect_dma semaphore(%arg21 : memref<!tpu.dma_semaphore, #tpu.memory_space<semaphore_mem>>) src(%dma_wait3A_272 : memref<100000x128xf32, #tpu.memory_space<hbm>>) dst(%arg15 : memref<32x128xf32, #tpu.memory_space<vmem>>)
      %ge3A = arith.constant 2 : i32
      %ge3A_273 = arith.cmpi sge, %mul3A_192, %ge3A : i32
      %convert_element_type3A = arith.extui %ge3A_273 : i1 to i32
      %cond3A = arith.constant 0 : i32
      %cond3A_274 = arith.cmpi ne, %convert_element_type3A, %cond3A : i32
      scf.if %cond3A_274 {
        %sub3A_429 = arith.constant 2 : i32
        %sub3A_430 = arith.subi %mul3A_192, %sub3A_429 : i32
        %add3A_431 = arith.addi %add3A, %sub3A_430 : i32
        %mul3A_432 = arith.constant 32 : i32
        %mul3A_433 = arith.muli %add3A_431, %mul3A_432 : i32
        %min3A_434 = arith.constant 49968 : i32
        %min3A_435 = arith.minsi %mul3A_433, %min3A_434 : i32
        %dma_wait3A_436 = arith.constant 0 : i32
        %dma_wait3A_437 = tpu.memref_slice %arg6[%min3A_435, %dma_wait3A_436] : memref<50000x128xf32, #tpu.memory_space<hbm>> -> memref<32x128xf32, #tpu.memory_space<hbm>>
        %dma_wait3A_438 = arith.constant 0 : i32
        %dma_wait3A_439 = tpu.memref_slice %arg6[%min3A_435, %dma_wait3A_438] : memref<50000x128xf32, #tpu.memory_space<hbm>> -> memref<32x128xf32, #tpu.memory_space<hbm>>
        tpu.wait_dma2 semaphore(%arg23 : memref<!tpu.dma_semaphore, #tpu.memory_space<semaphore_mem>>) src(%arg17 : memref<32x128xf32, #tpu.memory_space<vmem>>) dst(%dma_wait3A_439 : memref<32x128xf32, #tpu.memory_space<hbm>>)
      } else {
      }
      %scan3A = arith.constant 0 : i32
      %scan3A_275 = arith.constant 0 : i32
      %scan3A_276 = arith.constant 32 : i32
      %scan3A_277 = arith.addi %scan3A_275, %scan3A_276 : i32
      %scan3A_278 = arith.constant 1 : i32
      scf.for %scan3A_429 = %scan3A_275 to %scan3A_277 step %scan3A_278  : i32 {
        %mul3A_430 = arith.constant 10 : i32
        %mul3A_431 = arith.muli %scan3A_429, %mul3A_430 : i32
        %get3A = arith.index_cast %mul3A_431 : i32 to index
        %get3A_432 = tpu.vector_load %arg11[%get3A] {strides = array<i32>} : memref<336xf32, #tpu.memory_space<vmem>>, vector<16xf32>,
        %get3A_433 = vector.shape_cast %get3A_432 : vector<16xf32> to vector<16xf32>
        %jit3A_434 = arith.constant 0.000000e+00 : f32
        %broadcast_in_dim3A = vector.broadcast %jit3A_434 : f32 to vector<16xf32>
        %select_n3A_435 = arith.select %lt3A_9, %get3A_433, %broadcast_in_dim3A : vector<16xi1>, vector<16xf32>
        %slice3A = vector.extract_strided_slice %select_n3A_435 {offsets = [0], sizes = [1], strides = [1]} : vector<16xf32> to vector<1xf32>
        %squeeze3A = vector.extract %slice3A[0] : f32 from vector<1xf32>
        %slice3A_436 = vector.extract_strided_slice %select_n3A_435 {offsets = [1], sizes = [1], strides = [1]} : vector<16xf32> to vector<1xf32>
        %squeeze3A_437 = vector.extract %slice3A_436[0] : f32 from vector<1xf32>
        %slice3A_438 = vector.extract_strided_slice %select_n3A_435 {offsets = [2], sizes = [1], strides = [1]} : vector<16xf32> to vector<1xf32>
        %squeeze3A_439 = vector.extract %slice3A_438[0] : f32 from vector<1xf32>
        %slice3A_440 = vector.extract_strided_slice %select_n3A_435 {offsets = [3], sizes = [1], strides = [1]} : vector<16xf32> to vector<1xf32>
        %squeeze3A_441 = vector.extract %slice3A_440[0] : f32 from vector<1xf32>
        %slice3A_442 = vector.extract_strided_slice %select_n3A_435 {offsets = [4], sizes = [1], strides = [1]} : vector<16xf32> to vector<1xf32>
        %squeeze3A_443 = vector.extract %slice3A_442[0] : f32 from vector<1xf32>
        %slice3A_444 = vector.extract_strided_slice %select_n3A_435 {offsets = [5], sizes = [1], strides = [1]} : vector<16xf32> to vector<1xf32>
        %squeeze3A_445 = vector.extract %slice3A_444[0] : f32 from vector<1xf32>
        %slice3A_446 = vector.extract_strided_slice %select_n3A_435 {offsets = [6], sizes = [1], strides = [1]} : vector<16xf32> to vector<1xf32>
        %squeeze3A_447 = vector.extract %slice3A_446[0] : f32 from vector<1xf32>
        %slice3A_448 = vector.extract_strided_slice %select_n3A_435 {offsets = [7], sizes = [1], strides = [1]} : vector<16xf32> to vector<1xf32>
        %squeeze3A_449 = vector.extract %slice3A_448[0] : f32 from vector<1xf32>
        %slice3A_450 = vector.extract_strided_slice %select_n3A_435 {offsets = [8], sizes = [1], strides = [1]} : vector<16xf32> to vector<1xf32>
        %squeeze3A_451 = vector.extract %slice3A_450[0] : f32 from vector<1xf32>
        %slice3A_452 = vector.extract_strided_slice %select_n3A_435 {offsets = [9], sizes = [1], strides = [1]} : vector<16xf32> to vector<1xf32>
        %squeeze3A_453 = vector.extract %slice3A_452[0] : f32 from vector<1xf32>
        %add3A_454 = arith.constant 1.000000e+00 : f32
        %add3A_455 = arith.addf %add3A_454, %squeeze3A : f32
        %add3A_456 = arith.addf %add3A_455, %squeeze3A_437 : f32
        %add3A_457 = arith.addf %add3A_456, %squeeze3A_439 : f32
        %add3A_458 = arith.addf %add3A_457, %squeeze3A_441 : f32
        %add3A_459 = arith.addf %add3A_458, %squeeze3A_443 : f32
        %add3A_460 = arith.addf %add3A_459, %squeeze3A_445 : f32
        %add3A_461 = arith.addf %add3A_460, %squeeze3A_447 : f32
        %add3A_462 = arith.addf %add3A_461, %squeeze3A_449 : f32
        %add3A_463 = arith.addf %add3A_462, %squeeze3A_451 : f32
        %add3A_464 = arith.addf %add3A_463, %squeeze3A_453 : f32
        %broadcast_in_dim3A_465 = vector.broadcast %add3A_464 : f32 to vector<16xf32>
        %max3A = arith.constant 9.99999997E-7 : f32
        %max3A_466 = vector.broadcast %max3A : f32 to vector<16xf32>
        %max3A_467 = arith.maximumf %broadcast_in_dim3A_465, %max3A_466 : vector<16xf32>
        %div3A_468 = arith.constant 1.000000e+00 : f32
        %div3A_469 = vector.broadcast %div3A_468 : f32 to vector<16xf32>
        %div3A_470 = arith.divf %div3A_469, %max3A_467 : vector<16xf32>
        %mul3A_471 = arith.constant 10 : i32
        %mul3A_472 = arith.muli %scan3A_429, %mul3A_471 : i32
        %get3A_473 = arith.index_cast %scan3A_429 : i32 to index
        %get3A_474 = arith.constant 0 : index
        %get3A_475 = tpu.vector_load %arg15[%get3A_473, %get3A_474] {strides = array<i32>} : memref<32x128xf32, #tpu.memory_space<vmem>>, vector<1x16xf32>,
        %get3A_476 = vector.shape_cast %get3A_475 : vector<1x16xf32> to vector<16xf32>
        %get3A_477 = arith.index_cast %scan3A_429 : i32 to index
        %get3A_478 = arith.constant 16 : index
        %get3A_479 = tpu.vector_load %arg15[%get3A_477, %get3A_478] {strides = array<i32>} : memref<32x128xf32, #tpu.memory_space<vmem>>, vector<1x16xf32>,
        %get3A_480 = vector.shape_cast %get3A_479 : vector<1x16xf32> to vector<16xf32>
        %get3A_481 = arith.index_cast %scan3A_429 : i32 to index
        %get3A_482 = arith.constant 32 : index
        %get3A_483 = tpu.vector_load %arg15[%get3A_481, %get3A_482] {strides = array<i32>} : memref<32x128xf32, #tpu.memory_space<vmem>>, vector<1x16xf32>,
        %get3A_484 = vector.shape_cast %get3A_483 : vector<1x16xf32> to vector<16xf32>
        %get3A_485 = arith.index_cast %scan3A_429 : i32 to index
        %get3A_486 = arith.constant 48 : index
        %get3A_487 = tpu.vector_load %arg15[%get3A_485, %get3A_486] {strides = array<i32>} : memref<32x128xf32, #tpu.memory_space<vmem>>, vector<1x16xf32>,
        %get3A_488 = vector.shape_cast %get3A_487 : vector<1x16xf32> to vector<16xf32>
        %get3A_489 = arith.index_cast %scan3A_429 : i32 to index
        %get3A_490 = arith.constant 64 : index
        %get3A_491 = tpu.vector_load %arg15[%get3A_489, %get3A_490] {strides = array<i32>} : memref<32x128xf32, #tpu.memory_space<vmem>>, vector<1x16xf32>,
        %get3A_492 = vector.shape_cast %get3A_491 : vector<1x16xf32> to vector<16xf32>
        %get3A_493 = arith.index_cast %scan3A_429 : i32 to index
        %get3A_494 = arith.constant 80 : index
        %get3A_495 = tpu.vector_load %arg15[%get3A_493, %get3A_494] {strides = array<i32>} : memref<32x128xf32, #tpu.memory_space<vmem>>, vector<1x16xf32>,
        %get3A_496 = vector.shape_cast %get3A_495 : vector<1x16xf32> to vector<16xf32>
        %get3A_497 = arith.index_cast %scan3A_429 : i32 to index
        %get3A_498 = arith.constant 96 : index
        %get3A_499 = tpu.vector_load %arg15[%get3A_497, %get3A_498] {strides = array<i32>} : memref<32x128xf32, #tpu.memory_space<vmem>>, vector<1x16xf32>,
        %get3A_500 = vector.shape_cast %get3A_499 : vector<1x16xf32> to vector<16xf32>
        %get3A_501 = arith.index_cast %scan3A_429 : i32 to index
        %get3A_502 = arith.constant 112 : index
        %get3A_503 = tpu.vector_load %arg15[%get3A_501, %get3A_502] {strides = array<i32>} : memref<32x128xf32, #tpu.memory_space<vmem>>, vector<1x16xf32>,
        %get3A_504 = vector.shape_cast %get3A_503 : vector<1x16xf32> to vector<16xf32>
        %add3A_505 = arith.constant 0 : i32
        %add3A_506 = arith.addi %mul3A_472, %add3A_505 : i32
        %get3A_507 = arith.index_cast %add3A_506 : i32 to index
        %get3A_508 = arith.constant 0 : index
        %get3A_509 = tpu.vector_load %arg13[%get3A_507, %get3A_508] {strides = array<i32>} : memref<320x128xf32, #tpu.memory_space<vmem>>, vector<1x16xf32>,
        %get3A_510 = vector.shape_cast %get3A_509 : vector<1x16xf32> to vector<16xf32>
        %mul3A_511 = vector.broadcast %squeeze3A : f32 to vector<16xf32>
        %mul3A_512 = arith.mulf %mul3A_511, %get3A_510 : vector<16xf32>
        %add3A_513 = arith.addf %get3A_476, %mul3A_512 : vector<16xf32>
        %add3A_514 = arith.constant 0 : i32
        %add3A_515 = arith.addi %mul3A_472, %add3A_514 : i32
        %get3A_516 = arith.index_cast %add3A_515 : i32 to index
        %get3A_517 = arith.constant 16 : index
        %get3A_518 = tpu.vector_load %arg13[%get3A_516, %get3A_517] {strides = array<i32>} : memref<320x128xf32, #tpu.memory_space<vmem>>, vector<1x16xf32>,
        %get3A_519 = vector.shape_cast %get3A_518 : vector<1x16xf32> to vector<16xf32>
        %mul3A_520 = vector.broadcast %squeeze3A : f32 to vector<16xf32>
        %mul3A_521 = arith.mulf %mul3A_520, %get3A_519 : vector<16xf32>
        %add3A_522 = arith.addf %get3A_480, %mul3A_521 : vector<16xf32>
        %add3A_523 = arith.constant 0 : i32
        %add3A_524 = arith.addi %mul3A_472, %add3A_523 : i32
        %get3A_525 = arith.index_cast %add3A_524 : i32 to index
        %get3A_526 = arith.constant 32 : index
        %get3A_527 = tpu.vector_load %arg13[%get3A_525, %get3A_526] {strides = array<i32>} : memref<320x128xf32, #tpu.memory_space<vmem>>, vector<1x16xf32>,
        %get3A_528 = vector.shape_cast %get3A_527 : vector<1x16xf32> to vector<16xf32>
        %mul3A_529 = vector.broadcast %squeeze3A : f32 to vector<16xf32>
        %mul3A_530 = arith.mulf %mul3A_529, %get3A_528 : vector<16xf32>
        %add3A_531 = arith.addf %get3A_484, %mul3A_530 : vector<16xf32>
        %add3A_532 = arith.constant 0 : i32
        %add3A_533 = arith.addi %mul3A_472, %add3A_532 : i32
        %get3A_534 = arith.index_cast %add3A_533 : i32 to index
        %get3A_535 = arith.constant 48 : index
        %get3A_536 = tpu.vector_load %arg13[%get3A_534, %get3A_535] {strides = array<i32>} : memref<320x128xf32, #tpu.memory_space<vmem>>, vector<1x16xf32>,
        %get3A_537 = vector.shape_cast %get3A_536 : vector<1x16xf32> to vector<16xf32>
        %mul3A_538 = vector.broadcast %squeeze3A : f32 to vector<16xf32>
        %mul3A_539 = arith.mulf %mul3A_538, %get3A_537 : vector<16xf32>
        %add3A_540 = arith.addf %get3A_488, %mul3A_539 : vector<16xf32>
        %add3A_541 = arith.constant 0 : i32
        %add3A_542 = arith.addi %mul3A_472, %add3A_541 : i32
        %get3A_543 = arith.index_cast %add3A_542 : i32 to index
        %get3A_544 = arith.constant 64 : index
        %get3A_545 = tpu.vector_load %arg13[%get3A_543, %get3A_544] {strides = array<i32>} : memref<320x128xf32, #tpu.memory_space<vmem>>, vector<1x16xf32>,
        %get3A_546 = vector.shape_cast %get3A_545 : vector<1x16xf32> to vector<16xf32>
        %mul3A_547 = vector.broadcast %squeeze3A : f32 to vector<16xf32>
        %mul3A_548 = arith.mulf %mul3A_547, %get3A_546 : vector<16xf32>
        %add3A_549 = arith.addf %get3A_492, %mul3A_548 : vector<16xf32>
        %add3A_550 = arith.constant 0 : i32
        %add3A_551 = arith.addi %mul3A_472, %add3A_550 : i32
        %get3A_552 = arith.index_cast %add3A_551 : i32 to index
        %get3A_553 = arith.constant 80 : index
        %get3A_554 = tpu.vector_load %arg13[%get3A_552, %get3A_553] {strides = array<i32>} : memref<320x128xf32, #tpu.memory_space<vmem>>, vector<1x16xf32>,
        %get3A_555 = vector.shape_cast %get3A_554 : vector<1x16xf32> to vector<16xf32>
        %mul3A_556 = vector.broadcast %squeeze3A : f32 to vector<16xf32>
        %mul3A_557 = arith.mulf %mul3A_556, %get3A_555 : vector<16xf32>
        %add3A_558 = arith.addf %get3A_496, %mul3A_557 : vector<16xf32>
        %add3A_559 = arith.constant 0 : i32
        %add3A_560 = arith.addi %mul3A_472, %add3A_559 : i32
        %get3A_561 = arith.index_cast %add3A_560 : i32 to index
        %get3A_562 = arith.constant 96 : index
        %get3A_563 = tpu.vector_load %arg13[%get3A_561, %get3A_562] {strides = array<i32>} : memref<320x128xf32, #tpu.memory_space<vmem>>, vector<1x16xf32>,
        %get3A_564 = vector.shape_cast %get3A_563 : vector<1x16xf32> to vector<16xf32>
        %mul3A_565 = vector.broadcast %squeeze3A : f32 to vector<16xf32>
        %mul3A_566 = arith.mulf %mul3A_565, %get3A_564 : vector<16xf32>
        %add3A_567 = arith.addf %get3A_500, %mul3A_566 : vector<16xf32>
        %add3A_568 = arith.constant 0 : i32
        %add3A_569 = arith.addi %mul3A_472, %add3A_568 : i32
        %get3A_570 = arith.index_cast %add3A_569 : i32 to index
        %get3A_571 = arith.constant 112 : index
        %get3A_572 = tpu.vector_load %arg13[%get3A_570, %get3A_571] {strides = array<i32>} : memref<320x128xf32, #tpu.memory_space<vmem>>, vector<1x16xf32>,
        %get3A_573 = vector.shape_cast %get3A_572 : vector<1x16xf32> to vector<16xf32>
        %mul3A_574 = vector.broadcast %squeeze3A : f32 to vector<16xf32>
        %mul3A_575 = arith.mulf %mul3A_574, %get3A_573 : vector<16xf32>
        %add3A_576 = arith.addf %get3A_504, %mul3A_575 : vector<16xf32>
        %add3A_577 = arith.constant 1 : i32
        %add3A_578 = arith.addi %mul3A_472, %add3A_577 : i32
        %get3A_579 = arith.index_cast %add3A_578 : i32 to index
        %get3A_580 = arith.constant 0 : index
        %get3A_581 = tpu.vector_load %arg13[%get3A_579, %get3A_580] {strides = array<i32>} : memref<320x128xf32, #tpu.memory_space<vmem>>, vector<1x16xf32>,
        %get3A_582 = vector.shape_cast %get3A_581 : vector<1x16xf32> to vector<16xf32>
        %mul3A_583 = vector.broadcast %squeeze3A_437 : f32 to vector<16xf32>
        %mul3A_584 = arith.mulf %mul3A_583, %get3A_582 : vector<16xf32>
        %add3A_585 = arith.addf %add3A_513, %mul3A_584 : vector<16xf32>
        %add3A_586 = arith.constant 1 : i32
        %add3A_587 = arith.addi %mul3A_472, %add3A_586 : i32
        %get3A_588 = arith.index_cast %add3A_587 : i32 to index
        %get3A_589 = arith.constant 16 : index
        %get3A_590 = tpu.vector_load %arg13[%get3A_588, %get3A_589] {strides = array<i32>} : memref<320x128xf32, #tpu.memory_space<vmem>>, vector<1x16xf32>,
        %get3A_591 = vector.shape_cast %get3A_590 : vector<1x16xf32> to vector<16xf32>
        %mul3A_592 = vector.broadcast %squeeze3A_437 : f32 to vector<16xf32>
        %mul3A_593 = arith.mulf %mul3A_592, %get3A_591 : vector<16xf32>
        %add3A_594 = arith.addf %add3A_522, %mul3A_593 : vector<16xf32>
        %add3A_595 = arith.constant 1 : i32
        %add3A_596 = arith.addi %mul3A_472, %add3A_595 : i32
        %get3A_597 = arith.index_cast %add3A_596 : i32 to index
        %get3A_598 = arith.constant 32 : index
        %get3A_599 = tpu.vector_load %arg13[%get3A_597, %get3A_598] {strides = array<i32>} : memref<320x128xf32, #tpu.memory_space<vmem>>, vector<1x16xf32>,
        %get3A_600 = vector.shape_cast %get3A_599 : vector<1x16xf32> to vector<16xf32>
        %mul3A_601 = vector.broadcast %squeeze3A_437 : f32 to vector<16xf32>
        %mul3A_602 = arith.mulf %mul3A_601, %get3A_600 : vector<16xf32>
        %add3A_603 = arith.addf %add3A_531, %mul3A_602 : vector<16xf32>
        %add3A_604 = arith.constant 1 : i32
        %add3A_605 = arith.addi %mul3A_472, %add3A_604 : i32
        %get3A_606 = arith.index_cast %add3A_605 : i32 to index
        %get3A_607 = arith.constant 48 : index
        %get3A_608 = tpu.vector_load %arg13[%get3A_606, %get3A_607] {strides = array<i32>} : memref<320x128xf32, #tpu.memory_space<vmem>>, vector<1x16xf32>,
        %get3A_609 = vector.shape_cast %get3A_608 : vector<1x16xf32> to vector<16xf32>
        %mul3A_610 = vector.broadcast %squeeze3A_437 : f32 to vector<16xf32>
        %mul3A_611 = arith.mulf %mul3A_610, %get3A_609 : vector<16xf32>
        %add3A_612 = arith.addf %add3A_540, %mul3A_611 : vector<16xf32>
        %add3A_613 = arith.constant 1 : i32
        %add3A_614 = arith.addi %mul3A_472, %add3A_613 : i32
        %get3A_615 = arith.index_cast %add3A_614 : i32 to index
        %get3A_616 = arith.constant 64 : index
        %get3A_617 = tpu.vector_load %arg13[%get3A_615, %get3A_616] {strides = array<i32>} : memref<320x128xf32, #tpu.memory_space<vmem>>, vector<1x16xf32>,
        %get3A_618 = vector.shape_cast %get3A_617 : vector<1x16xf32> to vector<16xf32>
        %mul3A_619 = vector.broadcast %squeeze3A_437 : f32 to vector<16xf32>
        %mul3A_620 = arith.mulf %mul3A_619, %get3A_618 : vector<16xf32>
        %add3A_621 = arith.addf %add3A_549, %mul3A_620 : vector<16xf32>
        %add3A_622 = arith.constant 1 : i32
        %add3A_623 = arith.addi %mul3A_472, %add3A_622 : i32
        %get3A_624 = arith.index_cast %add3A_623 : i32 to index
        %get3A_625 = arith.constant 80 : index
        %get3A_626 = tpu.vector_load %arg13[%get3A_624, %get3A_625] {strides = array<i32>} : memref<320x128xf32, #tpu.memory_space<vmem>>, vector<1x16xf32>,
        %get3A_627 = vector.shape_cast %get3A_626 : vector<1x16xf32> to vector<16xf32>
        %mul3A_628 = vector.broadcast %squeeze3A_437 : f32 to vector<16xf32>
        %mul3A_629 = arith.mulf %mul3A_628, %get3A_627 : vector<16xf32>
        %add3A_630 = arith.addf %add3A_558, %mul3A_629 : vector<16xf32>
        %add3A_631 = arith.constant 1 : i32
        %add3A_632 = arith.addi %mul3A_472, %add3A_631 : i32
        %get3A_633 = arith.index_cast %add3A_632 : i32 to index
        %get3A_634 = arith.constant 96 : index
        %get3A_635 = tpu.vector_load %arg13[%get3A_633, %get3A_634] {strides = array<i32>} : memref<320x128xf32, #tpu.memory_space<vmem>>, vector<1x16xf32>,
        %get3A_636 = vector.shape_cast %get3A_635 : vector<1x16xf32> to vector<16xf32>
        %mul3A_637 = vector.broadcast %squeeze3A_437 : f32 to vector<16xf32>
        %mul3A_638 = arith.mulf %mul3A_637, %get3A_636 : vector<16xf32>
        %add3A_639 = arith.addf %add3A_567, %mul3A_638 : vector<16xf32>
        %add3A_640 = arith.constant 1 : i32
        %add3A_641 = arith.addi %mul3A_472, %add3A_640 : i32
        %get3A_642 = arith.index_cast %add3A_641 : i32 to index
        %get3A_643 = arith.constant 112 : index
        %get3A_644 = tpu.vector_load %arg13[%get3A_642, %get3A_643] {strides = array<i32>} : memref<320x128xf32, #tpu.memory_space<vmem>>, vector<1x16xf32>,
        %get3A_645 = vector.shape_cast %get3A_644 : vector<1x16xf32> to vector<16xf32>
        %mul3A_646 = vector.broadcast %squeeze3A_437 : f32 to vector<16xf32>
        %mul3A_647 = arith.mulf %mul3A_646, %get3A_645 : vector<16xf32>
        %add3A_648 = arith.addf %add3A_576, %mul3A_647 : vector<16xf32>
        %add3A_649 = arith.constant 2 : i32
        %add3A_650 = arith.addi %mul3A_472, %add3A_649 : i32
        %get3A_651 = arith.index_cast %add3A_650 : i32 to index
        %get3A_652 = arith.constant 0 : index
        %get3A_653 = tpu.vector_load %arg13[%get3A_651, %get3A_652] {strides = array<i32>} : memref<320x128xf32, #tpu.memory_space<vmem>>, vector<1x16xf32>,
        %get3A_654 = vector.shape_cast %get3A_653 : vector<1x16xf32> to vector<16xf32>
        %mul3A_655 = vector.broadcast %squeeze3A_439 : f32 to vector<16xf32>
        %mul3A_656 = arith.mulf %mul3A_655, %get3A_654 : vector<16xf32>
        %add3A_657 = arith.addf %add3A_585, %mul3A_656 : vector<16xf32>
        %add3A_658 = arith.constant 2 : i32
        %add3A_659 = arith.addi %mul3A_472, %add3A_658 : i32
        %get3A_660 = arith.index_cast %add3A_659 : i32 to index
        %get3A_661 = arith.constant 16 : index
        %get3A_662 = tpu.vector_load %arg13[%get3A_660, %get3A_661] {strides = array<i32>} : memref<320x128xf32, #tpu.memory_space<vmem>>, vector<1x16xf32>,
        %get3A_663 = vector.shape_cast %get3A_662 : vector<1x16xf32> to vector<16xf32>
        %mul3A_664 = vector.broadcast %squeeze3A_439 : f32 to vector<16xf32>
        %mul3A_665 = arith.mulf %mul3A_664, %get3A_663 : vector<16xf32>
        %add3A_666 = arith.addf %add3A_594, %mul3A_665 : vector<16xf32>
        %add3A_667 = arith.constant 2 : i32
        %add3A_668 = arith.addi %mul3A_472, %add3A_667 : i32
        %get3A_669 = arith.index_cast %add3A_668 : i32 to index
        %get3A_670 = arith.constant 32 : index
        %get3A_671 = tpu.vector_load %arg13[%get3A_669, %get3A_670] {strides = array<i32>} : memref<320x128xf32, #tpu.memory_space<vmem>>, vector<1x16xf32>,
        %get3A_672 = vector.shape_cast %get3A_671 : vector<1x16xf32> to vector<16xf32>
        %mul3A_673 = vector.broadcast %squeeze3A_439 : f32 to vector<16xf32>
        %mul3A_674 = arith.mulf %mul3A_673, %get3A_672 : vector<16xf32>
        %add3A_675 = arith.addf %add3A_603, %mul3A_674 : vector<16xf32>
        %add3A_676 = arith.constant 2 : i32
        %add3A_677 = arith.addi %mul3A_472, %add3A_676 : i32
        %get3A_678 = arith.index_cast %add3A_677 : i32 to index
        %get3A_679 = arith.constant 48 : index
        %get3A_680 = tpu.vector_load %arg13[%get3A_678, %get3A_679] {strides = array<i32>} : memref<320x128xf32, #tpu.memory_space<vmem>>, vector<1x16xf32>,
        %get3A_681 = vector.shape_cast %get3A_680 : vector<1x16xf32> to vector<16xf32>
        %mul3A_682 = vector.broadcast %squeeze3A_439 : f32 to vector<16xf32>
        %mul3A_683 = arith.mulf %mul3A_682, %get3A_681 : vector<16xf32>
        %add3A_684 = arith.addf %add3A_612, %mul3A_683 : vector<16xf32>
        %add3A_685 = arith.constant 2 : i32
        %add3A_686 = arith.addi %mul3A_472, %add3A_685 : i32
        %get3A_687 = arith.index_cast %add3A_686 : i32 to index
        %get3A_688 = arith.constant 64 : index
        %get3A_689 = tpu.vector_load %arg13[%get3A_687, %get3A_688] {strides = array<i32>} : memref<320x128xf32, #tpu.memory_space<vmem>>, vector<1x16xf32>,
        %get3A_690 = vector.shape_cast %get3A_689 : vector<1x16xf32> to vector<16xf32>
        %mul3A_691 = vector.broadcast %squeeze3A_439 : f32 to vector<16xf32>
        %mul3A_692 = arith.mulf %mul3A_691, %get3A_690 : vector<16xf32>
        %add3A_693 = arith.addf %add3A_621, %mul3A_692 : vector<16xf32>
        %add3A_694 = arith.constant 2 : i32
        %add3A_695 = arith.addi %mul3A_472, %add3A_694 : i32
        %get3A_696 = arith.index_cast %add3A_695 : i32 to index
        %get3A_697 = arith.constant 80 : index
        %get3A_698 = tpu.vector_load %arg13[%get3A_696, %get3A_697] {strides = array<i32>} : memref<320x128xf32, #tpu.memory_space<vmem>>, vector<1x16xf32>,
        %get3A_699 = vector.shape_cast %get3A_698 : vector<1x16xf32> to vector<16xf32>
        %mul3A_700 = vector.broadcast %squeeze3A_439 : f32 to vector<16xf32>
        %mul3A_701 = arith.mulf %mul3A_700, %get3A_699 : vector<16xf32>
        %add3A_702 = arith.addf %add3A_630, %mul3A_701 : vector<16xf32>
        %add3A_703 = arith.constant 2 : i32
        %add3A_704 = arith.addi %mul3A_472, %add3A_703 : i32
        %get3A_705 = arith.index_cast %add3A_704 : i32 to index
        %get3A_706 = arith.constant 96 : index
        %get3A_707 = tpu.vector_load %arg13[%get3A_705, %get3A_706] {strides = array<i32>} : memref<320x128xf32, #tpu.memory_space<vmem>>, vector<1x16xf32>,
        %get3A_708 = vector.shape_cast %get3A_707 : vector<1x16xf32> to vector<16xf32>
        %mul3A_709 = vector.broadcast %squeeze3A_439 : f32 to vector<16xf32>
        %mul3A_710 = arith.mulf %mul3A_709, %get3A_708 : vector<16xf32>
        %add3A_711 = arith.addf %add3A_639, %mul3A_710 : vector<16xf32>
        %add3A_712 = arith.constant 2 : i32
        %add3A_713 = arith.addi %mul3A_472, %add3A_712 : i32
        %get3A_714 = arith.index_cast %add3A_713 : i32 to index
        %get3A_715 = arith.constant 112 : index
        %get3A_716 = tpu.vector_load %arg13[%get3A_714, %get3A_715] {strides = array<i32>} : memref<320x128xf32, #tpu.memory_space<vmem>>, vector<1x16xf32>,
        %get3A_717 = vector.shape_cast %get3A_716 : vector<1x16xf32> to vector<16xf32>
        %mul3A_718 = vector.broadcast %squeeze3A_439 : f32 to vector<16xf32>
        %mul3A_719 = arith.mulf %mul3A_718, %get3A_717 : vector<16xf32>
        %add3A_720 = arith.addf %add3A_648, %mul3A_719 : vector<16xf32>
        %add3A_721 = arith.constant 3 : i32
        %add3A_722 = arith.addi %mul3A_472, %add3A_721 : i32
        %get3A_723 = arith.index_cast %add3A_722 : i32 to index
        %get3A_724 = arith.constant 0 : index
        %get3A_725 = tpu.vector_load %arg13[%get3A_723, %get3A_724] {strides = array<i32>} : memref<320x128xf32, #tpu.memory_space<vmem>>, vector<1x16xf32>,
        %get3A_726 = vector.shape_cast %get3A_725 : vector<1x16xf32> to vector<16xf32>
        %mul3A_727 = vector.broadcast %squeeze3A_441 : f32 to vector<16xf32>
        %mul3A_728 = arith.mulf %mul3A_727, %get3A_726 : vector<16xf32>
        %add3A_729 = arith.addf %add3A_657, %mul3A_728 : vector<16xf32>
        %add3A_730 = arith.constant 3 : i32
        %add3A_731 = arith.addi %mul3A_472, %add3A_730 : i32
        %get3A_732 = arith.index_cast %add3A_731 : i32 to index
        %get3A_733 = arith.constant 16 : index
        %get3A_734 = tpu.vector_load %arg13[%get3A_732, %get3A_733] {strides = array<i32>} : memref<320x128xf32, #tpu.memory_space<vmem>>, vector<1x16xf32>,
        %get3A_735 = vector.shape_cast %get3A_734 : vector<1x16xf32> to vector<16xf32>
        %mul3A_736 = vector.broadcast %squeeze3A_441 : f32 to vector<16xf32>
        %mul3A_737 = arith.mulf %mul3A_736, %get3A_735 : vector<16xf32>
        %add3A_738 = arith.addf %add3A_666, %mul3A_737 : vector<16xf32>
        %add3A_739 = arith.constant 3 : i32
        %add3A_740 = arith.addi %mul3A_472, %add3A_739 : i32
        %get3A_741 = arith.index_cast %add3A_740 : i32 to index
        %get3A_742 = arith.constant 32 : index
        %get3A_743 = tpu.vector_load %arg13[%get3A_741, %get3A_742] {strides = array<i32>} : memref<320x128xf32, #tpu.memory_space<vmem>>, vector<1x16xf32>,
        %get3A_744 = vector.shape_cast %get3A_743 : vector<1x16xf32> to vector<16xf32>
        %mul3A_745 = vector.broadcast %squeeze3A_441 : f32 to vector<16xf32>
        %mul3A_746 = arith.mulf %mul3A_745, %get3A_744 : vector<16xf32>
        %add3A_747 = arith.addf %add3A_675, %mul3A_746 : vector<16xf32>
        %add3A_748 = arith.constant 3 : i32
        %add3A_749 = arith.addi %mul3A_472, %add3A_748 : i32
        %get3A_750 = arith.index_cast %add3A_749 : i32 to index
        %get3A_751 = arith.constant 48 : index
        %get3A_752 = tpu.vector_load %arg13[%get3A_750, %get3A_751] {strides = array<i32>} : memref<320x128xf32, #tpu.memory_space<vmem>>, vector<1x16xf32>,
        %get3A_753 = vector.shape_cast %get3A_752 : vector<1x16xf32> to vector<16xf32>
        %mul3A_754 = vector.broadcast %squeeze3A_441 : f32 to vector<16xf32>
        %mul3A_755 = arith.mulf %mul3A_754, %get3A_753 : vector<16xf32>
        %add3A_756 = arith.addf %add3A_684, %mul3A_755 : vector<16xf32>
        %add3A_757 = arith.constant 3 : i32
        %add3A_758 = arith.addi %mul3A_472, %add3A_757 : i32
        %get3A_759 = arith.index_cast %add3A_758 : i32 to index
        %get3A_760 = arith.constant 64 : index
        %get3A_761 = tpu.vector_load %arg13[%get3A_759, %get3A_760] {strides = array<i32>} : memref<320x128xf32, #tpu.memory_space<vmem>>, vector<1x16xf32>,
        %get3A_762 = vector.shape_cast %get3A_761 : vector<1x16xf32> to vector<16xf32>
        %mul3A_763 = vector.broadcast %squeeze3A_441 : f32 to vector<16xf32>
        %mul3A_764 = arith.mulf %mul3A_763, %get3A_762 : vector<16xf32>
        %add3A_765 = arith.addf %add3A_693, %mul3A_764 : vector<16xf32>
        %add3A_766 = arith.constant 3 : i32
        %add3A_767 = arith.addi %mul3A_472, %add3A_766 : i32
        %get3A_768 = arith.index_cast %add3A_767 : i32 to index
        %get3A_769 = arith.constant 80 : index
        %get3A_770 = tpu.vector_load %arg13[%get3A_768, %get3A_769] {strides = array<i32>} : memref<320x128xf32, #tpu.memory_space<vmem>>, vector<1x16xf32>,
        %get3A_771 = vector.shape_cast %get3A_770 : vector<1x16xf32> to vector<16xf32>
        %mul3A_772 = vector.broadcast %squeeze3A_441 : f32 to vector<16xf32>
        %mul3A_773 = arith.mulf %mul3A_772, %get3A_771 : vector<16xf32>
        %add3A_774 = arith.addf %add3A_702, %mul3A_773 : vector<16xf32>
        %add3A_775 = arith.constant 3 : i32
        %add3A_776 = arith.addi %mul3A_472, %add3A_775 : i32
        %get3A_777 = arith.index_cast %add3A_776 : i32 to index
        %get3A_778 = arith.constant 96 : index
        %get3A_779 = tpu.vector_load %arg13[%get3A_777, %get3A_778] {strides = array<i32>} : memref<320x128xf32, #tpu.memory_space<vmem>>, vector<1x16xf32>,
        %get3A_780 = vector.shape_cast %get3A_779 : vector<1x16xf32> to vector<16xf32>
        %mul3A_781 = vector.broadcast %squeeze3A_441 : f32 to vector<16xf32>
        %mul3A_782 = arith.mulf %mul3A_781, %get3A_780 : vector<16xf32>
        %add3A_783 = arith.addf %add3A_711, %mul3A_782 : vector<16xf32>
        %add3A_784 = arith.constant 3 : i32
        %add3A_785 = arith.addi %mul3A_472, %add3A_784 : i32
        %get3A_786 = arith.index_cast %add3A_785 : i32 to index
        %get3A_787 = arith.constant 112 : index
        %get3A_788 = tpu.vector_load %arg13[%get3A_786, %get3A_787] {strides = array<i32>} : memref<320x128xf32, #tpu.memory_space<vmem>>, vector<1x16xf32>,
        %get3A_789 = vector.shape_cast %get3A_788 : vector<1x16xf32> to vector<16xf32>
        %mul3A_790 = vector.broadcast %squeeze3A_441 : f32 to vector<16xf32>
        %mul3A_791 = arith.mulf %mul3A_790, %get3A_789 : vector<16xf32>
        %add3A_792 = arith.addf %add3A_720, %mul3A_791 : vector<16xf32>
        %add3A_793 = arith.constant 4 : i32
        %add3A_794 = arith.addi %mul3A_472, %add3A_793 : i32
        %get3A_795 = arith.index_cast %add3A_794 : i32 to index
        %get3A_796 = arith.constant 0 : index
        %get3A_797 = tpu.vector_load %arg13[%get3A_795, %get3A_796] {strides = array<i32>} : memref<320x128xf32, #tpu.memory_space<vmem>>, vector<1x16xf32>,
        %get3A_798 = vector.shape_cast %get3A_797 : vector<1x16xf32> to vector<16xf32>
        %mul3A_799 = vector.broadcast %squeeze3A_443 : f32 to vector<16xf32>
        %mul3A_800 = arith.mulf %mul3A_799, %get3A_798 : vector<16xf32>
        %add3A_801 = arith.addf %add3A_729, %mul3A_800 : vector<16xf32>
        %add3A_802 = arith.constant 4 : i32
        %add3A_803 = arith.addi %mul3A_472, %add3A_802 : i32
        %get3A_804 = arith.index_cast %add3A_803 : i32 to index
        %get3A_805 = arith.constant 16 : index
        %get3A_806 = tpu.vector_load %arg13[%get3A_804, %get3A_805] {strides = array<i32>} : memref<320x128xf32, #tpu.memory_space<vmem>>, vector<1x16xf32>,
        %get3A_807 = vector.shape_cast %get3A_806 : vector<1x16xf32> to vector<16xf32>
        %mul3A_808 = vector.broadcast %squeeze3A_443 : f32 to vector<16xf32>
        %mul3A_809 = arith.mulf %mul3A_808, %get3A_807 : vector<16xf32>
        %add3A_810 = arith.addf %add3A_738, %mul3A_809 : vector<16xf32>
        %add3A_811 = arith.constant 4 : i32
        %add3A_812 = arith.addi %mul3A_472, %add3A_811 : i32
        %get3A_813 = arith.index_cast %add3A_812 : i32 to index
        %get3A_814 = arith.constant 32 : index
        %get3A_815 = tpu.vector_load %arg13[%get3A_813, %get3A_814] {strides = array<i32>} : memref<320x128xf32, #tpu.memory_space<vmem>>, vector<1x16xf32>,
        %get3A_816 = vector.shape_cast %get3A_815 : vector<1x16xf32> to vector<16xf32>
        %mul3A_817 = vector.broadcast %squeeze3A_443 : f32 to vector<16xf32>
        %mul3A_818 = arith.mulf %mul3A_817, %get3A_816 : vector<16xf32>
        %add3A_819 = arith.addf %add3A_747, %mul3A_818 : vector<16xf32>
        %add3A_820 = arith.constant 4 : i32
        %add3A_821 = arith.addi %mul3A_472, %add3A_820 : i32
        %get3A_822 = arith.index_cast %add3A_821 : i32 to index
        %get3A_823 = arith.constant 48 : index
        %get3A_824 = tpu.vector_load %arg13[%get3A_822, %get3A_823] {strides = array<i32>} : memref<320x128xf32, #tpu.memory_space<vmem>>, vector<1x16xf32>,
        %get3A_825 = vector.shape_cast %get3A_824 : vector<1x16xf32> to vector<16xf32>
        %mul3A_826 = vector.broadcast %squeeze3A_443 : f32 to vector<16xf32>
        %mul3A_827 = arith.mulf %mul3A_826, %get3A_825 : vector<16xf32>
        %add3A_828 = arith.addf %add3A_756, %mul3A_827 : vector<16xf32>
        %add3A_829 = arith.constant 4 : i32
        %add3A_830 = arith.addi %mul3A_472, %add3A_829 : i32
        %get3A_831 = arith.index_cast %add3A_830 : i32 to index
        %get3A_832 = arith.constant 64 : index
        %get3A_833 = tpu.vector_load %arg13[%get3A_831, %get3A_832] {strides = array<i32>} : memref<320x128xf32, #tpu.memory_space<vmem>>, vector<1x16xf32>,
        %get3A_834 = vector.shape_cast %get3A_833 : vector<1x16xf32> to vector<16xf32>
        %mul3A_835 = vector.broadcast %squeeze3A_443 : f32 to vector<16xf32>
        %mul3A_836 = arith.mulf %mul3A_835, %get3A_834 : vector<16xf32>
        %add3A_837 = arith.addf %add3A_765, %mul3A_836 : vector<16xf32>
        %add3A_838 = arith.constant 4 : i32
        %add3A_839 = arith.addi %mul3A_472, %add3A_838 : i32
        %get3A_840 = arith.index_cast %add3A_839 : i32 to index
        %get3A_841 = arith.constant 80 : index
        %get3A_842 = tpu.vector_load %arg13[%get3A_840, %get3A_841] {strides = array<i32>} : memref<320x128xf32, #tpu.memory_space<vmem>>, vector<1x16xf32>,
        %get3A_843 = vector.shape_cast %get3A_842 : vector<1x16xf32> to vector<16xf32>
        %mul3A_844 = vector.broadcast %squeeze3A_443 : f32 to vector<16xf32>
        %mul3A_845 = arith.mulf %mul3A_844, %get3A_843 : vector<16xf32>
        %add3A_846 = arith.addf %add3A_774, %mul3A_845 : vector<16xf32>
        %add3A_847 = arith.constant 4 : i32
        %add3A_848 = arith.addi %mul3A_472, %add3A_847 : i32
        %get3A_849 = arith.index_cast %add3A_848 : i32 to index
        %get3A_850 = arith.constant 96 : index
        %get3A_851 = tpu.vector_load %arg13[%get3A_849, %get3A_850] {strides = array<i32>} : memref<320x128xf32, #tpu.memory_space<vmem>>, vector<1x16xf32>,
        %get3A_852 = vector.shape_cast %get3A_851 : vector<1x16xf32> to vector<16xf32>
        %mul3A_853 = vector.broadcast %squeeze3A_443 : f32 to vector<16xf32>
        %mul3A_854 = arith.mulf %mul3A_853, %get3A_852 : vector<16xf32>
        %add3A_855 = arith.addf %add3A_783, %mul3A_854 : vector<16xf32>
        %add3A_856 = arith.constant 4 : i32
        %add3A_857 = arith.addi %mul3A_472, %add3A_856 : i32
        %get3A_858 = arith.index_cast %add3A_857 : i32 to index
        %get3A_859 = arith.constant 112 : index
        %get3A_860 = tpu.vector_load %arg13[%get3A_858, %get3A_859] {strides = array<i32>} : memref<320x128xf32, #tpu.memory_space<vmem>>, vector<1x16xf32>,
        %get3A_861 = vector.shape_cast %get3A_860 : vector<1x16xf32> to vector<16xf32>
        %mul3A_862 = vector.broadcast %squeeze3A_443 : f32 to vector<16xf32>
        %mul3A_863 = arith.mulf %mul3A_862, %get3A_861 : vector<16xf32>
        %add3A_864 = arith.addf %add3A_792, %mul3A_863 : vector<16xf32>
        %add3A_865 = arith.constant 5 : i32
        %add3A_866 = arith.addi %mul3A_472, %add3A_865 : i32
        %get3A_867 = arith.index_cast %add3A_866 : i32 to index
        %get3A_868 = arith.constant 0 : index
        %get3A_869 = tpu.vector_load %arg13[%get3A_867, %get3A_868] {strides = array<i32>} : memref<320x128xf32, #tpu.memory_space<vmem>>, vector<1x16xf32>,
        %get3A_870 = vector.shape_cast %get3A_869 : vector<1x16xf32> to vector<16xf32>
        %mul3A_871 = vector.broadcast %squeeze3A_445 : f32 to vector<16xf32>
        %mul3A_872 = arith.mulf %mul3A_871, %get3A_870 : vector<16xf32>
        %add3A_873 = arith.addf %add3A_801, %mul3A_872 : vector<16xf32>
        %add3A_874 = arith.constant 5 : i32
        %add3A_875 = arith.addi %mul3A_472, %add3A_874 : i32
        %get3A_876 = arith.index_cast %add3A_875 : i32 to index
        %get3A_877 = arith.constant 16 : index
        %get3A_878 = tpu.vector_load %arg13[%get3A_876, %get3A_877] {strides = array<i32>} : memref<320x128xf32, #tpu.memory_space<vmem>>, vector<1x16xf32>,
        %get3A_879 = vector.shape_cast %get3A_878 : vector<1x16xf32> to vector<16xf32>
        %mul3A_880 = vector.broadcast %squeeze3A_445 : f32 to vector<16xf32>
        %mul3A_881 = arith.mulf %mul3A_880, %get3A_879 : vector<16xf32>
        %add3A_882 = arith.addf %add3A_810, %mul3A_881 : vector<16xf32>
        %add3A_883 = arith.constant 5 : i32
        %add3A_884 = arith.addi %mul3A_472, %add3A_883 : i32
        %get3A_885 = arith.index_cast %add3A_884 : i32 to index
        %get3A_886 = arith.constant 32 : index
        %get3A_887 = tpu.vector_load %arg13[%get3A_885, %get3A_886] {strides = array<i32>} : memref<320x128xf32, #tpu.memory_space<vmem>>, vector<1x16xf32>,
        %get3A_888 = vector.shape_cast %get3A_887 : vector<1x16xf32> to vector<16xf32>
        %mul3A_889 = vector.broadcast %squeeze3A_445 : f32 to vector<16xf32>
        %mul3A_890 = arith.mulf %mul3A_889, %get3A_888 : vector<16xf32>
        %add3A_891 = arith.addf %add3A_819, %mul3A_890 : vector<16xf32>
        %add3A_892 = arith.constant 5 : i32
        %add3A_893 = arith.addi %mul3A_472, %add3A_892 : i32
        %get3A_894 = arith.index_cast %add3A_893 : i32 to index
        %get3A_895 = arith.constant 48 : index
        %get3A_896 = tpu.vector_load %arg13[%get3A_894, %get3A_895] {strides = array<i32>} : memref<320x128xf32, #tpu.memory_space<vmem>>, vector<1x16xf32>,
        %get3A_897 = vector.shape_cast %get3A_896 : vector<1x16xf32> to vector<16xf32>
        %mul3A_898 = vector.broadcast %squeeze3A_445 : f32 to vector<16xf32>
        %mul3A_899 = arith.mulf %mul3A_898, %get3A_897 : vector<16xf32>
        %add3A_900 = arith.addf %add3A_828, %mul3A_899 : vector<16xf32>
        %add3A_901 = arith.constant 5 : i32
        %add3A_902 = arith.addi %mul3A_472, %add3A_901 : i32
        %get3A_903 = arith.index_cast %add3A_902 : i32 to index
        %get3A_904 = arith.constant 64 : index
        %get3A_905 = tpu.vector_load %arg13[%get3A_903, %get3A_904] {strides = array<i32>} : memref<320x128xf32, #tpu.memory_space<vmem>>, vector<1x16xf32>,
        %get3A_906 = vector.shape_cast %get3A_905 : vector<1x16xf32> to vector<16xf32>
        %mul3A_907 = vector.broadcast %squeeze3A_445 : f32 to vector<16xf32>
        %mul3A_908 = arith.mulf %mul3A_907, %get3A_906 : vector<16xf32>
        %add3A_909 = arith.addf %add3A_837, %mul3A_908 : vector<16xf32>
        %add3A_910 = arith.constant 5 : i32
        %add3A_911 = arith.addi %mul3A_472, %add3A_910 : i32
        %get3A_912 = arith.index_cast %add3A_911 : i32 to index
        %get3A_913 = arith.constant 80 : index
        %get3A_914 = tpu.vector_load %arg13[%get3A_912, %get3A_913] {strides = array<i32>} : memref<320x128xf32, #tpu.memory_space<vmem>>, vector<1x16xf32>,
        %get3A_915 = vector.shape_cast %get3A_914 : vector<1x16xf32> to vector<16xf32>
        %mul3A_916 = vector.broadcast %squeeze3A_445 : f32 to vector<16xf32>
        %mul3A_917 = arith.mulf %mul3A_916, %get3A_915 : vector<16xf32>
        %add3A_918 = arith.addf %add3A_846, %mul3A_917 : vector<16xf32>
        %add3A_919 = arith.constant 5 : i32
        %add3A_920 = arith.addi %mul3A_472, %add3A_919 : i32
        %get3A_921 = arith.index_cast %add3A_920 : i32 to index
        %get3A_922 = arith.constant 96 : index
        %get3A_923 = tpu.vector_load %arg13[%get3A_921, %get3A_922] {strides = array<i32>} : memref<320x128xf32, #tpu.memory_space<vmem>>, vector<1x16xf32>,
        %get3A_924 = vector.shape_cast %get3A_923 : vector<1x16xf32> to vector<16xf32>
        %mul3A_925 = vector.broadcast %squeeze3A_445 : f32 to vector<16xf32>
        %mul3A_926 = arith.mulf %mul3A_925, %get3A_924 : vector<16xf32>
        %add3A_927 = arith.addf %add3A_855, %mul3A_926 : vector<16xf32>
        %add3A_928 = arith.constant 5 : i32
        %add3A_929 = arith.addi %mul3A_472, %add3A_928 : i32
        %get3A_930 = arith.index_cast %add3A_929 : i32 to index
        %get3A_931 = arith.constant 112 : index
        %get3A_932 = tpu.vector_load %arg13[%get3A_930, %get3A_931] {strides = array<i32>} : memref<320x128xf32, #tpu.memory_space<vmem>>, vector<1x16xf32>,
        %get3A_933 = vector.shape_cast %get3A_932 : vector<1x16xf32> to vector<16xf32>
        %mul3A_934 = vector.broadcast %squeeze3A_445 : f32 to vector<16xf32>
        %mul3A_935 = arith.mulf %mul3A_934, %get3A_933 : vector<16xf32>
        %add3A_936 = arith.addf %add3A_864, %mul3A_935 : vector<16xf32>
        %add3A_937 = arith.constant 6 : i32
        %add3A_938 = arith.addi %mul3A_472, %add3A_937 : i32
        %get3A_939 = arith.index_cast %add3A_938 : i32 to index
        %get3A_940 = arith.constant 0 : index
        %get3A_941 = tpu.vector_load %arg13[%get3A_939, %get3A_940] {strides = array<i32>} : memref<320x128xf32, #tpu.memory_space<vmem>>, vector<1x16xf32>,
        %get3A_942 = vector.shape_cast %get3A_941 : vector<1x16xf32> to vector<16xf32>
        %mul3A_943 = vector.broadcast %squeeze3A_447 : f32 to vector<16xf32>
        %mul3A_944 = arith.mulf %mul3A_943, %get3A_942 : vector<16xf32>
        %add3A_945 = arith.addf %add3A_873, %mul3A_944 : vector<16xf32>
        %add3A_946 = arith.constant 6 : i32
        %add3A_947 = arith.addi %mul3A_472, %add3A_946 : i32
        %get3A_948 = arith.index_cast %add3A_947 : i32 to index
        %get3A_949 = arith.constant 16 : index
        %get3A_950 = tpu.vector_load %arg13[%get3A_948, %get3A_949] {strides = array<i32>} : memref<320x128xf32, #tpu.memory_space<vmem>>, vector<1x16xf32>,
        %get3A_951 = vector.shape_cast %get3A_950 : vector<1x16xf32> to vector<16xf32>
        %mul3A_952 = vector.broadcast %squeeze3A_447 : f32 to vector<16xf32>
        %mul3A_953 = arith.mulf %mul3A_952, %get3A_951 : vector<16xf32>
        %add3A_954 = arith.addf %add3A_882, %mul3A_953 : vector<16xf32>
        %add3A_955 = arith.constant 6 : i32
        %add3A_956 = arith.addi %mul3A_472, %add3A_955 : i32
        %get3A_957 = arith.index_cast %add3A_956 : i32 to index
        %get3A_958 = arith.constant 32 : index
        %get3A_959 = tpu.vector_load %arg13[%get3A_957, %get3A_958] {strides = array<i32>} : memref<320x128xf32, #tpu.memory_space<vmem>>, vector<1x16xf32>,
        %get3A_960 = vector.shape_cast %get3A_959 : vector<1x16xf32> to vector<16xf32>
        %mul3A_961 = vector.broadcast %squeeze3A_447 : f32 to vector<16xf32>
        %mul3A_962 = arith.mulf %mul3A_961, %get3A_960 : vector<16xf32>
        %add3A_963 = arith.addf %add3A_891, %mul3A_962 : vector<16xf32>
        %add3A_964 = arith.constant 6 : i32
        %add3A_965 = arith.addi %mul3A_472, %add3A_964 : i32
        %get3A_966 = arith.index_cast %add3A_965 : i32 to index
        %get3A_967 = arith.constant 48 : index
        %get3A_968 = tpu.vector_load %arg13[%get3A_966, %get3A_967] {strides = array<i32>} : memref<320x128xf32, #tpu.memory_space<vmem>>, vector<1x16xf32>,
        %get3A_969 = vector.shape_cast %get3A_968 : vector<1x16xf32> to vector<16xf32>
        %mul3A_970 = vector.broadcast %squeeze3A_447 : f32 to vector<16xf32>
        %mul3A_971 = arith.mulf %mul3A_970, %get3A_969 : vector<16xf32>
        %add3A_972 = arith.addf %add3A_900, %mul3A_971 : vector<16xf32>
        %add3A_973 = arith.constant 6 : i32
        %add3A_974 = arith.addi %mul3A_472, %add3A_973 : i32
        %get3A_975 = arith.index_cast %add3A_974 : i32 to index
        %get3A_976 = arith.constant 64 : index
        %get3A_977 = tpu.vector_load %arg13[%get3A_975, %get3A_976] {strides = array<i32>} : memref<320x128xf32, #tpu.memory_space<vmem>>, vector<1x16xf32>,
        %get3A_978 = vector.shape_cast %get3A_977 : vector<1x16xf32> to vector<16xf32>
        %mul3A_979 = vector.broadcast %squeeze3A_447 : f32 to vector<16xf32>
        %mul3A_980 = arith.mulf %mul3A_979, %get3A_978 : vector<16xf32>
        %add3A_981 = arith.addf %add3A_909, %mul3A_980 : vector<16xf32>
        %add3A_982 = arith.constant 6 : i32
        %add3A_983 = arith.addi %mul3A_472, %add3A_982 : i32
        %get3A_984 = arith.index_cast %add3A_983 : i32 to index
        %get3A_985 = arith.constant 80 : index
        %get3A_986 = tpu.vector_load %arg13[%get3A_984, %get3A_985] {strides = array<i32>} : memref<320x128xf32, #tpu.memory_space<vmem>>, vector<1x16xf32>,
        %get3A_987 = vector.shape_cast %get3A_986 : vector<1x16xf32> to vector<16xf32>
        %mul3A_988 = vector.broadcast %squeeze3A_447 : f32 to vector<16xf32>
        %mul3A_989 = arith.mulf %mul3A_988, %get3A_987 : vector<16xf32>
        %add3A_990 = arith.addf %add3A_918, %mul3A_989 : vector<16xf32>
        %add3A_991 = arith.constant 6 : i32
        %add3A_992 = arith.addi %mul3A_472, %add3A_991 : i32
        %get3A_993 = arith.index_cast %add3A_992 : i32 to index
        %get3A_994 = arith.constant 96 : index
        %get3A_995 = tpu.vector_load %arg13[%get3A_993, %get3A_994] {strides = array<i32>} : memref<320x128xf32, #tpu.memory_space<vmem>>, vector<1x16xf32>,
        %get3A_996 = vector.shape_cast %get3A_995 : vector<1x16xf32> to vector<16xf32>
        %mul3A_997 = vector.broadcast %squeeze3A_447 : f32 to vector<16xf32>
        %mul3A_998 = arith.mulf %mul3A_997, %get3A_996 : vector<16xf32>
        %add3A_999 = arith.addf %add3A_927, %mul3A_998 : vector<16xf32>
        %add3A_1000 = arith.constant 6 : i32
        %add3A_1001 = arith.addi %mul3A_472, %add3A_1000 : i32
        %get3A_1002 = arith.index_cast %add3A_1001 : i32 to index
        %get3A_1003 = arith.constant 112 : index
        %get3A_1004 = tpu.vector_load %arg13[%get3A_1002, %get3A_1003] {strides = array<i32>} : memref<320x128xf32, #tpu.memory_space<vmem>>, vector<1x16xf32>,
        %get3A_1005 = vector.shape_cast %get3A_1004 : vector<1x16xf32> to vector<16xf32>
        %mul3A_1006 = vector.broadcast %squeeze3A_447 : f32 to vector<16xf32>
        %mul3A_1007 = arith.mulf %mul3A_1006, %get3A_1005 : vector<16xf32>
        %add3A_1008 = arith.addf %add3A_936, %mul3A_1007 : vector<16xf32>
        %add3A_1009 = arith.constant 7 : i32
        %add3A_1010 = arith.addi %mul3A_472, %add3A_1009 : i32
        %get3A_1011 = arith.index_cast %add3A_1010 : i32 to index
        %get3A_1012 = arith.constant 0 : index
        %get3A_1013 = tpu.vector_load %arg13[%get3A_1011, %get3A_1012] {strides = array<i32>} : memref<320x128xf32, #tpu.memory_space<vmem>>, vector<1x16xf32>,
        %get3A_1014 = vector.shape_cast %get3A_1013 : vector<1x16xf32> to vector<16xf32>
        %mul3A_1015 = vector.broadcast %squeeze3A_449 : f32 to vector<16xf32>
        %mul3A_1016 = arith.mulf %mul3A_1015, %get3A_1014 : vector<16xf32>
        %add3A_1017 = arith.addf %add3A_945, %mul3A_1016 : vector<16xf32>
        %add3A_1018 = arith.constant 7 : i32
        %add3A_1019 = arith.addi %mul3A_472, %add3A_1018 : i32
        %get3A_1020 = arith.index_cast %add3A_1019 : i32 to index
        %get3A_1021 = arith.constant 16 : index
        %get3A_1022 = tpu.vector_load %arg13[%get3A_1020, %get3A_1021] {strides = array<i32>} : memref<320x128xf32, #tpu.memory_space<vmem>>, vector<1x16xf32>,
        %get3A_1023 = vector.shape_cast %get3A_1022 : vector<1x16xf32> to vector<16xf32>
        %mul3A_1024 = vector.broadcast %squeeze3A_449 : f32 to vector<16xf32>
        %mul3A_1025 = arith.mulf %mul3A_1024, %get3A_1023 : vector<16xf32>
        %add3A_1026 = arith.addf %add3A_954, %mul3A_1025 : vector<16xf32>
        %add3A_1027 = arith.constant 7 : i32
        %add3A_1028 = arith.addi %mul3A_472, %add3A_1027 : i32
        %get3A_1029 = arith.index_cast %add3A_1028 : i32 to index
        %get3A_1030 = arith.constant 32 : index
        %get3A_1031 = tpu.vector_load %arg13[%get3A_1029, %get3A_1030] {strides = array<i32>} : memref<320x128xf32, #tpu.memory_space<vmem>>, vector<1x16xf32>,
        %get3A_1032 = vector.shape_cast %get3A_1031 : vector<1x16xf32> to vector<16xf32>
        %mul3A_1033 = vector.broadcast %squeeze3A_449 : f32 to vector<16xf32>
        %mul3A_1034 = arith.mulf %mul3A_1033, %get3A_1032 : vector<16xf32>
        %add3A_1035 = arith.addf %add3A_963, %mul3A_1034 : vector<16xf32>
        %add3A_1036 = arith.constant 7 : i32
        %add3A_1037 = arith.addi %mul3A_472, %add3A_1036 : i32
        %get3A_1038 = arith.index_cast %add3A_1037 : i32 to index
        %get3A_1039 = arith.constant 48 : index
        %get3A_1040 = tpu.vector_load %arg13[%get3A_1038, %get3A_1039] {strides = array<i32>} : memref<320x128xf32, #tpu.memory_space<vmem>>, vector<1x16xf32>,
        %get3A_1041 = vector.shape_cast %get3A_1040 : vector<1x16xf32> to vector<16xf32>
        %mul3A_1042 = vector.broadcast %squeeze3A_449 : f32 to vector<16xf32>
        %mul3A_1043 = arith.mulf %mul3A_1042, %get3A_1041 : vector<16xf32>
        %add3A_1044 = arith.addf %add3A_972, %mul3A_1043 : vector<16xf32>
        %add3A_1045 = arith.constant 7 : i32
        %add3A_1046 = arith.addi %mul3A_472, %add3A_1045 : i32
        %get3A_1047 = arith.index_cast %add3A_1046 : i32 to index
        %get3A_1048 = arith.constant 64 : index
        %get3A_1049 = tpu.vector_load %arg13[%get3A_1047, %get3A_1048] {strides = array<i32>} : memref<320x128xf32, #tpu.memory_space<vmem>>, vector<1x16xf32>,
        %get3A_1050 = vector.shape_cast %get3A_1049 : vector<1x16xf32> to vector<16xf32>
        %mul3A_1051 = vector.broadcast %squeeze3A_449 : f32 to vector<16xf32>
        %mul3A_1052 = arith.mulf %mul3A_1051, %get3A_1050 : vector<16xf32>
        %add3A_1053 = arith.addf %add3A_981, %mul3A_1052 : vector<16xf32>
        %add3A_1054 = arith.constant 7 : i32
        %add3A_1055 = arith.addi %mul3A_472, %add3A_1054 : i32
        %get3A_1056 = arith.index_cast %add3A_1055 : i32 to index
        %get3A_1057 = arith.constant 80 : index
        %get3A_1058 = tpu.vector_load %arg13[%get3A_1056, %get3A_1057] {strides = array<i32>} : memref<320x128xf32, #tpu.memory_space<vmem>>, vector<1x16xf32>,
        %get3A_1059 = vector.shape_cast %get3A_1058 : vector<1x16xf32> to vector<16xf32>
        %mul3A_1060 = vector.broadcast %squeeze3A_449 : f32 to vector<16xf32>
        %mul3A_1061 = arith.mulf %mul3A_1060, %get3A_1059 : vector<16xf32>
        %add3A_1062 = arith.addf %add3A_990, %mul3A_1061 : vector<16xf32>
        %add3A_1063 = arith.constant 7 : i32
        %add3A_1064 = arith.addi %mul3A_472, %add3A_1063 : i32
        %get3A_1065 = arith.index_cast %add3A_1064 : i32 to index
        %get3A_1066 = arith.constant 96 : index
        %get3A_1067 = tpu.vector_load %arg13[%get3A_1065, %get3A_1066] {strides = array<i32>} : memref<320x128xf32, #tpu.memory_space<vmem>>, vector<1x16xf32>,
        %get3A_1068 = vector.shape_cast %get3A_1067 : vector<1x16xf32> to vector<16xf32>
        %mul3A_1069 = vector.broadcast %squeeze3A_449 : f32 to vector<16xf32>
        %mul3A_1070 = arith.mulf %mul3A_1069, %get3A_1068 : vector<16xf32>
        %add3A_1071 = arith.addf %add3A_999, %mul3A_1070 : vector<16xf32>
        %add3A_1072 = arith.constant 7 : i32
        %add3A_1073 = arith.addi %mul3A_472, %add3A_1072 : i32
        %get3A_1074 = arith.index_cast %add3A_1073 : i32 to index
        %get3A_1075 = arith.constant 112 : index
        %get3A_1076 = tpu.vector_load %arg13[%get3A_1074, %get3A_1075] {strides = array<i32>} : memref<320x128xf32, #tpu.memory_space<vmem>>, vector<1x16xf32>,
        %get3A_1077 = vector.shape_cast %get3A_1076 : vector<1x16xf32> to vector<16xf32>
        %mul3A_1078 = vector.broadcast %squeeze3A_449 : f32 to vector<16xf32>
        %mul3A_1079 = arith.mulf %mul3A_1078, %get3A_1077 : vector<16xf32>
        %add3A_1080 = arith.addf %add3A_1008, %mul3A_1079 : vector<16xf32>
        %add3A_1081 = arith.constant 8 : i32
        %add3A_1082 = arith.addi %mul3A_472, %add3A_1081 : i32
        %get3A_1083 = arith.index_cast %add3A_1082 : i32 to index
        %get3A_1084 = arith.constant 0 : index
        %get3A_1085 = tpu.vector_load %arg13[%get3A_1083, %get3A_1084] {strides = array<i32>} : memref<320x128xf32, #tpu.memory_space<vmem>>, vector<1x16xf32>,
        %get3A_1086 = vector.shape_cast %get3A_1085 : vector<1x16xf32> to vector<16xf32>
        %mul3A_1087 = vector.broadcast %squeeze3A_451 : f32 to vector<16xf32>
        %mul3A_1088 = arith.mulf %mul3A_1087, %get3A_1086 : vector<16xf32>
        %add3A_1089 = arith.addf %add3A_1017, %mul3A_1088 : vector<16xf32>
        %add3A_1090 = arith.constant 8 : i32
        %add3A_1091 = arith.addi %mul3A_472, %add3A_1090 : i32
        %get3A_1092 = arith.index_cast %add3A_1091 : i32 to index
        %get3A_1093 = arith.constant 16 : index
        %get3A_1094 = tpu.vector_load %arg13[%get3A_1092, %get3A_1093] {strides = array<i32>} : memref<320x128xf32, #tpu.memory_space<vmem>>, vector<1x16xf32>,
        %get3A_1095 = vector.shape_cast %get3A_1094 : vector<1x16xf32> to vector<16xf32>
        %mul3A_1096 = vector.broadcast %squeeze3A_451 : f32 to vector<16xf32>
        %mul3A_1097 = arith.mulf %mul3A_1096, %get3A_1095 : vector<16xf32>
        %add3A_1098 = arith.addf %add3A_1026, %mul3A_1097 : vector<16xf32>
        %add3A_1099 = arith.constant 8 : i32
        %add3A_1100 = arith.addi %mul3A_472, %add3A_1099 : i32
        %get3A_1101 = arith.index_cast %add3A_1100 : i32 to index
        %get3A_1102 = arith.constant 32 : index
        %get3A_1103 = tpu.vector_load %arg13[%get3A_1101, %get3A_1102] {strides = array<i32>} : memref<320x128xf32, #tpu.memory_space<vmem>>, vector<1x16xf32>,
        %get3A_1104 = vector.shape_cast %get3A_1103 : vector<1x16xf32> to vector<16xf32>
        %mul3A_1105 = vector.broadcast %squeeze3A_451 : f32 to vector<16xf32>
        %mul3A_1106 = arith.mulf %mul3A_1105, %get3A_1104 : vector<16xf32>
        %add3A_1107 = arith.addf %add3A_1035, %mul3A_1106 : vector<16xf32>
        %add3A_1108 = arith.constant 8 : i32
        %add3A_1109 = arith.addi %mul3A_472, %add3A_1108 : i32
        %get3A_1110 = arith.index_cast %add3A_1109 : i32 to index
        %get3A_1111 = arith.constant 48 : index
        %get3A_1112 = tpu.vector_load %arg13[%get3A_1110, %get3A_1111] {strides = array<i32>} : memref<320x128xf32, #tpu.memory_space<vmem>>, vector<1x16xf32>,
        %get3A_1113 = vector.shape_cast %get3A_1112 : vector<1x16xf32> to vector<16xf32>
        %mul3A_1114 = vector.broadcast %squeeze3A_451 : f32 to vector<16xf32>
        %mul3A_1115 = arith.mulf %mul3A_1114, %get3A_1113 : vector<16xf32>
        %add3A_1116 = arith.addf %add3A_1044, %mul3A_1115 : vector<16xf32>
        %add3A_1117 = arith.constant 8 : i32
        %add3A_1118 = arith.addi %mul3A_472, %add3A_1117 : i32
        %get3A_1119 = arith.index_cast %add3A_1118 : i32 to index
        %get3A_1120 = arith.constant 64 : index
        %get3A_1121 = tpu.vector_load %arg13[%get3A_1119, %get3A_1120] {strides = array<i32>} : memref<320x128xf32, #tpu.memory_space<vmem>>, vector<1x16xf32>,
        %get3A_1122 = vector.shape_cast %get3A_1121 : vector<1x16xf32> to vector<16xf32>
        %mul3A_1123 = vector.broadcast %squeeze3A_451 : f32 to vector<16xf32>
        %mul3A_1124 = arith.mulf %mul3A_1123, %get3A_1122 : vector<16xf32>
        %add3A_1125 = arith.addf %add3A_1053, %mul3A_1124 : vector<16xf32>
        %add3A_1126 = arith.constant 8 : i32
        %add3A_1127 = arith.addi %mul3A_472, %add3A_1126 : i32
        %get3A_1128 = arith.index_cast %add3A_1127 : i32 to index
        %get3A_1129 = arith.constant 80 : index
        %get3A_1130 = tpu.vector_load %arg13[%get3A_1128, %get3A_1129] {strides = array<i32>} : memref<320x128xf32, #tpu.memory_space<vmem>>, vector<1x16xf32>,
        %get3A_1131 = vector.shape_cast %get3A_1130 : vector<1x16xf32> to vector<16xf32>
        %mul3A_1132 = vector.broadcast %squeeze3A_451 : f32 to vector<16xf32>
        %mul3A_1133 = arith.mulf %mul3A_1132, %get3A_1131 : vector<16xf32>
        %add3A_1134 = arith.addf %add3A_1062, %mul3A_1133 : vector<16xf32>
        %add3A_1135 = arith.constant 8 : i32
        %add3A_1136 = arith.addi %mul3A_472, %add3A_1135 : i32
        %get3A_1137 = arith.index_cast %add3A_1136 : i32 to index
        %get3A_1138 = arith.constant 96 : index
        %get3A_1139 = tpu.vector_load %arg13[%get3A_1137, %get3A_1138] {strides = array<i32>} : memref<320x128xf32, #tpu.memory_space<vmem>>, vector<1x16xf32>,
        %get3A_1140 = vector.shape_cast %get3A_1139 : vector<1x16xf32> to vector<16xf32>
        %mul3A_1141 = vector.broadcast %squeeze3A_451 : f32 to vector<16xf32>
        %mul3A_1142 = arith.mulf %mul3A_1141, %get3A_1140 : vector<16xf32>
        %add3A_1143 = arith.addf %add3A_1071, %mul3A_1142 : vector<16xf32>
        %add3A_1144 = arith.constant 8 : i32
        %add3A_1145 = arith.addi %mul3A_472, %add3A_1144 : i32
        %get3A_1146 = arith.index_cast %add3A_1145 : i32 to index
        %get3A_1147 = arith.constant 112 : index
        %get3A_1148 = tpu.vector_load %arg13[%get3A_1146, %get3A_1147] {strides = array<i32>} : memref<320x128xf32, #tpu.memory_space<vmem>>, vector<1x16xf32>,
        %get3A_1149 = vector.shape_cast %get3A_1148 : vector<1x16xf32> to vector<16xf32>
        %mul3A_1150 = vector.broadcast %squeeze3A_451 : f32 to vector<16xf32>
        %mul3A_1151 = arith.mulf %mul3A_1150, %get3A_1149 : vector<16xf32>
        %add3A_1152 = arith.addf %add3A_1080, %mul3A_1151 : vector<16xf32>
        %add3A_1153 = arith.constant 9 : i32
        %add3A_1154 = arith.addi %mul3A_472, %add3A_1153 : i32
        %get3A_1155 = arith.index_cast %add3A_1154 : i32 to index
        %get3A_1156 = arith.constant 0 : index
        %get3A_1157 = tpu.vector_load %arg13[%get3A_1155, %get3A_1156] {strides = array<i32>} : memref<320x128xf32, #tpu.memory_space<vmem>>, vector<1x16xf32>,
        %get3A_1158 = vector.shape_cast %get3A_1157 : vector<1x16xf32> to vector<16xf32>
        %mul3A_1159 = vector.broadcast %squeeze3A_453 : f32 to vector<16xf32>
        %mul3A_1160 = arith.mulf %mul3A_1159, %get3A_1158 : vector<16xf32>
        %add3A_1161 = arith.addf %add3A_1089, %mul3A_1160 : vector<16xf32>
        %add3A_1162 = arith.constant 9 : i32
        %add3A_1163 = arith.addi %mul3A_472, %add3A_1162 : i32
        %get3A_1164 = arith.index_cast %add3A_1163 : i32 to index
        %get3A_1165 = arith.constant 16 : index
        %get3A_1166 = tpu.vector_load %arg13[%get3A_1164, %get3A_1165] {strides = array<i32>} : memref<320x128xf32, #tpu.memory_space<vmem>>, vector<1x16xf32>,
        %get3A_1167 = vector.shape_cast %get3A_1166 : vector<1x16xf32> to vector<16xf32>
        %mul3A_1168 = vector.broadcast %squeeze3A_453 : f32 to vector<16xf32>
        %mul3A_1169 = arith.mulf %mul3A_1168, %get3A_1167 : vector<16xf32>
        %add3A_1170 = arith.addf %add3A_1098, %mul3A_1169 : vector<16xf32>
        %add3A_1171 = arith.constant 9 : i32
        %add3A_1172 = arith.addi %mul3A_472, %add3A_1171 : i32
        %get3A_1173 = arith.index_cast %add3A_1172 : i32 to index
        %get3A_1174 = arith.constant 32 : index
        %get3A_1175 = tpu.vector_load %arg13[%get3A_1173, %get3A_1174] {strides = array<i32>} : memref<320x128xf32, #tpu.memory_space<vmem>>, vector<1x16xf32>,
        %get3A_1176 = vector.shape_cast %get3A_1175 : vector<1x16xf32> to vector<16xf32>
        %mul3A_1177 = vector.broadcast %squeeze3A_453 : f32 to vector<16xf32>
        %mul3A_1178 = arith.mulf %mul3A_1177, %get3A_1176 : vector<16xf32>
        %add3A_1179 = arith.addf %add3A_1107, %mul3A_1178 : vector<16xf32>
        %add3A_1180 = arith.constant 9 : i32
        %add3A_1181 = arith.addi %mul3A_472, %add3A_1180 : i32
        %get3A_1182 = arith.index_cast %add3A_1181 : i32 to index
        %get3A_1183 = arith.constant 48 : index
        %get3A_1184 = tpu.vector_load %arg13[%get3A_1182, %get3A_1183] {strides = array<i32>} : memref<320x128xf32, #tpu.memory_space<vmem>>, vector<1x16xf32>,
        %get3A_1185 = vector.shape_cast %get3A_1184 : vector<1x16xf32> to vector<16xf32>
        %mul3A_1186 = vector.broadcast %squeeze3A_453 : f32 to vector<16xf32>
        %mul3A_1187 = arith.mulf %mul3A_1186, %get3A_1185 : vector<16xf32>
        %add3A_1188 = arith.addf %add3A_1116, %mul3A_1187 : vector<16xf32>
        %add3A_1189 = arith.constant 9 : i32
        %add3A_1190 = arith.addi %mul3A_472, %add3A_1189 : i32
        %get3A_1191 = arith.index_cast %add3A_1190 : i32 to index
        %get3A_1192 = arith.constant 64 : index
        %get3A_1193 = tpu.vector_load %arg13[%get3A_1191, %get3A_1192] {strides = array<i32>} : memref<320x128xf32, #tpu.memory_space<vmem>>, vector<1x16xf32>,
        %get3A_1194 = vector.shape_cast %get3A_1193 : vector<1x16xf32> to vector<16xf32>
        %mul3A_1195 = vector.broadcast %squeeze3A_453 : f32 to vector<16xf32>
        %mul3A_1196 = arith.mulf %mul3A_1195, %get3A_1194 : vector<16xf32>
        %add3A_1197 = arith.addf %add3A_1125, %mul3A_1196 : vector<16xf32>
        %add3A_1198 = arith.constant 9 : i32
        %add3A_1199 = arith.addi %mul3A_472, %add3A_1198 : i32
        %get3A_1200 = arith.index_cast %add3A_1199 : i32 to index
        %get3A_1201 = arith.constant 80 : index
        %get3A_1202 = tpu.vector_load %arg13[%get3A_1200, %get3A_1201] {strides = array<i32>} : memref<320x128xf32, #tpu.memory_space<vmem>>, vector<1x16xf32>,
        %get3A_1203 = vector.shape_cast %get3A_1202 : vector<1x16xf32> to vector<16xf32>
        %mul3A_1204 = vector.broadcast %squeeze3A_453 : f32 to vector<16xf32>
        %mul3A_1205 = arith.mulf %mul3A_1204, %get3A_1203 : vector<16xf32>
        %add3A_1206 = arith.addf %add3A_1134, %mul3A_1205 : vector<16xf32>
        %add3A_1207 = arith.constant 9 : i32
        %add3A_1208 = arith.addi %mul3A_472, %add3A_1207 : i32
        %get3A_1209 = arith.index_cast %add3A_1208 : i32 to index
        %get3A_1210 = arith.constant 96 : index
        %get3A_1211 = tpu.vector_load %arg13[%get3A_1209, %get3A_1210] {strides = array<i32>} : memref<320x128xf32, #tpu.memory_space<vmem>>, vector<1x16xf32>,
        %get3A_1212 = vector.shape_cast %get3A_1211 : vector<1x16xf32> to vector<16xf32>
        %mul3A_1213 = vector.broadcast %squeeze3A_453 : f32 to vector<16xf32>
        %mul3A_1214 = arith.mulf %mul3A_1213, %get3A_1212 : vector<16xf32>
        %add3A_1215 = arith.addf %add3A_1143, %mul3A_1214 : vector<16xf32>
        %add3A_1216 = arith.constant 9 : i32
        %add3A_1217 = arith.addi %mul3A_472, %add3A_1216 : i32
        %get3A_1218 = arith.index_cast %add3A_1217 : i32 to index
        %get3A_1219 = arith.constant 112 : index
        %get3A_1220 = tpu.vector_load %arg13[%get3A_1218, %get3A_1219] {strides = array<i32>} : memref<320x128xf32, #tpu.memory_space<vmem>>, vector<1x16xf32>,
        %get3A_1221 = vector.shape_cast %get3A_1220 : vector<1x16xf32> to vector<16xf32>
        %mul3A_1222 = vector.broadcast %squeeze3A_453 : f32 to vector<16xf32>
        %mul3A_1223 = arith.mulf %mul3A_1222, %get3A_1221 : vector<16xf32>
        %add3A_1224 = arith.addf %add3A_1152, %mul3A_1223 : vector<16xf32>
        %mul3A_1225 = arith.mulf %add3A_1161, %div3A_470 : vector<16xf32>
        %swap3A = arith.index_cast %scan3A_429 : i32 to index
        %swap3A_1226 = arith.constant 0 : index
        %swap3A_1227 = tpu.vector_load %arg17[%swap3A, %swap3A_1226] {strides = array<i32>} : memref<32x128xf32, #tpu.memory_space<vmem>>, vector<1x16xf32>,
        %swap3A_1228 = vector.shape_cast %swap3A_1227 : vector<1x16xf32> to vector<16xf32>
        %swap3A_1229 = vector.shape_cast %mul3A_1225 : vector<16xf32> to vector<1x16xf32>
        tpu.vector_store %arg17[%swap3A, %swap3A_1226], %swap3A_1229 {strides = array<i32>} : memref<32x128xf32, #tpu.memory_space<vmem>>, vector<1x16xf32>,
        %mul3A_1230 = arith.mulf %add3A_1170, %div3A_470 : vector<16xf32>
        %swap3A_1231 = arith.index_cast %scan3A_429 : i32 to index
        %swap3A_1232 = arith.constant 16 : index
        %swap3A_1233 = tpu.vector_load %arg17[%swap3A_1231, %swap3A_1232] {strides = array<i32>} : memref<32x128xf32, #tpu.memory_space<vmem>>, vector<1x16xf32>,
        %swap3A_1234 = vector.shape_cast %swap3A_1233 : vector<1x16xf32> to vector<16xf32>
        %swap3A_1235 = vector.shape_cast %mul3A_1230 : vector<16xf32> to vector<1x16xf32>
        tpu.vector_store %arg17[%swap3A_1231, %swap3A_1232], %swap3A_1235 {strides = array<i32>} : memref<32x128xf32, #tpu.memory_space<vmem>>, vector<1x16xf32>,
        %mul3A_1236 = arith.mulf %add3A_1179, %div3A_470 : vector<16xf32>
        %swap3A_1237 = arith.index_cast %scan3A_429 : i32 to index
        %swap3A_1238 = arith.constant 32 : index
        %swap3A_1239 = tpu.vector_load %arg17[%swap3A_1237, %swap3A_1238] {strides = array<i32>} : memref<32x128xf32, #tpu.memory_space<vmem>>, vector<1x16xf32>,
        %swap3A_1240 = vector.shape_cast %swap3A_1239 : vector<1x16xf32> to vector<16xf32>
        %swap3A_1241 = vector.shape_cast %mul3A_1236 : vector<16xf32> to vector<1x16xf32>
        tpu.vector_store %arg17[%swap3A_1237, %swap3A_1238], %swap3A_1241 {strides = array<i32>} : memref<32x128xf32, #tpu.memory_space<vmem>>, vector<1x16xf32>,
        %mul3A_1242 = arith.mulf %add3A_1188, %div3A_470 : vector<16xf32>
        %swap3A_1243 = arith.index_cast %scan3A_429 : i32 to index
        %swap3A_1244 = arith.constant 48 : index
        %swap3A_1245 = tpu.vector_load %arg17[%swap3A_1243, %swap3A_1244] {strides = array<i32>} : memref<32x128xf32, #tpu.memory_space<vmem>>, vector<1x16xf32>,
        %swap3A_1246 = vector.shape_cast %swap3A_1245 : vector<1x16xf32> to vector<16xf32>
        %swap3A_1247 = vector.shape_cast %mul3A_1242 : vector<16xf32> to vector<1x16xf32>
        tpu.vector_store %arg17[%swap3A_1243, %swap3A_1244], %swap3A_1247 {strides = array<i32>} : memref<32x128xf32, #tpu.memory_space<vmem>>, vector<1x16xf32>,
        %mul3A_1248 = arith.mulf %add3A_1197, %div3A_470 : vector<16xf32>
        %swap3A_1249 = arith.index_cast %scan3A_429 : i32 to index
        %swap3A_1250 = arith.constant 64 : index
        %swap3A_1251 = tpu.vector_load %arg17[%swap3A_1249, %swap3A_1250] {strides = array<i32>} : memref<32x128xf32, #tpu.memory_space<vmem>>, vector<1x16xf32>,
        %swap3A_1252 = vector.shape_cast %swap3A_1251 : vector<1x16xf32> to vector<16xf32>
        %swap3A_1253 = vector.shape_cast %mul3A_1248 : vector<16xf32> to vector<1x16xf32>
        tpu.vector_store %arg17[%swap3A_1249, %swap3A_1250], %swap3A_1253 {strides = array<i32>} : memref<32x128xf32, #tpu.memory_space<vmem>>, vector<1x16xf32>,
        %mul3A_1254 = arith.mulf %add3A_1206, %div3A_470 : vector<16xf32>
        %swap3A_1255 = arith.index_cast %scan3A_429 : i32 to index
        %swap3A_1256 = arith.constant 80 : index
        %swap3A_1257 = tpu.vector_load %arg17[%swap3A_1255, %swap3A_1256] {strides = array<i32>} : memref<32x128xf32, #tpu.memory_space<vmem>>, vector<1x16xf32>,
        %swap3A_1258 = vector.shape_cast %swap3A_1257 : vector<1x16xf32> to vector<16xf32>
        %swap3A_1259 = vector.shape_cast %mul3A_1254 : vector<16xf32> to vector<1x16xf32>
        tpu.vector_store %arg17[%swap3A_1255, %swap3A_1256], %swap3A_1259 {strides = array<i32>} : memref<32x128xf32, #tpu.memory_space<vmem>>, vector<1x16xf32>,
        %mul3A_1260 = arith.mulf %add3A_1215, %div3A_470 : vector<16xf32>
        %swap3A_1261 = arith.index_cast %scan3A_429 : i32 to index
        %swap3A_1262 = arith.constant 96 : index
        %swap3A_1263 = tpu.vector_load %arg17[%swap3A_1261, %swap3A_1262] {strides = array<i32>} : memref<32x128xf32, #tpu.memory_space<vmem>>, vector<1x16xf32>,
        %swap3A_1264 = vector.shape_cast %swap3A_1263 : vector<1x16xf32> to vector<16xf32>
        %swap3A_1265 = vector.shape_cast %mul3A_1260 : vector<16xf32> to vector<1x16xf32>
        tpu.vector_store %arg17[%swap3A_1261, %swap3A_1262], %swap3A_1265 {strides = array<i32>} : memref<32x128xf32, #tpu.memory_space<vmem>>, vector<1x16xf32>,
        %mul3A_1266 = arith.mulf %add3A_1224, %div3A_470 : vector<16xf32>
        %swap3A_1267 = arith.index_cast %scan3A_429 : i32 to index
        %swap3A_1268 = arith.constant 112 : index
        %swap3A_1269 = tpu.vector_load %arg17[%swap3A_1267, %swap3A_1268] {strides = array<i32>} : memref<32x128xf32, #tpu.memory_space<vmem>>, vector<1x16xf32>,
        %swap3A_1270 = vector.shape_cast %swap3A_1269 : vector<1x16xf32> to vector<16xf32>
        %swap3A_1271 = vector.shape_cast %mul3A_1266 : vector<16xf32> to vector<1x16xf32>
        tpu.vector_store %arg17[%swap3A_1267, %swap3A_1268], %swap3A_1271 {strides = array<i32>} : memref<32x128xf32, #tpu.memory_space<vmem>>, vector<1x16xf32>,
      }
      %scan3A_279 = arith.constant 32 : i32
      %add3A_280 = arith.addi %add3A, %mul3A_192 : i32
      %mul3A_281 = arith.constant 32 : i32
      %mul3A_282 = arith.muli %add3A_280, %mul3A_281 : i32
      %min3A_283 = arith.constant 49968 : i32
      %min3A_284 = arith.minsi %mul3A_282, %min3A_283 : i32
      %dma_start3A_285 = arith.constant 0 : i32
      %dma_start3A_286 = tpu.memref_slice %arg6[%min3A_284, %dma_start3A_285] : memref<50000x128xf32, #tpu.memory_space<hbm>> -> memref<32x128xf32, #tpu.memory_space<hbm>>
      %dma_start3A_287 = arith.constant 0 : i32
      %dma_start3A_288 = tpu.memref_slice %arg6[%min3A_284, %dma_start3A_287] : memref<50000x128xf32, #tpu.memory_space<hbm>> -> memref<32x128xf32, #tpu.memory_space<hbm>>
      tpu.enqueue_dma source(%arg17 : memref<32x128xf32, #tpu.memory_space<vmem>>) target(%dma_start3A_288 : memref<32x128xf32, #tpu.memory_space<hbm>>) target_semaphore(%arg23 : memref<!tpu.dma_semaphore, #tpu.memory_space<semaphore_mem>>)
      %add3A_289 = arith.constant 2 : i32
      %add3A_290 = arith.addi %mul3A_192, %add3A_289 : i32
      %rem3A_291 = arith.remsi %add3A_290, %select_n3A_7 : i32
      %add3A_292 = arith.addi %add3A, %rem3A_291 : i32
      %mul3A_293 = arith.constant 32 : i32
      %mul3A_294 = arith.muli %add3A_292, %mul3A_293 : i32
      %min3A_295 = arith.constant 49968 : i32
      %min3A_296 = arith.minsi %mul3A_294, %min3A_295 : i32
      %mul3A_297 = arith.constant 10 : i32
      %mul3A_298 = arith.muli %min3A_296, %mul3A_297 : i32
      %mul3A_299 = arith.constant 10 : i32
      %mul3A_300 = arith.muli %min3A_296, %mul3A_299 : i32
      %dma_start3A_301 = tpu.memref_slice %arg2[%mul3A_298] : memref<500000xi32, #tpu.memory_space<hbm>> -> memref<320xi32, #tpu.memory_space<hbm>>
      %dma_start3A_302 = tpu.memref_slice %arg2[%mul3A_298] : memref<500000xi32, #tpu.memory_space<hbm>> -> memref<320xi32, #tpu.memory_space<hbm>>
      tpu.enqueue_dma source(%dma_start3A_302 : memref<320xi32, #tpu.memory_space<hbm>>) target(%arg7 : memref<320xi32, #tpu.memory_space<vmem>>) target_semaphore(%arg19 : memref<!tpu.dma_semaphore, #tpu.memory_space<semaphore_mem>>)
      %dma_start3A_303 = tpu.memref_slice %arg3[%min3A_296] : memref<50000xi32, #tpu.memory_space<hbm>> -> memref<32xi32, #tpu.memory_space<hbm>>
      %dma_start3A_304 = tpu.memref_slice %arg3[%min3A_296] : memref<50000xi32, #tpu.memory_space<hbm>> -> memref<32xi32, #tpu.memory_space<hbm>>
      tpu.enqueue_dma source(%dma_start3A_304 : memref<32xi32, #tpu.memory_space<hbm>>) target(%arg9 : memref<32xi32, #tpu.memory_space<vmem>>) target_semaphore(%arg19 : memref<!tpu.dma_semaphore, #tpu.memory_space<semaphore_mem>>)
      %dma_start3A_305 = arith.constant 0 : i32
      %dma_start3A_306 = tpu.memref_slice %arg11[%dma_start3A_305] : memref<336xf32, #tpu.memory_space<vmem>> -> memref<320xf32, #tpu.memory_space<vmem>>
      %dma_start3A_307 = tpu.memref_slice %arg4[%mul3A_300] : memref<500000xf32, #tpu.memory_space<hbm>> -> memref<320xf32, #tpu.memory_space<hbm>>
      %dma_start3A_308 = arith.constant 0 : i32
      %dma_start3A_309 = tpu.memref_slice %arg11[%dma_start3A_308] : memref<336xf32, #tpu.memory_space<vmem>> -> memref<320xf32, #tpu.memory_space<vmem>>
      %dma_start3A_310 = tpu.memref_slice %arg4[%mul3A_300] : memref<500000xf32, #tpu.memory_space<hbm>> -> memref<320xf32, #tpu.memory_space<hbm>>
      tpu.enqueue_dma source(%dma_start3A_310 : memref<320xf32, #tpu.memory_space<hbm>>) target(%dma_start3A_309 : memref<320xf32, #tpu.memory_space<vmem>>) target_semaphore(%arg19 : memref<!tpu.dma_semaphore, #tpu.memory_space<semaphore_mem>>)
      %add3A_311 = arith.constant 1 : i32
      %add3A_312 = arith.addi %add3A_196, %add3A_311 : i32
      %rem3A_313 = arith.remsi %add3A_312, %select_n3A_7 : i32
      %add3A_314 = arith.addi %add3A, %rem3A_313 : i32
      %mul3A_315 = arith.constant 32 : i32
      %mul3A_316 = arith.muli %add3A_314, %mul3A_315 : i32
      %min3A_317 = arith.constant 49968 : i32
      %min3A_318 = arith.minsi %mul3A_316, %min3A_317 : i32
      %mul3A_319 = arith.constant 10 : i32
      %mul3A_320 = arith.muli %min3A_318, %mul3A_319 : i32
      %mul3A_321 = arith.constant 10 : i32
      %mul3A_322 = arith.muli %min3A_318, %mul3A_321 : i32
      %dma_wait3A_323 = tpu.memref_slice %arg2[%mul3A_320] : memref<500000xi32, #tpu.memory_space<hbm>> -> memref<320xi32, #tpu.memory_space<hbm>>
      %dma_wait3A_324 = tpu.memref_slice %arg2[%mul3A_320] : memref<500000xi32, #tpu.memory_space<hbm>> -> memref<320xi32, #tpu.memory_space<hbm>>
      tpu.wait_dma2 semaphore(%arg19 : memref<!tpu.dma_semaphore, #tpu.memory_space<semaphore_mem>>) src(%dma_wait3A_324 : memref<320xi32, #tpu.memory_space<hbm>>) dst(%arg7 : memref<320xi32, #tpu.memory_space<vmem>>)
      %dma_wait3A_325 = tpu.memref_slice %arg3[%min3A_318] : memref<50000xi32, #tpu.memory_space<hbm>> -> memref<32xi32, #tpu.memory_space<hbm>>
      %dma_wait3A_326 = tpu.memref_slice %arg3[%min3A_318] : memref<50000xi32, #tpu.memory_space<hbm>> -> memref<32xi32, #tpu.memory_space<hbm>>
      tpu.wait_dma2 semaphore(%arg19 : memref<!tpu.dma_semaphore, #tpu.memory_space<semaphore_mem>>) src(%dma_wait3A_326 : memref<32xi32, #tpu.memory_space<hbm>>) dst(%arg9 : memref<32xi32, #tpu.memory_space<vmem>>)
      %dma_wait3A_327 = arith.constant 0 : i32
      %dma_wait3A_328 = tpu.memref_slice %arg11[%dma_wait3A_327] : memref<336xf32, #tpu.memory_space<vmem>> -> memref<320xf32, #tpu.memory_space<vmem>>
      %dma_wait3A_329 = tpu.memref_slice %arg4[%mul3A_322] : memref<500000xf32, #tpu.memory_space<hbm>> -> memref<320xf32, #tpu.memory_space<hbm>>
      %dma_wait3A_330 = arith.constant 0 : i32
      %dma_wait3A_331 = tpu.memref_slice %arg11[%dma_wait3A_330] : memref<336xf32, #tpu.memory_space<vmem>> -> memref<320xf32, #tpu.memory_space<vmem>>
      %dma_wait3A_332 = tpu.memref_slice %arg4[%mul3A_322] : memref<500000xf32, #tpu.memory_space<hbm>> -> memref<320xf32, #tpu.memory_space<hbm>>
      tpu.wait_dma2 semaphore(%arg19 : memref<!tpu.dma_semaphore, #tpu.memory_space<semaphore_mem>>) src(%dma_wait3A_332 : memref<320xf32, #tpu.memory_space<hbm>>) dst(%dma_wait3A_331 : memref<320xf32, #tpu.memory_space<vmem>>)
      %dma_start3A_333 = arith.constant 0 : i32
      %dma_start3A_334 = arith.constant 0 : i32
      %dma_start3A_335 = tpu.memref_slice %arg13[%dma_start3A_333, %dma_start3A_334] : memref<320x128xf32, #tpu.memory_space<vmem>> -> memref<128x128xf32, #tpu.memory_space<vmem>>
      %dma_start3A_336 = arith.constant 0 : i32
      %dma_start3A_337 = tpu.memref_slice %arg7[%dma_start3A_336] : memref<320xi32, #tpu.memory_space<vmem>> -> memref<128xi32, #tpu.memory_space<vmem>>
      %dma_start3A_338 = arith.constant 0 : i32
      %dma_start3A_339 = arith.constant 0 : i32
      %dma_start3A_340 = tpu.memref_slice %arg5[%dma_start3A_338, %dma_start3A_339] : memref<100000x128xf32, #tpu.memory_space<hbm>> -> memref<100000x128xf32, #tpu.memory_space<hbm>>
      tpu.enqueue_indirect_dma source(%dma_start3A_340 : memref<100000x128xf32, #tpu.memory_space<hbm>>) target(%dma_start3A_335 : memref<128x128xf32, #tpu.memory_space<vmem>>) offsets(%dma_start3A_337 : memref<128xi32, #tpu.memory_space<vmem>>) semaphore(%arg21 : memref<!tpu.dma_semaphore, #tpu.memory_space<semaphore_mem>>)
      %dma_start3A_341 = arith.constant 128 : i32
      %dma_start3A_342 = arith.constant 0 : i32
      %dma_start3A_343 = tpu.memref_slice %arg13[%dma_start3A_341, %dma_start3A_342] : memref<320x128xf32, #tpu.memory_space<vmem>> -> memref<128x128xf32, #tpu.memory_space<vmem>>
      %dma_start3A_344 = arith.constant 128 : i32
      %dma_start3A_345 = tpu.memref_slice %arg7[%dma_start3A_344] : memref<320xi32, #tpu.memory_space<vmem>> -> memref<128xi32, #tpu.memory_space<vmem>>
      %dma_start3A_346 = arith.constant 0 : i32
      %dma_start3A_347 = arith.constant 0 : i32
      %dma_start3A_348 = tpu.memref_slice %arg5[%dma_start3A_346, %dma_start3A_347] : memref<100000x128xf32, #tpu.memory_space<hbm>> -> memref<100000x128xf32, #tpu.memory_space<hbm>>
      tpu.enqueue_indirect_dma source(%dma_start3A_348 : memref<100000x128xf32, #tpu.memory_space<hbm>>) target(%dma_start3A_343 : memref<128x128xf32, #tpu.memory_space<vmem>>) offsets(%dma_start3A_345 : memref<128xi32, #tpu.memory_space<vmem>>) semaphore(%arg21 : memref<!tpu.dma_semaphore, #tpu.memory_space<semaphore_mem>>)
      %dma_start3A_349 = arith.constant 256 : i32
      %dma_start3A_350 = arith.constant 0 : i32
      %dma_start3A_351 = tpu.memref_slice %arg13[%dma_start3A_349, %dma_start3A_350] : memref<320x128xf32, #tpu.memory_space<vmem>> -> memref<64x128xf32, #tpu.memory_space<vmem>>
      %dma_start3A_352 = arith.constant 256 : i32
      %dma_start3A_353 = tpu.memref_slice %arg7[%dma_start3A_352] : memref<320xi32, #tpu.memory_space<vmem>> -> memref<64xi32, #tpu.memory_space<vmem>>
      %dma_start3A_354 = arith.constant 0 : i32
      %dma_start3A_355 = arith.constant 0 : i32
      %dma_start3A_356 = tpu.memref_slice %arg5[%dma_start3A_354, %dma_start3A_355] : memref<100000x128xf32, #tpu.memory_space<hbm>> -> memref<100000x128xf32, #tpu.memory_space<hbm>>
      tpu.enqueue_indirect_dma source(%dma_start3A_356 : memref<100000x128xf32, #tpu.memory_space<hbm>>) target(%dma_start3A_351 : memref<64x128xf32, #tpu.memory_space<vmem>>) offsets(%dma_start3A_353 : memref<64xi32, #tpu.memory_space<vmem>>) semaphore(%arg21 : memref<!tpu.dma_semaphore, #tpu.memory_space<semaphore_mem>>)
      %dma_start3A_357 = arith.constant 0 : i32
      %dma_start3A_358 = arith.constant 0 : i32
      %dma_start3A_359 = tpu.memref_slice %arg5[%dma_start3A_357, %dma_start3A_358] : memref<100000x128xf32, #tpu.memory_space<hbm>> -> memref<100000x128xf32, #tpu.memory_space<hbm>>
      tpu.enqueue_indirect_dma source(%dma_start3A_359 : memref<100000x128xf32, #tpu.memory_space<hbm>>) target(%arg15 : memref<32x128xf32, #tpu.memory_space<vmem>>) offsets(%arg9 : memref<32xi32, #tpu.memory_space<vmem>>) semaphore(%arg21 : memref<!tpu.dma_semaphore, #tpu.memory_space<semaphore_mem>>)
      %dma_wait3A_360 = arith.constant 0 : i32
      %dma_wait3A_361 = arith.constant 0 : i32
      %dma_wait3A_362 = tpu.memref_slice %arg14[%dma_wait3A_360, %dma_wait3A_361] : memref<320x128xf32, #tpu.memory_space<vmem>> -> memref<128x128xf32, #tpu.memory_space<vmem>>
      %dma_wait3A_363 = arith.constant 0 : i32
      %dma_wait3A_364 = tpu.memref_slice %arg8[%dma_wait3A_363] : memref<320xi32, #tpu.memory_space<vmem>> -> memref<128xi32, #tpu.memory_space<vmem>>
      %dma_wait3A_365 = arith.constant 0 : i32
      %dma_wait3A_366 = arith.constant 0 : i32
      %dma_wait3A_367 = tpu.memref_slice %arg5[%dma_wait3A_365, %dma_wait3A_366] : memref<100000x128xf32, #tpu.memory_space<hbm>> -> memref<100000x128xf32, #tpu.memory_space<hbm>>
      tpu.wait_indirect_dma semaphore(%arg22 : memref<!tpu.dma_semaphore, #tpu.memory_space<semaphore_mem>>) src(%dma_wait3A_367 : memref<100000x128xf32, #tpu.memory_space<hbm>>) dst(%dma_wait3A_362 : memref<128x128xf32, #tpu.memory_space<vmem>>)
      %dma_wait3A_368 = arith.constant 128 : i32
      %dma_wait3A_369 = arith.constant 0 : i32
      %dma_wait3A_370 = tpu.memref_slice %arg14[%dma_wait3A_368, %dma_wait3A_369] : memref<320x128xf32, #tpu.memory_space<vmem>> -> memref<128x128xf32, #tpu.memory_space<vmem>>
      %dma_wait3A_371 = arith.constant 128 : i32
      %dma_wait3A_372 = tpu.memref_slice %arg8[%dma_wait3A_371] : memref<320xi32, #tpu.memory_space<vmem>> -> memref<128xi32, #tpu.memory_space<vmem>>
      %dma_wait3A_373 = arith.constant 0 : i32
      %dma_wait3A_374 = arith.constant 0 : i32
      %dma_wait3A_375 = tpu.memref_slice %arg5[%dma_wait3A_373, %dma_wait3A_374] : memref<100000x128xf32, #tpu.memory_space<hbm>> -> memref<100000x128xf32, #tpu.memory_space<hbm>>
      tpu.wait_indirect_dma semaphore(%arg22 : memref<!tpu.dma_semaphore, #tpu.memory_space<semaphore_mem>>) src(%dma_wait3A_375 : memref<100000x128xf32, #tpu.memory_space<hbm>>) dst(%dma_wait3A_370 : memref<128x128xf32, #tpu.memory_space<vmem>>)
      %dma_wait3A_376 = arith.constant 256 : i32
      %dma_wait3A_377 = arith.constant 0 : i32
      %dma_wait3A_378 = tpu.memref_slice %arg14[%dma_wait3A_376, %dma_wait3A_377] : memref<320x128xf32, #tpu.memory_space<vmem>> -> memref<64x128xf32, #tpu.memory_space<vmem>>
      %dma_wait3A_379 = arith.constant 256 : i32
      %dma_wait3A_380 = tpu.memref_slice %arg8[%dma_wait3A_379] : memref<320xi32, #tpu.memory_space<vmem>> -> memref<64xi32, #tpu.memory_space<vmem>>
      %dma_wait3A_381 = arith.constant 0 : i32
      %dma_wait3A_382 = arith.constant 0 : i32
      %dma_wait3A_383 = tpu.memref_slice %arg5[%dma_wait3A_381, %dma_wait3A_382] : memref<100000x128xf32, #tpu.memory_space<hbm>> -> memref<100000x128xf32, #tpu.memory_space<hbm>>
      tpu.wait_indirect_dma semaphore(%arg22 : memref<!tpu.dma_semaphore, #tpu.memory_space<semaphore_mem>>) src(%dma_wait3A_383 : memref<100000x128xf32, #tpu.memory_space<hbm>>) dst(%dma_wait3A_378 : memref<64x128xf32, #tpu.memory_space<vmem>>)
      %dma_wait3A_384 = arith.constant 0 : i32
      %dma_wait3A_385 = arith.constant 0 : i32
      %dma_wait3A_386 = tpu.memref_slice %arg5[%dma_wait3A_384, %dma_wait3A_385] : memref<100000x128xf32, #tpu.memory_space<hbm>> -> memref<100000x128xf32, #tpu.memory_space<hbm>>
      tpu.wait_indirect_dma semaphore(%arg22 : memref<!tpu.dma_semaphore, #tpu.memory_space<semaphore_mem>>) src(%dma_wait3A_386 : memref<100000x128xf32, #tpu.memory_space<hbm>>) dst(%arg16 : memref<32x128xf32, #tpu.memory_space<vmem>>)
      %ge3A_387 = arith.constant 2 : i32
      %ge3A_388 = arith.cmpi sge, %add3A_196, %ge3A_387 : i32
      %convert_element_type3A_389 = arith.extui %ge3A_388 : i1 to i32
      %cond3A_390 = arith.constant 0 : i32
      %cond3A_391 = arith.cmpi ne, %convert_element_type3A_389, %cond3A_390 : i32
      scf.if %cond3A_391 {
        %sub3A_429 = arith.constant 2 : i32
        %sub3A_430 = arith.subi %add3A_196, %sub3A_429 : i32
        %add3A_431 = arith.addi %add3A, %sub3A_430 : i32
        %mul3A_432 = arith.constant 32 : i32
        %mul3A_433 = arith.muli %add3A_431, %mul3A_432 : i32
        %min3A_434 = arith.constant 49968 : i32
        %min3A_435 = arith.minsi %mul3A_433, %min3A_434 : i32
        %dma_wait3A_436 = arith.constant 0 : i32
        %dma_wait3A_437 = tpu.memref_slice %arg6[%min3A_435, %dma_wait3A_436] : memref<50000x128xf32, #tpu.memory_space<hbm>> -> memref<32x128xf32, #tpu.memory_space<hbm>>
        %dma_wait3A_438 = arith.constant 0 : i32
        %dma_wait3A_439 = tpu.memref_slice %arg6[%min3A_435, %dma_wait3A_438] : memref<50000x128xf32, #tpu.memory_space<hbm>> -> memref<32x128xf32, #tpu.memory_space<hbm>>
        tpu.wait_dma2 semaphore(%arg24 : memref<!tpu.dma_semaphore, #tpu.memory_space<semaphore_mem>>) src(%arg18 : memref<32x128xf32, #tpu.memory_space<vmem>>) dst(%dma_wait3A_439 : memref<32x128xf32, #tpu.memory_space<hbm>>)
      } else {
      }
      %scan3A_392 = arith.constant 0 : i32
      %scan3A_393 = arith.constant 0 : i32
      %scan3A_394 = arith.constant 32 : i32
      %scan3A_395 = arith.addi %scan3A_393, %scan3A_394 : i32
      %scan3A_396 = arith.constant 1 : i32
      scf.for %scan3A_429 = %scan3A_393 to %scan3A_395 step %scan3A_396  : i32 {
        %mul3A_430 = arith.constant 10 : i32
        %mul3A_431 = arith.muli %scan3A_429, %mul3A_430 : i32
        %get3A = arith.index_cast %mul3A_431 : i32 to index
        %get3A_432 = tpu.vector_load %arg12[%get3A] {strides = array<i32>} : memref<336xf32, #tpu.memory_space<vmem>>, vector<16xf32>,
        %get3A_433 = vector.shape_cast %get3A_432 : vector<16xf32> to vector<16xf32>
        %jit3A_434 = arith.constant 0.000000e+00 : f32
        %broadcast_in_dim3A = vector.broadcast %jit3A_434 : f32 to vector<16xf32>
        %select_n3A_435 = arith.select %lt3A_9, %get3A_433, %broadcast_in_dim3A : vector<16xi1>, vector<16xf32>
        %slice3A = vector.extract_strided_slice %select_n3A_435 {offsets = [0], sizes = [1], strides = [1]} : vector<16xf32> to vector<1xf32>
        %squeeze3A = vector.extract %slice3A[0] : f32 from vector<1xf32>
        %slice3A_436 = vector.extract_strided_slice %select_n3A_435 {offsets = [1], sizes = [1], strides = [1]} : vector<16xf32> to vector<1xf32>
        %squeeze3A_437 = vector.extract %slice3A_436[0] : f32 from vector<1xf32>
        %slice3A_438 = vector.extract_strided_slice %select_n3A_435 {offsets = [2], sizes = [1], strides = [1]} : vector<16xf32> to vector<1xf32>
        %squeeze3A_439 = vector.extract %slice3A_438[0] : f32 from vector<1xf32>
        %slice3A_440 = vector.extract_strided_slice %select_n3A_435 {offsets = [3], sizes = [1], strides = [1]} : vector<16xf32> to vector<1xf32>
        %squeeze3A_441 = vector.extract %slice3A_440[0] : f32 from vector<1xf32>
        %slice3A_442 = vector.extract_strided_slice %select_n3A_435 {offsets = [4], sizes = [1], strides = [1]} : vector<16xf32> to vector<1xf32>
        %squeeze3A_443 = vector.extract %slice3A_442[0] : f32 from vector<1xf32>
        %slice3A_444 = vector.extract_strided_slice %select_n3A_435 {offsets = [5], sizes = [1], strides = [1]} : vector<16xf32> to vector<1xf32>
        %squeeze3A_445 = vector.extract %slice3A_444[0] : f32 from vector<1xf32>
        %slice3A_446 = vector.extract_strided_slice %select_n3A_435 {offsets = [6], sizes = [1], strides = [1]} : vector<16xf32> to vector<1xf32>
        %squeeze3A_447 = vector.extract %slice3A_446[0] : f32 from vector<1xf32>
        %slice3A_448 = vector.extract_strided_slice %select_n3A_435 {offsets = [7], sizes = [1], strides = [1]} : vector<16xf32> to vector<1xf32>
        %squeeze3A_449 = vector.extract %slice3A_448[0] : f32 from vector<1xf32>
        %slice3A_450 = vector.extract_strided_slice %select_n3A_435 {offsets = [8], sizes = [1], strides = [1]} : vector<16xf32> to vector<1xf32>
        %squeeze3A_451 = vector.extract %slice3A_450[0] : f32 from vector<1xf32>
        %slice3A_452 = vector.extract_strided_slice %select_n3A_435 {offsets = [9], sizes = [1], strides = [1]} : vector<16xf32> to vector<1xf32>
        %squeeze3A_453 = vector.extract %slice3A_452[0] : f32 from vector<1xf32>
        %add3A_454 = arith.constant 1.000000e+00 : f32
        %add3A_455 = arith.addf %add3A_454, %squeeze3A : f32
        %add3A_456 = arith.addf %add3A_455, %squeeze3A_437 : f32
        %add3A_457 = arith.addf %add3A_456, %squeeze3A_439 : f32
        %add3A_458 = arith.addf %add3A_457, %squeeze3A_441 : f32
        %add3A_459 = arith.addf %add3A_458, %squeeze3A_443 : f32
        %add3A_460 = arith.addf %add3A_459, %squeeze3A_445 : f32
        %add3A_461 = arith.addf %add3A_460, %squeeze3A_447 : f32
        %add3A_462 = arith.addf %add3A_461, %squeeze3A_449 : f32
        %add3A_463 = arith.addf %add3A_462, %squeeze3A_451 : f32
        %add3A_464 = arith.addf %add3A_463, %squeeze3A_453 : f32
        %broadcast_in_dim3A_465 = vector.broadcast %add3A_464 : f32 to vector<16xf32>
        %max3A = arith.constant 9.99999997E-7 : f32
        %max3A_466 = vector.broadcast %max3A : f32 to vector<16xf32>
        %max3A_467 = arith.maximumf %broadcast_in_dim3A_465, %max3A_466 : vector<16xf32>
        %div3A_468 = arith.constant 1.000000e+00 : f32
        %div3A_469 = vector.broadcast %div3A_468 : f32 to vector<16xf32>
        %div3A_470 = arith.divf %div3A_469, %max3A_467 : vector<16xf32>
        %mul3A_471 = arith.constant 10 : i32
        %mul3A_472 = arith.muli %scan3A_429, %mul3A_471 : i32
        %get3A_473 = arith.index_cast %scan3A_429 : i32 to index
        %get3A_474 = arith.constant 0 : index
        %get3A_475 = tpu.vector_load %arg16[%get3A_473, %get3A_474] {strides = array<i32>} : memref<32x128xf32, #tpu.memory_space<vmem>>, vector<1x16xf32>,
        %get3A_476 = vector.shape_cast %get3A_475 : vector<1x16xf32> to vector<16xf32>
        %get3A_477 = arith.index_cast %scan3A_429 : i32 to index
        %get3A_478 = arith.constant 16 : index
        %get3A_479 = tpu.vector_load %arg16[%get3A_477, %get3A_478] {strides = array<i32>} : memref<32x128xf32, #tpu.memory_space<vmem>>, vector<1x16xf32>,
        %get3A_480 = vector.shape_cast %get3A_479 : vector<1x16xf32> to vector<16xf32>
        %get3A_481 = arith.index_cast %scan3A_429 : i32 to index
        %get3A_482 = arith.constant 32 : index
        %get3A_483 = tpu.vector_load %arg16[%get3A_481, %get3A_482] {strides = array<i32>} : memref<32x128xf32, #tpu.memory_space<vmem>>, vector<1x16xf32>,
        %get3A_484 = vector.shape_cast %get3A_483 : vector<1x16xf32> to vector<16xf32>
        %get3A_485 = arith.index_cast %scan3A_429 : i32 to index
        %get3A_486 = arith.constant 48 : index
        %get3A_487 = tpu.vector_load %arg16[%get3A_485, %get3A_486] {strides = array<i32>} : memref<32x128xf32, #tpu.memory_space<vmem>>, vector<1x16xf32>,
        %get3A_488 = vector.shape_cast %get3A_487 : vector<1x16xf32> to vector<16xf32>
        %get3A_489 = arith.index_cast %scan3A_429 : i32 to index
        %get3A_490 = arith.constant 64 : index
        %get3A_491 = tpu.vector_load %arg16[%get3A_489, %get3A_490] {strides = array<i32>} : memref<32x128xf32, #tpu.memory_space<vmem>>, vector<1x16xf32>,
        %get3A_492 = vector.shape_cast %get3A_491 : vector<1x16xf32> to vector<16xf32>
        %get3A_493 = arith.index_cast %scan3A_429 : i32 to index
        %get3A_494 = arith.constant 80 : index
        %get3A_495 = tpu.vector_load %arg16[%get3A_493, %get3A_494] {strides = array<i32>} : memref<32x128xf32, #tpu.memory_space<vmem>>, vector<1x16xf32>,
        %get3A_496 = vector.shape_cast %get3A_495 : vector<1x16xf32> to vector<16xf32>
        %get3A_497 = arith.index_cast %scan3A_429 : i32 to index
        %get3A_498 = arith.constant 96 : index
        %get3A_499 = tpu.vector_load %arg16[%get3A_497, %get3A_498] {strides = array<i32>} : memref<32x128xf32, #tpu.memory_space<vmem>>, vector<1x16xf32>,
        %get3A_500 = vector.shape_cast %get3A_499 : vector<1x16xf32> to vector<16xf32>
        %get3A_501 = arith.index_cast %scan3A_429 : i32 to index
        %get3A_502 = arith.constant 112 : index
        %get3A_503 = tpu.vector_load %arg16[%get3A_501, %get3A_502] {strides = array<i32>} : memref<32x128xf32, #tpu.memory_space<vmem>>, vector<1x16xf32>,
        %get3A_504 = vector.shape_cast %get3A_503 : vector<1x16xf32> to vector<16xf32>
        %add3A_505 = arith.constant 0 : i32
        %add3A_506 = arith.addi %mul3A_472, %add3A_505 : i32
        %get3A_507 = arith.index_cast %add3A_506 : i32 to index
        %get3A_508 = arith.constant 0 : index
        %get3A_509 = tpu.vector_load %arg14[%get3A_507, %get3A_508] {strides = array<i32>} : memref<320x128xf32, #tpu.memory_space<vmem>>, vector<1x16xf32>,
        %get3A_510 = vector.shape_cast %get3A_509 : vector<1x16xf32> to vector<16xf32>
        %mul3A_511 = vector.broadcast %squeeze3A : f32 to vector<16xf32>
        %mul3A_512 = arith.mulf %mul3A_511, %get3A_510 : vector<16xf32>
        %add3A_513 = arith.addf %get3A_476, %mul3A_512 : vector<16xf32>
        %add3A_514 = arith.constant 0 : i32
        %add3A_515 = arith.addi %mul3A_472, %add3A_514 : i32
        %get3A_516 = arith.index_cast %add3A_515 : i32 to index
        %get3A_517 = arith.constant 16 : index
        %get3A_518 = tpu.vector_load %arg14[%get3A_516, %get3A_517] {strides = array<i32>} : memref<320x128xf32, #tpu.memory_space<vmem>>, vector<1x16xf32>,
        %get3A_519 = vector.shape_cast %get3A_518 : vector<1x16xf32> to vector<16xf32>
        %mul3A_520 = vector.broadcast %squeeze3A : f32 to vector<16xf32>
        %mul3A_521 = arith.mulf %mul3A_520, %get3A_519 : vector<16xf32>
        %add3A_522 = arith.addf %get3A_480, %mul3A_521 : vector<16xf32>
        %add3A_523 = arith.constant 0 : i32
        %add3A_524 = arith.addi %mul3A_472, %add3A_523 : i32
        %get3A_525 = arith.index_cast %add3A_524 : i32 to index
        %get3A_526 = arith.constant 32 : index
        %get3A_527 = tpu.vector_load %arg14[%get3A_525, %get3A_526] {strides = array<i32>} : memref<320x128xf32, #tpu.memory_space<vmem>>, vector<1x16xf32>,
        %get3A_528 = vector.shape_cast %get3A_527 : vector<1x16xf32> to vector<16xf32>
        %mul3A_529 = vector.broadcast %squeeze3A : f32 to vector<16xf32>
        %mul3A_530 = arith.mulf %mul3A_529, %get3A_528 : vector<16xf32>
        %add3A_531 = arith.addf %get3A_484, %mul3A_530 : vector<16xf32>
        %add3A_532 = arith.constant 0 : i32
        %add3A_533 = arith.addi %mul3A_472, %add3A_532 : i32
        %get3A_534 = arith.index_cast %add3A_533 : i32 to index
        %get3A_535 = arith.constant 48 : index
        %get3A_536 = tpu.vector_load %arg14[%get3A_534, %get3A_535] {strides = array<i32>} : memref<320x128xf32, #tpu.memory_space<vmem>>, vector<1x16xf32>,
        %get3A_537 = vector.shape_cast %get3A_536 : vector<1x16xf32> to vector<16xf32>
        %mul3A_538 = vector.broadcast %squeeze3A : f32 to vector<16xf32>
        %mul3A_539 = arith.mulf %mul3A_538, %get3A_537 : vector<16xf32>
        %add3A_540 = arith.addf %get3A_488, %mul3A_539 : vector<16xf32>
        %add3A_541 = arith.constant 0 : i32
        %add3A_542 = arith.addi %mul3A_472, %add3A_541 : i32
        %get3A_543 = arith.index_cast %add3A_542 : i32 to index
        %get3A_544 = arith.constant 64 : index
        %get3A_545 = tpu.vector_load %arg14[%get3A_543, %get3A_544] {strides = array<i32>} : memref<320x128xf32, #tpu.memory_space<vmem>>, vector<1x16xf32>,
        %get3A_546 = vector.shape_cast %get3A_545 : vector<1x16xf32> to vector<16xf32>
        %mul3A_547 = vector.broadcast %squeeze3A : f32 to vector<16xf32>
        %mul3A_548 = arith.mulf %mul3A_547, %get3A_546 : vector<16xf32>
        %add3A_549 = arith.addf %get3A_492, %mul3A_548 : vector<16xf32>
        %add3A_550 = arith.constant 0 : i32
        %add3A_551 = arith.addi %mul3A_472, %add3A_550 : i32
        %get3A_552 = arith.index_cast %add3A_551 : i32 to index
        %get3A_553 = arith.constant 80 : index
        %get3A_554 = tpu.vector_load %arg14[%get3A_552, %get3A_553] {strides = array<i32>} : memref<320x128xf32, #tpu.memory_space<vmem>>, vector<1x16xf32>,
        %get3A_555 = vector.shape_cast %get3A_554 : vector<1x16xf32> to vector<16xf32>
        %mul3A_556 = vector.broadcast %squeeze3A : f32 to vector<16xf32>
        %mul3A_557 = arith.mulf %mul3A_556, %get3A_555 : vector<16xf32>
        %add3A_558 = arith.addf %get3A_496, %mul3A_557 : vector<16xf32>
        %add3A_559 = arith.constant 0 : i32
        %add3A_560 = arith.addi %mul3A_472, %add3A_559 : i32
        %get3A_561 = arith.index_cast %add3A_560 : i32 to index
        %get3A_562 = arith.constant 96 : index
        %get3A_563 = tpu.vector_load %arg14[%get3A_561, %get3A_562] {strides = array<i32>} : memref<320x128xf32, #tpu.memory_space<vmem>>, vector<1x16xf32>,
        %get3A_564 = vector.shape_cast %get3A_563 : vector<1x16xf32> to vector<16xf32>
        %mul3A_565 = vector.broadcast %squeeze3A : f32 to vector<16xf32>
        %mul3A_566 = arith.mulf %mul3A_565, %get3A_564 : vector<16xf32>
        %add3A_567 = arith.addf %get3A_500, %mul3A_566 : vector<16xf32>
        %add3A_568 = arith.constant 0 : i32
        %add3A_569 = arith.addi %mul3A_472, %add3A_568 : i32
        %get3A_570 = arith.index_cast %add3A_569 : i32 to index
        %get3A_571 = arith.constant 112 : index
        %get3A_572 = tpu.vector_load %arg14[%get3A_570, %get3A_571] {strides = array<i32>} : memref<320x128xf32, #tpu.memory_space<vmem>>, vector<1x16xf32>,
        %get3A_573 = vector.shape_cast %get3A_572 : vector<1x16xf32> to vector<16xf32>
        %mul3A_574 = vector.broadcast %squeeze3A : f32 to vector<16xf32>
        %mul3A_575 = arith.mulf %mul3A_574, %get3A_573 : vector<16xf32>
        %add3A_576 = arith.addf %get3A_504, %mul3A_575 : vector<16xf32>
        %add3A_577 = arith.constant 1 : i32
        %add3A_578 = arith.addi %mul3A_472, %add3A_577 : i32
        %get3A_579 = arith.index_cast %add3A_578 : i32 to index
        %get3A_580 = arith.constant 0 : index
        %get3A_581 = tpu.vector_load %arg14[%get3A_579, %get3A_580] {strides = array<i32>} : memref<320x128xf32, #tpu.memory_space<vmem>>, vector<1x16xf32>,
        %get3A_582 = vector.shape_cast %get3A_581 : vector<1x16xf32> to vector<16xf32>
        %mul3A_583 = vector.broadcast %squeeze3A_437 : f32 to vector<16xf32>
        %mul3A_584 = arith.mulf %mul3A_583, %get3A_582 : vector<16xf32>
        %add3A_585 = arith.addf %add3A_513, %mul3A_584 : vector<16xf32>
        %add3A_586 = arith.constant 1 : i32
        %add3A_587 = arith.addi %mul3A_472, %add3A_586 : i32
        %get3A_588 = arith.index_cast %add3A_587 : i32 to index
        %get3A_589 = arith.constant 16 : index
        %get3A_590 = tpu.vector_load %arg14[%get3A_588, %get3A_589] {strides = array<i32>} : memref<320x128xf32, #tpu.memory_space<vmem>>, vector<1x16xf32>,
        %get3A_591 = vector.shape_cast %get3A_590 : vector<1x16xf32> to vector<16xf32>
        %mul3A_592 = vector.broadcast %squeeze3A_437 : f32 to vector<16xf32>
        %mul3A_593 = arith.mulf %mul3A_592, %get3A_591 : vector<16xf32>
        %add3A_594 = arith.addf %add3A_522, %mul3A_593 : vector<16xf32>
        %add3A_595 = arith.constant 1 : i32
        %add3A_596 = arith.addi %mul3A_472, %add3A_595 : i32
        %get3A_597 = arith.index_cast %add3A_596 : i32 to index
        %get3A_598 = arith.constant 32 : index
        %get3A_599 = tpu.vector_load %arg14[%get3A_597, %get3A_598] {strides = array<i32>} : memref<320x128xf32, #tpu.memory_space<vmem>>, vector<1x16xf32>,
        %get3A_600 = vector.shape_cast %get3A_599 : vector<1x16xf32> to vector<16xf32>
        %mul3A_601 = vector.broadcast %squeeze3A_437 : f32 to vector<16xf32>
        %mul3A_602 = arith.mulf %mul3A_601, %get3A_600 : vector<16xf32>
        %add3A_603 = arith.addf %add3A_531, %mul3A_602 : vector<16xf32>
        %add3A_604 = arith.constant 1 : i32
        %add3A_605 = arith.addi %mul3A_472, %add3A_604 : i32
        %get3A_606 = arith.index_cast %add3A_605 : i32 to index
        %get3A_607 = arith.constant 48 : index
        %get3A_608 = tpu.vector_load %arg14[%get3A_606, %get3A_607] {strides = array<i32>} : memref<320x128xf32, #tpu.memory_space<vmem>>, vector<1x16xf32>,
        %get3A_609 = vector.shape_cast %get3A_608 : vector<1x16xf32> to vector<16xf32>
        %mul3A_610 = vector.broadcast %squeeze3A_437 : f32 to vector<16xf32>
        %mul3A_611 = arith.mulf %mul3A_610, %get3A_609 : vector<16xf32>
        %add3A_612 = arith.addf %add3A_540, %mul3A_611 : vector<16xf32>
        %add3A_613 = arith.constant 1 : i32
        %add3A_614 = arith.addi %mul3A_472, %add3A_613 : i32
        %get3A_615 = arith.index_cast %add3A_614 : i32 to index
        %get3A_616 = arith.constant 64 : index
        %get3A_617 = tpu.vector_load %arg14[%get3A_615, %get3A_616] {strides = array<i32>} : memref<320x128xf32, #tpu.memory_space<vmem>>, vector<1x16xf32>,
        %get3A_618 = vector.shape_cast %get3A_617 : vector<1x16xf32> to vector<16xf32>
        %mul3A_619 = vector.broadcast %squeeze3A_437 : f32 to vector<16xf32>
        %mul3A_620 = arith.mulf %mul3A_619, %get3A_618 : vector<16xf32>
        %add3A_621 = arith.addf %add3A_549, %mul3A_620 : vector<16xf32>
        %add3A_622 = arith.constant 1 : i32
        %add3A_623 = arith.addi %mul3A_472, %add3A_622 : i32
        %get3A_624 = arith.index_cast %add3A_623 : i32 to index
        %get3A_625 = arith.constant 80 : index
        %get3A_626 = tpu.vector_load %arg14[%get3A_624, %get3A_625] {strides = array<i32>} : memref<320x128xf32, #tpu.memory_space<vmem>>, vector<1x16xf32>,
        %get3A_627 = vector.shape_cast %get3A_626 : vector<1x16xf32> to vector<16xf32>
        %mul3A_628 = vector.broadcast %squeeze3A_437 : f32 to vector<16xf32>
        %mul3A_629 = arith.mulf %mul3A_628, %get3A_627 : vector<16xf32>
        %add3A_630 = arith.addf %add3A_558, %mul3A_629 : vector<16xf32>
        %add3A_631 = arith.constant 1 : i32
        %add3A_632 = arith.addi %mul3A_472, %add3A_631 : i32
        %get3A_633 = arith.index_cast %add3A_632 : i32 to index
        %get3A_634 = arith.constant 96 : index
        %get3A_635 = tpu.vector_load %arg14[%get3A_633, %get3A_634] {strides = array<i32>} : memref<320x128xf32, #tpu.memory_space<vmem>>, vector<1x16xf32>,
        %get3A_636 = vector.shape_cast %get3A_635 : vector<1x16xf32> to vector<16xf32>
        %mul3A_637 = vector.broadcast %squeeze3A_437 : f32 to vector<16xf32>
        %mul3A_638 = arith.mulf %mul3A_637, %get3A_636 : vector<16xf32>
        %add3A_639 = arith.addf %add3A_567, %mul3A_638 : vector<16xf32>
        %add3A_640 = arith.constant 1 : i32
        %add3A_641 = arith.addi %mul3A_472, %add3A_640 : i32
        %get3A_642 = arith.index_cast %add3A_641 : i32 to index
        %get3A_643 = arith.constant 112 : index
        %get3A_644 = tpu.vector_load %arg14[%get3A_642, %get3A_643] {strides = array<i32>} : memref<320x128xf32, #tpu.memory_space<vmem>>, vector<1x16xf32>,
        %get3A_645 = vector.shape_cast %get3A_644 : vector<1x16xf32> to vector<16xf32>
        %mul3A_646 = vector.broadcast %squeeze3A_437 : f32 to vector<16xf32>
        %mul3A_647 = arith.mulf %mul3A_646, %get3A_645 : vector<16xf32>
        %add3A_648 = arith.addf %add3A_576, %mul3A_647 : vector<16xf32>
        %add3A_649 = arith.constant 2 : i32
        %add3A_650 = arith.addi %mul3A_472, %add3A_649 : i32
        %get3A_651 = arith.index_cast %add3A_650 : i32 to index
        %get3A_652 = arith.constant 0 : index
        %get3A_653 = tpu.vector_load %arg14[%get3A_651, %get3A_652] {strides = array<i32>} : memref<320x128xf32, #tpu.memory_space<vmem>>, vector<1x16xf32>,
        %get3A_654 = vector.shape_cast %get3A_653 : vector<1x16xf32> to vector<16xf32>
        %mul3A_655 = vector.broadcast %squeeze3A_439 : f32 to vector<16xf32>
        %mul3A_656 = arith.mulf %mul3A_655, %get3A_654 : vector<16xf32>
        %add3A_657 = arith.addf %add3A_585, %mul3A_656 : vector<16xf32>
        %add3A_658 = arith.constant 2 : i32
        %add3A_659 = arith.addi %mul3A_472, %add3A_658 : i32
        %get3A_660 = arith.index_cast %add3A_659 : i32 to index
        %get3A_661 = arith.constant 16 : index
        %get3A_662 = tpu.vector_load %arg14[%get3A_660, %get3A_661] {strides = array<i32>} : memref<320x128xf32, #tpu.memory_space<vmem>>, vector<1x16xf32>,
        %get3A_663 = vector.shape_cast %get3A_662 : vector<1x16xf32> to vector<16xf32>
        %mul3A_664 = vector.broadcast %squeeze3A_439 : f32 to vector<16xf32>
        %mul3A_665 = arith.mulf %mul3A_664, %get3A_663 : vector<16xf32>
        %add3A_666 = arith.addf %add3A_594, %mul3A_665 : vector<16xf32>
        %add3A_667 = arith.constant 2 : i32
        %add3A_668 = arith.addi %mul3A_472, %add3A_667 : i32
        %get3A_669 = arith.index_cast %add3A_668 : i32 to index
        %get3A_670 = arith.constant 32 : index
        %get3A_671 = tpu.vector_load %arg14[%get3A_669, %get3A_670] {strides = array<i32>} : memref<320x128xf32, #tpu.memory_space<vmem>>, vector<1x16xf32>,
        %get3A_672 = vector.shape_cast %get3A_671 : vector<1x16xf32> to vector<16xf32>
        %mul3A_673 = vector.broadcast %squeeze3A_439 : f32 to vector<16xf32>
        %mul3A_674 = arith.mulf %mul3A_673, %get3A_672 : vector<16xf32>
        %add3A_675 = arith.addf %add3A_603, %mul3A_674 : vector<16xf32>
        %add3A_676 = arith.constant 2 : i32
        %add3A_677 = arith.addi %mul3A_472, %add3A_676 : i32
        %get3A_678 = arith.index_cast %add3A_677 : i32 to index
        %get3A_679 = arith.constant 48 : index
        %get3A_680 = tpu.vector_load %arg14[%get3A_678, %get3A_679] {strides = array<i32>} : memref<320x128xf32, #tpu.memory_space<vmem>>, vector<1x16xf32>,
        %get3A_681 = vector.shape_cast %get3A_680 : vector<1x16xf32> to vector<16xf32>
        %mul3A_682 = vector.broadcast %squeeze3A_439 : f32 to vector<16xf32>
        %mul3A_683 = arith.mulf %mul3A_682, %get3A_681 : vector<16xf32>
        %add3A_684 = arith.addf %add3A_612, %mul3A_683 : vector<16xf32>
        %add3A_685 = arith.constant 2 : i32
        %add3A_686 = arith.addi %mul3A_472, %add3A_685 : i32
        %get3A_687 = arith.index_cast %add3A_686 : i32 to index
        %get3A_688 = arith.constant 64 : index
        %get3A_689 = tpu.vector_load %arg14[%get3A_687, %get3A_688] {strides = array<i32>} : memref<320x128xf32, #tpu.memory_space<vmem>>, vector<1x16xf32>,
        %get3A_690 = vector.shape_cast %get3A_689 : vector<1x16xf32> to vector<16xf32>
        %mul3A_691 = vector.broadcast %squeeze3A_439 : f32 to vector<16xf32>
        %mul3A_692 = arith.mulf %mul3A_691, %get3A_690 : vector<16xf32>
        %add3A_693 = arith.addf %add3A_621, %mul3A_692 : vector<16xf32>
        %add3A_694 = arith.constant 2 : i32
        %add3A_695 = arith.addi %mul3A_472, %add3A_694 : i32
        %get3A_696 = arith.index_cast %add3A_695 : i32 to index
        %get3A_697 = arith.constant 80 : index
        %get3A_698 = tpu.vector_load %arg14[%get3A_696, %get3A_697] {strides = array<i32>} : memref<320x128xf32, #tpu.memory_space<vmem>>, vector<1x16xf32>,
        %get3A_699 = vector.shape_cast %get3A_698 : vector<1x16xf32> to vector<16xf32>
        %mul3A_700 = vector.broadcast %squeeze3A_439 : f32 to vector<16xf32>
        %mul3A_701 = arith.mulf %mul3A_700, %get3A_699 : vector<16xf32>
        %add3A_702 = arith.addf %add3A_630, %mul3A_701 : vector<16xf32>
        %add3A_703 = arith.constant 2 : i32
        %add3A_704 = arith.addi %mul3A_472, %add3A_703 : i32
        %get3A_705 = arith.index_cast %add3A_704 : i32 to index
        %get3A_706 = arith.constant 96 : index
        %get3A_707 = tpu.vector_load %arg14[%get3A_705, %get3A_706] {strides = array<i32>} : memref<320x128xf32, #tpu.memory_space<vmem>>, vector<1x16xf32>,
        %get3A_708 = vector.shape_cast %get3A_707 : vector<1x16xf32> to vector<16xf32>
        %mul3A_709 = vector.broadcast %squeeze3A_439 : f32 to vector<16xf32>
        %mul3A_710 = arith.mulf %mul3A_709, %get3A_708 : vector<16xf32>
        %add3A_711 = arith.addf %add3A_639, %mul3A_710 : vector<16xf32>
        %add3A_712 = arith.constant 2 : i32
        %add3A_713 = arith.addi %mul3A_472, %add3A_712 : i32
        %get3A_714 = arith.index_cast %add3A_713 : i32 to index
        %get3A_715 = arith.constant 112 : index
        %get3A_716 = tpu.vector_load %arg14[%get3A_714, %get3A_715] {strides = array<i32>} : memref<320x128xf32, #tpu.memory_space<vmem>>, vector<1x16xf32>,
        %get3A_717 = vector.shape_cast %get3A_716 : vector<1x16xf32> to vector<16xf32>
        %mul3A_718 = vector.broadcast %squeeze3A_439 : f32 to vector<16xf32>
        %mul3A_719 = arith.mulf %mul3A_718, %get3A_717 : vector<16xf32>
        %add3A_720 = arith.addf %add3A_648, %mul3A_719 : vector<16xf32>
        %add3A_721 = arith.constant 3 : i32
        %add3A_722 = arith.addi %mul3A_472, %add3A_721 : i32
        %get3A_723 = arith.index_cast %add3A_722 : i32 to index
        %get3A_724 = arith.constant 0 : index
        %get3A_725 = tpu.vector_load %arg14[%get3A_723, %get3A_724] {strides = array<i32>} : memref<320x128xf32, #tpu.memory_space<vmem>>, vector<1x16xf32>,
        %get3A_726 = vector.shape_cast %get3A_725 : vector<1x16xf32> to vector<16xf32>
        %mul3A_727 = vector.broadcast %squeeze3A_441 : f32 to vector<16xf32>
        %mul3A_728 = arith.mulf %mul3A_727, %get3A_726 : vector<16xf32>
        %add3A_729 = arith.addf %add3A_657, %mul3A_728 : vector<16xf32>
        %add3A_730 = arith.constant 3 : i32
        %add3A_731 = arith.addi %mul3A_472, %add3A_730 : i32
        %get3A_732 = arith.index_cast %add3A_731 : i32 to index
        %get3A_733 = arith.constant 16 : index
        %get3A_734 = tpu.vector_load %arg14[%get3A_732, %get3A_733] {strides = array<i32>} : memref<320x128xf32, #tpu.memory_space<vmem>>, vector<1x16xf32>,
        %get3A_735 = vector.shape_cast %get3A_734 : vector<1x16xf32> to vector<16xf32>
        %mul3A_736 = vector.broadcast %squeeze3A_441 : f32 to vector<16xf32>
        %mul3A_737 = arith.mulf %mul3A_736, %get3A_735 : vector<16xf32>
        %add3A_738 = arith.addf %add3A_666, %mul3A_737 : vector<16xf32>
        %add3A_739 = arith.constant 3 : i32
        %add3A_740 = arith.addi %mul3A_472, %add3A_739 : i32
        %get3A_741 = arith.index_cast %add3A_740 : i32 to index
        %get3A_742 = arith.constant 32 : index
        %get3A_743 = tpu.vector_load %arg14[%get3A_741, %get3A_742] {strides = array<i32>} : memref<320x128xf32, #tpu.memory_space<vmem>>, vector<1x16xf32>,
        %get3A_744 = vector.shape_cast %get3A_743 : vector<1x16xf32> to vector<16xf32>
        %mul3A_745 = vector.broadcast %squeeze3A_441 : f32 to vector<16xf32>
        %mul3A_746 = arith.mulf %mul3A_745, %get3A_744 : vector<16xf32>
        %add3A_747 = arith.addf %add3A_675, %mul3A_746 : vector<16xf32>
        %add3A_748 = arith.constant 3 : i32
        %add3A_749 = arith.addi %mul3A_472, %add3A_748 : i32
        %get3A_750 = arith.index_cast %add3A_749 : i32 to index
        %get3A_751 = arith.constant 48 : index
        %get3A_752 = tpu.vector_load %arg14[%get3A_750, %get3A_751] {strides = array<i32>} : memref<320x128xf32, #tpu.memory_space<vmem>>, vector<1x16xf32>,
        %get3A_753 = vector.shape_cast %get3A_752 : vector<1x16xf32> to vector<16xf32>
        %mul3A_754 = vector.broadcast %squeeze3A_441 : f32 to vector<16xf32>
        %mul3A_755 = arith.mulf %mul3A_754, %get3A_753 : vector<16xf32>
        %add3A_756 = arith.addf %add3A_684, %mul3A_755 : vector<16xf32>
        %add3A_757 = arith.constant 3 : i32
        %add3A_758 = arith.addi %mul3A_472, %add3A_757 : i32
        %get3A_759 = arith.index_cast %add3A_758 : i32 to index
        %get3A_760 = arith.constant 64 : index
        %get3A_761 = tpu.vector_load %arg14[%get3A_759, %get3A_760] {strides = array<i32>} : memref<320x128xf32, #tpu.memory_space<vmem>>, vector<1x16xf32>,
        %get3A_762 = vector.shape_cast %get3A_761 : vector<1x16xf32> to vector<16xf32>
        %mul3A_763 = vector.broadcast %squeeze3A_441 : f32 to vector<16xf32>
        %mul3A_764 = arith.mulf %mul3A_763, %get3A_762 : vector<16xf32>
        %add3A_765 = arith.addf %add3A_693, %mul3A_764 : vector<16xf32>
        %add3A_766 = arith.constant 3 : i32
        %add3A_767 = arith.addi %mul3A_472, %add3A_766 : i32
        %get3A_768 = arith.index_cast %add3A_767 : i32 to index
        %get3A_769 = arith.constant 80 : index
        %get3A_770 = tpu.vector_load %arg14[%get3A_768, %get3A_769] {strides = array<i32>} : memref<320x128xf32, #tpu.memory_space<vmem>>, vector<1x16xf32>,
        %get3A_771 = vector.shape_cast %get3A_770 : vector<1x16xf32> to vector<16xf32>
        %mul3A_772 = vector.broadcast %squeeze3A_441 : f32 to vector<16xf32>
        %mul3A_773 = arith.mulf %mul3A_772, %get3A_771 : vector<16xf32>
        %add3A_774 = arith.addf %add3A_702, %mul3A_773 : vector<16xf32>
        %add3A_775 = arith.constant 3 : i32
        %add3A_776 = arith.addi %mul3A_472, %add3A_775 : i32
        %get3A_777 = arith.index_cast %add3A_776 : i32 to index
        %get3A_778 = arith.constant 96 : index
        %get3A_779 = tpu.vector_load %arg14[%get3A_777, %get3A_778] {strides = array<i32>} : memref<320x128xf32, #tpu.memory_space<vmem>>, vector<1x16xf32>,
        %get3A_780 = vector.shape_cast %get3A_779 : vector<1x16xf32> to vector<16xf32>
        %mul3A_781 = vector.broadcast %squeeze3A_441 : f32 to vector<16xf32>
        %mul3A_782 = arith.mulf %mul3A_781, %get3A_780 : vector<16xf32>
        %add3A_783 = arith.addf %add3A_711, %mul3A_782 : vector<16xf32>
        %add3A_784 = arith.constant 3 : i32
        %add3A_785 = arith.addi %mul3A_472, %add3A_784 : i32
        %get3A_786 = arith.index_cast %add3A_785 : i32 to index
        %get3A_787 = arith.constant 112 : index
        %get3A_788 = tpu.vector_load %arg14[%get3A_786, %get3A_787] {strides = array<i32>} : memref<320x128xf32, #tpu.memory_space<vmem>>, vector<1x16xf32>,
        %get3A_789 = vector.shape_cast %get3A_788 : vector<1x16xf32> to vector<16xf32>
        %mul3A_790 = vector.broadcast %squeeze3A_441 : f32 to vector<16xf32>
        %mul3A_791 = arith.mulf %mul3A_790, %get3A_789 : vector<16xf32>
        %add3A_792 = arith.addf %add3A_720, %mul3A_791 : vector<16xf32>
        %add3A_793 = arith.constant 4 : i32
        %add3A_794 = arith.addi %mul3A_472, %add3A_793 : i32
        %get3A_795 = arith.index_cast %add3A_794 : i32 to index
        %get3A_796 = arith.constant 0 : index
        %get3A_797 = tpu.vector_load %arg14[%get3A_795, %get3A_796] {strides = array<i32>} : memref<320x128xf32, #tpu.memory_space<vmem>>, vector<1x16xf32>,
        %get3A_798 = vector.shape_cast %get3A_797 : vector<1x16xf32> to vector<16xf32>
        %mul3A_799 = vector.broadcast %squeeze3A_443 : f32 to vector<16xf32>
        %mul3A_800 = arith.mulf %mul3A_799, %get3A_798 : vector<16xf32>
        %add3A_801 = arith.addf %add3A_729, %mul3A_800 : vector<16xf32>
        %add3A_802 = arith.constant 4 : i32
        %add3A_803 = arith.addi %mul3A_472, %add3A_802 : i32
        %get3A_804 = arith.index_cast %add3A_803 : i32 to index
        %get3A_805 = arith.constant 16 : index
        %get3A_806 = tpu.vector_load %arg14[%get3A_804, %get3A_805] {strides = array<i32>} : memref<320x128xf32, #tpu.memory_space<vmem>>, vector<1x16xf32>,
        %get3A_807 = vector.shape_cast %get3A_806 : vector<1x16xf32> to vector<16xf32>
        %mul3A_808 = vector.broadcast %squeeze3A_443 : f32 to vector<16xf32>
        %mul3A_809 = arith.mulf %mul3A_808, %get3A_807 : vector<16xf32>
        %add3A_810 = arith.addf %add3A_738, %mul3A_809 : vector<16xf32>
        %add3A_811 = arith.constant 4 : i32
        %add3A_812 = arith.addi %mul3A_472, %add3A_811 : i32
        %get3A_813 = arith.index_cast %add3A_812 : i32 to index
        %get3A_814 = arith.constant 32 : index
        %get3A_815 = tpu.vector_load %arg14[%get3A_813, %get3A_814] {strides = array<i32>} : memref<320x128xf32, #tpu.memory_space<vmem>>, vector<1x16xf32>,
        %get3A_816 = vector.shape_cast %get3A_815 : vector<1x16xf32> to vector<16xf32>
        %mul3A_817 = vector.broadcast %squeeze3A_443 : f32 to vector<16xf32>
        %mul3A_818 = arith.mulf %mul3A_817, %get3A_816 : vector<16xf32>
        %add3A_819 = arith.addf %add3A_747, %mul3A_818 : vector<16xf32>
        %add3A_820 = arith.constant 4 : i32
        %add3A_821 = arith.addi %mul3A_472, %add3A_820 : i32
        %get3A_822 = arith.index_cast %add3A_821 : i32 to index
        %get3A_823 = arith.constant 48 : index
        %get3A_824 = tpu.vector_load %arg14[%get3A_822, %get3A_823] {strides = array<i32>} : memref<320x128xf32, #tpu.memory_space<vmem>>, vector<1x16xf32>,
        %get3A_825 = vector.shape_cast %get3A_824 : vector<1x16xf32> to vector<16xf32>
        %mul3A_826 = vector.broadcast %squeeze3A_443 : f32 to vector<16xf32>
        %mul3A_827 = arith.mulf %mul3A_826, %get3A_825 : vector<16xf32>
        %add3A_828 = arith.addf %add3A_756, %mul3A_827 : vector<16xf32>
        %add3A_829 = arith.constant 4 : i32
        %add3A_830 = arith.addi %mul3A_472, %add3A_829 : i32
        %get3A_831 = arith.index_cast %add3A_830 : i32 to index
        %get3A_832 = arith.constant 64 : index
        %get3A_833 = tpu.vector_load %arg14[%get3A_831, %get3A_832] {strides = array<i32>} : memref<320x128xf32, #tpu.memory_space<vmem>>, vector<1x16xf32>,
        %get3A_834 = vector.shape_cast %get3A_833 : vector<1x16xf32> to vector<16xf32>
        %mul3A_835 = vector.broadcast %squeeze3A_443 : f32 to vector<16xf32>
        %mul3A_836 = arith.mulf %mul3A_835, %get3A_834 : vector<16xf32>
        %add3A_837 = arith.addf %add3A_765, %mul3A_836 : vector<16xf32>
        %add3A_838 = arith.constant 4 : i32
        %add3A_839 = arith.addi %mul3A_472, %add3A_838 : i32
        %get3A_840 = arith.index_cast %add3A_839 : i32 to index
        %get3A_841 = arith.constant 80 : index
        %get3A_842 = tpu.vector_load %arg14[%get3A_840, %get3A_841] {strides = array<i32>} : memref<320x128xf32, #tpu.memory_space<vmem>>, vector<1x16xf32>,
        %get3A_843 = vector.shape_cast %get3A_842 : vector<1x16xf32> to vector<16xf32>
        %mul3A_844 = vector.broadcast %squeeze3A_443 : f32 to vector<16xf32>
        %mul3A_845 = arith.mulf %mul3A_844, %get3A_843 : vector<16xf32>
        %add3A_846 = arith.addf %add3A_774, %mul3A_845 : vector<16xf32>
        %add3A_847 = arith.constant 4 : i32
        %add3A_848 = arith.addi %mul3A_472, %add3A_847 : i32
        %get3A_849 = arith.index_cast %add3A_848 : i32 to index
        %get3A_850 = arith.constant 96 : index
        %get3A_851 = tpu.vector_load %arg14[%get3A_849, %get3A_850] {strides = array<i32>} : memref<320x128xf32, #tpu.memory_space<vmem>>, vector<1x16xf32>,
        %get3A_852 = vector.shape_cast %get3A_851 : vector<1x16xf32> to vector<16xf32>
        %mul3A_853 = vector.broadcast %squeeze3A_443 : f32 to vector<16xf32>
        %mul3A_854 = arith.mulf %mul3A_853, %get3A_852 : vector<16xf32>
        %add3A_855 = arith.addf %add3A_783, %mul3A_854 : vector<16xf32>
        %add3A_856 = arith.constant 4 : i32
        %add3A_857 = arith.addi %mul3A_472, %add3A_856 : i32
        %get3A_858 = arith.index_cast %add3A_857 : i32 to index
        %get3A_859 = arith.constant 112 : index
        %get3A_860 = tpu.vector_load %arg14[%get3A_858, %get3A_859] {strides = array<i32>} : memref<320x128xf32, #tpu.memory_space<vmem>>, vector<1x16xf32>,
        %get3A_861 = vector.shape_cast %get3A_860 : vector<1x16xf32> to vector<16xf32>
        %mul3A_862 = vector.broadcast %squeeze3A_443 : f32 to vector<16xf32>
        %mul3A_863 = arith.mulf %mul3A_862, %get3A_861 : vector<16xf32>
        %add3A_864 = arith.addf %add3A_792, %mul3A_863 : vector<16xf32>
        %add3A_865 = arith.constant 5 : i32
        %add3A_866 = arith.addi %mul3A_472, %add3A_865 : i32
        %get3A_867 = arith.index_cast %add3A_866 : i32 to index
        %get3A_868 = arith.constant 0 : index
        %get3A_869 = tpu.vector_load %arg14[%get3A_867, %get3A_868] {strides = array<i32>} : memref<320x128xf32, #tpu.memory_space<vmem>>, vector<1x16xf32>,
        %get3A_870 = vector.shape_cast %get3A_869 : vector<1x16xf32> to vector<16xf32>
        %mul3A_871 = vector.broadcast %squeeze3A_445 : f32 to vector<16xf32>
        %mul3A_872 = arith.mulf %mul3A_871, %get3A_870 : vector<16xf32>
        %add3A_873 = arith.addf %add3A_801, %mul3A_872 : vector<16xf32>
        %add3A_874 = arith.constant 5 : i32
        %add3A_875 = arith.addi %mul3A_472, %add3A_874 : i32
        %get3A_876 = arith.index_cast %add3A_875 : i32 to index
        %get3A_877 = arith.constant 16 : index
        %get3A_878 = tpu.vector_load %arg14[%get3A_876, %get3A_877] {strides = array<i32>} : memref<320x128xf32, #tpu.memory_space<vmem>>, vector<1x16xf32>,
        %get3A_879 = vector.shape_cast %get3A_878 : vector<1x16xf32> to vector<16xf32>
        %mul3A_880 = vector.broadcast %squeeze3A_445 : f32 to vector<16xf32>
        %mul3A_881 = arith.mulf %mul3A_880, %get3A_879 : vector<16xf32>
        %add3A_882 = arith.addf %add3A_810, %mul3A_881 : vector<16xf32>
        %add3A_883 = arith.constant 5 : i32
        %add3A_884 = arith.addi %mul3A_472, %add3A_883 : i32
        %get3A_885 = arith.index_cast %add3A_884 : i32 to index
        %get3A_886 = arith.constant 32 : index
        %get3A_887 = tpu.vector_load %arg14[%get3A_885, %get3A_886] {strides = array<i32>} : memref<320x128xf32, #tpu.memory_space<vmem>>, vector<1x16xf32>,
        %get3A_888 = vector.shape_cast %get3A_887 : vector<1x16xf32> to vector<16xf32>
        %mul3A_889 = vector.broadcast %squeeze3A_445 : f32 to vector<16xf32>
        %mul3A_890 = arith.mulf %mul3A_889, %get3A_888 : vector<16xf32>
        %add3A_891 = arith.addf %add3A_819, %mul3A_890 : vector<16xf32>
        %add3A_892 = arith.constant 5 : i32
        %add3A_893 = arith.addi %mul3A_472, %add3A_892 : i32
        %get3A_894 = arith.index_cast %add3A_893 : i32 to index
        %get3A_895 = arith.constant 48 : index
        %get3A_896 = tpu.vector_load %arg14[%get3A_894, %get3A_895] {strides = array<i32>} : memref<320x128xf32, #tpu.memory_space<vmem>>, vector<1x16xf32>,
        %get3A_897 = vector.shape_cast %get3A_896 : vector<1x16xf32> to vector<16xf32>
        %mul3A_898 = vector.broadcast %squeeze3A_445 : f32 to vector<16xf32>
        %mul3A_899 = arith.mulf %mul3A_898, %get3A_897 : vector<16xf32>
        %add3A_900 = arith.addf %add3A_828, %mul3A_899 : vector<16xf32>
        %add3A_901 = arith.constant 5 : i32
        %add3A_902 = arith.addi %mul3A_472, %add3A_901 : i32
        %get3A_903 = arith.index_cast %add3A_902 : i32 to index
        %get3A_904 = arith.constant 64 : index
        %get3A_905 = tpu.vector_load %arg14[%get3A_903, %get3A_904] {strides = array<i32>} : memref<320x128xf32, #tpu.memory_space<vmem>>, vector<1x16xf32>,
        %get3A_906 = vector.shape_cast %get3A_905 : vector<1x16xf32> to vector<16xf32>
        %mul3A_907 = vector.broadcast %squeeze3A_445 : f32 to vector<16xf32>
        %mul3A_908 = arith.mulf %mul3A_907, %get3A_906 : vector<16xf32>
        %add3A_909 = arith.addf %add3A_837, %mul3A_908 : vector<16xf32>
        %add3A_910 = arith.constant 5 : i32
        %add3A_911 = arith.addi %mul3A_472, %add3A_910 : i32
        %get3A_912 = arith.index_cast %add3A_911 : i32 to index
        %get3A_913 = arith.constant 80 : index
        %get3A_914 = tpu.vector_load %arg14[%get3A_912, %get3A_913] {strides = array<i32>} : memref<320x128xf32, #tpu.memory_space<vmem>>, vector<1x16xf32>,
        %get3A_915 = vector.shape_cast %get3A_914 : vector<1x16xf32> to vector<16xf32>
        %mul3A_916 = vector.broadcast %squeeze3A_445 : f32 to vector<16xf32>
        %mul3A_917 = arith.mulf %mul3A_916, %get3A_915 : vector<16xf32>
        %add3A_918 = arith.addf %add3A_846, %mul3A_917 : vector<16xf32>
        %add3A_919 = arith.constant 5 : i32
        %add3A_920 = arith.addi %mul3A_472, %add3A_919 : i32
        %get3A_921 = arith.index_cast %add3A_920 : i32 to index
        %get3A_922 = arith.constant 96 : index
        %get3A_923 = tpu.vector_load %arg14[%get3A_921, %get3A_922] {strides = array<i32>} : memref<320x128xf32, #tpu.memory_space<vmem>>, vector<1x16xf32>,
        %get3A_924 = vector.shape_cast %get3A_923 : vector<1x16xf32> to vector<16xf32>
        %mul3A_925 = vector.broadcast %squeeze3A_445 : f32 to vector<16xf32>
        %mul3A_926 = arith.mulf %mul3A_925, %get3A_924 : vector<16xf32>
        %add3A_927 = arith.addf %add3A_855, %mul3A_926 : vector<16xf32>
        %add3A_928 = arith.constant 5 : i32
        %add3A_929 = arith.addi %mul3A_472, %add3A_928 : i32
        %get3A_930 = arith.index_cast %add3A_929 : i32 to index
        %get3A_931 = arith.constant 112 : index
        %get3A_932 = tpu.vector_load %arg14[%get3A_930, %get3A_931] {strides = array<i32>} : memref<320x128xf32, #tpu.memory_space<vmem>>, vector<1x16xf32>,
        %get3A_933 = vector.shape_cast %get3A_932 : vector<1x16xf32> to vector<16xf32>
        %mul3A_934 = vector.broadcast %squeeze3A_445 : f32 to vector<16xf32>
        %mul3A_935 = arith.mulf %mul3A_934, %get3A_933 : vector<16xf32>
        %add3A_936 = arith.addf %add3A_864, %mul3A_935 : vector<16xf32>
        %add3A_937 = arith.constant 6 : i32
        %add3A_938 = arith.addi %mul3A_472, %add3A_937 : i32
        %get3A_939 = arith.index_cast %add3A_938 : i32 to index
        %get3A_940 = arith.constant 0 : index
        %get3A_941 = tpu.vector_load %arg14[%get3A_939, %get3A_940] {strides = array<i32>} : memref<320x128xf32, #tpu.memory_space<vmem>>, vector<1x16xf32>,
        %get3A_942 = vector.shape_cast %get3A_941 : vector<1x16xf32> to vector<16xf32>
        %mul3A_943 = vector.broadcast %squeeze3A_447 : f32 to vector<16xf32>
        %mul3A_944 = arith.mulf %mul3A_943, %get3A_942 : vector<16xf32>
        %add3A_945 = arith.addf %add3A_873, %mul3A_944 : vector<16xf32>
        %add3A_946 = arith.constant 6 : i32
        %add3A_947 = arith.addi %mul3A_472, %add3A_946 : i32
        %get3A_948 = arith.index_cast %add3A_947 : i32 to index
        %get3A_949 = arith.constant 16 : index
        %get3A_950 = tpu.vector_load %arg14[%get3A_948, %get3A_949] {strides = array<i32>} : memref<320x128xf32, #tpu.memory_space<vmem>>, vector<1x16xf32>,
        %get3A_951 = vector.shape_cast %get3A_950 : vector<1x16xf32> to vector<16xf32>
        %mul3A_952 = vector.broadcast %squeeze3A_447 : f32 to vector<16xf32>
        %mul3A_953 = arith.mulf %mul3A_952, %get3A_951 : vector<16xf32>
        %add3A_954 = arith.addf %add3A_882, %mul3A_953 : vector<16xf32>
        %add3A_955 = arith.constant 6 : i32
        %add3A_956 = arith.addi %mul3A_472, %add3A_955 : i32
        %get3A_957 = arith.index_cast %add3A_956 : i32 to index
        %get3A_958 = arith.constant 32 : index
        %get3A_959 = tpu.vector_load %arg14[%get3A_957, %get3A_958] {strides = array<i32>} : memref<320x128xf32, #tpu.memory_space<vmem>>, vector<1x16xf32>,
        %get3A_960 = vector.shape_cast %get3A_959 : vector<1x16xf32> to vector<16xf32>
        %mul3A_961 = vector.broadcast %squeeze3A_447 : f32 to vector<16xf32>
        %mul3A_962 = arith.mulf %mul3A_961, %get3A_960 : vector<16xf32>
        %add3A_963 = arith.addf %add3A_891, %mul3A_962 : vector<16xf32>
        %add3A_964 = arith.constant 6 : i32
        %add3A_965 = arith.addi %mul3A_472, %add3A_964 : i32
        %get3A_966 = arith.index_cast %add3A_965 : i32 to index
        %get3A_967 = arith.constant 48 : index
        %get3A_968 = tpu.vector_load %arg14[%get3A_966, %get3A_967] {strides = array<i32>} : memref<320x128xf32, #tpu.memory_space<vmem>>, vector<1x16xf32>,
        %get3A_969 = vector.shape_cast %get3A_968 : vector<1x16xf32> to vector<16xf32>
        %mul3A_970 = vector.broadcast %squeeze3A_447 : f32 to vector<16xf32>
        %mul3A_971 = arith.mulf %mul3A_970, %get3A_969 : vector<16xf32>
        %add3A_972 = arith.addf %add3A_900, %mul3A_971 : vector<16xf32>
        %add3A_973 = arith.constant 6 : i32
        %add3A_974 = arith.addi %mul3A_472, %add3A_973 : i32
        %get3A_975 = arith.index_cast %add3A_974 : i32 to index
        %get3A_976 = arith.constant 64 : index
        %get3A_977 = tpu.vector_load %arg14[%get3A_975, %get3A_976] {strides = array<i32>} : memref<320x128xf32, #tpu.memory_space<vmem>>, vector<1x16xf32>,
        %get3A_978 = vector.shape_cast %get3A_977 : vector<1x16xf32> to vector<16xf32>
        %mul3A_979 = vector.broadcast %squeeze3A_447 : f32 to vector<16xf32>
        %mul3A_980 = arith.mulf %mul3A_979, %get3A_978 : vector<16xf32>
        %add3A_981 = arith.addf %add3A_909, %mul3A_980 : vector<16xf32>
        %add3A_982 = arith.constant 6 : i32
        %add3A_983 = arith.addi %mul3A_472, %add3A_982 : i32
        %get3A_984 = arith.index_cast %add3A_983 : i32 to index
        %get3A_985 = arith.constant 80 : index
        %get3A_986 = tpu.vector_load %arg14[%get3A_984, %get3A_985] {strides = array<i32>} : memref<320x128xf32, #tpu.memory_space<vmem>>, vector<1x16xf32>,
        %get3A_987 = vector.shape_cast %get3A_986 : vector<1x16xf32> to vector<16xf32>
        %mul3A_988 = vector.broadcast %squeeze3A_447 : f32 to vector<16xf32>
        %mul3A_989 = arith.mulf %mul3A_988, %get3A_987 : vector<16xf32>
        %add3A_990 = arith.addf %add3A_918, %mul3A_989 : vector<16xf32>
        %add3A_991 = arith.constant 6 : i32
        %add3A_992 = arith.addi %mul3A_472, %add3A_991 : i32
        %get3A_993 = arith.index_cast %add3A_992 : i32 to index
        %get3A_994 = arith.constant 96 : index
        %get3A_995 = tpu.vector_load %arg14[%get3A_993, %get3A_994] {strides = array<i32>} : memref<320x128xf32, #tpu.memory_space<vmem>>, vector<1x16xf32>,
        %get3A_996 = vector.shape_cast %get3A_995 : vector<1x16xf32> to vector<16xf32>
        %mul3A_997 = vector.broadcast %squeeze3A_447 : f32 to vector<16xf32>
        %mul3A_998 = arith.mulf %mul3A_997, %get3A_996 : vector<16xf32>
        %add3A_999 = arith.addf %add3A_927, %mul3A_998 : vector<16xf32>
        %add3A_1000 = arith.constant 6 : i32
        %add3A_1001 = arith.addi %mul3A_472, %add3A_1000 : i32
        %get3A_1002 = arith.index_cast %add3A_1001 : i32 to index
        %get3A_1003 = arith.constant 112 : index
        %get3A_1004 = tpu.vector_load %arg14[%get3A_1002, %get3A_1003] {strides = array<i32>} : memref<320x128xf32, #tpu.memory_space<vmem>>, vector<1x16xf32>,
        %get3A_1005 = vector.shape_cast %get3A_1004 : vector<1x16xf32> to vector<16xf32>
        %mul3A_1006 = vector.broadcast %squeeze3A_447 : f32 to vector<16xf32>
        %mul3A_1007 = arith.mulf %mul3A_1006, %get3A_1005 : vector<16xf32>
        %add3A_1008 = arith.addf %add3A_936, %mul3A_1007 : vector<16xf32>
        %add3A_1009 = arith.constant 7 : i32
        %add3A_1010 = arith.addi %mul3A_472, %add3A_1009 : i32
        %get3A_1011 = arith.index_cast %add3A_1010 : i32 to index
        %get3A_1012 = arith.constant 0 : index
        %get3A_1013 = tpu.vector_load %arg14[%get3A_1011, %get3A_1012] {strides = array<i32>} : memref<320x128xf32, #tpu.memory_space<vmem>>, vector<1x16xf32>,
        %get3A_1014 = vector.shape_cast %get3A_1013 : vector<1x16xf32> to vector<16xf32>
        %mul3A_1015 = vector.broadcast %squeeze3A_449 : f32 to vector<16xf32>
        %mul3A_1016 = arith.mulf %mul3A_1015, %get3A_1014 : vector<16xf32>
        %add3A_1017 = arith.addf %add3A_945, %mul3A_1016 : vector<16xf32>
        %add3A_1018 = arith.constant 7 : i32
        %add3A_1019 = arith.addi %mul3A_472, %add3A_1018 : i32
        %get3A_1020 = arith.index_cast %add3A_1019 : i32 to index
        %get3A_1021 = arith.constant 16 : index
        %get3A_1022 = tpu.vector_load %arg14[%get3A_1020, %get3A_1021] {strides = array<i32>} : memref<320x128xf32, #tpu.memory_space<vmem>>, vector<1x16xf32>,
        %get3A_1023 = vector.shape_cast %get3A_1022 : vector<1x16xf32> to vector<16xf32>
        %mul3A_1024 = vector.broadcast %squeeze3A_449 : f32 to vector<16xf32>
        %mul3A_1025 = arith.mulf %mul3A_1024, %get3A_1023 : vector<16xf32>
        %add3A_1026 = arith.addf %add3A_954, %mul3A_1025 : vector<16xf32>
        %add3A_1027 = arith.constant 7 : i32
        %add3A_1028 = arith.addi %mul3A_472, %add3A_1027 : i32
        %get3A_1029 = arith.index_cast %add3A_1028 : i32 to index
        %get3A_1030 = arith.constant 32 : index
        %get3A_1031 = tpu.vector_load %arg14[%get3A_1029, %get3A_1030] {strides = array<i32>} : memref<320x128xf32, #tpu.memory_space<vmem>>, vector<1x16xf32>,
        %get3A_1032 = vector.shape_cast %get3A_1031 : vector<1x16xf32> to vector<16xf32>
        %mul3A_1033 = vector.broadcast %squeeze3A_449 : f32 to vector<16xf32>
        %mul3A_1034 = arith.mulf %mul3A_1033, %get3A_1032 : vector<16xf32>
        %add3A_1035 = arith.addf %add3A_963, %mul3A_1034 : vector<16xf32>
        %add3A_1036 = arith.constant 7 : i32
        %add3A_1037 = arith.addi %mul3A_472, %add3A_1036 : i32
        %get3A_1038 = arith.index_cast %add3A_1037 : i32 to index
        %get3A_1039 = arith.constant 48 : index
        %get3A_1040 = tpu.vector_load %arg14[%get3A_1038, %get3A_1039] {strides = array<i32>} : memref<320x128xf32, #tpu.memory_space<vmem>>, vector<1x16xf32>,
        %get3A_1041 = vector.shape_cast %get3A_1040 : vector<1x16xf32> to vector<16xf32>
        %mul3A_1042 = vector.broadcast %squeeze3A_449 : f32 to vector<16xf32>
        %mul3A_1043 = arith.mulf %mul3A_1042, %get3A_1041 : vector<16xf32>
        %add3A_1044 = arith.addf %add3A_972, %mul3A_1043 : vector<16xf32>
        %add3A_1045 = arith.constant 7 : i32
        %add3A_1046 = arith.addi %mul3A_472, %add3A_1045 : i32
        %get3A_1047 = arith.index_cast %add3A_1046 : i32 to index
        %get3A_1048 = arith.constant 64 : index
        %get3A_1049 = tpu.vector_load %arg14[%get3A_1047, %get3A_1048] {strides = array<i32>} : memref<320x128xf32, #tpu.memory_space<vmem>>, vector<1x16xf32>,
        %get3A_1050 = vector.shape_cast %get3A_1049 : vector<1x16xf32> to vector<16xf32>
        %mul3A_1051 = vector.broadcast %squeeze3A_449 : f32 to vector<16xf32>
        %mul3A_1052 = arith.mulf %mul3A_1051, %get3A_1050 : vector<16xf32>
        %add3A_1053 = arith.addf %add3A_981, %mul3A_1052 : vector<16xf32>
        %add3A_1054 = arith.constant 7 : i32
        %add3A_1055 = arith.addi %mul3A_472, %add3A_1054 : i32
        %get3A_1056 = arith.index_cast %add3A_1055 : i32 to index
        %get3A_1057 = arith.constant 80 : index
        %get3A_1058 = tpu.vector_load %arg14[%get3A_1056, %get3A_1057] {strides = array<i32>} : memref<320x128xf32, #tpu.memory_space<vmem>>, vector<1x16xf32>,
        %get3A_1059 = vector.shape_cast %get3A_1058 : vector<1x16xf32> to vector<16xf32>
        %mul3A_1060 = vector.broadcast %squeeze3A_449 : f32 to vector<16xf32>
        %mul3A_1061 = arith.mulf %mul3A_1060, %get3A_1059 : vector<16xf32>
        %add3A_1062 = arith.addf %add3A_990, %mul3A_1061 : vector<16xf32>
        %add3A_1063 = arith.constant 7 : i32
        %add3A_1064 = arith.addi %mul3A_472, %add3A_1063 : i32
        %get3A_1065 = arith.index_cast %add3A_1064 : i32 to index
        %get3A_1066 = arith.constant 96 : index
        %get3A_1067 = tpu.vector_load %arg14[%get3A_1065, %get3A_1066] {strides = array<i32>} : memref<320x128xf32, #tpu.memory_space<vmem>>, vector<1x16xf32>,
        %get3A_1068 = vector.shape_cast %get3A_1067 : vector<1x16xf32> to vector<16xf32>
        %mul3A_1069 = vector.broadcast %squeeze3A_449 : f32 to vector<16xf32>
        %mul3A_1070 = arith.mulf %mul3A_1069, %get3A_1068 : vector<16xf32>
        %add3A_1071 = arith.addf %add3A_999, %mul3A_1070 : vector<16xf32>
        %add3A_1072 = arith.constant 7 : i32
        %add3A_1073 = arith.addi %mul3A_472, %add3A_1072 : i32
        %get3A_1074 = arith.index_cast %add3A_1073 : i32 to index
        %get3A_1075 = arith.constant 112 : index
        %get3A_1076 = tpu.vector_load %arg14[%get3A_1074, %get3A_1075] {strides = array<i32>} : memref<320x128xf32, #tpu.memory_space<vmem>>, vector<1x16xf32>,
        %get3A_1077 = vector.shape_cast %get3A_1076 : vector<1x16xf32> to vector<16xf32>
        %mul3A_1078 = vector.broadcast %squeeze3A_449 : f32 to vector<16xf32>
        %mul3A_1079 = arith.mulf %mul3A_1078, %get3A_1077 : vector<16xf32>
        %add3A_1080 = arith.addf %add3A_1008, %mul3A_1079 : vector<16xf32>
        %add3A_1081 = arith.constant 8 : i32
        %add3A_1082 = arith.addi %mul3A_472, %add3A_1081 : i32
        %get3A_1083 = arith.index_cast %add3A_1082 : i32 to index
        %get3A_1084 = arith.constant 0 : index
        %get3A_1085 = tpu.vector_load %arg14[%get3A_1083, %get3A_1084] {strides = array<i32>} : memref<320x128xf32, #tpu.memory_space<vmem>>, vector<1x16xf32>,
        %get3A_1086 = vector.shape_cast %get3A_1085 : vector<1x16xf32> to vector<16xf32>
        %mul3A_1087 = vector.broadcast %squeeze3A_451 : f32 to vector<16xf32>
        %mul3A_1088 = arith.mulf %mul3A_1087, %get3A_1086 : vector<16xf32>
        %add3A_1089 = arith.addf %add3A_1017, %mul3A_1088 : vector<16xf32>
        %add3A_1090 = arith.constant 8 : i32
        %add3A_1091 = arith.addi %mul3A_472, %add3A_1090 : i32
        %get3A_1092 = arith.index_cast %add3A_1091 : i32 to index
        %get3A_1093 = arith.constant 16 : index
        %get3A_1094 = tpu.vector_load %arg14[%get3A_1092, %get3A_1093] {strides = array<i32>} : memref<320x128xf32, #tpu.memory_space<vmem>>, vector<1x16xf32>,
        %get3A_1095 = vector.shape_cast %get3A_1094 : vector<1x16xf32> to vector<16xf32>
        %mul3A_1096 = vector.broadcast %squeeze3A_451 : f32 to vector<16xf32>
        %mul3A_1097 = arith.mulf %mul3A_1096, %get3A_1095 : vector<16xf32>
        %add3A_1098 = arith.addf %add3A_1026, %mul3A_1097 : vector<16xf32>
        %add3A_1099 = arith.constant 8 : i32
        %add3A_1100 = arith.addi %mul3A_472, %add3A_1099 : i32
        %get3A_1101 = arith.index_cast %add3A_1100 : i32 to index
        %get3A_1102 = arith.constant 32 : index
        %get3A_1103 = tpu.vector_load %arg14[%get3A_1101, %get3A_1102] {strides = array<i32>} : memref<320x128xf32, #tpu.memory_space<vmem>>, vector<1x16xf32>,
        %get3A_1104 = vector.shape_cast %get3A_1103 : vector<1x16xf32> to vector<16xf32>
        %mul3A_1105 = vector.broadcast %squeeze3A_451 : f32 to vector<16xf32>
        %mul3A_1106 = arith.mulf %mul3A_1105, %get3A_1104 : vector<16xf32>
        %add3A_1107 = arith.addf %add3A_1035, %mul3A_1106 : vector<16xf32>
        %add3A_1108 = arith.constant 8 : i32
        %add3A_1109 = arith.addi %mul3A_472, %add3A_1108 : i32
        %get3A_1110 = arith.index_cast %add3A_1109 : i32 to index
        %get3A_1111 = arith.constant 48 : index
        %get3A_1112 = tpu.vector_load %arg14[%get3A_1110, %get3A_1111] {strides = array<i32>} : memref<320x128xf32, #tpu.memory_space<vmem>>, vector<1x16xf32>,
        %get3A_1113 = vector.shape_cast %get3A_1112 : vector<1x16xf32> to vector<16xf32>
        %mul3A_1114 = vector.broadcast %squeeze3A_451 : f32 to vector<16xf32>
        %mul3A_1115 = arith.mulf %mul3A_1114, %get3A_1113 : vector<16xf32>
        %add3A_1116 = arith.addf %add3A_1044, %mul3A_1115 : vector<16xf32>
        %add3A_1117 = arith.constant 8 : i32
        %add3A_1118 = arith.addi %mul3A_472, %add3A_1117 : i32
        %get3A_1119 = arith.index_cast %add3A_1118 : i32 to index
        %get3A_1120 = arith.constant 64 : index
        %get3A_1121 = tpu.vector_load %arg14[%get3A_1119, %get3A_1120] {strides = array<i32>} : memref<320x128xf32, #tpu.memory_space<vmem>>, vector<1x16xf32>,
        %get3A_1122 = vector.shape_cast %get3A_1121 : vector<1x16xf32> to vector<16xf32>
        %mul3A_1123 = vector.broadcast %squeeze3A_451 : f32 to vector<16xf32>
        %mul3A_1124 = arith.mulf %mul3A_1123, %get3A_1122 : vector<16xf32>
        %add3A_1125 = arith.addf %add3A_1053, %mul3A_1124 : vector<16xf32>
        %add3A_1126 = arith.constant 8 : i32
        %add3A_1127 = arith.addi %mul3A_472, %add3A_1126 : i32
        %get3A_1128 = arith.index_cast %add3A_1127 : i32 to index
        %get3A_1129 = arith.constant 80 : index
        %get3A_1130 = tpu.vector_load %arg14[%get3A_1128, %get3A_1129] {strides = array<i32>} : memref<320x128xf32, #tpu.memory_space<vmem>>, vector<1x16xf32>,
        %get3A_1131 = vector.shape_cast %get3A_1130 : vector<1x16xf32> to vector<16xf32>
        %mul3A_1132 = vector.broadcast %squeeze3A_451 : f32 to vector<16xf32>
        %mul3A_1133 = arith.mulf %mul3A_1132, %get3A_1131 : vector<16xf32>
        %add3A_1134 = arith.addf %add3A_1062, %mul3A_1133 : vector<16xf32>
        %add3A_1135 = arith.constant 8 : i32
        %add3A_1136 = arith.addi %mul3A_472, %add3A_1135 : i32
        %get3A_1137 = arith.index_cast %add3A_1136 : i32 to index
        %get3A_1138 = arith.constant 96 : index
        %get3A_1139 = tpu.vector_load %arg14[%get3A_1137, %get3A_1138] {strides = array<i32>} : memref<320x128xf32, #tpu.memory_space<vmem>>, vector<1x16xf32>,
        %get3A_1140 = vector.shape_cast %get3A_1139 : vector<1x16xf32> to vector<16xf32>
        %mul3A_1141 = vector.broadcast %squeeze3A_451 : f32 to vector<16xf32>
        %mul3A_1142 = arith.mulf %mul3A_1141, %get3A_1140 : vector<16xf32>
        %add3A_1143 = arith.addf %add3A_1071, %mul3A_1142 : vector<16xf32>
        %add3A_1144 = arith.constant 8 : i32
        %add3A_1145 = arith.addi %mul3A_472, %add3A_1144 : i32
        %get3A_1146 = arith.index_cast %add3A_1145 : i32 to index
        %get3A_1147 = arith.constant 112 : index
        %get3A_1148 = tpu.vector_load %arg14[%get3A_1146, %get3A_1147] {strides = array<i32>} : memref<320x128xf32, #tpu.memory_space<vmem>>, vector<1x16xf32>,
        %get3A_1149 = vector.shape_cast %get3A_1148 : vector<1x16xf32> to vector<16xf32>
        %mul3A_1150 = vector.broadcast %squeeze3A_451 : f32 to vector<16xf32>
        %mul3A_1151 = arith.mulf %mul3A_1150, %get3A_1149 : vector<16xf32>
        %add3A_1152 = arith.addf %add3A_1080, %mul3A_1151 : vector<16xf32>
        %add3A_1153 = arith.constant 9 : i32
        %add3A_1154 = arith.addi %mul3A_472, %add3A_1153 : i32
        %get3A_1155 = arith.index_cast %add3A_1154 : i32 to index
        %get3A_1156 = arith.constant 0 : index
        %get3A_1157 = tpu.vector_load %arg14[%get3A_1155, %get3A_1156] {strides = array<i32>} : memref<320x128xf32, #tpu.memory_space<vmem>>, vector<1x16xf32>,
        %get3A_1158 = vector.shape_cast %get3A_1157 : vector<1x16xf32> to vector<16xf32>
        %mul3A_1159 = vector.broadcast %squeeze3A_453 : f32 to vector<16xf32>
        %mul3A_1160 = arith.mulf %mul3A_1159, %get3A_1158 : vector<16xf32>
        %add3A_1161 = arith.addf %add3A_1089, %mul3A_1160 : vector<16xf32>
        %add3A_1162 = arith.constant 9 : i32
        %add3A_1163 = arith.addi %mul3A_472, %add3A_1162 : i32
        %get3A_1164 = arith.index_cast %add3A_1163 : i32 to index
        %get3A_1165 = arith.constant 16 : index
        %get3A_1166 = tpu.vector_load %arg14[%get3A_1164, %get3A_1165] {strides = array<i32>} : memref<320x128xf32, #tpu.memory_space<vmem>>, vector<1x16xf32>,
        %get3A_1167 = vector.shape_cast %get3A_1166 : vector<1x16xf32> to vector<16xf32>
        %mul3A_1168 = vector.broadcast %squeeze3A_453 : f32 to vector<16xf32>
        %mul3A_1169 = arith.mulf %mul3A_1168, %get3A_1167 : vector<16xf32>
        %add3A_1170 = arith.addf %add3A_1098, %mul3A_1169 : vector<16xf32>
        %add3A_1171 = arith.constant 9 : i32
        %add3A_1172 = arith.addi %mul3A_472, %add3A_1171 : i32
        %get3A_1173 = arith.index_cast %add3A_1172 : i32 to index
        %get3A_1174 = arith.constant 32 : index
        %get3A_1175 = tpu.vector_load %arg14[%get3A_1173, %get3A_1174] {strides = array<i32>} : memref<320x128xf32, #tpu.memory_space<vmem>>, vector<1x16xf32>,
        %get3A_1176 = vector.shape_cast %get3A_1175 : vector<1x16xf32> to vector<16xf32>
        %mul3A_1177 = vector.broadcast %squeeze3A_453 : f32 to vector<16xf32>
        %mul3A_1178 = arith.mulf %mul3A_1177, %get3A_1176 : vector<16xf32>
        %add3A_1179 = arith.addf %add3A_1107, %mul3A_1178 : vector<16xf32>
        %add3A_1180 = arith.constant 9 : i32
        %add3A_1181 = arith.addi %mul3A_472, %add3A_1180 : i32
        %get3A_1182 = arith.index_cast %add3A_1181 : i32 to index
        %get3A_1183 = arith.constant 48 : index
        %get3A_1184 = tpu.vector_load %arg14[%get3A_1182, %get3A_1183] {strides = array<i32>} : memref<320x128xf32, #tpu.memory_space<vmem>>, vector<1x16xf32>,
        %get3A_1185 = vector.shape_cast %get3A_1184 : vector<1x16xf32> to vector<16xf32>
        %mul3A_1186 = vector.broadcast %squeeze3A_453 : f32 to vector<16xf32>
        %mul3A_1187 = arith.mulf %mul3A_1186, %get3A_1185 : vector<16xf32>
        %add3A_1188 = arith.addf %add3A_1116, %mul3A_1187 : vector<16xf32>
        %add3A_1189 = arith.constant 9 : i32
        %add3A_1190 = arith.addi %mul3A_472, %add3A_1189 : i32
        %get3A_1191 = arith.index_cast %add3A_1190 : i32 to index
        %get3A_1192 = arith.constant 64 : index
        %get3A_1193 = tpu.vector_load %arg14[%get3A_1191, %get3A_1192] {strides = array<i32>} : memref<320x128xf32, #tpu.memory_space<vmem>>, vector<1x16xf32>,
        %get3A_1194 = vector.shape_cast %get3A_1193 : vector<1x16xf32> to vector<16xf32>
        %mul3A_1195 = vector.broadcast %squeeze3A_453 : f32 to vector<16xf32>
        %mul3A_1196 = arith.mulf %mul3A_1195, %get3A_1194 : vector<16xf32>
        %add3A_1197 = arith.addf %add3A_1125, %mul3A_1196 : vector<16xf32>
        %add3A_1198 = arith.constant 9 : i32
        %add3A_1199 = arith.addi %mul3A_472, %add3A_1198 : i32
        %get3A_1200 = arith.index_cast %add3A_1199 : i32 to index
        %get3A_1201 = arith.constant 80 : index
        %get3A_1202 = tpu.vector_load %arg14[%get3A_1200, %get3A_1201] {strides = array<i32>} : memref<320x128xf32, #tpu.memory_space<vmem>>, vector<1x16xf32>,
        %get3A_1203 = vector.shape_cast %get3A_1202 : vector<1x16xf32> to vector<16xf32>
        %mul3A_1204 = vector.broadcast %squeeze3A_453 : f32 to vector<16xf32>
        %mul3A_1205 = arith.mulf %mul3A_1204, %get3A_1203 : vector<16xf32>
        %add3A_1206 = arith.addf %add3A_1134, %mul3A_1205 : vector<16xf32>
        %add3A_1207 = arith.constant 9 : i32
        %add3A_1208 = arith.addi %mul3A_472, %add3A_1207 : i32
        %get3A_1209 = arith.index_cast %add3A_1208 : i32 to index
        %get3A_1210 = arith.constant 96 : index
        %get3A_1211 = tpu.vector_load %arg14[%get3A_1209, %get3A_1210] {strides = array<i32>} : memref<320x128xf32, #tpu.memory_space<vmem>>, vector<1x16xf32>,
        %get3A_1212 = vector.shape_cast %get3A_1211 : vector<1x16xf32> to vector<16xf32>
        %mul3A_1213 = vector.broadcast %squeeze3A_453 : f32 to vector<16xf32>
        %mul3A_1214 = arith.mulf %mul3A_1213, %get3A_1212 : vector<16xf32>
        %add3A_1215 = arith.addf %add3A_1143, %mul3A_1214 : vector<16xf32>
        %add3A_1216 = arith.constant 9 : i32
        %add3A_1217 = arith.addi %mul3A_472, %add3A_1216 : i32
        %get3A_1218 = arith.index_cast %add3A_1217 : i32 to index
        %get3A_1219 = arith.constant 112 : index
        %get3A_1220 = tpu.vector_load %arg14[%get3A_1218, %get3A_1219] {strides = array<i32>} : memref<320x128xf32, #tpu.memory_space<vmem>>, vector<1x16xf32>,
        %get3A_1221 = vector.shape_cast %get3A_1220 : vector<1x16xf32> to vector<16xf32>
        %mul3A_1222 = vector.broadcast %squeeze3A_453 : f32 to vector<16xf32>
        %mul3A_1223 = arith.mulf %mul3A_1222, %get3A_1221 : vector<16xf32>
        %add3A_1224 = arith.addf %add3A_1152, %mul3A_1223 : vector<16xf32>
        %mul3A_1225 = arith.mulf %add3A_1161, %div3A_470 : vector<16xf32>
        %swap3A = arith.index_cast %scan3A_429 : i32 to index
        %swap3A_1226 = arith.constant 0 : index
        %swap3A_1227 = tpu.vector_load %arg18[%swap3A, %swap3A_1226] {strides = array<i32>} : memref<32x128xf32, #tpu.memory_space<vmem>>, vector<1x16xf32>,
        %swap3A_1228 = vector.shape_cast %swap3A_1227 : vector<1x16xf32> to vector<16xf32>
        %swap3A_1229 = vector.shape_cast %mul3A_1225 : vector<16xf32> to vector<1x16xf32>
        tpu.vector_store %arg18[%swap3A, %swap3A_1226], %swap3A_1229 {strides = array<i32>} : memref<32x128xf32, #tpu.memory_space<vmem>>, vector<1x16xf32>,
        %mul3A_1230 = arith.mulf %add3A_1170, %div3A_470 : vector<16xf32>
        %swap3A_1231 = arith.index_cast %scan3A_429 : i32 to index
        %swap3A_1232 = arith.constant 16 : index
        %swap3A_1233 = tpu.vector_load %arg18[%swap3A_1231, %swap3A_1232] {strides = array<i32>} : memref<32x128xf32, #tpu.memory_space<vmem>>, vector<1x16xf32>,
        %swap3A_1234 = vector.shape_cast %swap3A_1233 : vector<1x16xf32> to vector<16xf32>
        %swap3A_1235 = vector.shape_cast %mul3A_1230 : vector<16xf32> to vector<1x16xf32>
        tpu.vector_store %arg18[%swap3A_1231, %swap3A_1232], %swap3A_1235 {strides = array<i32>} : memref<32x128xf32, #tpu.memory_space<vmem>>, vector<1x16xf32>,
        %mul3A_1236 = arith.mulf %add3A_1179, %div3A_470 : vector<16xf32>
        %swap3A_1237 = arith.index_cast %scan3A_429 : i32 to index
        %swap3A_1238 = arith.constant 32 : index
        %swap3A_1239 = tpu.vector_load %arg18[%swap3A_1237, %swap3A_1238] {strides = array<i32>} : memref<32x128xf32, #tpu.memory_space<vmem>>, vector<1x16xf32>,
        %swap3A_1240 = vector.shape_cast %swap3A_1239 : vector<1x16xf32> to vector<16xf32>
        %swap3A_1241 = vector.shape_cast %mul3A_1236 : vector<16xf32> to vector<1x16xf32>
        tpu.vector_store %arg18[%swap3A_1237, %swap3A_1238], %swap3A_1241 {strides = array<i32>} : memref<32x128xf32, #tpu.memory_space<vmem>>, vector<1x16xf32>,
        %mul3A_1242 = arith.mulf %add3A_1188, %div3A_470 : vector<16xf32>
        %swap3A_1243 = arith.index_cast %scan3A_429 : i32 to index
        %swap3A_1244 = arith.constant 48 : index
        %swap3A_1245 = tpu.vector_load %arg18[%swap3A_1243, %swap3A_1244] {strides = array<i32>} : memref<32x128xf32, #tpu.memory_space<vmem>>, vector<1x16xf32>,
        %swap3A_1246 = vector.shape_cast %swap3A_1245 : vector<1x16xf32> to vector<16xf32>
        %swap3A_1247 = vector.shape_cast %mul3A_1242 : vector<16xf32> to vector<1x16xf32>
        tpu.vector_store %arg18[%swap3A_1243, %swap3A_1244], %swap3A_1247 {strides = array<i32>} : memref<32x128xf32, #tpu.memory_space<vmem>>, vector<1x16xf32>,
        %mul3A_1248 = arith.mulf %add3A_1197, %div3A_470 : vector<16xf32>
        %swap3A_1249 = arith.index_cast %scan3A_429 : i32 to index
        %swap3A_1250 = arith.constant 64 : index
        %swap3A_1251 = tpu.vector_load %arg18[%swap3A_1249, %swap3A_1250] {strides = array<i32>} : memref<32x128xf32, #tpu.memory_space<vmem>>, vector<1x16xf32>,
        %swap3A_1252 = vector.shape_cast %swap3A_1251 : vector<1x16xf32> to vector<16xf32>
        %swap3A_1253 = vector.shape_cast %mul3A_1248 : vector<16xf32> to vector<1x16xf32>
        tpu.vector_store %arg18[%swap3A_1249, %swap3A_1250], %swap3A_1253 {strides = array<i32>} : memref<32x128xf32, #tpu.memory_space<vmem>>, vector<1x16xf32>,
        %mul3A_1254 = arith.mulf %add3A_1206, %div3A_470 : vector<16xf32>
        %swap3A_1255 = arith.index_cast %scan3A_429 : i32 to index
        %swap3A_1256 = arith.constant 80 : index
        %swap3A_1257 = tpu.vector_load %arg18[%swap3A_1255, %swap3A_1256] {strides = array<i32>} : memref<32x128xf32, #tpu.memory_space<vmem>>, vector<1x16xf32>,
        %swap3A_1258 = vector.shape_cast %swap3A_1257 : vector<1x16xf32> to vector<16xf32>
        %swap3A_1259 = vector.shape_cast %mul3A_1254 : vector<16xf32> to vector<1x16xf32>
        tpu.vector_store %arg18[%swap3A_1255, %swap3A_1256], %swap3A_1259 {strides = array<i32>} : memref<32x128xf32, #tpu.memory_space<vmem>>, vector<1x16xf32>,
        %mul3A_1260 = arith.mulf %add3A_1215, %div3A_470 : vector<16xf32>
        %swap3A_1261 = arith.index_cast %scan3A_429 : i32 to index
        %swap3A_1262 = arith.constant 96 : index
        %swap3A_1263 = tpu.vector_load %arg18[%swap3A_1261, %swap3A_1262] {strides = array<i32>} : memref<32x128xf32, #tpu.memory_space<vmem>>, vector<1x16xf32>,
        %swap3A_1264 = vector.shape_cast %swap3A_1263 : vector<1x16xf32> to vector<16xf32>
        %swap3A_1265 = vector.shape_cast %mul3A_1260 : vector<16xf32> to vector<1x16xf32>
        tpu.vector_store %arg18[%swap3A_1261, %swap3A_1262], %swap3A_1265 {strides = array<i32>} : memref<32x128xf32, #tpu.memory_space<vmem>>, vector<1x16xf32>,
        %mul3A_1266 = arith.mulf %add3A_1224, %div3A_470 : vector<16xf32>
        %swap3A_1267 = arith.index_cast %scan3A_429 : i32 to index
        %swap3A_1268 = arith.constant 112 : index
        %swap3A_1269 = tpu.vector_load %arg18[%swap3A_1267, %swap3A_1268] {strides = array<i32>} : memref<32x128xf32, #tpu.memory_space<vmem>>, vector<1x16xf32>,
        %swap3A_1270 = vector.shape_cast %swap3A_1269 : vector<1x16xf32> to vector<16xf32>
        %swap3A_1271 = vector.shape_cast %mul3A_1266 : vector<16xf32> to vector<1x16xf32>
        tpu.vector_store %arg18[%swap3A_1267, %swap3A_1268], %swap3A_1271 {strides = array<i32>} : memref<32x128xf32, #tpu.memory_space<vmem>>, vector<1x16xf32>,
      }
      %scan3A_397 = arith.constant 32 : i32
      %add3A_398 = arith.addi %add3A, %add3A_196 : i32
      %mul3A_399 = arith.constant 32 : i32
      %mul3A_400 = arith.muli %add3A_398, %mul3A_399 : i32
      %min3A_401 = arith.constant 49968 : i32
      %min3A_402 = arith.minsi %mul3A_400, %min3A_401 : i32
      %dma_start3A_403 = arith.constant 0 : i32
      %dma_start3A_404 = tpu.memref_slice %arg6[%min3A_402, %dma_start3A_403] : memref<50000x128xf32, #tpu.memory_space<hbm>> -> memref<32x128xf32, #tpu.memory_space<hbm>>
      %dma_start3A_405 = arith.constant 0 : i32
      %dma_start3A_406 = tpu.memref_slice %arg6[%min3A_402, %dma_start3A_405] : memref<50000x128xf32, #tpu.memory_space<hbm>> -> memref<32x128xf32, #tpu.memory_space<hbm>>
      tpu.enqueue_dma source(%arg18 : memref<32x128xf32, #tpu.memory_space<vmem>>) target(%dma_start3A_406 : memref<32x128xf32, #tpu.memory_space<hbm>>) target_semaphore(%arg24 : memref<!tpu.dma_semaphore, #tpu.memory_space<semaphore_mem>>)
      %add3A_407 = arith.constant 2 : i32
      %add3A_408 = arith.addi %add3A_196, %add3A_407 : i32
      %rem3A_409 = arith.remsi %add3A_408, %select_n3A_7 : i32
      %add3A_410 = arith.addi %add3A, %rem3A_409 : i32
      %mul3A_411 = arith.constant 32 : i32
      %mul3A_412 = arith.muli %add3A_410, %mul3A_411 : i32
      %min3A_413 = arith.constant 49968 : i32
      %min3A_414 = arith.minsi %mul3A_412, %min3A_413 : i32
      %mul3A_415 = arith.constant 10 : i32
      %mul3A_416 = arith.muli %min3A_414, %mul3A_415 : i32
      %mul3A_417 = arith.constant 10 : i32
      %mul3A_418 = arith.muli %min3A_414, %mul3A_417 : i32
      %dma_start3A_419 = tpu.memref_slice %arg2[%mul3A_416] : memref<500000xi32, #tpu.memory_space<hbm>> -> memref<320xi32, #tpu.memory_space<hbm>>
      %dma_start3A_420 = tpu.memref_slice %arg2[%mul3A_416] : memref<500000xi32, #tpu.memory_space<hbm>> -> memref<320xi32, #tpu.memory_space<hbm>>
      tpu.enqueue_dma source(%dma_start3A_420 : memref<320xi32, #tpu.memory_space<hbm>>) target(%arg8 : memref<320xi32, #tpu.memory_space<vmem>>) target_semaphore(%arg20 : memref<!tpu.dma_semaphore, #tpu.memory_space<semaphore_mem>>)
      %dma_start3A_421 = tpu.memref_slice %arg3[%min3A_414] : memref<50000xi32, #tpu.memory_space<hbm>> -> memref<32xi32, #tpu.memory_space<hbm>>
      %dma_start3A_422 = tpu.memref_slice %arg3[%min3A_414] : memref<50000xi32, #tpu.memory_space<hbm>> -> memref<32xi32, #tpu.memory_space<hbm>>
      tpu.enqueue_dma source(%dma_start3A_422 : memref<32xi32, #tpu.memory_space<hbm>>) target(%arg10 : memref<32xi32, #tpu.memory_space<vmem>>) target_semaphore(%arg20 : memref<!tpu.dma_semaphore, #tpu.memory_space<semaphore_mem>>)
      %dma_start3A_423 = arith.constant 0 : i32
      %dma_start3A_424 = tpu.memref_slice %arg12[%dma_start3A_423] : memref<336xf32, #tpu.memory_space<vmem>> -> memref<320xf32, #tpu.memory_space<vmem>>
      %dma_start3A_425 = tpu.memref_slice %arg4[%mul3A_418] : memref<500000xf32, #tpu.memory_space<hbm>> -> memref<320xf32, #tpu.memory_space<hbm>>
      %dma_start3A_426 = arith.constant 0 : i32
      %dma_start3A_427 = tpu.memref_slice %arg12[%dma_start3A_426] : memref<336xf32, #tpu.memory_space<vmem>> -> memref<320xf32, #tpu.memory_space<vmem>>
      %dma_start3A_428 = tpu.memref_slice %arg4[%mul3A_418] : memref<500000xf32, #tpu.memory_space<hbm>> -> memref<320xf32, #tpu.memory_space<hbm>>
      tpu.enqueue_dma source(%dma_start3A_428 : memref<320xf32, #tpu.memory_space<hbm>>) target(%dma_start3A_427 : memref<320xf32, #tpu.memory_space<vmem>>) target_semaphore(%arg20 : memref<!tpu.dma_semaphore, #tpu.memory_space<semaphore_mem>>)
    }
    %while3A_120 = arith.constant 1 : i32
    scf.for %while3A_190 = %while3A_118 to %while3A_114 step %while3A_120  : i32 {
      %mul3A_191 = arith.constant 2 : i32
      %mul3A_192 = arith.muli %mul3A_191, %while3A_190 : i32
      %mul3A_193 = arith.constant 2 : i32
      %mul3A_194 = arith.muli %mul3A_193, %while3A_190 : i32
      %add3A_195 = arith.constant 1 : i32
      %add3A_196 = arith.addi %mul3A_194, %add3A_195 : i32
      %add3A_197 = arith.constant 1 : i32
      %add3A_198 = arith.addi %mul3A_192, %add3A_197 : i32
      %rem3A_199 = arith.remsi %add3A_198, %select_n3A_7 : i32
      %add3A_200 = arith.addi %add3A, %rem3A_199 : i32
      %mul3A_201 = arith.constant 32 : i32
      %mul3A_202 = arith.muli %add3A_200, %mul3A_201 : i32
      %min3A_203 = arith.constant 49968 : i32
      %min3A_204 = arith.minsi %mul3A_202, %min3A_203 : i32
      %mul3A_205 = arith.constant 10 : i32
      %mul3A_206 = arith.muli %min3A_204, %mul3A_205 : i32
      %mul3A_207 = arith.constant 10 : i32
      %mul3A_208 = arith.muli %min3A_204, %mul3A_207 : i32
      %dma_wait3A_209 = tpu.memref_slice %arg2[%mul3A_206] : memref<500000xi32, #tpu.memory_space<hbm>> -> memref<320xi32, #tpu.memory_space<hbm>>
      %dma_wait3A_210 = tpu.memref_slice %arg2[%mul3A_206] : memref<500000xi32, #tpu.memory_space<hbm>> -> memref<320xi32, #tpu.memory_space<hbm>>
      tpu.wait_dma2 semaphore(%arg20 : memref<!tpu.dma_semaphore, #tpu.memory_space<semaphore_mem>>) src(%dma_wait3A_210 : memref<320xi32, #tpu.memory_space<hbm>>) dst(%arg8 : memref<320xi32, #tpu.memory_space<vmem>>)
      %dma_wait3A_211 = tpu.memref_slice %arg3[%min3A_204] : memref<50000xi32, #tpu.memory_space<hbm>> -> memref<32xi32, #tpu.memory_space<hbm>>
      %dma_wait3A_212 = tpu.memref_slice %arg3[%min3A_204] : memref<50000xi32, #tpu.memory_space<hbm>> -> memref<32xi32, #tpu.memory_space<hbm>>
      tpu.wait_dma2 semaphore(%arg20 : memref<!tpu.dma_semaphore, #tpu.memory_space<semaphore_mem>>) src(%dma_wait3A_212 : memref<32xi32, #tpu.memory_space<hbm>>) dst(%arg10 : memref<32xi32, #tpu.memory_space<vmem>>)
      %dma_wait3A_213 = arith.constant 0 : i32
      %dma_wait3A_214 = tpu.memref_slice %arg12[%dma_wait3A_213] : memref<336xf32, #tpu.memory_space<vmem>> -> memref<320xf32, #tpu.memory_space<vmem>>
      %dma_wait3A_215 = tpu.memref_slice %arg4[%mul3A_208] : memref<500000xf32, #tpu.memory_space<hbm>> -> memref<320xf32, #tpu.memory_space<hbm>>
      %dma_wait3A_216 = arith.constant 0 : i32
      %dma_wait3A_217 = tpu.memref_slice %arg12[%dma_wait3A_216] : memref<336xf32, #tpu.memory_space<vmem>> -> memref<320xf32, #tpu.memory_space<vmem>>
      %dma_wait3A_218 = tpu.memref_slice %arg4[%mul3A_208] : memref<500000xf32, #tpu.memory_space<hbm>> -> memref<320xf32, #tpu.memory_space<hbm>>
      tpu.wait_dma2 semaphore(%arg20 : memref<!tpu.dma_semaphore, #tpu.memory_space<semaphore_mem>>) src(%dma_wait3A_218 : memref<320xf32, #tpu.memory_space<hbm>>) dst(%dma_wait3A_217 : memref<320xf32, #tpu.memory_space<vmem>>)
      %dma_start3A_219 = arith.constant 0 : i32
      %dma_start3A_220 = arith.constant 0 : i32
      %dma_start3A_221 = tpu.memref_slice %arg14[%dma_start3A_219, %dma_start3A_220] : memref<320x128xf32, #tpu.memory_space<vmem>> -> memref<128x128xf32, #tpu.memory_space<vmem>>
      %dma_start3A_222 = arith.constant 0 : i32
      %dma_start3A_223 = tpu.memref_slice %arg8[%dma_start3A_222] : memref<320xi32, #tpu.memory_space<vmem>> -> memref<128xi32, #tpu.memory_space<vmem>>
      %dma_start3A_224 = arith.constant 0 : i32
      %dma_start3A_225 = arith.constant 0 : i32
      %dma_start3A_226 = tpu.memref_slice %arg5[%dma_start3A_224, %dma_start3A_225] : memref<100000x128xf32, #tpu.memory_space<hbm>> -> memref<100000x128xf32, #tpu.memory_space<hbm>>
      tpu.enqueue_indirect_dma source(%dma_start3A_226 : memref<100000x128xf32, #tpu.memory_space<hbm>>) target(%dma_start3A_221 : memref<128x128xf32, #tpu.memory_space<vmem>>) offsets(%dma_start3A_223 : memref<128xi32, #tpu.memory_space<vmem>>) semaphore(%arg22 : memref<!tpu.dma_semaphore, #tpu.memory_space<semaphore_mem>>)
      %dma_start3A_227 = arith.constant 128 : i32
      %dma_start3A_228 = arith.constant 0 : i32
      %dma_start3A_229 = tpu.memref_slice %arg14[%dma_start3A_227, %dma_start3A_228] : memref<320x128xf32, #tpu.memory_space<vmem>> -> memref<128x128xf32, #tpu.memory_space<vmem>>
      %dma_start3A_230 = arith.constant 128 : i32
      %dma_start3A_231 = tpu.memref_slice %arg8[%dma_start3A_230] : memref<320xi32, #tpu.memory_space<vmem>> -> memref<128xi32, #tpu.memory_space<vmem>>
      %dma_start3A_232 = arith.constant 0 : i32
      %dma_start3A_233 = arith.constant 0 : i32
      %dma_start3A_234 = tpu.memref_slice %arg5[%dma_start3A_232, %dma_start3A_233] : memref<100000x128xf32, #tpu.memory_space<hbm>> -> memref<100000x128xf32, #tpu.memory_space<hbm>>
      tpu.enqueue_indirect_dma source(%dma_start3A_234 : memref<100000x128xf32, #tpu.memory_space<hbm>>) target(%dma_start3A_229 : memref<128x128xf32, #tpu.memory_space<vmem>>) offsets(%dma_start3A_231 : memref<128xi32, #tpu.memory_space<vmem>>) semaphore(%arg22 : memref<!tpu.dma_semaphore, #tpu.memory_space<semaphore_mem>>)
      %dma_start3A_235 = arith.constant 256 : i32
      %dma_start3A_236 = arith.constant 0 : i32
      %dma_start3A_237 = tpu.memref_slice %arg14[%dma_start3A_235, %dma_start3A_236] : memref<320x128xf32, #tpu.memory_space<vmem>> -> memref<64x128xf32, #tpu.memory_space<vmem>>
      %dma_start3A_238 = arith.constant 256 : i32
      %dma_start3A_239 = tpu.memref_slice %arg8[%dma_start3A_238] : memref<320xi32, #tpu.memory_space<vmem>> -> memref<64xi32, #tpu.memory_space<vmem>>
      %dma_start3A_240 = arith.constant 0 : i32
      %dma_start3A_241 = arith.constant 0 : i32
      %dma_start3A_242 = tpu.memref_slice %arg5[%dma_start3A_240, %dma_start3A_241] : memref<100000x128xf32, #tpu.memory_space<hbm>> -> memref<100000x128xf32, #tpu.memory_space<hbm>>
      tpu.enqueue_indirect_dma source(%dma_start3A_242 : memref<100000x128xf32, #tpu.memory_space<hbm>>) target(%dma_start3A_237 : memref<64x128xf32, #tpu.memory_space<vmem>>) offsets(%dma_start3A_239 : memref<64xi32, #tpu.memory_space<vmem>>) semaphore(%arg22 : memref<!tpu.dma_semaphore, #tpu.memory_space<semaphore_mem>>)
      %dma_start3A_243 = arith.constant 0 : i32
      %dma_start3A_244 = arith.constant 0 : i32
      %dma_start3A_245 = tpu.memref_slice %arg5[%dma_start3A_243, %dma_start3A_244] : memref<100000x128xf32, #tpu.memory_space<hbm>> -> memref<100000x128xf32, #tpu.memory_space<hbm>>
      tpu.enqueue_indirect_dma source(%dma_start3A_245 : memref<100000x128xf32, #tpu.memory_space<hbm>>) target(%arg16 : memref<32x128xf32, #tpu.memory_space<vmem>>) offsets(%arg10 : memref<32xi32, #tpu.memory_space<vmem>>) semaphore(%arg22 : memref<!tpu.dma_semaphore, #tpu.memory_space<semaphore_mem>>)
      %dma_wait3A_246 = arith.constant 0 : i32
      %dma_wait3A_247 = arith.constant 0 : i32
      %dma_wait3A_248 = tpu.memref_slice %arg13[%dma_wait3A_246, %dma_wait3A_247] : memref<320x128xf32, #tpu.memory_space<vmem>> -> memref<128x128xf32, #tpu.memory_space<vmem>>
      %dma_wait3A_249 = arith.constant 0 : i32
      %dma_wait3A_250 = tpu.memref_slice %arg7[%dma_wait3A_249] : memref<320xi32, #tpu.memory_space<vmem>> -> memref<128xi32, #tpu.memory_space<vmem>>
      %dma_wait3A_251 = arith.constant 0 : i32
      %dma_wait3A_252 = arith.constant 0 : i32
      %dma_wait3A_253 = tpu.memref_slice %arg5[%dma_wait3A_251, %dma_wait3A_252] : memref<100000x128xf32, #tpu.memory_space<hbm>> -> memref<100000x128xf32, #tpu.memory_space<hbm>>
      tpu.wait_indirect_dma semaphore(%arg21 : memref<!tpu.dma_semaphore, #tpu.memory_space<semaphore_mem>>) src(%dma_wait3A_253 : memref<100000x128xf32, #tpu.memory_space<hbm>>) dst(%dma_wait3A_248 : memref<128x128xf32, #tpu.memory_space<vmem>>)
      %dma_wait3A_254 = arith.constant 128 : i32
      %dma_wait3A_255 = arith.constant 0 : i32
      %dma_wait3A_256 = tpu.memref_slice %arg13[%dma_wait3A_254, %dma_wait3A_255] : memref<320x128xf32, #tpu.memory_space<vmem>> -> memref<128x128xf32, #tpu.memory_space<vmem>>
      %dma_wait3A_257 = arith.constant 128 : i32
      %dma_wait3A_258 = tpu.memref_slice %arg7[%dma_wait3A_257] : memref<320xi32, #tpu.memory_space<vmem>> -> memref<128xi32, #tpu.memory_space<vmem>>
      %dma_wait3A_259 = arith.constant 0 : i32
      %dma_wait3A_260 = arith.constant 0 : i32
      %dma_wait3A_261 = tpu.memref_slice %arg5[%dma_wait3A_259, %dma_wait3A_260] : memref<100000x128xf32, #tpu.memory_space<hbm>> -> memref<100000x128xf32, #tpu.memory_space<hbm>>
      tpu.wait_indirect_dma semaphore(%arg21 : memref<!tpu.dma_semaphore, #tpu.memory_space<semaphore_mem>>) src(%dma_wait3A_261 : memref<100000x128xf32, #tpu.memory_space<hbm>>) dst(%dma_wait3A_256 : memref<128x128xf32, #tpu.memory_space<vmem>>)
      %dma_wait3A_262 = arith.constant 256 : i32
      %dma_wait3A_263 = arith.constant 0 : i32
      %dma_wait3A_264 = tpu.memref_slice %arg13[%dma_wait3A_262, %dma_wait3A_263] : memref<320x128xf32, #tpu.memory_space<vmem>> -> memref<64x128xf32, #tpu.memory_space<vmem>>
      %dma_wait3A_265 = arith.constant 256 : i32
      %dma_wait3A_266 = tpu.memref_slice %arg7[%dma_wait3A_265] : memref<320xi32, #tpu.memory_space<vmem>> -> memref<64xi32, #tpu.memory_space<vmem>>
      %dma_wait3A_267 = arith.constant 0 : i32
      %dma_wait3A_268 = arith.constant 0 : i32
      %dma_wait3A_269 = tpu.memref_slice %arg5[%dma_wait3A_267, %dma_wait3A_268] : memref<100000x128xf32, #tpu.memory_space<hbm>> -> memref<100000x128xf32, #tpu.memory_space<hbm>>
      tpu.wait_indirect_dma semaphore(%arg21 : memref<!tpu.dma_semaphore, #tpu.memory_space<semaphore_mem>>) src(%dma_wait3A_269 : memref<100000x128xf32, #tpu.memory_space<hbm>>) dst(%dma_wait3A_264 : memref<64x128xf32, #tpu.memory_space<vmem>>)
      %dma_wait3A_270 = arith.constant 0 : i32
      %dma_wait3A_271 = arith.constant 0 : i32
      %dma_wait3A_272 = tpu.memref_slice %arg5[%dma_wait3A_270, %dma_wait3A_271] : memref<100000x128xf32, #tpu.memory_space<hbm>> -> memref<100000x128xf32, #tpu.memory_space<hbm>>
      tpu.wait_indirect_dma semaphore(%arg21 : memref<!tpu.dma_semaphore, #tpu.memory_space<semaphore_mem>>) src(%dma_wait3A_272 : memref<100000x128xf32, #tpu.memory_space<hbm>>) dst(%arg15 : memref<32x128xf32, #tpu.memory_space<vmem>>)
      %ge3A = arith.constant 2 : i32
      %ge3A_273 = arith.cmpi sge, %mul3A_192, %ge3A : i32
      %convert_element_type3A = arith.extui %ge3A_273 : i1 to i32
      %cond3A = arith.constant 0 : i32
      %cond3A_274 = arith.cmpi ne, %convert_element_type3A, %cond3A : i32
      scf.if %cond3A_274 {
        %sub3A_429 = arith.constant 2 : i32
        %sub3A_430 = arith.subi %mul3A_192, %sub3A_429 : i32
        %add3A_431 = arith.addi %add3A, %sub3A_430 : i32
        %mul3A_432 = arith.constant 32 : i32
        %mul3A_433 = arith.muli %add3A_431, %mul3A_432 : i32
        %min3A_434 = arith.constant 49968 : i32
        %min3A_435 = arith.minsi %mul3A_433, %min3A_434 : i32
        %dma_wait3A_436 = arith.constant 0 : i32
        %dma_wait3A_437 = tpu.memref_slice %arg6[%min3A_435, %dma_wait3A_436] : memref<50000x128xf32, #tpu.memory_space<hbm>> -> memref<32x128xf32, #tpu.memory_space<hbm>>
        %dma_wait3A_438 = arith.constant 0 : i32
        %dma_wait3A_439 = tpu.memref_slice %arg6[%min3A_435, %dma_wait3A_438] : memref<50000x128xf32, #tpu.memory_space<hbm>> -> memref<32x128xf32, #tpu.memory_space<hbm>>
        tpu.wait_dma2 semaphore(%arg23 : memref<!tpu.dma_semaphore, #tpu.memory_space<semaphore_mem>>) src(%arg17 : memref<32x128xf32, #tpu.memory_space<vmem>>) dst(%dma_wait3A_439 : memref<32x128xf32, #tpu.memory_space<hbm>>)
      } else {
      }
      %scan3A = arith.constant 0 : i32
      %scan3A_275 = arith.constant 0 : i32
      %scan3A_276 = arith.constant 32 : i32
      %scan3A_277 = arith.addi %scan3A_275, %scan3A_276 : i32
      %scan3A_278 = arith.constant 1 : i32
      scf.for %scan3A_429 = %scan3A_275 to %scan3A_277 step %scan3A_278  : i32 {
        %mul3A_430 = arith.constant 10 : i32
        %mul3A_431 = arith.muli %scan3A_429, %mul3A_430 : i32
        %get3A = arith.index_cast %mul3A_431 : i32 to index
        %get3A_432 = tpu.vector_load %arg11[%get3A] {strides = array<i32>} : memref<336xf32, #tpu.memory_space<vmem>>, vector<16xf32>,
        %get3A_433 = vector.shape_cast %get3A_432 : vector<16xf32> to vector<16xf32>
        %jit3A_434 = arith.constant 0.000000e+00 : f32
        %broadcast_in_dim3A = vector.broadcast %jit3A_434 : f32 to vector<16xf32>
        %select_n3A_435 = arith.select %lt3A_9, %get3A_433, %broadcast_in_dim3A : vector<16xi1>, vector<16xf32>
        %slice3A = vector.extract_strided_slice %select_n3A_435 {offsets = [0], sizes = [1], strides = [1]} : vector<16xf32> to vector<1xf32>
        %squeeze3A = vector.extract %slice3A[0] : f32 from vector<1xf32>
        %slice3A_436 = vector.extract_strided_slice %select_n3A_435 {offsets = [1], sizes = [1], strides = [1]} : vector<16xf32> to vector<1xf32>
        %squeeze3A_437 = vector.extract %slice3A_436[0] : f32 from vector<1xf32>
        %slice3A_438 = vector.extract_strided_slice %select_n3A_435 {offsets = [2], sizes = [1], strides = [1]} : vector<16xf32> to vector<1xf32>
        %squeeze3A_439 = vector.extract %slice3A_438[0] : f32 from vector<1xf32>
        %slice3A_440 = vector.extract_strided_slice %select_n3A_435 {offsets = [3], sizes = [1], strides = [1]} : vector<16xf32> to vector<1xf32>
        %squeeze3A_441 = vector.extract %slice3A_440[0] : f32 from vector<1xf32>
        %slice3A_442 = vector.extract_strided_slice %select_n3A_435 {offsets = [4], sizes = [1], strides = [1]} : vector<16xf32> to vector<1xf32>
        %squeeze3A_443 = vector.extract %slice3A_442[0] : f32 from vector<1xf32>
        %slice3A_444 = vector.extract_strided_slice %select_n3A_435 {offsets = [5], sizes = [1], strides = [1]} : vector<16xf32> to vector<1xf32>
        %squeeze3A_445 = vector.extract %slice3A_444[0] : f32 from vector<1xf32>
        %slice3A_446 = vector.extract_strided_slice %select_n3A_435 {offsets = [6], sizes = [1], strides = [1]} : vector<16xf32> to vector<1xf32>
        %squeeze3A_447 = vector.extract %slice3A_446[0] : f32 from vector<1xf32>
        %slice3A_448 = vector.extract_strided_slice %select_n3A_435 {offsets = [7], sizes = [1], strides = [1]} : vector<16xf32> to vector<1xf32>
        %squeeze3A_449 = vector.extract %slice3A_448[0] : f32 from vector<1xf32>
        %slice3A_450 = vector.extract_strided_slice %select_n3A_435 {offsets = [8], sizes = [1], strides = [1]} : vector<16xf32> to vector<1xf32>
        %squeeze3A_451 = vector.extract %slice3A_450[0] : f32 from vector<1xf32>
        %slice3A_452 = vector.extract_strided_slice %select_n3A_435 {offsets = [9], sizes = [1], strides = [1]} : vector<16xf32> to vector<1xf32>
        %squeeze3A_453 = vector.extract %slice3A_452[0] : f32 from vector<1xf32>
        %add3A_454 = arith.constant 1.000000e+00 : f32
        %add3A_455 = arith.addf %add3A_454, %squeeze3A : f32
        %add3A_456 = arith.addf %add3A_455, %squeeze3A_437 : f32
        %add3A_457 = arith.addf %add3A_456, %squeeze3A_439 : f32
        %add3A_458 = arith.addf %add3A_457, %squeeze3A_441 : f32
        %add3A_459 = arith.addf %add3A_458, %squeeze3A_443 : f32
        %add3A_460 = arith.addf %add3A_459, %squeeze3A_445 : f32
        %add3A_461 = arith.addf %add3A_460, %squeeze3A_447 : f32
        %add3A_462 = arith.addf %add3A_461, %squeeze3A_449 : f32
        %add3A_463 = arith.addf %add3A_462, %squeeze3A_451 : f32
        %add3A_464 = arith.addf %add3A_463, %squeeze3A_453 : f32
        %broadcast_in_dim3A_465 = vector.broadcast %add3A_464 : f32 to vector<16xf32>
        %max3A = arith.constant 9.99999997E-7 : f32
        %max3A_466 = vector.broadcast %max3A : f32 to vector<16xf32>
        %max3A_467 = arith.maximumf %broadcast_in_dim3A_465, %max3A_466 : vector<16xf32>
        %div3A_468 = arith.constant 1.000000e+00 : f32
        %div3A_469 = vector.broadcast %div3A_468 : f32 to vector<16xf32>
        %div3A_470 = arith.divf %div3A_469, %max3A_467 : vector<16xf32>
        %mul3A_471 = arith.constant 10 : i32
        %mul3A_472 = arith.muli %scan3A_429, %mul3A_471 : i32
        %get3A_473 = arith.index_cast %scan3A_429 : i32 to index
        %get3A_474 = arith.constant 0 : index
        %get3A_475 = tpu.vector_load %arg15[%get3A_473, %get3A_474] {strides = array<i32>} : memref<32x128xf32, #tpu.memory_space<vmem>>, vector<1x16xf32>,
        %get3A_476 = vector.shape_cast %get3A_475 : vector<1x16xf32> to vector<16xf32>
        %get3A_477 = arith.index_cast %scan3A_429 : i32 to index
        %get3A_478 = arith.constant 16 : index
        %get3A_479 = tpu.vector_load %arg15[%get3A_477, %get3A_478] {strides = array<i32>} : memref<32x128xf32, #tpu.memory_space<vmem>>, vector<1x16xf32>,
        %get3A_480 = vector.shape_cast %get3A_479 : vector<1x16xf32> to vector<16xf32>
        %get3A_481 = arith.index_cast %scan3A_429 : i32 to index
        %get3A_482 = arith.constant 32 : index
        %get3A_483 = tpu.vector_load %arg15[%get3A_481, %get3A_482] {strides = array<i32>} : memref<32x128xf32, #tpu.memory_space<vmem>>, vector<1x16xf32>,
        %get3A_484 = vector.shape_cast %get3A_483 : vector<1x16xf32> to vector<16xf32>
        %get3A_485 = arith.index_cast %scan3A_429 : i32 to index
        %get3A_486 = arith.constant 48 : index
        %get3A_487 = tpu.vector_load %arg15[%get3A_485, %get3A_486] {strides = array<i32>} : memref<32x128xf32, #tpu.memory_space<vmem>>, vector<1x16xf32>,
        %get3A_488 = vector.shape_cast %get3A_487 : vector<1x16xf32> to vector<16xf32>
        %get3A_489 = arith.index_cast %scan3A_429 : i32 to index
        %get3A_490 = arith.constant 64 : index
        %get3A_491 = tpu.vector_load %arg15[%get3A_489, %get3A_490] {strides = array<i32>} : memref<32x128xf32, #tpu.memory_space<vmem>>, vector<1x16xf32>,
        %get3A_492 = vector.shape_cast %get3A_491 : vector<1x16xf32> to vector<16xf32>
        %get3A_493 = arith.index_cast %scan3A_429 : i32 to index
        %get3A_494 = arith.constant 80 : index
        %get3A_495 = tpu.vector_load %arg15[%get3A_493, %get3A_494] {strides = array<i32>} : memref<32x128xf32, #tpu.memory_space<vmem>>, vector<1x16xf32>,
        %get3A_496 = vector.shape_cast %get3A_495 : vector<1x16xf32> to vector<16xf32>
        %get3A_497 = arith.index_cast %scan3A_429 : i32 to index
        %get3A_498 = arith.constant 96 : index
        %get3A_499 = tpu.vector_load %arg15[%get3A_497, %get3A_498] {strides = array<i32>} : memref<32x128xf32, #tpu.memory_space<vmem>>, vector<1x16xf32>,
        %get3A_500 = vector.shape_cast %get3A_499 : vector<1x16xf32> to vector<16xf32>
        %get3A_501 = arith.index_cast %scan3A_429 : i32 to index
        %get3A_502 = arith.constant 112 : index
        %get3A_503 = tpu.vector_load %arg15[%get3A_501, %get3A_502] {strides = array<i32>} : memref<32x128xf32, #tpu.memory_space<vmem>>, vector<1x16xf32>,
        %get3A_504 = vector.shape_cast %get3A_503 : vector<1x16xf32> to vector<16xf32>
        %add3A_505 = arith.constant 0 : i32
        %add3A_506 = arith.addi %mul3A_472, %add3A_505 : i32
        %get3A_507 = arith.index_cast %add3A_506 : i32 to index
        %get3A_508 = arith.constant 0 : index
        %get3A_509 = tpu.vector_load %arg13[%get3A_507, %get3A_508] {strides = array<i32>} : memref<320x128xf32, #tpu.memory_space<vmem>>, vector<1x16xf32>,
        %get3A_510 = vector.shape_cast %get3A_509 : vector<1x16xf32> to vector<16xf32>
        %mul3A_511 = vector.broadcast %squeeze3A : f32 to vector<16xf32>
        %mul3A_512 = arith.mulf %mul3A_511, %get3A_510 : vector<16xf32>
        %add3A_513 = arith.addf %get3A_476, %mul3A_512 : vector<16xf32>
        %add3A_514 = arith.constant 0 : i32
        %add3A_515 = arith.addi %mul3A_472, %add3A_514 : i32
        %get3A_516 = arith.index_cast %add3A_515 : i32 to index
        %get3A_517 = arith.constant 16 : index
        %get3A_518 = tpu.vector_load %arg13[%get3A_516, %get3A_517] {strides = array<i32>} : memref<320x128xf32, #tpu.memory_space<vmem>>, vector<1x16xf32>,
        %get3A_519 = vector.shape_cast %get3A_518 : vector<1x16xf32> to vector<16xf32>
        %mul3A_520 = vector.broadcast %squeeze3A : f32 to vector<16xf32>
        %mul3A_521 = arith.mulf %mul3A_520, %get3A_519 : vector<16xf32>
        %add3A_522 = arith.addf %get3A_480, %mul3A_521 : vector<16xf32>
        %add3A_523 = arith.constant 0 : i32
        %add3A_524 = arith.addi %mul3A_472, %add3A_523 : i32
        %get3A_525 = arith.index_cast %add3A_524 : i32 to index
        %get3A_526 = arith.constant 32 : index
        %get3A_527 = tpu.vector_load %arg13[%get3A_525, %get3A_526] {strides = array<i32>} : memref<320x128xf32, #tpu.memory_space<vmem>>, vector<1x16xf32>,
        %get3A_528 = vector.shape_cast %get3A_527 : vector<1x16xf32> to vector<16xf32>
        %mul3A_529 = vector.broadcast %squeeze3A : f32 to vector<16xf32>
        %mul3A_530 = arith.mulf %mul3A_529, %get3A_528 : vector<16xf32>
        %add3A_531 = arith.addf %get3A_484, %mul3A_530 : vector<16xf32>
        %add3A_532 = arith.constant 0 : i32
        %add3A_533 = arith.addi %mul3A_472, %add3A_532 : i32
        %get3A_534 = arith.index_cast %add3A_533 : i32 to index
        %get3A_535 = arith.constant 48 : index
        %get3A_536 = tpu.vector_load %arg13[%get3A_534, %get3A_535] {strides = array<i32>} : memref<320x128xf32, #tpu.memory_space<vmem>>, vector<1x16xf32>,
        %get3A_537 = vector.shape_cast %get3A_536 : vector<1x16xf32> to vector<16xf32>
        %mul3A_538 = vector.broadcast %squeeze3A : f32 to vector<16xf32>
        %mul3A_539 = arith.mulf %mul3A_538, %get3A_537 : vector<16xf32>
        %add3A_540 = arith.addf %get3A_488, %mul3A_539 : vector<16xf32>
        %add3A_541 = arith.constant 0 : i32
        %add3A_542 = arith.addi %mul3A_472, %add3A_541 : i32
        %get3A_543 = arith.index_cast %add3A_542 : i32 to index
        %get3A_544 = arith.constant 64 : index
        %get3A_545 = tpu.vector_load %arg13[%get3A_543, %get3A_544] {strides = array<i32>} : memref<320x128xf32, #tpu.memory_space<vmem>>, vector<1x16xf32>,
        %get3A_546 = vector.shape_cast %get3A_545 : vector<1x16xf32> to vector<16xf32>
        %mul3A_547 = vector.broadcast %squeeze3A : f32 to vector<16xf32>
        %mul3A_548 = arith.mulf %mul3A_547, %get3A_546 : vector<16xf32>
        %add3A_549 = arith.addf %get3A_492, %mul3A_548 : vector<16xf32>
        %add3A_550 = arith.constant 0 : i32
        %add3A_551 = arith.addi %mul3A_472, %add3A_550 : i32
        %get3A_552 = arith.index_cast %add3A_551 : i32 to index
        %get3A_553 = arith.constant 80 : index
        %get3A_554 = tpu.vector_load %arg13[%get3A_552, %get3A_553] {strides = array<i32>} : memref<320x128xf32, #tpu.memory_space<vmem>>, vector<1x16xf32>,
        %get3A_555 = vector.shape_cast %get3A_554 : vector<1x16xf32> to vector<16xf32>
        %mul3A_556 = vector.broadcast %squeeze3A : f32 to vector<16xf32>
        %mul3A_557 = arith.mulf %mul3A_556, %get3A_555 : vector<16xf32>
        %add3A_558 = arith.addf %get3A_496, %mul3A_557 : vector<16xf32>
        %add3A_559 = arith.constant 0 : i32
        %add3A_560 = arith.addi %mul3A_472, %add3A_559 : i32
        %get3A_561 = arith.index_cast %add3A_560 : i32 to index
        %get3A_562 = arith.constant 96 : index
        %get3A_563 = tpu.vector_load %arg13[%get3A_561, %get3A_562] {strides = array<i32>} : memref<320x128xf32, #tpu.memory_space<vmem>>, vector<1x16xf32>,
        %get3A_564 = vector.shape_cast %get3A_563 : vector<1x16xf32> to vector<16xf32>
        %mul3A_565 = vector.broadcast %squeeze3A : f32 to vector<16xf32>
        %mul3A_566 = arith.mulf %mul3A_565, %get3A_564 : vector<16xf32>
        %add3A_567 = arith.addf %get3A_500, %mul3A_566 : vector<16xf32>
        %add3A_568 = arith.constant 0 : i32
        %add3A_569 = arith.addi %mul3A_472, %add3A_568 : i32
        %get3A_570 = arith.index_cast %add3A_569 : i32 to index
        %get3A_571 = arith.constant 112 : index
        %get3A_572 = tpu.vector_load %arg13[%get3A_570, %get3A_571] {strides = array<i32>} : memref<320x128xf32, #tpu.memory_space<vmem>>, vector<1x16xf32>,
        %get3A_573 = vector.shape_cast %get3A_572 : vector<1x16xf32> to vector<16xf32>
        %mul3A_574 = vector.broadcast %squeeze3A : f32 to vector<16xf32>
        %mul3A_575 = arith.mulf %mul3A_574, %get3A_573 : vector<16xf32>
        %add3A_576 = arith.addf %get3A_504, %mul3A_575 : vector<16xf32>
        %add3A_577 = arith.constant 1 : i32
        %add3A_578 = arith.addi %mul3A_472, %add3A_577 : i32
        %get3A_579 = arith.index_cast %add3A_578 : i32 to index
        %get3A_580 = arith.constant 0 : index
        %get3A_581 = tpu.vector_load %arg13[%get3A_579, %get3A_580] {strides = array<i32>} : memref<320x128xf32, #tpu.memory_space<vmem>>, vector<1x16xf32>,
        %get3A_582 = vector.shape_cast %get3A_581 : vector<1x16xf32> to vector<16xf32>
        %mul3A_583 = vector.broadcast %squeeze3A_437 : f32 to vector<16xf32>
        %mul3A_584 = arith.mulf %mul3A_583, %get3A_582 : vector<16xf32>
        %add3A_585 = arith.addf %add3A_513, %mul3A_584 : vector<16xf32>
        %add3A_586 = arith.constant 1 : i32
        %add3A_587 = arith.addi %mul3A_472, %add3A_586 : i32
        %get3A_588 = arith.index_cast %add3A_587 : i32 to index
        %get3A_589 = arith.constant 16 : index
        %get3A_590 = tpu.vector_load %arg13[%get3A_588, %get3A_589] {strides = array<i32>} : memref<320x128xf32, #tpu.memory_space<vmem>>, vector<1x16xf32>,
        %get3A_591 = vector.shape_cast %get3A_590 : vector<1x16xf32> to vector<16xf32>
        %mul3A_592 = vector.broadcast %squeeze3A_437 : f32 to vector<16xf32>
        %mul3A_593 = arith.mulf %mul3A_592, %get3A_591 : vector<16xf32>
        %add3A_594 = arith.addf %add3A_522, %mul3A_593 : vector<16xf32>
        %add3A_595 = arith.constant 1 : i32
        %add3A_596 = arith.addi %mul3A_472, %add3A_595 : i32
        %get3A_597 = arith.index_cast %add3A_596 : i32 to index
        %get3A_598 = arith.constant 32 : index
        %get3A_599 = tpu.vector_load %arg13[%get3A_597, %get3A_598] {strides = array<i32>} : memref<320x128xf32, #tpu.memory_space<vmem>>, vector<1x16xf32>,
        %get3A_600 = vector.shape_cast %get3A_599 : vector<1x16xf32> to vector<16xf32>
        %mul3A_601 = vector.broadcast %squeeze3A_437 : f32 to vector<16xf32>
        %mul3A_602 = arith.mulf %mul3A_601, %get3A_600 : vector<16xf32>
        %add3A_603 = arith.addf %add3A_531, %mul3A_602 : vector<16xf32>
        %add3A_604 = arith.constant 1 : i32
        %add3A_605 = arith.addi %mul3A_472, %add3A_604 : i32
        %get3A_606 = arith.index_cast %add3A_605 : i32 to index
        %get3A_607 = arith.constant 48 : index
        %get3A_608 = tpu.vector_load %arg13[%get3A_606, %get3A_607] {strides = array<i32>} : memref<320x128xf32, #tpu.memory_space<vmem>>, vector<1x16xf32>,
        %get3A_609 = vector.shape_cast %get3A_608 : vector<1x16xf32> to vector<16xf32>
        %mul3A_610 = vector.broadcast %squeeze3A_437 : f32 to vector<16xf32>
        %mul3A_611 = arith.mulf %mul3A_610, %get3A_609 : vector<16xf32>
        %add3A_612 = arith.addf %add3A_540, %mul3A_611 : vector<16xf32>
        %add3A_613 = arith.constant 1 : i32
        %add3A_614 = arith.addi %mul3A_472, %add3A_613 : i32
        %get3A_615 = arith.index_cast %add3A_614 : i32 to index
        %get3A_616 = arith.constant 64 : index
        %get3A_617 = tpu.vector_load %arg13[%get3A_615, %get3A_616] {strides = array<i32>} : memref<320x128xf32, #tpu.memory_space<vmem>>, vector<1x16xf32>,
        %get3A_618 = vector.shape_cast %get3A_617 : vector<1x16xf32> to vector<16xf32>
        %mul3A_619 = vector.broadcast %squeeze3A_437 : f32 to vector<16xf32>
        %mul3A_620 = arith.mulf %mul3A_619, %get3A_618 : vector<16xf32>
        %add3A_621 = arith.addf %add3A_549, %mul3A_620 : vector<16xf32>
        %add3A_622 = arith.constant 1 : i32
        %add3A_623 = arith.addi %mul3A_472, %add3A_622 : i32
        %get3A_624 = arith.index_cast %add3A_623 : i32 to index
        %get3A_625 = arith.constant 80 : index
        %get3A_626 = tpu.vector_load %arg13[%get3A_624, %get3A_625] {strides = array<i32>} : memref<320x128xf32, #tpu.memory_space<vmem>>, vector<1x16xf32>,
        %get3A_627 = vector.shape_cast %get3A_626 : vector<1x16xf32> to vector<16xf32>
        %mul3A_628 = vector.broadcast %squeeze3A_437 : f32 to vector<16xf32>
        %mul3A_629 = arith.mulf %mul3A_628, %get3A_627 : vector<16xf32>
        %add3A_630 = arith.addf %add3A_558, %mul3A_629 : vector<16xf32>
        %add3A_631 = arith.constant 1 : i32
        %add3A_632 = arith.addi %mul3A_472, %add3A_631 : i32
        %get3A_633 = arith.index_cast %add3A_632 : i32 to index
        %get3A_634 = arith.constant 96 : index
        %get3A_635 = tpu.vector_load %arg13[%get3A_633, %get3A_634] {strides = array<i32>} : memref<320x128xf32, #tpu.memory_space<vmem>>, vector<1x16xf32>,
        %get3A_636 = vector.shape_cast %get3A_635 : vector<1x16xf32> to vector<16xf32>
        %mul3A_637 = vector.broadcast %squeeze3A_437 : f32 to vector<16xf32>
        %mul3A_638 = arith.mulf %mul3A_637, %get3A_636 : vector<16xf32>
        %add3A_639 = arith.addf %add3A_567, %mul3A_638 : vector<16xf32>
        %add3A_640 = arith.constant 1 : i32
        %add3A_641 = arith.addi %mul3A_472, %add3A_640 : i32
        %get3A_642 = arith.index_cast %add3A_641 : i32 to index
        %get3A_643 = arith.constant 112 : index
        %get3A_644 = tpu.vector_load %arg13[%get3A_642, %get3A_643] {strides = array<i32>} : memref<320x128xf32, #tpu.memory_space<vmem>>, vector<1x16xf32>,
        %get3A_645 = vector.shape_cast %get3A_644 : vector<1x16xf32> to vector<16xf32>
        %mul3A_646 = vector.broadcast %squeeze3A_437 : f32 to vector<16xf32>
        %mul3A_647 = arith.mulf %mul3A_646, %get3A_645 : vector<16xf32>
        %add3A_648 = arith.addf %add3A_576, %mul3A_647 : vector<16xf32>
        %add3A_649 = arith.constant 2 : i32
        %add3A_650 = arith.addi %mul3A_472, %add3A_649 : i32
        %get3A_651 = arith.index_cast %add3A_650 : i32 to index
        %get3A_652 = arith.constant 0 : index
        %get3A_653 = tpu.vector_load %arg13[%get3A_651, %get3A_652] {strides = array<i32>} : memref<320x128xf32, #tpu.memory_space<vmem>>, vector<1x16xf32>,
        %get3A_654 = vector.shape_cast %get3A_653 : vector<1x16xf32> to vector<16xf32>
        %mul3A_655 = vector.broadcast %squeeze3A_439 : f32 to vector<16xf32>
        %mul3A_656 = arith.mulf %mul3A_655, %get3A_654 : vector<16xf32>
        %add3A_657 = arith.addf %add3A_585, %mul3A_656 : vector<16xf32>
        %add3A_658 = arith.constant 2 : i32
        %add3A_659 = arith.addi %mul3A_472, %add3A_658 : i32
        %get3A_660 = arith.index_cast %add3A_659 : i32 to index
        %get3A_661 = arith.constant 16 : index
        %get3A_662 = tpu.vector_load %arg13[%get3A_660, %get3A_661] {strides = array<i32>} : memref<320x128xf32, #tpu.memory_space<vmem>>, vector<1x16xf32>,
        %get3A_663 = vector.shape_cast %get3A_662 : vector<1x16xf32> to vector<16xf32>
        %mul3A_664 = vector.broadcast %squeeze3A_439 : f32 to vector<16xf32>
        %mul3A_665 = arith.mulf %mul3A_664, %get3A_663 : vector<16xf32>
        %add3A_666 = arith.addf %add3A_594, %mul3A_665 : vector<16xf32>
        %add3A_667 = arith.constant 2 : i32
        %add3A_668 = arith.addi %mul3A_472, %add3A_667 : i32
        %get3A_669 = arith.index_cast %add3A_668 : i32 to index
        %get3A_670 = arith.constant 32 : index
        %get3A_671 = tpu.vector_load %arg13[%get3A_669, %get3A_670] {strides = array<i32>} : memref<320x128xf32, #tpu.memory_space<vmem>>, vector<1x16xf32>,
        %get3A_672 = vector.shape_cast %get3A_671 : vector<1x16xf32> to vector<16xf32>
        %mul3A_673 = vector.broadcast %squeeze3A_439 : f32 to vector<16xf32>
        %mul3A_674 = arith.mulf %mul3A_673, %get3A_672 : vector<16xf32>
        %add3A_675 = arith.addf %add3A_603, %mul3A_674 : vector<16xf32>
        %add3A_676 = arith.constant 2 : i32
        %add3A_677 = arith.addi %mul3A_472, %add3A_676 : i32
        %get3A_678 = arith.index_cast %add3A_677 : i32 to index
        %get3A_679 = arith.constant 48 : index
        %get3A_680 = tpu.vector_load %arg13[%get3A_678, %get3A_679] {strides = array<i32>} : memref<320x128xf32, #tpu.memory_space<vmem>>, vector<1x16xf32>,
        %get3A_681 = vector.shape_cast %get3A_680 : vector<1x16xf32> to vector<16xf32>
        %mul3A_682 = vector.broadcast %squeeze3A_439 : f32 to vector<16xf32>
        %mul3A_683 = arith.mulf %mul3A_682, %get3A_681 : vector<16xf32>
        %add3A_684 = arith.addf %add3A_612, %mul3A_683 : vector<16xf32>
        %add3A_685 = arith.constant 2 : i32
        %add3A_686 = arith.addi %mul3A_472, %add3A_685 : i32
        %get3A_687 = arith.index_cast %add3A_686 : i32 to index
        %get3A_688 = arith.constant 64 : index
        %get3A_689 = tpu.vector_load %arg13[%get3A_687, %get3A_688] {strides = array<i32>} : memref<320x128xf32, #tpu.memory_space<vmem>>, vector<1x16xf32>,
        %get3A_690 = vector.shape_cast %get3A_689 : vector<1x16xf32> to vector<16xf32>
        %mul3A_691 = vector.broadcast %squeeze3A_439 : f32 to vector<16xf32>
        %mul3A_692 = arith.mulf %mul3A_691, %get3A_690 : vector<16xf32>
        %add3A_693 = arith.addf %add3A_621, %mul3A_692 : vector<16xf32>
        %add3A_694 = arith.constant 2 : i32
        %add3A_695 = arith.addi %mul3A_472, %add3A_694 : i32
        %get3A_696 = arith.index_cast %add3A_695 : i32 to index
        %get3A_697 = arith.constant 80 : index
        %get3A_698 = tpu.vector_load %arg13[%get3A_696, %get3A_697] {strides = array<i32>} : memref<320x128xf32, #tpu.memory_space<vmem>>, vector<1x16xf32>,
        %get3A_699 = vector.shape_cast %get3A_698 : vector<1x16xf32> to vector<16xf32>
        %mul3A_700 = vector.broadcast %squeeze3A_439 : f32 to vector<16xf32>
        %mul3A_701 = arith.mulf %mul3A_700, %get3A_699 : vector<16xf32>
        %add3A_702 = arith.addf %add3A_630, %mul3A_701 : vector<16xf32>
        %add3A_703 = arith.constant 2 : i32
        %add3A_704 = arith.addi %mul3A_472, %add3A_703 : i32
        %get3A_705 = arith.index_cast %add3A_704 : i32 to index
        %get3A_706 = arith.constant 96 : index
        %get3A_707 = tpu.vector_load %arg13[%get3A_705, %get3A_706] {strides = array<i32>} : memref<320x128xf32, #tpu.memory_space<vmem>>, vector<1x16xf32>,
        %get3A_708 = vector.shape_cast %get3A_707 : vector<1x16xf32> to vector<16xf32>
        %mul3A_709 = vector.broadcast %squeeze3A_439 : f32 to vector<16xf32>
        %mul3A_710 = arith.mulf %mul3A_709, %get3A_708 : vector<16xf32>
        %add3A_711 = arith.addf %add3A_639, %mul3A_710 : vector<16xf32>
        %add3A_712 = arith.constant 2 : i32
        %add3A_713 = arith.addi %mul3A_472, %add3A_712 : i32
        %get3A_714 = arith.index_cast %add3A_713 : i32 to index
        %get3A_715 = arith.constant 112 : index
        %get3A_716 = tpu.vector_load %arg13[%get3A_714, %get3A_715] {strides = array<i32>} : memref<320x128xf32, #tpu.memory_space<vmem>>, vector<1x16xf32>,
        %get3A_717 = vector.shape_cast %get3A_716 : vector<1x16xf32> to vector<16xf32>
        %mul3A_718 = vector.broadcast %squeeze3A_439 : f32 to vector<16xf32>
        %mul3A_719 = arith.mulf %mul3A_718, %get3A_717 : vector<16xf32>
        %add3A_720 = arith.addf %add3A_648, %mul3A_719 : vector<16xf32>
        %add3A_721 = arith.constant 3 : i32
        %add3A_722 = arith.addi %mul3A_472, %add3A_721 : i32
        %get3A_723 = arith.index_cast %add3A_722 : i32 to index
        %get3A_724 = arith.constant 0 : index
        %get3A_725 = tpu.vector_load %arg13[%get3A_723, %get3A_724] {strides = array<i32>} : memref<320x128xf32, #tpu.memory_space<vmem>>, vector<1x16xf32>,
        %get3A_726 = vector.shape_cast %get3A_725 : vector<1x16xf32> to vector<16xf32>
        %mul3A_727 = vector.broadcast %squeeze3A_441 : f32 to vector<16xf32>
        %mul3A_728 = arith.mulf %mul3A_727, %get3A_726 : vector<16xf32>
        %add3A_729 = arith.addf %add3A_657, %mul3A_728 : vector<16xf32>
        %add3A_730 = arith.constant 3 : i32
        %add3A_731 = arith.addi %mul3A_472, %add3A_730 : i32
        %get3A_732 = arith.index_cast %add3A_731 : i32 to index
        %get3A_733 = arith.constant 16 : index
        %get3A_734 = tpu.vector_load %arg13[%get3A_732, %get3A_733] {strides = array<i32>} : memref<320x128xf32, #tpu.memory_space<vmem>>, vector<1x16xf32>,
        %get3A_735 = vector.shape_cast %get3A_734 : vector<1x16xf32> to vector<16xf32>
        %mul3A_736 = vector.broadcast %squeeze3A_441 : f32 to vector<16xf32>
        %mul3A_737 = arith.mulf %mul3A_736, %get3A_735 : vector<16xf32>
        %add3A_738 = arith.addf %add3A_666, %mul3A_737 : vector<16xf32>
        %add3A_739 = arith.constant 3 : i32
        %add3A_740 = arith.addi %mul3A_472, %add3A_739 : i32
        %get3A_741 = arith.index_cast %add3A_740 : i32 to index
        %get3A_742 = arith.constant 32 : index
        %get3A_743 = tpu.vector_load %arg13[%get3A_741, %get3A_742] {strides = array<i32>} : memref<320x128xf32, #tpu.memory_space<vmem>>, vector<1x16xf32>,
        %get3A_744 = vector.shape_cast %get3A_743 : vector<1x16xf32> to vector<16xf32>
        %mul3A_745 = vector.broadcast %squeeze3A_441 : f32 to vector<16xf32>
        %mul3A_746 = arith.mulf %mul3A_745, %get3A_744 : vector<16xf32>
        %add3A_747 = arith.addf %add3A_675, %mul3A_746 : vector<16xf32>
        %add3A_748 = arith.constant 3 : i32
        %add3A_749 = arith.addi %mul3A_472, %add3A_748 : i32
        %get3A_750 = arith.index_cast %add3A_749 : i32 to index
        %get3A_751 = arith.constant 48 : index
        %get3A_752 = tpu.vector_load %arg13[%get3A_750, %get3A_751] {strides = array<i32>} : memref<320x128xf32, #tpu.memory_space<vmem>>, vector<1x16xf32>,
        %get3A_753 = vector.shape_cast %get3A_752 : vector<1x16xf32> to vector<16xf32>
        %mul3A_754 = vector.broadcast %squeeze3A_441 : f32 to vector<16xf32>
        %mul3A_755 = arith.mulf %mul3A_754, %get3A_753 : vector<16xf32>
        %add3A_756 = arith.addf %add3A_684, %mul3A_755 : vector<16xf32>
        %add3A_757 = arith.constant 3 : i32
        %add3A_758 = arith.addi %mul3A_472, %add3A_757 : i32
        %get3A_759 = arith.index_cast %add3A_758 : i32 to index
        %get3A_760 = arith.constant 64 : index
        %get3A_761 = tpu.vector_load %arg13[%get3A_759, %get3A_760] {strides = array<i32>} : memref<320x128xf32, #tpu.memory_space<vmem>>, vector<1x16xf32>,
        %get3A_762 = vector.shape_cast %get3A_761 : vector<1x16xf32> to vector<16xf32>
        %mul3A_763 = vector.broadcast %squeeze3A_441 : f32 to vector<16xf32>
        %mul3A_764 = arith.mulf %mul3A_763, %get3A_762 : vector<16xf32>
        %add3A_765 = arith.addf %add3A_693, %mul3A_764 : vector<16xf32>
        %add3A_766 = arith.constant 3 : i32
        %add3A_767 = arith.addi %mul3A_472, %add3A_766 : i32
        %get3A_768 = arith.index_cast %add3A_767 : i32 to index
        %get3A_769 = arith.constant 80 : index
        %get3A_770 = tpu.vector_load %arg13[%get3A_768, %get3A_769] {strides = array<i32>} : memref<320x128xf32, #tpu.memory_space<vmem>>, vector<1x16xf32>,
        %get3A_771 = vector.shape_cast %get3A_770 : vector<1x16xf32> to vector<16xf32>
        %mul3A_772 = vector.broadcast %squeeze3A_441 : f32 to vector<16xf32>
        %mul3A_773 = arith.mulf %mul3A_772, %get3A_771 : vector<16xf32>
        %add3A_774 = arith.addf %add3A_702, %mul3A_773 : vector<16xf32>
        %add3A_775 = arith.constant 3 : i32
        %add3A_776 = arith.addi %mul3A_472, %add3A_775 : i32
        %get3A_777 = arith.index_cast %add3A_776 : i32 to index
        %get3A_778 = arith.constant 96 : index
        %get3A_779 = tpu.vector_load %arg13[%get3A_777, %get3A_778] {strides = array<i32>} : memref<320x128xf32, #tpu.memory_space<vmem>>, vector<1x16xf32>,
        %get3A_780 = vector.shape_cast %get3A_779 : vector<1x16xf32> to vector<16xf32>
        %mul3A_781 = vector.broadcast %squeeze3A_441 : f32 to vector<16xf32>
        %mul3A_782 = arith.mulf %mul3A_781, %get3A_780 : vector<16xf32>
        %add3A_783 = arith.addf %add3A_711, %mul3A_782 : vector<16xf32>
        %add3A_784 = arith.constant 3 : i32
        %add3A_785 = arith.addi %mul3A_472, %add3A_784 : i32
        %get3A_786 = arith.index_cast %add3A_785 : i32 to index
        %get3A_787 = arith.constant 112 : index
        %get3A_788 = tpu.vector_load %arg13[%get3A_786, %get3A_787] {strides = array<i32>} : memref<320x128xf32, #tpu.memory_space<vmem>>, vector<1x16xf32>,
        %get3A_789 = vector.shape_cast %get3A_788 : vector<1x16xf32> to vector<16xf32>
        %mul3A_790 = vector.broadcast %squeeze3A_441 : f32 to vector<16xf32>
        %mul3A_791 = arith.mulf %mul3A_790, %get3A_789 : vector<16xf32>
        %add3A_792 = arith.addf %add3A_720, %mul3A_791 : vector<16xf32>
        %add3A_793 = arith.constant 4 : i32
        %add3A_794 = arith.addi %mul3A_472, %add3A_793 : i32
        %get3A_795 = arith.index_cast %add3A_794 : i32 to index
        %get3A_796 = arith.constant 0 : index
        %get3A_797 = tpu.vector_load %arg13[%get3A_795, %get3A_796] {strides = array<i32>} : memref<320x128xf32, #tpu.memory_space<vmem>>, vector<1x16xf32>,
        %get3A_798 = vector.shape_cast %get3A_797 : vector<1x16xf32> to vector<16xf32>
        %mul3A_799 = vector.broadcast %squeeze3A_443 : f32 to vector<16xf32>
        %mul3A_800 = arith.mulf %mul3A_799, %get3A_798 : vector<16xf32>
        %add3A_801 = arith.addf %add3A_729, %mul3A_800 : vector<16xf32>
        %add3A_802 = arith.constant 4 : i32
        %add3A_803 = arith.addi %mul3A_472, %add3A_802 : i32
        %get3A_804 = arith.index_cast %add3A_803 : i32 to index
        %get3A_805 = arith.constant 16 : index
        %get3A_806 = tpu.vector_load %arg13[%get3A_804, %get3A_805] {strides = array<i32>} : memref<320x128xf32, #tpu.memory_space<vmem>>, vector<1x16xf32>,
        %get3A_807 = vector.shape_cast %get3A_806 : vector<1x16xf32> to vector<16xf32>
        %mul3A_808 = vector.broadcast %squeeze3A_443 : f32 to vector<16xf32>
        %mul3A_809 = arith.mulf %mul3A_808, %get3A_807 : vector<16xf32>
        %add3A_810 = arith.addf %add3A_738, %mul3A_809 : vector<16xf32>
        %add3A_811 = arith.constant 4 : i32
        %add3A_812 = arith.addi %mul3A_472, %add3A_811 : i32
        %get3A_813 = arith.index_cast %add3A_812 : i32 to index
        %get3A_814 = arith.constant 32 : index
        %get3A_815 = tpu.vector_load %arg13[%get3A_813, %get3A_814] {strides = array<i32>} : memref<320x128xf32, #tpu.memory_space<vmem>>, vector<1x16xf32>,
        %get3A_816 = vector.shape_cast %get3A_815 : vector<1x16xf32> to vector<16xf32>
        %mul3A_817 = vector.broadcast %squeeze3A_443 : f32 to vector<16xf32>
        %mul3A_818 = arith.mulf %mul3A_817, %get3A_816 : vector<16xf32>
        %add3A_819 = arith.addf %add3A_747, %mul3A_818 : vector<16xf32>
        %add3A_820 = arith.constant 4 : i32
        %add3A_821 = arith.addi %mul3A_472, %add3A_820 : i32
        %get3A_822 = arith.index_cast %add3A_821 : i32 to index
        %get3A_823 = arith.constant 48 : index
        %get3A_824 = tpu.vector_load %arg13[%get3A_822, %get3A_823] {strides = array<i32>} : memref<320x128xf32, #tpu.memory_space<vmem>>, vector<1x16xf32>,
        %get3A_825 = vector.shape_cast %get3A_824 : vector<1x16xf32> to vector<16xf32>
        %mul3A_826 = vector.broadcast %squeeze3A_443 : f32 to vector<16xf32>
        %mul3A_827 = arith.mulf %mul3A_826, %get3A_825 : vector<16xf32>
        %add3A_828 = arith.addf %add3A_756, %mul3A_827 : vector<16xf32>
        %add3A_829 = arith.constant 4 : i32
        %add3A_830 = arith.addi %mul3A_472, %add3A_829 : i32
        %get3A_831 = arith.index_cast %add3A_830 : i32 to index
        %get3A_832 = arith.constant 64 : index
        %get3A_833 = tpu.vector_load %arg13[%get3A_831, %get3A_832] {strides = array<i32>} : memref<320x128xf32, #tpu.memory_space<vmem>>, vector<1x16xf32>,
        %get3A_834 = vector.shape_cast %get3A_833 : vector<1x16xf32> to vector<16xf32>
        %mul3A_835 = vector.broadcast %squeeze3A_443 : f32 to vector<16xf32>
        %mul3A_836 = arith.mulf %mul3A_835, %get3A_834 : vector<16xf32>
        %add3A_837 = arith.addf %add3A_765, %mul3A_836 : vector<16xf32>
        %add3A_838 = arith.constant 4 : i32
        %add3A_839 = arith.addi %mul3A_472, %add3A_838 : i32
        %get3A_840 = arith.index_cast %add3A_839 : i32 to index
        %get3A_841 = arith.constant 80 : index
        %get3A_842 = tpu.vector_load %arg13[%get3A_840, %get3A_841] {strides = array<i32>} : memref<320x128xf32, #tpu.memory_space<vmem>>, vector<1x16xf32>,
        %get3A_843 = vector.shape_cast %get3A_842 : vector<1x16xf32> to vector<16xf32>
        %mul3A_844 = vector.broadcast %squeeze3A_443 : f32 to vector<16xf32>
        %mul3A_845 = arith.mulf %mul3A_844, %get3A_843 : vector<16xf32>
        %add3A_846 = arith.addf %add3A_774, %mul3A_845 : vector<16xf32>
        %add3A_847 = arith.constant 4 : i32
        %add3A_848 = arith.addi %mul3A_472, %add3A_847 : i32
        %get3A_849 = arith.index_cast %add3A_848 : i32 to index
        %get3A_850 = arith.constant 96 : index
        %get3A_851 = tpu.vector_load %arg13[%get3A_849, %get3A_850] {strides = array<i32>} : memref<320x128xf32, #tpu.memory_space<vmem>>, vector<1x16xf32>,
        %get3A_852 = vector.shape_cast %get3A_851 : vector<1x16xf32> to vector<16xf32>
        %mul3A_853 = vector.broadcast %squeeze3A_443 : f32 to vector<16xf32>
        %mul3A_854 = arith.mulf %mul3A_853, %get3A_852 : vector<16xf32>
        %add3A_855 = arith.addf %add3A_783, %mul3A_854 : vector<16xf32>
        %add3A_856 = arith.constant 4 : i32
        %add3A_857 = arith.addi %mul3A_472, %add3A_856 : i32
        %get3A_858 = arith.index_cast %add3A_857 : i32 to index
        %get3A_859 = arith.constant 112 : index
        %get3A_860 = tpu.vector_load %arg13[%get3A_858, %get3A_859] {strides = array<i32>} : memref<320x128xf32, #tpu.memory_space<vmem>>, vector<1x16xf32>,
        %get3A_861 = vector.shape_cast %get3A_860 : vector<1x16xf32> to vector<16xf32>
        %mul3A_862 = vector.broadcast %squeeze3A_443 : f32 to vector<16xf32>
        %mul3A_863 = arith.mulf %mul3A_862, %get3A_861 : vector<16xf32>
        %add3A_864 = arith.addf %add3A_792, %mul3A_863 : vector<16xf32>
        %add3A_865 = arith.constant 5 : i32
        %add3A_866 = arith.addi %mul3A_472, %add3A_865 : i32
        %get3A_867 = arith.index_cast %add3A_866 : i32 to index
        %get3A_868 = arith.constant 0 : index
        %get3A_869 = tpu.vector_load %arg13[%get3A_867, %get3A_868] {strides = array<i32>} : memref<320x128xf32, #tpu.memory_space<vmem>>, vector<1x16xf32>,
        %get3A_870 = vector.shape_cast %get3A_869 : vector<1x16xf32> to vector<16xf32>
        %mul3A_871 = vector.broadcast %squeeze3A_445 : f32 to vector<16xf32>
        %mul3A_872 = arith.mulf %mul3A_871, %get3A_870 : vector<16xf32>
        %add3A_873 = arith.addf %add3A_801, %mul3A_872 : vector<16xf32>
        %add3A_874 = arith.constant 5 : i32
        %add3A_875 = arith.addi %mul3A_472, %add3A_874 : i32
        %get3A_876 = arith.index_cast %add3A_875 : i32 to index
        %get3A_877 = arith.constant 16 : index
        %get3A_878 = tpu.vector_load %arg13[%get3A_876, %get3A_877] {strides = array<i32>} : memref<320x128xf32, #tpu.memory_space<vmem>>, vector<1x16xf32>,
        %get3A_879 = vector.shape_cast %get3A_878 : vector<1x16xf32> to vector<16xf32>
        %mul3A_880 = vector.broadcast %squeeze3A_445 : f32 to vector<16xf32>
        %mul3A_881 = arith.mulf %mul3A_880, %get3A_879 : vector<16xf32>
        %add3A_882 = arith.addf %add3A_810, %mul3A_881 : vector<16xf32>
        %add3A_883 = arith.constant 5 : i32
        %add3A_884 = arith.addi %mul3A_472, %add3A_883 : i32
        %get3A_885 = arith.index_cast %add3A_884 : i32 to index
        %get3A_886 = arith.constant 32 : index
        %get3A_887 = tpu.vector_load %arg13[%get3A_885, %get3A_886] {strides = array<i32>} : memref<320x128xf32, #tpu.memory_space<vmem>>, vector<1x16xf32>,
        %get3A_888 = vector.shape_cast %get3A_887 : vector<1x16xf32> to vector<16xf32>
        %mul3A_889 = vector.broadcast %squeeze3A_445 : f32 to vector<16xf32>
        %mul3A_890 = arith.mulf %mul3A_889, %get3A_888 : vector<16xf32>
        %add3A_891 = arith.addf %add3A_819, %mul3A_890 : vector<16xf32>
        %add3A_892 = arith.constant 5 : i32
        %add3A_893 = arith.addi %mul3A_472, %add3A_892 : i32
        %get3A_894 = arith.index_cast %add3A_893 : i32 to index
        %get3A_895 = arith.constant 48 : index
        %get3A_896 = tpu.vector_load %arg13[%get3A_894, %get3A_895] {strides = array<i32>} : memref<320x128xf32, #tpu.memory_space<vmem>>, vector<1x16xf32>,
        %get3A_897 = vector.shape_cast %get3A_896 : vector<1x16xf32> to vector<16xf32>
        %mul3A_898 = vector.broadcast %squeeze3A_445 : f32 to vector<16xf32>
        %mul3A_899 = arith.mulf %mul3A_898, %get3A_897 : vector<16xf32>
        %add3A_900 = arith.addf %add3A_828, %mul3A_899 : vector<16xf32>
        %add3A_901 = arith.constant 5 : i32
        %add3A_902 = arith.addi %mul3A_472, %add3A_901 : i32
        %get3A_903 = arith.index_cast %add3A_902 : i32 to index
        %get3A_904 = arith.constant 64 : index
        %get3A_905 = tpu.vector_load %arg13[%get3A_903, %get3A_904] {strides = array<i32>} : memref<320x128xf32, #tpu.memory_space<vmem>>, vector<1x16xf32>,
        %get3A_906 = vector.shape_cast %get3A_905 : vector<1x16xf32> to vector<16xf32>
        %mul3A_907 = vector.broadcast %squeeze3A_445 : f32 to vector<16xf32>
        %mul3A_908 = arith.mulf %mul3A_907, %get3A_906 : vector<16xf32>
        %add3A_909 = arith.addf %add3A_837, %mul3A_908 : vector<16xf32>
        %add3A_910 = arith.constant 5 : i32
        %add3A_911 = arith.addi %mul3A_472, %add3A_910 : i32
        %get3A_912 = arith.index_cast %add3A_911 : i32 to index
        %get3A_913 = arith.constant 80 : index
        %get3A_914 = tpu.vector_load %arg13[%get3A_912, %get3A_913] {strides = array<i32>} : memref<320x128xf32, #tpu.memory_space<vmem>>, vector<1x16xf32>,
        %get3A_915 = vector.shape_cast %get3A_914 : vector<1x16xf32> to vector<16xf32>
        %mul3A_916 = vector.broadcast %squeeze3A_445 : f32 to vector<16xf32>
        %mul3A_917 = arith.mulf %mul3A_916, %get3A_915 : vector<16xf32>
        %add3A_918 = arith.addf %add3A_846, %mul3A_917 : vector<16xf32>
        %add3A_919 = arith.constant 5 : i32
        %add3A_920 = arith.addi %mul3A_472, %add3A_919 : i32
        %get3A_921 = arith.index_cast %add3A_920 : i32 to index
        %get3A_922 = arith.constant 96 : index
        %get3A_923 = tpu.vector_load %arg13[%get3A_921, %get3A_922] {strides = array<i32>} : memref<320x128xf32, #tpu.memory_space<vmem>>, vector<1x16xf32>,
        %get3A_924 = vector.shape_cast %get3A_923 : vector<1x16xf32> to vector<16xf32>
        %mul3A_925 = vector.broadcast %squeeze3A_445 : f32 to vector<16xf32>
        %mul3A_926 = arith.mulf %mul3A_925, %get3A_924 : vector<16xf32>
        %add3A_927 = arith.addf %add3A_855, %mul3A_926 : vector<16xf32>
        %add3A_928 = arith.constant 5 : i32
        %add3A_929 = arith.addi %mul3A_472, %add3A_928 : i32
        %get3A_930 = arith.index_cast %add3A_929 : i32 to index
        %get3A_931 = arith.constant 112 : index
        %get3A_932 = tpu.vector_load %arg13[%get3A_930, %get3A_931] {strides = array<i32>} : memref<320x128xf32, #tpu.memory_space<vmem>>, vector<1x16xf32>,
        %get3A_933 = vector.shape_cast %get3A_932 : vector<1x16xf32> to vector<16xf32>
        %mul3A_934 = vector.broadcast %squeeze3A_445 : f32 to vector<16xf32>
        %mul3A_935 = arith.mulf %mul3A_934, %get3A_933 : vector<16xf32>
        %add3A_936 = arith.addf %add3A_864, %mul3A_935 : vector<16xf32>
        %add3A_937 = arith.constant 6 : i32
        %add3A_938 = arith.addi %mul3A_472, %add3A_937 : i32
        %get3A_939 = arith.index_cast %add3A_938 : i32 to index
        %get3A_940 = arith.constant 0 : index
        %get3A_941 = tpu.vector_load %arg13[%get3A_939, %get3A_940] {strides = array<i32>} : memref<320x128xf32, #tpu.memory_space<vmem>>, vector<1x16xf32>,
        %get3A_942 = vector.shape_cast %get3A_941 : vector<1x16xf32> to vector<16xf32>
        %mul3A_943 = vector.broadcast %squeeze3A_447 : f32 to vector<16xf32>
        %mul3A_944 = arith.mulf %mul3A_943, %get3A_942 : vector<16xf32>
        %add3A_945 = arith.addf %add3A_873, %mul3A_944 : vector<16xf32>
        %add3A_946 = arith.constant 6 : i32
        %add3A_947 = arith.addi %mul3A_472, %add3A_946 : i32
        %get3A_948 = arith.index_cast %add3A_947 : i32 to index
        %get3A_949 = arith.constant 16 : index
        %get3A_950 = tpu.vector_load %arg13[%get3A_948, %get3A_949] {strides = array<i32>} : memref<320x128xf32, #tpu.memory_space<vmem>>, vector<1x16xf32>,
        %get3A_951 = vector.shape_cast %get3A_950 : vector<1x16xf32> to vector<16xf32>
        %mul3A_952 = vector.broadcast %squeeze3A_447 : f32 to vector<16xf32>
        %mul3A_953 = arith.mulf %mul3A_952, %get3A_951 : vector<16xf32>
        %add3A_954 = arith.addf %add3A_882, %mul3A_953 : vector<16xf32>
        %add3A_955 = arith.constant 6 : i32
        %add3A_956 = arith.addi %mul3A_472, %add3A_955 : i32
        %get3A_957 = arith.index_cast %add3A_956 : i32 to index
        %get3A_958 = arith.constant 32 : index
        %get3A_959 = tpu.vector_load %arg13[%get3A_957, %get3A_958] {strides = array<i32>} : memref<320x128xf32, #tpu.memory_space<vmem>>, vector<1x16xf32>,
        %get3A_960 = vector.shape_cast %get3A_959 : vector<1x16xf32> to vector<16xf32>
        %mul3A_961 = vector.broadcast %squeeze3A_447 : f32 to vector<16xf32>
        %mul3A_962 = arith.mulf %mul3A_961, %get3A_960 : vector<16xf32>
        %add3A_963 = arith.addf %add3A_891, %mul3A_962 : vector<16xf32>
        %add3A_964 = arith.constant 6 : i32
        %add3A_965 = arith.addi %mul3A_472, %add3A_964 : i32
        %get3A_966 = arith.index_cast %add3A_965 : i32 to index
        %get3A_967 = arith.constant 48 : index
        %get3A_968 = tpu.vector_load %arg13[%get3A_966, %get3A_967] {strides = array<i32>} : memref<320x128xf32, #tpu.memory_space<vmem>>, vector<1x16xf32>,
        %get3A_969 = vector.shape_cast %get3A_968 : vector<1x16xf32> to vector<16xf32>
        %mul3A_970 = vector.broadcast %squeeze3A_447 : f32 to vector<16xf32>
        %mul3A_971 = arith.mulf %mul3A_970, %get3A_969 : vector<16xf32>
        %add3A_972 = arith.addf %add3A_900, %mul3A_971 : vector<16xf32>
        %add3A_973 = arith.constant 6 : i32
        %add3A_974 = arith.addi %mul3A_472, %add3A_973 : i32
        %get3A_975 = arith.index_cast %add3A_974 : i32 to index
        %get3A_976 = arith.constant 64 : index
        %get3A_977 = tpu.vector_load %arg13[%get3A_975, %get3A_976] {strides = array<i32>} : memref<320x128xf32, #tpu.memory_space<vmem>>, vector<1x16xf32>,
        %get3A_978 = vector.shape_cast %get3A_977 : vector<1x16xf32> to vector<16xf32>
        %mul3A_979 = vector.broadcast %squeeze3A_447 : f32 to vector<16xf32>
        %mul3A_980 = arith.mulf %mul3A_979, %get3A_978 : vector<16xf32>
        %add3A_981 = arith.addf %add3A_909, %mul3A_980 : vector<16xf32>
        %add3A_982 = arith.constant 6 : i32
        %add3A_983 = arith.addi %mul3A_472, %add3A_982 : i32
        %get3A_984 = arith.index_cast %add3A_983 : i32 to index
        %get3A_985 = arith.constant 80 : index
        %get3A_986 = tpu.vector_load %arg13[%get3A_984, %get3A_985] {strides = array<i32>} : memref<320x128xf32, #tpu.memory_space<vmem>>, vector<1x16xf32>,
        %get3A_987 = vector.shape_cast %get3A_986 : vector<1x16xf32> to vector<16xf32>
        %mul3A_988 = vector.broadcast %squeeze3A_447 : f32 to vector<16xf32>
        %mul3A_989 = arith.mulf %mul3A_988, %get3A_987 : vector<16xf32>
        %add3A_990 = arith.addf %add3A_918, %mul3A_989 : vector<16xf32>
        %add3A_991 = arith.constant 6 : i32
        %add3A_992 = arith.addi %mul3A_472, %add3A_991 : i32
        %get3A_993 = arith.index_cast %add3A_992 : i32 to index
        %get3A_994 = arith.constant 96 : index
        %get3A_995 = tpu.vector_load %arg13[%get3A_993, %get3A_994] {strides = array<i32>} : memref<320x128xf32, #tpu.memory_space<vmem>>, vector<1x16xf32>,
        %get3A_996 = vector.shape_cast %get3A_995 : vector<1x16xf32> to vector<16xf32>
        %mul3A_997 = vector.broadcast %squeeze3A_447 : f32 to vector<16xf32>
        %mul3A_998 = arith.mulf %mul3A_997, %get3A_996 : vector<16xf32>
        %add3A_999 = arith.addf %add3A_927, %mul3A_998 : vector<16xf32>
        %add3A_1000 = arith.constant 6 : i32
        %add3A_1001 = arith.addi %mul3A_472, %add3A_1000 : i32
        %get3A_1002 = arith.index_cast %add3A_1001 : i32 to index
        %get3A_1003 = arith.constant 112 : index
        %get3A_1004 = tpu.vector_load %arg13[%get3A_1002, %get3A_1003] {strides = array<i32>} : memref<320x128xf32, #tpu.memory_space<vmem>>, vector<1x16xf32>,
        %get3A_1005 = vector.shape_cast %get3A_1004 : vector<1x16xf32> to vector<16xf32>
        %mul3A_1006 = vector.broadcast %squeeze3A_447 : f32 to vector<16xf32>
        %mul3A_1007 = arith.mulf %mul3A_1006, %get3A_1005 : vector<16xf32>
        %add3A_1008 = arith.addf %add3A_936, %mul3A_1007 : vector<16xf32>
        %add3A_1009 = arith.constant 7 : i32
        %add3A_1010 = arith.addi %mul3A_472, %add3A_1009 : i32
        %get3A_1011 = arith.index_cast %add3A_1010 : i32 to index
        %get3A_1012 = arith.constant 0 : index
        %get3A_1013 = tpu.vector_load %arg13[%get3A_1011, %get3A_1012] {strides = array<i32>} : memref<320x128xf32, #tpu.memory_space<vmem>>, vector<1x16xf32>,
        %get3A_1014 = vector.shape_cast %get3A_1013 : vector<1x16xf32> to vector<16xf32>
        %mul3A_1015 = vector.broadcast %squeeze3A_449 : f32 to vector<16xf32>
        %mul3A_1016 = arith.mulf %mul3A_1015, %get3A_1014 : vector<16xf32>
        %add3A_1017 = arith.addf %add3A_945, %mul3A_1016 : vector<16xf32>
        %add3A_1018 = arith.constant 7 : i32
        %add3A_1019 = arith.addi %mul3A_472, %add3A_1018 : i32
        %get3A_1020 = arith.index_cast %add3A_1019 : i32 to index
        %get3A_1021 = arith.constant 16 : index
        %get3A_1022 = tpu.vector_load %arg13[%get3A_1020, %get3A_1021] {strides = array<i32>} : memref<320x128xf32, #tpu.memory_space<vmem>>, vector<1x16xf32>,
        %get3A_1023 = vector.shape_cast %get3A_1022 : vector<1x16xf32> to vector<16xf32>
        %mul3A_1024 = vector.broadcast %squeeze3A_449 : f32 to vector<16xf32>
        %mul3A_1025 = arith.mulf %mul3A_1024, %get3A_1023 : vector<16xf32>
        %add3A_1026 = arith.addf %add3A_954, %mul3A_1025 : vector<16xf32>
        %add3A_1027 = arith.constant 7 : i32
        %add3A_1028 = arith.addi %mul3A_472, %add3A_1027 : i32
        %get3A_1029 = arith.index_cast %add3A_1028 : i32 to index
        %get3A_1030 = arith.constant 32 : index
        %get3A_1031 = tpu.vector_load %arg13[%get3A_1029, %get3A_1030] {strides = array<i32>} : memref<320x128xf32, #tpu.memory_space<vmem>>, vector<1x16xf32>,
        %get3A_1032 = vector.shape_cast %get3A_1031 : vector<1x16xf32> to vector<16xf32>
        %mul3A_1033 = vector.broadcast %squeeze3A_449 : f32 to vector<16xf32>
        %mul3A_1034 = arith.mulf %mul3A_1033, %get3A_1032 : vector<16xf32>
        %add3A_1035 = arith.addf %add3A_963, %mul3A_1034 : vector<16xf32>
        %add3A_1036 = arith.constant 7 : i32
        %add3A_1037 = arith.addi %mul3A_472, %add3A_1036 : i32
        %get3A_1038 = arith.index_cast %add3A_1037 : i32 to index
        %get3A_1039 = arith.constant 48 : index
        %get3A_1040 = tpu.vector_load %arg13[%get3A_1038, %get3A_1039] {strides = array<i32>} : memref<320x128xf32, #tpu.memory_space<vmem>>, vector<1x16xf32>,
        %get3A_1041 = vector.shape_cast %get3A_1040 : vector<1x16xf32> to vector<16xf32>
        %mul3A_1042 = vector.broadcast %squeeze3A_449 : f32 to vector<16xf32>
        %mul3A_1043 = arith.mulf %mul3A_1042, %get3A_1041 : vector<16xf32>
        %add3A_1044 = arith.addf %add3A_972, %mul3A_1043 : vector<16xf32>
        %add3A_1045 = arith.constant 7 : i32
        %add3A_1046 = arith.addi %mul3A_472, %add3A_1045 : i32
        %get3A_1047 = arith.index_cast %add3A_1046 : i32 to index
        %get3A_1048 = arith.constant 64 : index
        %get3A_1049 = tpu.vector_load %arg13[%get3A_1047, %get3A_1048] {strides = array<i32>} : memref<320x128xf32, #tpu.memory_space<vmem>>, vector<1x16xf32>,
        %get3A_1050 = vector.shape_cast %get3A_1049 : vector<1x16xf32> to vector<16xf32>
        %mul3A_1051 = vector.broadcast %squeeze3A_449 : f32 to vector<16xf32>
        %mul3A_1052 = arith.mulf %mul3A_1051, %get3A_1050 : vector<16xf32>
        %add3A_1053 = arith.addf %add3A_981, %mul3A_1052 : vector<16xf32>
        %add3A_1054 = arith.constant 7 : i32
        %add3A_1055 = arith.addi %mul3A_472, %add3A_1054 : i32
        %get3A_1056 = arith.index_cast %add3A_1055 : i32 to index
        %get3A_1057 = arith.constant 80 : index
        %get3A_1058 = tpu.vector_load %arg13[%get3A_1056, %get3A_1057] {strides = array<i32>} : memref<320x128xf32, #tpu.memory_space<vmem>>, vector<1x16xf32>,
        %get3A_1059 = vector.shape_cast %get3A_1058 : vector<1x16xf32> to vector<16xf32>
        %mul3A_1060 = vector.broadcast %squeeze3A_449 : f32 to vector<16xf32>
        %mul3A_1061 = arith.mulf %mul3A_1060, %get3A_1059 : vector<16xf32>
        %add3A_1062 = arith.addf %add3A_990, %mul3A_1061 : vector<16xf32>
        %add3A_1063 = arith.constant 7 : i32
        %add3A_1064 = arith.addi %mul3A_472, %add3A_1063 : i32
        %get3A_1065 = arith.index_cast %add3A_1064 : i32 to index
        %get3A_1066 = arith.constant 96 : index
        %get3A_1067 = tpu.vector_load %arg13[%get3A_1065, %get3A_1066] {strides = array<i32>} : memref<320x128xf32, #tpu.memory_space<vmem>>, vector<1x16xf32>,
        %get3A_1068 = vector.shape_cast %get3A_1067 : vector<1x16xf32> to vector<16xf32>
        %mul3A_1069 = vector.broadcast %squeeze3A_449 : f32 to vector<16xf32>
        %mul3A_1070 = arith.mulf %mul3A_1069, %get3A_1068 : vector<16xf32>
        %add3A_1071 = arith.addf %add3A_999, %mul3A_1070 : vector<16xf32>
        %add3A_1072 = arith.constant 7 : i32
        %add3A_1073 = arith.addi %mul3A_472, %add3A_1072 : i32
        %get3A_1074 = arith.index_cast %add3A_1073 : i32 to index
        %get3A_1075 = arith.constant 112 : index
        %get3A_1076 = tpu.vector_load %arg13[%get3A_1074, %get3A_1075] {strides = array<i32>} : memref<320x128xf32, #tpu.memory_space<vmem>>, vector<1x16xf32>,
        %get3A_1077 = vector.shape_cast %get3A_1076 : vector<1x16xf32> to vector<16xf32>
        %mul3A_1078 = vector.broadcast %squeeze3A_449 : f32 to vector<16xf32>
        %mul3A_1079 = arith.mulf %mul3A_1078, %get3A_1077 : vector<16xf32>
        %add3A_1080 = arith.addf %add3A_1008, %mul3A_1079 : vector<16xf32>
        %add3A_1081 = arith.constant 8 : i32
        %add3A_1082 = arith.addi %mul3A_472, %add3A_1081 : i32
        %get3A_1083 = arith.index_cast %add3A_1082 : i32 to index
        %get3A_1084 = arith.constant 0 : index
        %get3A_1085 = tpu.vector_load %arg13[%get3A_1083, %get3A_1084] {strides = array<i32>} : memref<320x128xf32, #tpu.memory_space<vmem>>, vector<1x16xf32>,
        %get3A_1086 = vector.shape_cast %get3A_1085 : vector<1x16xf32> to vector<16xf32>
        %mul3A_1087 = vector.broadcast %squeeze3A_451 : f32 to vector<16xf32>
        %mul3A_1088 = arith.mulf %mul3A_1087, %get3A_1086 : vector<16xf32>
        %add3A_1089 = arith.addf %add3A_1017, %mul3A_1088 : vector<16xf32>
        %add3A_1090 = arith.constant 8 : i32
        %add3A_1091 = arith.addi %mul3A_472, %add3A_1090 : i32
        %get3A_1092 = arith.index_cast %add3A_1091 : i32 to index
        %get3A_1093 = arith.constant 16 : index
        %get3A_1094 = tpu.vector_load %arg13[%get3A_1092, %get3A_1093] {strides = array<i32>} : memref<320x128xf32, #tpu.memory_space<vmem>>, vector<1x16xf32>,
        %get3A_1095 = vector.shape_cast %get3A_1094 : vector<1x16xf32> to vector<16xf32>
        %mul3A_1096 = vector.broadcast %squeeze3A_451 : f32 to vector<16xf32>
        %mul3A_1097 = arith.mulf %mul3A_1096, %get3A_1095 : vector<16xf32>
        %add3A_1098 = arith.addf %add3A_1026, %mul3A_1097 : vector<16xf32>
        %add3A_1099 = arith.constant 8 : i32
        %add3A_1100 = arith.addi %mul3A_472, %add3A_1099 : i32
        %get3A_1101 = arith.index_cast %add3A_1100 : i32 to index
        %get3A_1102 = arith.constant 32 : index
        %get3A_1103 = tpu.vector_load %arg13[%get3A_1101, %get3A_1102] {strides = array<i32>} : memref<320x128xf32, #tpu.memory_space<vmem>>, vector<1x16xf32>,
        %get3A_1104 = vector.shape_cast %get3A_1103 : vector<1x16xf32> to vector<16xf32>
        %mul3A_1105 = vector.broadcast %squeeze3A_451 : f32 to vector<16xf32>
        %mul3A_1106 = arith.mulf %mul3A_1105, %get3A_1104 : vector<16xf32>
        %add3A_1107 = arith.addf %add3A_1035, %mul3A_1106 : vector<16xf32>
        %add3A_1108 = arith.constant 8 : i32
        %add3A_1109 = arith.addi %mul3A_472, %add3A_1108 : i32
        %get3A_1110 = arith.index_cast %add3A_1109 : i32 to index
        %get3A_1111 = arith.constant 48 : index
        %get3A_1112 = tpu.vector_load %arg13[%get3A_1110, %get3A_1111] {strides = array<i32>} : memref<320x128xf32, #tpu.memory_space<vmem>>, vector<1x16xf32>,
        %get3A_1113 = vector.shape_cast %get3A_1112 : vector<1x16xf32> to vector<16xf32>
        %mul3A_1114 = vector.broadcast %squeeze3A_451 : f32 to vector<16xf32>
        %mul3A_1115 = arith.mulf %mul3A_1114, %get3A_1113 : vector<16xf32>
        %add3A_1116 = arith.addf %add3A_1044, %mul3A_1115 : vector<16xf32>
        %add3A_1117 = arith.constant 8 : i32
        %add3A_1118 = arith.addi %mul3A_472, %add3A_1117 : i32
        %get3A_1119 = arith.index_cast %add3A_1118 : i32 to index
        %get3A_1120 = arith.constant 64 : index
        %get3A_1121 = tpu.vector_load %arg13[%get3A_1119, %get3A_1120] {strides = array<i32>} : memref<320x128xf32, #tpu.memory_space<vmem>>, vector<1x16xf32>,
        %get3A_1122 = vector.shape_cast %get3A_1121 : vector<1x16xf32> to vector<16xf32>
        %mul3A_1123 = vector.broadcast %squeeze3A_451 : f32 to vector<16xf32>
        %mul3A_1124 = arith.mulf %mul3A_1123, %get3A_1122 : vector<16xf32>
        %add3A_1125 = arith.addf %add3A_1053, %mul3A_1124 : vector<16xf32>
        %add3A_1126 = arith.constant 8 : i32
        %add3A_1127 = arith.addi %mul3A_472, %add3A_1126 : i32
        %get3A_1128 = arith.index_cast %add3A_1127 : i32 to index
        %get3A_1129 = arith.constant 80 : index
        %get3A_1130 = tpu.vector_load %arg13[%get3A_1128, %get3A_1129] {strides = array<i32>} : memref<320x128xf32, #tpu.memory_space<vmem>>, vector<1x16xf32>,
        %get3A_1131 = vector.shape_cast %get3A_1130 : vector<1x16xf32> to vector<16xf32>
        %mul3A_1132 = vector.broadcast %squeeze3A_451 : f32 to vector<16xf32>
        %mul3A_1133 = arith.mulf %mul3A_1132, %get3A_1131 : vector<16xf32>
        %add3A_1134 = arith.addf %add3A_1062, %mul3A_1133 : vector<16xf32>
        %add3A_1135 = arith.constant 8 : i32
        %add3A_1136 = arith.addi %mul3A_472, %add3A_1135 : i32
        %get3A_1137 = arith.index_cast %add3A_1136 : i32 to index
        %get3A_1138 = arith.constant 96 : index
        %get3A_1139 = tpu.vector_load %arg13[%get3A_1137, %get3A_1138] {strides = array<i32>} : memref<320x128xf32, #tpu.memory_space<vmem>>, vector<1x16xf32>,
        %get3A_1140 = vector.shape_cast %get3A_1139 : vector<1x16xf32> to vector<16xf32>
        %mul3A_1141 = vector.broadcast %squeeze3A_451 : f32 to vector<16xf32>
        %mul3A_1142 = arith.mulf %mul3A_1141, %get3A_1140 : vector<16xf32>
        %add3A_1143 = arith.addf %add3A_1071, %mul3A_1142 : vector<16xf32>
        %add3A_1144 = arith.constant 8 : i32
        %add3A_1145 = arith.addi %mul3A_472, %add3A_1144 : i32
        %get3A_1146 = arith.index_cast %add3A_1145 : i32 to index
        %get3A_1147 = arith.constant 112 : index
        %get3A_1148 = tpu.vector_load %arg13[%get3A_1146, %get3A_1147] {strides = array<i32>} : memref<320x128xf32, #tpu.memory_space<vmem>>, vector<1x16xf32>,
        %get3A_1149 = vector.shape_cast %get3A_1148 : vector<1x16xf32> to vector<16xf32>
        %mul3A_1150 = vector.broadcast %squeeze3A_451 : f32 to vector<16xf32>
        %mul3A_1151 = arith.mulf %mul3A_1150, %get3A_1149 : vector<16xf32>
        %add3A_1152 = arith.addf %add3A_1080, %mul3A_1151 : vector<16xf32>
        %add3A_1153 = arith.constant 9 : i32
        %add3A_1154 = arith.addi %mul3A_472, %add3A_1153 : i32
        %get3A_1155 = arith.index_cast %add3A_1154 : i32 to index
        %get3A_1156 = arith.constant 0 : index
        %get3A_1157 = tpu.vector_load %arg13[%get3A_1155, %get3A_1156] {strides = array<i32>} : memref<320x128xf32, #tpu.memory_space<vmem>>, vector<1x16xf32>,
        %get3A_1158 = vector.shape_cast %get3A_1157 : vector<1x16xf32> to vector<16xf32>
        %mul3A_1159 = vector.broadcast %squeeze3A_453 : f32 to vector<16xf32>
        %mul3A_1160 = arith.mulf %mul3A_1159, %get3A_1158 : vector<16xf32>
        %add3A_1161 = arith.addf %add3A_1089, %mul3A_1160 : vector<16xf32>
        %add3A_1162 = arith.constant 9 : i32
        %add3A_1163 = arith.addi %mul3A_472, %add3A_1162 : i32
        %get3A_1164 = arith.index_cast %add3A_1163 : i32 to index
        %get3A_1165 = arith.constant 16 : index
        %get3A_1166 = tpu.vector_load %arg13[%get3A_1164, %get3A_1165] {strides = array<i32>} : memref<320x128xf32, #tpu.memory_space<vmem>>, vector<1x16xf32>,
        %get3A_1167 = vector.shape_cast %get3A_1166 : vector<1x16xf32> to vector<16xf32>
        %mul3A_1168 = vector.broadcast %squeeze3A_453 : f32 to vector<16xf32>
        %mul3A_1169 = arith.mulf %mul3A_1168, %get3A_1167 : vector<16xf32>
        %add3A_1170 = arith.addf %add3A_1098, %mul3A_1169 : vector<16xf32>
        %add3A_1171 = arith.constant 9 : i32
        %add3A_1172 = arith.addi %mul3A_472, %add3A_1171 : i32
        %get3A_1173 = arith.index_cast %add3A_1172 : i32 to index
        %get3A_1174 = arith.constant 32 : index
        %get3A_1175 = tpu.vector_load %arg13[%get3A_1173, %get3A_1174] {strides = array<i32>} : memref<320x128xf32, #tpu.memory_space<vmem>>, vector<1x16xf32>,
        %get3A_1176 = vector.shape_cast %get3A_1175 : vector<1x16xf32> to vector<16xf32>
        %mul3A_1177 = vector.broadcast %squeeze3A_453 : f32 to vector<16xf32>
        %mul3A_1178 = arith.mulf %mul3A_1177, %get3A_1176 : vector<16xf32>
        %add3A_1179 = arith.addf %add3A_1107, %mul3A_1178 : vector<16xf32>
        %add3A_1180 = arith.constant 9 : i32
        %add3A_1181 = arith.addi %mul3A_472, %add3A_1180 : i32
        %get3A_1182 = arith.index_cast %add3A_1181 : i32 to index
        %get3A_1183 = arith.constant 48 : index
        %get3A_1184 = tpu.vector_load %arg13[%get3A_1182, %get3A_1183] {strides = array<i32>} : memref<320x128xf32, #tpu.memory_space<vmem>>, vector<1x16xf32>,
        %get3A_1185 = vector.shape_cast %get3A_1184 : vector<1x16xf32> to vector<16xf32>
        %mul3A_1186 = vector.broadcast %squeeze3A_453 : f32 to vector<16xf32>
        %mul3A_1187 = arith.mulf %mul3A_1186, %get3A_1185 : vector<16xf32>
        %add3A_1188 = arith.addf %add3A_1116, %mul3A_1187 : vector<16xf32>
        %add3A_1189 = arith.constant 9 : i32
        %add3A_1190 = arith.addi %mul3A_472, %add3A_1189 : i32
        %get3A_1191 = arith.index_cast %add3A_1190 : i32 to index
        %get3A_1192 = arith.constant 64 : index
        %get3A_1193 = tpu.vector_load %arg13[%get3A_1191, %get3A_1192] {strides = array<i32>} : memref<320x128xf32, #tpu.memory_space<vmem>>, vector<1x16xf32>,
        %get3A_1194 = vector.shape_cast %get3A_1193 : vector<1x16xf32> to vector<16xf32>
        %mul3A_1195 = vector.broadcast %squeeze3A_453 : f32 to vector<16xf32>
        %mul3A_1196 = arith.mulf %mul3A_1195, %get3A_1194 : vector<16xf32>
        %add3A_1197 = arith.addf %add3A_1125, %mul3A_1196 : vector<16xf32>
        %add3A_1198 = arith.constant 9 : i32
        %add3A_1199 = arith.addi %mul3A_472, %add3A_1198 : i32
        %get3A_1200 = arith.index_cast %add3A_1199 : i32 to index
        %get3A_1201 = arith.constant 80 : index
        %get3A_1202 = tpu.vector_load %arg13[%get3A_1200, %get3A_1201] {strides = array<i32>} : memref<320x128xf32, #tpu.memory_space<vmem>>, vector<1x16xf32>,
        %get3A_1203 = vector.shape_cast %get3A_1202 : vector<1x16xf32> to vector<16xf32>
        %mul3A_1204 = vector.broadcast %squeeze3A_453 : f32 to vector<16xf32>
        %mul3A_1205 = arith.mulf %mul3A_1204, %get3A_1203 : vector<16xf32>
        %add3A_1206 = arith.addf %add3A_1134, %mul3A_1205 : vector<16xf32>
        %add3A_1207 = arith.constant 9 : i32
        %add3A_1208 = arith.addi %mul3A_472, %add3A_1207 : i32
        %get3A_1209 = arith.index_cast %add3A_1208 : i32 to index
        %get3A_1210 = arith.constant 96 : index
        %get3A_1211 = tpu.vector_load %arg13[%get3A_1209, %get3A_1210] {strides = array<i32>} : memref<320x128xf32, #tpu.memory_space<vmem>>, vector<1x16xf32>,
        %get3A_1212 = vector.shape_cast %get3A_1211 : vector<1x16xf32> to vector<16xf32>
        %mul3A_1213 = vector.broadcast %squeeze3A_453 : f32 to vector<16xf32>
        %mul3A_1214 = arith.mulf %mul3A_1213, %get3A_1212 : vector<16xf32>
        %add3A_1215 = arith.addf %add3A_1143, %mul3A_1214 : vector<16xf32>
        %add3A_1216 = arith.constant 9 : i32
        %add3A_1217 = arith.addi %mul3A_472, %add3A_1216 : i32
        %get3A_1218 = arith.index_cast %add3A_1217 : i32 to index
        %get3A_1219 = arith.constant 112 : index
        %get3A_1220 = tpu.vector_load %arg13[%get3A_1218, %get3A_1219] {strides = array<i32>} : memref<320x128xf32, #tpu.memory_space<vmem>>, vector<1x16xf32>,
        %get3A_1221 = vector.shape_cast %get3A_1220 : vector<1x16xf32> to vector<16xf32>
        %mul3A_1222 = vector.broadcast %squeeze3A_453 : f32 to vector<16xf32>
        %mul3A_1223 = arith.mulf %mul3A_1222, %get3A_1221 : vector<16xf32>
        %add3A_1224 = arith.addf %add3A_1152, %mul3A_1223 : vector<16xf32>
        %mul3A_1225 = arith.mulf %add3A_1161, %div3A_470 : vector<16xf32>
        %swap3A = arith.index_cast %scan3A_429 : i32 to index
        %swap3A_1226 = arith.constant 0 : index
        %swap3A_1227 = tpu.vector_load %arg17[%swap3A, %swap3A_1226] {strides = array<i32>} : memref<32x128xf32, #tpu.memory_space<vmem>>, vector<1x16xf32>,
        %swap3A_1228 = vector.shape_cast %swap3A_1227 : vector<1x16xf32> to vector<16xf32>
        %swap3A_1229 = vector.shape_cast %mul3A_1225 : vector<16xf32> to vector<1x16xf32>
        tpu.vector_store %arg17[%swap3A, %swap3A_1226], %swap3A_1229 {strides = array<i32>} : memref<32x128xf32, #tpu.memory_space<vmem>>, vector<1x16xf32>,
        %mul3A_1230 = arith.mulf %add3A_1170, %div3A_470 : vector<16xf32>
        %swap3A_1231 = arith.index_cast %scan3A_429 : i32 to index
        %swap3A_1232 = arith.constant 16 : index
        %swap3A_1233 = tpu.vector_load %arg17[%swap3A_1231, %swap3A_1232] {strides = array<i32>} : memref<32x128xf32, #tpu.memory_space<vmem>>, vector<1x16xf32>,
        %swap3A_1234 = vector.shape_cast %swap3A_1233 : vector<1x16xf32> to vector<16xf32>
        %swap3A_1235 = vector.shape_cast %mul3A_1230 : vector<16xf32> to vector<1x16xf32>
        tpu.vector_store %arg17[%swap3A_1231, %swap3A_1232], %swap3A_1235 {strides = array<i32>} : memref<32x128xf32, #tpu.memory_space<vmem>>, vector<1x16xf32>,
        %mul3A_1236 = arith.mulf %add3A_1179, %div3A_470 : vector<16xf32>
        %swap3A_1237 = arith.index_cast %scan3A_429 : i32 to index
        %swap3A_1238 = arith.constant 32 : index
        %swap3A_1239 = tpu.vector_load %arg17[%swap3A_1237, %swap3A_1238] {strides = array<i32>} : memref<32x128xf32, #tpu.memory_space<vmem>>, vector<1x16xf32>,
        %swap3A_1240 = vector.shape_cast %swap3A_1239 : vector<1x16xf32> to vector<16xf32>
        %swap3A_1241 = vector.shape_cast %mul3A_1236 : vector<16xf32> to vector<1x16xf32>
        tpu.vector_store %arg17[%swap3A_1237, %swap3A_1238], %swap3A_1241 {strides = array<i32>} : memref<32x128xf32, #tpu.memory_space<vmem>>, vector<1x16xf32>,
        %mul3A_1242 = arith.mulf %add3A_1188, %div3A_470 : vector<16xf32>
        %swap3A_1243 = arith.index_cast %scan3A_429 : i32 to index
        %swap3A_1244 = arith.constant 48 : index
        %swap3A_1245 = tpu.vector_load %arg17[%swap3A_1243, %swap3A_1244] {strides = array<i32>} : memref<32x128xf32, #tpu.memory_space<vmem>>, vector<1x16xf32>,
        %swap3A_1246 = vector.shape_cast %swap3A_1245 : vector<1x16xf32> to vector<16xf32>
        %swap3A_1247 = vector.shape_cast %mul3A_1242 : vector<16xf32> to vector<1x16xf32>
        tpu.vector_store %arg17[%swap3A_1243, %swap3A_1244], %swap3A_1247 {strides = array<i32>} : memref<32x128xf32, #tpu.memory_space<vmem>>, vector<1x16xf32>,
        %mul3A_1248 = arith.mulf %add3A_1197, %div3A_470 : vector<16xf32>
        %swap3A_1249 = arith.index_cast %scan3A_429 : i32 to index
        %swap3A_1250 = arith.constant 64 : index
        %swap3A_1251 = tpu.vector_load %arg17[%swap3A_1249, %swap3A_1250] {strides = array<i32>} : memref<32x128xf32, #tpu.memory_space<vmem>>, vector<1x16xf32>,
        %swap3A_1252 = vector.shape_cast %swap3A_1251 : vector<1x16xf32> to vector<16xf32>
        %swap3A_1253 = vector.shape_cast %mul3A_1248 : vector<16xf32> to vector<1x16xf32>
        tpu.vector_store %arg17[%swap3A_1249, %swap3A_1250], %swap3A_1253 {strides = array<i32>} : memref<32x128xf32, #tpu.memory_space<vmem>>, vector<1x16xf32>,
        %mul3A_1254 = arith.mulf %add3A_1206, %div3A_470 : vector<16xf32>
        %swap3A_1255 = arith.index_cast %scan3A_429 : i32 to index
        %swap3A_1256 = arith.constant 80 : index
        %swap3A_1257 = tpu.vector_load %arg17[%swap3A_1255, %swap3A_1256] {strides = array<i32>} : memref<32x128xf32, #tpu.memory_space<vmem>>, vector<1x16xf32>,
        %swap3A_1258 = vector.shape_cast %swap3A_1257 : vector<1x16xf32> to vector<16xf32>
        %swap3A_1259 = vector.shape_cast %mul3A_1254 : vector<16xf32> to vector<1x16xf32>
        tpu.vector_store %arg17[%swap3A_1255, %swap3A_1256], %swap3A_1259 {strides = array<i32>} : memref<32x128xf32, #tpu.memory_space<vmem>>, vector<1x16xf32>,
        %mul3A_1260 = arith.mulf %add3A_1215, %div3A_470 : vector<16xf32>
        %swap3A_1261 = arith.index_cast %scan3A_429 : i32 to index
        %swap3A_1262 = arith.constant 96 : index
        %swap3A_1263 = tpu.vector_load %arg17[%swap3A_1261, %swap3A_1262] {strides = array<i32>} : memref<32x128xf32, #tpu.memory_space<vmem>>, vector<1x16xf32>,
        %swap3A_1264 = vector.shape_cast %swap3A_1263 : vector<1x16xf32> to vector<16xf32>
        %swap3A_1265 = vector.shape_cast %mul3A_1260 : vector<16xf32> to vector<1x16xf32>
        tpu.vector_store %arg17[%swap3A_1261, %swap3A_1262], %swap3A_1265 {strides = array<i32>} : memref<32x128xf32, #tpu.memory_space<vmem>>, vector<1x16xf32>,
        %mul3A_1266 = arith.mulf %add3A_1224, %div3A_470 : vector<16xf32>
        %swap3A_1267 = arith.index_cast %scan3A_429 : i32 to index
        %swap3A_1268 = arith.constant 112 : index
        %swap3A_1269 = tpu.vector_load %arg17[%swap3A_1267, %swap3A_1268] {strides = array<i32>} : memref<32x128xf32, #tpu.memory_space<vmem>>, vector<1x16xf32>,
        %swap3A_1270 = vector.shape_cast %swap3A_1269 : vector<1x16xf32> to vector<16xf32>
        %swap3A_1271 = vector.shape_cast %mul3A_1266 : vector<16xf32> to vector<1x16xf32>
        tpu.vector_store %arg17[%swap3A_1267, %swap3A_1268], %swap3A_1271 {strides = array<i32>} : memref<32x128xf32, #tpu.memory_space<vmem>>, vector<1x16xf32>,
      }
      %scan3A_279 = arith.constant 32 : i32
      %add3A_280 = arith.addi %add3A, %mul3A_192 : i32
      %mul3A_281 = arith.constant 32 : i32
      %mul3A_282 = arith.muli %add3A_280, %mul3A_281 : i32
      %min3A_283 = arith.constant 49968 : i32
      %min3A_284 = arith.minsi %mul3A_282, %min3A_283 : i32
      %dma_start3A_285 = arith.constant 0 : i32
      %dma_start3A_286 = tpu.memref_slice %arg6[%min3A_284, %dma_start3A_285] : memref<50000x128xf32, #tpu.memory_space<hbm>> -> memref<32x128xf32, #tpu.memory_space<hbm>>
      %dma_start3A_287 = arith.constant 0 : i32
      %dma_start3A_288 = tpu.memref_slice %arg6[%min3A_284, %dma_start3A_287] : memref<50000x128xf32, #tpu.memory_space<hbm>> -> memref<32x128xf32, #tpu.memory_space<hbm>>
      tpu.enqueue_dma source(%arg17 : memref<32x128xf32, #tpu.memory_space<vmem>>) target(%dma_start3A_288 : memref<32x128xf32, #tpu.memory_space<hbm>>) target_semaphore(%arg23 : memref<!tpu.dma_semaphore, #tpu.memory_space<semaphore_mem>>)
      %add3A_289 = arith.constant 2 : i32
      %add3A_290 = arith.addi %mul3A_192, %add3A_289 : i32
      %rem3A_291 = arith.remsi %add3A_290, %select_n3A_7 : i32
      %add3A_292 = arith.addi %add3A, %rem3A_291 : i32
      %mul3A_293 = arith.constant 32 : i32
      %mul3A_294 = arith.muli %add3A_292, %mul3A_293 : i32
      %min3A_295 = arith.constant 49968 : i32
      %min3A_296 = arith.minsi %mul3A_294, %min3A_295 : i32
      %mul3A_297 = arith.constant 10 : i32
      %mul3A_298 = arith.muli %min3A_296, %mul3A_297 : i32
      %mul3A_299 = arith.constant 10 : i32
      %mul3A_300 = arith.muli %min3A_296, %mul3A_299 : i32
      %dma_start3A_301 = tpu.memref_slice %arg2[%mul3A_298] : memref<500000xi32, #tpu.memory_space<hbm>> -> memref<320xi32, #tpu.memory_space<hbm>>
      %dma_start3A_302 = tpu.memref_slice %arg2[%mul3A_298] : memref<500000xi32, #tpu.memory_space<hbm>> -> memref<320xi32, #tpu.memory_space<hbm>>
      tpu.enqueue_dma source(%dma_start3A_302 : memref<320xi32, #tpu.memory_space<hbm>>) target(%arg7 : memref<320xi32, #tpu.memory_space<vmem>>) target_semaphore(%arg19 : memref<!tpu.dma_semaphore, #tpu.memory_space<semaphore_mem>>)
      %dma_start3A_303 = tpu.memref_slice %arg3[%min3A_296] : memref<50000xi32, #tpu.memory_space<hbm>> -> memref<32xi32, #tpu.memory_space<hbm>>
      %dma_start3A_304 = tpu.memref_slice %arg3[%min3A_296] : memref<50000xi32, #tpu.memory_space<hbm>> -> memref<32xi32, #tpu.memory_space<hbm>>
      tpu.enqueue_dma source(%dma_start3A_304 : memref<32xi32, #tpu.memory_space<hbm>>) target(%arg9 : memref<32xi32, #tpu.memory_space<vmem>>) target_semaphore(%arg19 : memref<!tpu.dma_semaphore, #tpu.memory_space<semaphore_mem>>)
      %dma_start3A_305 = arith.constant 0 : i32
      %dma_start3A_306 = tpu.memref_slice %arg11[%dma_start3A_305] : memref<336xf32, #tpu.memory_space<vmem>> -> memref<320xf32, #tpu.memory_space<vmem>>
      %dma_start3A_307 = tpu.memref_slice %arg4[%mul3A_300] : memref<500000xf32, #tpu.memory_space<hbm>> -> memref<320xf32, #tpu.memory_space<hbm>>
      %dma_start3A_308 = arith.constant 0 : i32
      %dma_start3A_309 = tpu.memref_slice %arg11[%dma_start3A_308] : memref<336xf32, #tpu.memory_space<vmem>> -> memref<320xf32, #tpu.memory_space<vmem>>
      %dma_start3A_310 = tpu.memref_slice %arg4[%mul3A_300] : memref<500000xf32, #tpu.memory_space<hbm>> -> memref<320xf32, #tpu.memory_space<hbm>>
      tpu.enqueue_dma source(%dma_start3A_310 : memref<320xf32, #tpu.memory_space<hbm>>) target(%dma_start3A_309 : memref<320xf32, #tpu.memory_space<vmem>>) target_semaphore(%arg19 : memref<!tpu.dma_semaphore, #tpu.memory_space<semaphore_mem>>)
      %add3A_311 = arith.constant 1 : i32
      %add3A_312 = arith.addi %add3A_196, %add3A_311 : i32
      %rem3A_313 = arith.remsi %add3A_312, %select_n3A_7 : i32
      %add3A_314 = arith.addi %add3A, %rem3A_313 : i32
      %mul3A_315 = arith.constant 32 : i32
      %mul3A_316 = arith.muli %add3A_314, %mul3A_315 : i32
      %min3A_317 = arith.constant 49968 : i32
      %min3A_318 = arith.minsi %mul3A_316, %min3A_317 : i32
      %mul3A_319 = arith.constant 10 : i32
      %mul3A_320 = arith.muli %min3A_318, %mul3A_319 : i32
      %mul3A_321 = arith.constant 10 : i32
      %mul3A_322 = arith.muli %min3A_318, %mul3A_321 : i32
      %dma_wait3A_323 = tpu.memref_slice %arg2[%mul3A_320] : memref<500000xi32, #tpu.memory_space<hbm>> -> memref<320xi32, #tpu.memory_space<hbm>>
      %dma_wait3A_324 = tpu.memref_slice %arg2[%mul3A_320] : memref<500000xi32, #tpu.memory_space<hbm>> -> memref<320xi32, #tpu.memory_space<hbm>>
      tpu.wait_dma2 semaphore(%arg19 : memref<!tpu.dma_semaphore, #tpu.memory_space<semaphore_mem>>) src(%dma_wait3A_324 : memref<320xi32, #tpu.memory_space<hbm>>) dst(%arg7 : memref<320xi32, #tpu.memory_space<vmem>>)
      %dma_wait3A_325 = tpu.memref_slice %arg3[%min3A_318] : memref<50000xi32, #tpu.memory_space<hbm>> -> memref<32xi32, #tpu.memory_space<hbm>>
      %dma_wait3A_326 = tpu.memref_slice %arg3[%min3A_318] : memref<50000xi32, #tpu.memory_space<hbm>> -> memref<32xi32, #tpu.memory_space<hbm>>
      tpu.wait_dma2 semaphore(%arg19 : memref<!tpu.dma_semaphore, #tpu.memory_space<semaphore_mem>>) src(%dma_wait3A_326 : memref<32xi32, #tpu.memory_space<hbm>>) dst(%arg9 : memref<32xi32, #tpu.memory_space<vmem>>)
      %dma_wait3A_327 = arith.constant 0 : i32
      %dma_wait3A_328 = tpu.memref_slice %arg11[%dma_wait3A_327] : memref<336xf32, #tpu.memory_space<vmem>> -> memref<320xf32, #tpu.memory_space<vmem>>
      %dma_wait3A_329 = tpu.memref_slice %arg4[%mul3A_322] : memref<500000xf32, #tpu.memory_space<hbm>> -> memref<320xf32, #tpu.memory_space<hbm>>
      %dma_wait3A_330 = arith.constant 0 : i32
      %dma_wait3A_331 = tpu.memref_slice %arg11[%dma_wait3A_330] : memref<336xf32, #tpu.memory_space<vmem>> -> memref<320xf32, #tpu.memory_space<vmem>>
      %dma_wait3A_332 = tpu.memref_slice %arg4[%mul3A_322] : memref<500000xf32, #tpu.memory_space<hbm>> -> memref<320xf32, #tpu.memory_space<hbm>>
      tpu.wait_dma2 semaphore(%arg19 : memref<!tpu.dma_semaphore, #tpu.memory_space<semaphore_mem>>) src(%dma_wait3A_332 : memref<320xf32, #tpu.memory_space<hbm>>) dst(%dma_wait3A_331 : memref<320xf32, #tpu.memory_space<vmem>>)
      %dma_start3A_333 = arith.constant 0 : i32
      %dma_start3A_334 = arith.constant 0 : i32
      %dma_start3A_335 = tpu.memref_slice %arg13[%dma_start3A_333, %dma_start3A_334] : memref<320x128xf32, #tpu.memory_space<vmem>> -> memref<128x128xf32, #tpu.memory_space<vmem>>
      %dma_start3A_336 = arith.constant 0 : i32
      %dma_start3A_337 = tpu.memref_slice %arg7[%dma_start3A_336] : memref<320xi32, #tpu.memory_space<vmem>> -> memref<128xi32, #tpu.memory_space<vmem>>
      %dma_start3A_338 = arith.constant 0 : i32
      %dma_start3A_339 = arith.constant 0 : i32
      %dma_start3A_340 = tpu.memref_slice %arg5[%dma_start3A_338, %dma_start3A_339] : memref<100000x128xf32, #tpu.memory_space<hbm>> -> memref<100000x128xf32, #tpu.memory_space<hbm>>
      tpu.enqueue_indirect_dma source(%dma_start3A_340 : memref<100000x128xf32, #tpu.memory_space<hbm>>) target(%dma_start3A_335 : memref<128x128xf32, #tpu.memory_space<vmem>>) offsets(%dma_start3A_337 : memref<128xi32, #tpu.memory_space<vmem>>) semaphore(%arg21 : memref<!tpu.dma_semaphore, #tpu.memory_space<semaphore_mem>>)
      %dma_start3A_341 = arith.constant 128 : i32
      %dma_start3A_342 = arith.constant 0 : i32
      %dma_start3A_343 = tpu.memref_slice %arg13[%dma_start3A_341, %dma_start3A_342] : memref<320x128xf32, #tpu.memory_space<vmem>> -> memref<128x128xf32, #tpu.memory_space<vmem>>
      %dma_start3A_344 = arith.constant 128 : i32
      %dma_start3A_345 = tpu.memref_slice %arg7[%dma_start3A_344] : memref<320xi32, #tpu.memory_space<vmem>> -> memref<128xi32, #tpu.memory_space<vmem>>
      %dma_start3A_346 = arith.constant 0 : i32
      %dma_start3A_347 = arith.constant 0 : i32
      %dma_start3A_348 = tpu.memref_slice %arg5[%dma_start3A_346, %dma_start3A_347] : memref<100000x128xf32, #tpu.memory_space<hbm>> -> memref<100000x128xf32, #tpu.memory_space<hbm>>
      tpu.enqueue_indirect_dma source(%dma_start3A_348 : memref<100000x128xf32, #tpu.memory_space<hbm>>) target(%dma_start3A_343 : memref<128x128xf32, #tpu.memory_space<vmem>>) offsets(%dma_start3A_345 : memref<128xi32, #tpu.memory_space<vmem>>) semaphore(%arg21 : memref<!tpu.dma_semaphore, #tpu.memory_space<semaphore_mem>>)
      %dma_start3A_349 = arith.constant 256 : i32
      %dma_start3A_350 = arith.constant 0 : i32
      %dma_start3A_351 = tpu.memref_slice %arg13[%dma_start3A_349, %dma_start3A_350] : memref<320x128xf32, #tpu.memory_space<vmem>> -> memref<64x128xf32, #tpu.memory_space<vmem>>
      %dma_start3A_352 = arith.constant 256 : i32
      %dma_start3A_353 = tpu.memref_slice %arg7[%dma_start3A_352] : memref<320xi32, #tpu.memory_space<vmem>> -> memref<64xi32, #tpu.memory_space<vmem>>
      %dma_start3A_354 = arith.constant 0 : i32
      %dma_start3A_355 = arith.constant 0 : i32
      %dma_start3A_356 = tpu.memref_slice %arg5[%dma_start3A_354, %dma_start3A_355] : memref<100000x128xf32, #tpu.memory_space<hbm>> -> memref<100000x128xf32, #tpu.memory_space<hbm>>
      tpu.enqueue_indirect_dma source(%dma_start3A_356 : memref<100000x128xf32, #tpu.memory_space<hbm>>) target(%dma_start3A_351 : memref<64x128xf32, #tpu.memory_space<vmem>>) offsets(%dma_start3A_353 : memref<64xi32, #tpu.memory_space<vmem>>) semaphore(%arg21 : memref<!tpu.dma_semaphore, #tpu.memory_space<semaphore_mem>>)
      %dma_start3A_357 = arith.constant 0 : i32
      %dma_start3A_358 = arith.constant 0 : i32
      %dma_start3A_359 = tpu.memref_slice %arg5[%dma_start3A_357, %dma_start3A_358] : memref<100000x128xf32, #tpu.memory_space<hbm>> -> memref<100000x128xf32, #tpu.memory_space<hbm>>
      tpu.enqueue_indirect_dma source(%dma_start3A_359 : memref<100000x128xf32, #tpu.memory_space<hbm>>) target(%arg15 : memref<32x128xf32, #tpu.memory_space<vmem>>) offsets(%arg9 : memref<32xi32, #tpu.memory_space<vmem>>) semaphore(%arg21 : memref<!tpu.dma_semaphore, #tpu.memory_space<semaphore_mem>>)
      %dma_wait3A_360 = arith.constant 0 : i32
      %dma_wait3A_361 = arith.constant 0 : i32
      %dma_wait3A_362 = tpu.memref_slice %arg14[%dma_wait3A_360, %dma_wait3A_361] : memref<320x128xf32, #tpu.memory_space<vmem>> -> memref<128x128xf32, #tpu.memory_space<vmem>>
      %dma_wait3A_363 = arith.constant 0 : i32
      %dma_wait3A_364 = tpu.memref_slice %arg8[%dma_wait3A_363] : memref<320xi32, #tpu.memory_space<vmem>> -> memref<128xi32, #tpu.memory_space<vmem>>
      %dma_wait3A_365 = arith.constant 0 : i32
      %dma_wait3A_366 = arith.constant 0 : i32
      %dma_wait3A_367 = tpu.memref_slice %arg5[%dma_wait3A_365, %dma_wait3A_366] : memref<100000x128xf32, #tpu.memory_space<hbm>> -> memref<100000x128xf32, #tpu.memory_space<hbm>>
      tpu.wait_indirect_dma semaphore(%arg22 : memref<!tpu.dma_semaphore, #tpu.memory_space<semaphore_mem>>) src(%dma_wait3A_367 : memref<100000x128xf32, #tpu.memory_space<hbm>>) dst(%dma_wait3A_362 : memref<128x128xf32, #tpu.memory_space<vmem>>)
      %dma_wait3A_368 = arith.constant 128 : i32
      %dma_wait3A_369 = arith.constant 0 : i32
      %dma_wait3A_370 = tpu.memref_slice %arg14[%dma_wait3A_368, %dma_wait3A_369] : memref<320x128xf32, #tpu.memory_space<vmem>> -> memref<128x128xf32, #tpu.memory_space<vmem>>
      %dma_wait3A_371 = arith.constant 128 : i32
      %dma_wait3A_372 = tpu.memref_slice %arg8[%dma_wait3A_371] : memref<320xi32, #tpu.memory_space<vmem>> -> memref<128xi32, #tpu.memory_space<vmem>>
      %dma_wait3A_373 = arith.constant 0 : i32
      %dma_wait3A_374 = arith.constant 0 : i32
      %dma_wait3A_375 = tpu.memref_slice %arg5[%dma_wait3A_373, %dma_wait3A_374] : memref<100000x128xf32, #tpu.memory_space<hbm>> -> memref<100000x128xf32, #tpu.memory_space<hbm>>
      tpu.wait_indirect_dma semaphore(%arg22 : memref<!tpu.dma_semaphore, #tpu.memory_space<semaphore_mem>>) src(%dma_wait3A_375 : memref<100000x128xf32, #tpu.memory_space<hbm>>) dst(%dma_wait3A_370 : memref<128x128xf32, #tpu.memory_space<vmem>>)
      %dma_wait3A_376 = arith.constant 256 : i32
      %dma_wait3A_377 = arith.constant 0 : i32
      %dma_wait3A_378 = tpu.memref_slice %arg14[%dma_wait3A_376, %dma_wait3A_377] : memref<320x128xf32, #tpu.memory_space<vmem>> -> memref<64x128xf32, #tpu.memory_space<vmem>>
      %dma_wait3A_379 = arith.constant 256 : i32
      %dma_wait3A_380 = tpu.memref_slice %arg8[%dma_wait3A_379] : memref<320xi32, #tpu.memory_space<vmem>> -> memref<64xi32, #tpu.memory_space<vmem>>
      %dma_wait3A_381 = arith.constant 0 : i32
      %dma_wait3A_382 = arith.constant 0 : i32
      %dma_wait3A_383 = tpu.memref_slice %arg5[%dma_wait3A_381, %dma_wait3A_382] : memref<100000x128xf32, #tpu.memory_space<hbm>> -> memref<100000x128xf32, #tpu.memory_space<hbm>>
      tpu.wait_indirect_dma semaphore(%arg22 : memref<!tpu.dma_semaphore, #tpu.memory_space<semaphore_mem>>) src(%dma_wait3A_383 : memref<100000x128xf32, #tpu.memory_space<hbm>>) dst(%dma_wait3A_378 : memref<64x128xf32, #tpu.memory_space<vmem>>)
      %dma_wait3A_384 = arith.constant 0 : i32
      %dma_wait3A_385 = arith.constant 0 : i32
      %dma_wait3A_386 = tpu.memref_slice %arg5[%dma_wait3A_384, %dma_wait3A_385] : memref<100000x128xf32, #tpu.memory_space<hbm>> -> memref<100000x128xf32, #tpu.memory_space<hbm>>
      tpu.wait_indirect_dma semaphore(%arg22 : memref<!tpu.dma_semaphore, #tpu.memory_space<semaphore_mem>>) src(%dma_wait3A_386 : memref<100000x128xf32, #tpu.memory_space<hbm>>) dst(%arg16 : memref<32x128xf32, #tpu.memory_space<vmem>>)
      %ge3A_387 = arith.constant 2 : i32
      %ge3A_388 = arith.cmpi sge, %add3A_196, %ge3A_387 : i32
      %convert_element_type3A_389 = arith.extui %ge3A_388 : i1 to i32
      %cond3A_390 = arith.constant 0 : i32
      %cond3A_391 = arith.cmpi ne, %convert_element_type3A_389, %cond3A_390 : i32
      scf.if %cond3A_391 {
        %sub3A_429 = arith.constant 2 : i32
        %sub3A_430 = arith.subi %add3A_196, %sub3A_429 : i32
        %add3A_431 = arith.addi %add3A, %sub3A_430 : i32
        %mul3A_432 = arith.constant 32 : i32
        %mul3A_433 = arith.muli %add3A_431, %mul3A_432 : i32
        %min3A_434 = arith.constant 49968 : i32
        %min3A_435 = arith.minsi %mul3A_433, %min3A_434 : i32
        %dma_wait3A_436 = arith.constant 0 : i32
        %dma_wait3A_437 = tpu.memref_slice %arg6[%min3A_435, %dma_wait3A_436] : memref<50000x128xf32, #tpu.memory_space<hbm>> -> memref<32x128xf32, #tpu.memory_space<hbm>>
        %dma_wait3A_438 = arith.constant 0 : i32
        %dma_wait3A_439 = tpu.memref_slice %arg6[%min3A_435, %dma_wait3A_438] : memref<50000x128xf32, #tpu.memory_space<hbm>> -> memref<32x128xf32, #tpu.memory_space<hbm>>
        tpu.wait_dma2 semaphore(%arg24 : memref<!tpu.dma_semaphore, #tpu.memory_space<semaphore_mem>>) src(%arg18 : memref<32x128xf32, #tpu.memory_space<vmem>>) dst(%dma_wait3A_439 : memref<32x128xf32, #tpu.memory_space<hbm>>)
      } else {
      }
      %scan3A_392 = arith.constant 0 : i32
      %scan3A_393 = arith.constant 0 : i32
      %scan3A_394 = arith.constant 32 : i32
      %scan3A_395 = arith.addi %scan3A_393, %scan3A_394 : i32
      %scan3A_396 = arith.constant 1 : i32
      scf.for %scan3A_429 = %scan3A_393 to %scan3A_395 step %scan3A_396  : i32 {
        %mul3A_430 = arith.constant 10 : i32
        %mul3A_431 = arith.muli %scan3A_429, %mul3A_430 : i32
        %get3A = arith.index_cast %mul3A_431 : i32 to index
        %get3A_432 = tpu.vector_load %arg12[%get3A] {strides = array<i32>} : memref<336xf32, #tpu.memory_space<vmem>>, vector<16xf32>,
        %get3A_433 = vector.shape_cast %get3A_432 : vector<16xf32> to vector<16xf32>
        %jit3A_434 = arith.constant 0.000000e+00 : f32
        %broadcast_in_dim3A = vector.broadcast %jit3A_434 : f32 to vector<16xf32>
        %select_n3A_435 = arith.select %lt3A_9, %get3A_433, %broadcast_in_dim3A : vector<16xi1>, vector<16xf32>
        %slice3A = vector.extract_strided_slice %select_n3A_435 {offsets = [0], sizes = [1], strides = [1]} : vector<16xf32> to vector<1xf32>
        %squeeze3A = vector.extract %slice3A[0] : f32 from vector<1xf32>
        %slice3A_436 = vector.extract_strided_slice %select_n3A_435 {offsets = [1], sizes = [1], strides = [1]} : vector<16xf32> to vector<1xf32>
        %squeeze3A_437 = vector.extract %slice3A_436[0] : f32 from vector<1xf32>
        %slice3A_438 = vector.extract_strided_slice %select_n3A_435 {offsets = [2], sizes = [1], strides = [1]} : vector<16xf32> to vector<1xf32>
        %squeeze3A_439 = vector.extract %slice3A_438[0] : f32 from vector<1xf32>
        %slice3A_440 = vector.extract_strided_slice %select_n3A_435 {offsets = [3], sizes = [1], strides = [1]} : vector<16xf32> to vector<1xf32>
        %squeeze3A_441 = vector.extract %slice3A_440[0] : f32 from vector<1xf32>
        %slice3A_442 = vector.extract_strided_slice %select_n3A_435 {offsets = [4], sizes = [1], strides = [1]} : vector<16xf32> to vector<1xf32>
        %squeeze3A_443 = vector.extract %slice3A_442[0] : f32 from vector<1xf32>
        %slice3A_444 = vector.extract_strided_slice %select_n3A_435 {offsets = [5], sizes = [1], strides = [1]} : vector<16xf32> to vector<1xf32>
        %squeeze3A_445 = vector.extract %slice3A_444[0] : f32 from vector<1xf32>
        %slice3A_446 = vector.extract_strided_slice %select_n3A_435 {offsets = [6], sizes = [1], strides = [1]} : vector<16xf32> to vector<1xf32>
        %squeeze3A_447 = vector.extract %slice3A_446[0] : f32 from vector<1xf32>
        %slice3A_448 = vector.extract_strided_slice %select_n3A_435 {offsets = [7], sizes = [1], strides = [1]} : vector<16xf32> to vector<1xf32>
        %squeeze3A_449 = vector.extract %slice3A_448[0] : f32 from vector<1xf32>
        %slice3A_450 = vector.extract_strided_slice %select_n3A_435 {offsets = [8], sizes = [1], strides = [1]} : vector<16xf32> to vector<1xf32>
        %squeeze3A_451 = vector.extract %slice3A_450[0] : f32 from vector<1xf32>
        %slice3A_452 = vector.extract_strided_slice %select_n3A_435 {offsets = [9], sizes = [1], strides = [1]} : vector<16xf32> to vector<1xf32>
        %squeeze3A_453 = vector.extract %slice3A_452[0] : f32 from vector<1xf32>
        %add3A_454 = arith.constant 1.000000e+00 : f32
        %add3A_455 = arith.addf %add3A_454, %squeeze3A : f32
        %add3A_456 = arith.addf %add3A_455, %squeeze3A_437 : f32
        %add3A_457 = arith.addf %add3A_456, %squeeze3A_439 : f32
        %add3A_458 = arith.addf %add3A_457, %squeeze3A_441 : f32
        %add3A_459 = arith.addf %add3A_458, %squeeze3A_443 : f32
        %add3A_460 = arith.addf %add3A_459, %squeeze3A_445 : f32
        %add3A_461 = arith.addf %add3A_460, %squeeze3A_447 : f32
        %add3A_462 = arith.addf %add3A_461, %squeeze3A_449 : f32
        %add3A_463 = arith.addf %add3A_462, %squeeze3A_451 : f32
        %add3A_464 = arith.addf %add3A_463, %squeeze3A_453 : f32
        %broadcast_in_dim3A_465 = vector.broadcast %add3A_464 : f32 to vector<16xf32>
        %max3A = arith.constant 9.99999997E-7 : f32
        %max3A_466 = vector.broadcast %max3A : f32 to vector<16xf32>
        %max3A_467 = arith.maximumf %broadcast_in_dim3A_465, %max3A_466 : vector<16xf32>
        %div3A_468 = arith.constant 1.000000e+00 : f32
        %div3A_469 = vector.broadcast %div3A_468 : f32 to vector<16xf32>
        %div3A_470 = arith.divf %div3A_469, %max3A_467 : vector<16xf32>
        %mul3A_471 = arith.constant 10 : i32
        %mul3A_472 = arith.muli %scan3A_429, %mul3A_471 : i32
        %get3A_473 = arith.index_cast %scan3A_429 : i32 to index
        %get3A_474 = arith.constant 0 : index
        %get3A_475 = tpu.vector_load %arg16[%get3A_473, %get3A_474] {strides = array<i32>} : memref<32x128xf32, #tpu.memory_space<vmem>>, vector<1x16xf32>,
        %get3A_476 = vector.shape_cast %get3A_475 : vector<1x16xf32> to vector<16xf32>
        %get3A_477 = arith.index_cast %scan3A_429 : i32 to index
        %get3A_478 = arith.constant 16 : index
        %get3A_479 = tpu.vector_load %arg16[%get3A_477, %get3A_478] {strides = array<i32>} : memref<32x128xf32, #tpu.memory_space<vmem>>, vector<1x16xf32>,
        %get3A_480 = vector.shape_cast %get3A_479 : vector<1x16xf32> to vector<16xf32>
        %get3A_481 = arith.index_cast %scan3A_429 : i32 to index
        %get3A_482 = arith.constant 32 : index
        %get3A_483 = tpu.vector_load %arg16[%get3A_481, %get3A_482] {strides = array<i32>} : memref<32x128xf32, #tpu.memory_space<vmem>>, vector<1x16xf32>,
        %get3A_484 = vector.shape_cast %get3A_483 : vector<1x16xf32> to vector<16xf32>
        %get3A_485 = arith.index_cast %scan3A_429 : i32 to index
        %get3A_486 = arith.constant 48 : index
        %get3A_487 = tpu.vector_load %arg16[%get3A_485, %get3A_486] {strides = array<i32>} : memref<32x128xf32, #tpu.memory_space<vmem>>, vector<1x16xf32>,
        %get3A_488 = vector.shape_cast %get3A_487 : vector<1x16xf32> to vector<16xf32>
        %get3A_489 = arith.index_cast %scan3A_429 : i32 to index
        %get3A_490 = arith.constant 64 : index
        %get3A_491 = tpu.vector_load %arg16[%get3A_489, %get3A_490] {strides = array<i32>} : memref<32x128xf32, #tpu.memory_space<vmem>>, vector<1x16xf32>,
        %get3A_492 = vector.shape_cast %get3A_491 : vector<1x16xf32> to vector<16xf32>
        %get3A_493 = arith.index_cast %scan3A_429 : i32 to index
        %get3A_494 = arith.constant 80 : index
        %get3A_495 = tpu.vector_load %arg16[%get3A_493, %get3A_494] {strides = array<i32>} : memref<32x128xf32, #tpu.memory_space<vmem>>, vector<1x16xf32>,
        %get3A_496 = vector.shape_cast %get3A_495 : vector<1x16xf32> to vector<16xf32>
        %get3A_497 = arith.index_cast %scan3A_429 : i32 to index
        %get3A_498 = arith.constant 96 : index
        %get3A_499 = tpu.vector_load %arg16[%get3A_497, %get3A_498] {strides = array<i32>} : memref<32x128xf32, #tpu.memory_space<vmem>>, vector<1x16xf32>,
        %get3A_500 = vector.shape_cast %get3A_499 : vector<1x16xf32> to vector<16xf32>
        %get3A_501 = arith.index_cast %scan3A_429 : i32 to index
        %get3A_502 = arith.constant 112 : index
        %get3A_503 = tpu.vector_load %arg16[%get3A_501, %get3A_502] {strides = array<i32>} : memref<32x128xf32, #tpu.memory_space<vmem>>, vector<1x16xf32>,
        %get3A_504 = vector.shape_cast %get3A_503 : vector<1x16xf32> to vector<16xf32>
        %add3A_505 = arith.constant 0 : i32
        %add3A_506 = arith.addi %mul3A_472, %add3A_505 : i32
        %get3A_507 = arith.index_cast %add3A_506 : i32 to index
        %get3A_508 = arith.constant 0 : index
        %get3A_509 = tpu.vector_load %arg14[%get3A_507, %get3A_508] {strides = array<i32>} : memref<320x128xf32, #tpu.memory_space<vmem>>, vector<1x16xf32>,
        %get3A_510 = vector.shape_cast %get3A_509 : vector<1x16xf32> to vector<16xf32>
        %mul3A_511 = vector.broadcast %squeeze3A : f32 to vector<16xf32>
        %mul3A_512 = arith.mulf %mul3A_511, %get3A_510 : vector<16xf32>
        %add3A_513 = arith.addf %get3A_476, %mul3A_512 : vector<16xf32>
        %add3A_514 = arith.constant 0 : i32
        %add3A_515 = arith.addi %mul3A_472, %add3A_514 : i32
        %get3A_516 = arith.index_cast %add3A_515 : i32 to index
        %get3A_517 = arith.constant 16 : index
        %get3A_518 = tpu.vector_load %arg14[%get3A_516, %get3A_517] {strides = array<i32>} : memref<320x128xf32, #tpu.memory_space<vmem>>, vector<1x16xf32>,
        %get3A_519 = vector.shape_cast %get3A_518 : vector<1x16xf32> to vector<16xf32>
        %mul3A_520 = vector.broadcast %squeeze3A : f32 to vector<16xf32>
        %mul3A_521 = arith.mulf %mul3A_520, %get3A_519 : vector<16xf32>
        %add3A_522 = arith.addf %get3A_480, %mul3A_521 : vector<16xf32>
        %add3A_523 = arith.constant 0 : i32
        %add3A_524 = arith.addi %mul3A_472, %add3A_523 : i32
        %get3A_525 = arith.index_cast %add3A_524 : i32 to index
        %get3A_526 = arith.constant 32 : index
        %get3A_527 = tpu.vector_load %arg14[%get3A_525, %get3A_526] {strides = array<i32>} : memref<320x128xf32, #tpu.memory_space<vmem>>, vector<1x16xf32>,
        %get3A_528 = vector.shape_cast %get3A_527 : vector<1x16xf32> to vector<16xf32>
        %mul3A_529 = vector.broadcast %squeeze3A : f32 to vector<16xf32>
        %mul3A_530 = arith.mulf %mul3A_529, %get3A_528 : vector<16xf32>
        %add3A_531 = arith.addf %get3A_484, %mul3A_530 : vector<16xf32>
        %add3A_532 = arith.constant 0 : i32
        %add3A_533 = arith.addi %mul3A_472, %add3A_532 : i32
        %get3A_534 = arith.index_cast %add3A_533 : i32 to index
        %get3A_535 = arith.constant 48 : index
        %get3A_536 = tpu.vector_load %arg14[%get3A_534, %get3A_535] {strides = array<i32>} : memref<320x128xf32, #tpu.memory_space<vmem>>, vector<1x16xf32>,
        %get3A_537 = vector.shape_cast %get3A_536 : vector<1x16xf32> to vector<16xf32>
        %mul3A_538 = vector.broadcast %squeeze3A : f32 to vector<16xf32>
        %mul3A_539 = arith.mulf %mul3A_538, %get3A_537 : vector<16xf32>
        %add3A_540 = arith.addf %get3A_488, %mul3A_539 : vector<16xf32>
        %add3A_541 = arith.constant 0 : i32
        %add3A_542 = arith.addi %mul3A_472, %add3A_541 : i32
        %get3A_543 = arith.index_cast %add3A_542 : i32 to index
        %get3A_544 = arith.constant 64 : index
        %get3A_545 = tpu.vector_load %arg14[%get3A_543, %get3A_544] {strides = array<i32>} : memref<320x128xf32, #tpu.memory_space<vmem>>, vector<1x16xf32>,
        %get3A_546 = vector.shape_cast %get3A_545 : vector<1x16xf32> to vector<16xf32>
        %mul3A_547 = vector.broadcast %squeeze3A : f32 to vector<16xf32>
        %mul3A_548 = arith.mulf %mul3A_547, %get3A_546 : vector<16xf32>
        %add3A_549 = arith.addf %get3A_492, %mul3A_548 : vector<16xf32>
        %add3A_550 = arith.constant 0 : i32
        %add3A_551 = arith.addi %mul3A_472, %add3A_550 : i32
        %get3A_552 = arith.index_cast %add3A_551 : i32 to index
        %get3A_553 = arith.constant 80 : index
        %get3A_554 = tpu.vector_load %arg14[%get3A_552, %get3A_553] {strides = array<i32>} : memref<320x128xf32, #tpu.memory_space<vmem>>, vector<1x16xf32>,
        %get3A_555 = vector.shape_cast %get3A_554 : vector<1x16xf32> to vector<16xf32>
        %mul3A_556 = vector.broadcast %squeeze3A : f32 to vector<16xf32>
        %mul3A_557 = arith.mulf %mul3A_556, %get3A_555 : vector<16xf32>
        %add3A_558 = arith.addf %get3A_496, %mul3A_557 : vector<16xf32>
        %add3A_559 = arith.constant 0 : i32
        %add3A_560 = arith.addi %mul3A_472, %add3A_559 : i32
        %get3A_561 = arith.index_cast %add3A_560 : i32 to index
        %get3A_562 = arith.constant 96 : index
        %get3A_563 = tpu.vector_load %arg14[%get3A_561, %get3A_562] {strides = array<i32>} : memref<320x128xf32, #tpu.memory_space<vmem>>, vector<1x16xf32>,
        %get3A_564 = vector.shape_cast %get3A_563 : vector<1x16xf32> to vector<16xf32>
        %mul3A_565 = vector.broadcast %squeeze3A : f32 to vector<16xf32>
        %mul3A_566 = arith.mulf %mul3A_565, %get3A_564 : vector<16xf32>
        %add3A_567 = arith.addf %get3A_500, %mul3A_566 : vector<16xf32>
        %add3A_568 = arith.constant 0 : i32
        %add3A_569 = arith.addi %mul3A_472, %add3A_568 : i32
        %get3A_570 = arith.index_cast %add3A_569 : i32 to index
        %get3A_571 = arith.constant 112 : index
        %get3A_572 = tpu.vector_load %arg14[%get3A_570, %get3A_571] {strides = array<i32>} : memref<320x128xf32, #tpu.memory_space<vmem>>, vector<1x16xf32>,
        %get3A_573 = vector.shape_cast %get3A_572 : vector<1x16xf32> to vector<16xf32>
        %mul3A_574 = vector.broadcast %squeeze3A : f32 to vector<16xf32>
        %mul3A_575 = arith.mulf %mul3A_574, %get3A_573 : vector<16xf32>
        %add3A_576 = arith.addf %get3A_504, %mul3A_575 : vector<16xf32>
        %add3A_577 = arith.constant 1 : i32
        %add3A_578 = arith.addi %mul3A_472, %add3A_577 : i32
        %get3A_579 = arith.index_cast %add3A_578 : i32 to index
        %get3A_580 = arith.constant 0 : index
        %get3A_581 = tpu.vector_load %arg14[%get3A_579, %get3A_580] {strides = array<i32>} : memref<320x128xf32, #tpu.memory_space<vmem>>, vector<1x16xf32>,
        %get3A_582 = vector.shape_cast %get3A_581 : vector<1x16xf32> to vector<16xf32>
        %mul3A_583 = vector.broadcast %squeeze3A_437 : f32 to vector<16xf32>
        %mul3A_584 = arith.mulf %mul3A_583, %get3A_582 : vector<16xf32>
        %add3A_585 = arith.addf %add3A_513, %mul3A_584 : vector<16xf32>
        %add3A_586 = arith.constant 1 : i32
        %add3A_587 = arith.addi %mul3A_472, %add3A_586 : i32
        %get3A_588 = arith.index_cast %add3A_587 : i32 to index
        %get3A_589 = arith.constant 16 : index
        %get3A_590 = tpu.vector_load %arg14[%get3A_588, %get3A_589] {strides = array<i32>} : memref<320x128xf32, #tpu.memory_space<vmem>>, vector<1x16xf32>,
        %get3A_591 = vector.shape_cast %get3A_590 : vector<1x16xf32> to vector<16xf32>
        %mul3A_592 = vector.broadcast %squeeze3A_437 : f32 to vector<16xf32>
        %mul3A_593 = arith.mulf %mul3A_592, %get3A_591 : vector<16xf32>
        %add3A_594 = arith.addf %add3A_522, %mul3A_593 : vector<16xf32>
        %add3A_595 = arith.constant 1 : i32
        %add3A_596 = arith.addi %mul3A_472, %add3A_595 : i32
        %get3A_597 = arith.index_cast %add3A_596 : i32 to index
        %get3A_598 = arith.constant 32 : index
        %get3A_599 = tpu.vector_load %arg14[%get3A_597, %get3A_598] {strides = array<i32>} : memref<320x128xf32, #tpu.memory_space<vmem>>, vector<1x16xf32>,
        %get3A_600 = vector.shape_cast %get3A_599 : vector<1x16xf32> to vector<16xf32>
        %mul3A_601 = vector.broadcast %squeeze3A_437 : f32 to vector<16xf32>
        %mul3A_602 = arith.mulf %mul3A_601, %get3A_600 : vector<16xf32>
        %add3A_603 = arith.addf %add3A_531, %mul3A_602 : vector<16xf32>
        %add3A_604 = arith.constant 1 : i32
        %add3A_605 = arith.addi %mul3A_472, %add3A_604 : i32
        %get3A_606 = arith.index_cast %add3A_605 : i32 to index
        %get3A_607 = arith.constant 48 : index
        %get3A_608 = tpu.vector_load %arg14[%get3A_606, %get3A_607] {strides = array<i32>} : memref<320x128xf32, #tpu.memory_space<vmem>>, vector<1x16xf32>,
        %get3A_609 = vector.shape_cast %get3A_608 : vector<1x16xf32> to vector<16xf32>
        %mul3A_610 = vector.broadcast %squeeze3A_437 : f32 to vector<16xf32>
        %mul3A_611 = arith.mulf %mul3A_610, %get3A_609 : vector<16xf32>
        %add3A_612 = arith.addf %add3A_540, %mul3A_611 : vector<16xf32>
        %add3A_613 = arith.constant 1 : i32
        %add3A_614 = arith.addi %mul3A_472, %add3A_613 : i32
        %get3A_615 = arith.index_cast %add3A_614 : i32 to index
        %get3A_616 = arith.constant 64 : index
        %get3A_617 = tpu.vector_load %arg14[%get3A_615, %get3A_616] {strides = array<i32>} : memref<320x128xf32, #tpu.memory_space<vmem>>, vector<1x16xf32>,
        %get3A_618 = vector.shape_cast %get3A_617 : vector<1x16xf32> to vector<16xf32>
        %mul3A_619 = vector.broadcast %squeeze3A_437 : f32 to vector<16xf32>
        %mul3A_620 = arith.mulf %mul3A_619, %get3A_618 : vector<16xf32>
        %add3A_621 = arith.addf %add3A_549, %mul3A_620 : vector<16xf32>
        %add3A_622 = arith.constant 1 : i32
        %add3A_623 = arith.addi %mul3A_472, %add3A_622 : i32
        %get3A_624 = arith.index_cast %add3A_623 : i32 to index
        %get3A_625 = arith.constant 80 : index
        %get3A_626 = tpu.vector_load %arg14[%get3A_624, %get3A_625] {strides = array<i32>} : memref<320x128xf32, #tpu.memory_space<vmem>>, vector<1x16xf32>,
        %get3A_627 = vector.shape_cast %get3A_626 : vector<1x16xf32> to vector<16xf32>
        %mul3A_628 = vector.broadcast %squeeze3A_437 : f32 to vector<16xf32>
        %mul3A_629 = arith.mulf %mul3A_628, %get3A_627 : vector<16xf32>
        %add3A_630 = arith.addf %add3A_558, %mul3A_629 : vector<16xf32>
        %add3A_631 = arith.constant 1 : i32
        %add3A_632 = arith.addi %mul3A_472, %add3A_631 : i32
        %get3A_633 = arith.index_cast %add3A_632 : i32 to index
        %get3A_634 = arith.constant 96 : index
        %get3A_635 = tpu.vector_load %arg14[%get3A_633, %get3A_634] {strides = array<i32>} : memref<320x128xf32, #tpu.memory_space<vmem>>, vector<1x16xf32>,
        %get3A_636 = vector.shape_cast %get3A_635 : vector<1x16xf32> to vector<16xf32>
        %mul3A_637 = vector.broadcast %squeeze3A_437 : f32 to vector<16xf32>
        %mul3A_638 = arith.mulf %mul3A_637, %get3A_636 : vector<16xf32>
        %add3A_639 = arith.addf %add3A_567, %mul3A_638 : vector<16xf32>
        %add3A_640 = arith.constant 1 : i32
        %add3A_641 = arith.addi %mul3A_472, %add3A_640 : i32
        %get3A_642 = arith.index_cast %add3A_641 : i32 to index
        %get3A_643 = arith.constant 112 : index
        %get3A_644 = tpu.vector_load %arg14[%get3A_642, %get3A_643] {strides = array<i32>} : memref<320x128xf32, #tpu.memory_space<vmem>>, vector<1x16xf32>,
        %get3A_645 = vector.shape_cast %get3A_644 : vector<1x16xf32> to vector<16xf32>
        %mul3A_646 = vector.broadcast %squeeze3A_437 : f32 to vector<16xf32>
        %mul3A_647 = arith.mulf %mul3A_646, %get3A_645 : vector<16xf32>
        %add3A_648 = arith.addf %add3A_576, %mul3A_647 : vector<16xf32>
        %add3A_649 = arith.constant 2 : i32
        %add3A_650 = arith.addi %mul3A_472, %add3A_649 : i32
        %get3A_651 = arith.index_cast %add3A_650 : i32 to index
        %get3A_652 = arith.constant 0 : index
        %get3A_653 = tpu.vector_load %arg14[%get3A_651, %get3A_652] {strides = array<i32>} : memref<320x128xf32, #tpu.memory_space<vmem>>, vector<1x16xf32>,
        %get3A_654 = vector.shape_cast %get3A_653 : vector<1x16xf32> to vector<16xf32>
        %mul3A_655 = vector.broadcast %squeeze3A_439 : f32 to vector<16xf32>
        %mul3A_656 = arith.mulf %mul3A_655, %get3A_654 : vector<16xf32>
        %add3A_657 = arith.addf %add3A_585, %mul3A_656 : vector<16xf32>
        %add3A_658 = arith.constant 2 : i32
        %add3A_659 = arith.addi %mul3A_472, %add3A_658 : i32
        %get3A_660 = arith.index_cast %add3A_659 : i32 to index
        %get3A_661 = arith.constant 16 : index
        %get3A_662 = tpu.vector_load %arg14[%get3A_660, %get3A_661] {strides = array<i32>} : memref<320x128xf32, #tpu.memory_space<vmem>>, vector<1x16xf32>,
        %get3A_663 = vector.shape_cast %get3A_662 : vector<1x16xf32> to vector<16xf32>
        %mul3A_664 = vector.broadcast %squeeze3A_439 : f32 to vector<16xf32>
        %mul3A_665 = arith.mulf %mul3A_664, %get3A_663 : vector<16xf32>
        %add3A_666 = arith.addf %add3A_594, %mul3A_665 : vector<16xf32>
        %add3A_667 = arith.constant 2 : i32
        %add3A_668 = arith.addi %mul3A_472, %add3A_667 : i32
        %get3A_669 = arith.index_cast %add3A_668 : i32 to index
        %get3A_670 = arith.constant 32 : index
        %get3A_671 = tpu.vector_load %arg14[%get3A_669, %get3A_670] {strides = array<i32>} : memref<320x128xf32, #tpu.memory_space<vmem>>, vector<1x16xf32>,
        %get3A_672 = vector.shape_cast %get3A_671 : vector<1x16xf32> to vector<16xf32>
        %mul3A_673 = vector.broadcast %squeeze3A_439 : f32 to vector<16xf32>
        %mul3A_674 = arith.mulf %mul3A_673, %get3A_672 : vector<16xf32>
        %add3A_675 = arith.addf %add3A_603, %mul3A_674 : vector<16xf32>
        %add3A_676 = arith.constant 2 : i32
        %add3A_677 = arith.addi %mul3A_472, %add3A_676 : i32
        %get3A_678 = arith.index_cast %add3A_677 : i32 to index
        %get3A_679 = arith.constant 48 : index
        %get3A_680 = tpu.vector_load %arg14[%get3A_678, %get3A_679] {strides = array<i32>} : memref<320x128xf32, #tpu.memory_space<vmem>>, vector<1x16xf32>,
        %get3A_681 = vector.shape_cast %get3A_680 : vector<1x16xf32> to vector<16xf32>
        %mul3A_682 = vector.broadcast %squeeze3A_439 : f32 to vector<16xf32>
        %mul3A_683 = arith.mulf %mul3A_682, %get3A_681 : vector<16xf32>
        %add3A_684 = arith.addf %add3A_612, %mul3A_683 : vector<16xf32>
        %add3A_685 = arith.constant 2 : i32
        %add3A_686 = arith.addi %mul3A_472, %add3A_685 : i32
        %get3A_687 = arith.index_cast %add3A_686 : i32 to index
        %get3A_688 = arith.constant 64 : index
        %get3A_689 = tpu.vector_load %arg14[%get3A_687, %get3A_688] {strides = array<i32>} : memref<320x128xf32, #tpu.memory_space<vmem>>, vector<1x16xf32>,
        %get3A_690 = vector.shape_cast %get3A_689 : vector<1x16xf32> to vector<16xf32>
        %mul3A_691 = vector.broadcast %squeeze3A_439 : f32 to vector<16xf32>
        %mul3A_692 = arith.mulf %mul3A_691, %get3A_690 : vector<16xf32>
        %add3A_693 = arith.addf %add3A_621, %mul3A_692 : vector<16xf32>
        %add3A_694 = arith.constant 2 : i32
        %add3A_695 = arith.addi %mul3A_472, %add3A_694 : i32
        %get3A_696 = arith.index_cast %add3A_695 : i32 to index
        %get3A_697 = arith.constant 80 : index
        %get3A_698 = tpu.vector_load %arg14[%get3A_696, %get3A_697] {strides = array<i32>} : memref<320x128xf32, #tpu.memory_space<vmem>>, vector<1x16xf32>,
        %get3A_699 = vector.shape_cast %get3A_698 : vector<1x16xf32> to vector<16xf32>
        %mul3A_700 = vector.broadcast %squeeze3A_439 : f32 to vector<16xf32>
        %mul3A_701 = arith.mulf %mul3A_700, %get3A_699 : vector<16xf32>
        %add3A_702 = arith.addf %add3A_630, %mul3A_701 : vector<16xf32>
        %add3A_703 = arith.constant 2 : i32
        %add3A_704 = arith.addi %mul3A_472, %add3A_703 : i32
        %get3A_705 = arith.index_cast %add3A_704 : i32 to index
        %get3A_706 = arith.constant 96 : index
        %get3A_707 = tpu.vector_load %arg14[%get3A_705, %get3A_706] {strides = array<i32>} : memref<320x128xf32, #tpu.memory_space<vmem>>, vector<1x16xf32>,
        %get3A_708 = vector.shape_cast %get3A_707 : vector<1x16xf32> to vector<16xf32>
        %mul3A_709 = vector.broadcast %squeeze3A_439 : f32 to vector<16xf32>
        %mul3A_710 = arith.mulf %mul3A_709, %get3A_708 : vector<16xf32>
        %add3A_711 = arith.addf %add3A_639, %mul3A_710 : vector<16xf32>
        %add3A_712 = arith.constant 2 : i32
        %add3A_713 = arith.addi %mul3A_472, %add3A_712 : i32
        %get3A_714 = arith.index_cast %add3A_713 : i32 to index
        %get3A_715 = arith.constant 112 : index
        %get3A_716 = tpu.vector_load %arg14[%get3A_714, %get3A_715] {strides = array<i32>} : memref<320x128xf32, #tpu.memory_space<vmem>>, vector<1x16xf32>,
        %get3A_717 = vector.shape_cast %get3A_716 : vector<1x16xf32> to vector<16xf32>
        %mul3A_718 = vector.broadcast %squeeze3A_439 : f32 to vector<16xf32>
        %mul3A_719 = arith.mulf %mul3A_718, %get3A_717 : vector<16xf32>
        %add3A_720 = arith.addf %add3A_648, %mul3A_719 : vector<16xf32>
        %add3A_721 = arith.constant 3 : i32
        %add3A_722 = arith.addi %mul3A_472, %add3A_721 : i32
        %get3A_723 = arith.index_cast %add3A_722 : i32 to index
        %get3A_724 = arith.constant 0 : index
        %get3A_725 = tpu.vector_load %arg14[%get3A_723, %get3A_724] {strides = array<i32>} : memref<320x128xf32, #tpu.memory_space<vmem>>, vector<1x16xf32>,
        %get3A_726 = vector.shape_cast %get3A_725 : vector<1x16xf32> to vector<16xf32>
        %mul3A_727 = vector.broadcast %squeeze3A_441 : f32 to vector<16xf32>
        %mul3A_728 = arith.mulf %mul3A_727, %get3A_726 : vector<16xf32>
        %add3A_729 = arith.addf %add3A_657, %mul3A_728 : vector<16xf32>
        %add3A_730 = arith.constant 3 : i32
        %add3A_731 = arith.addi %mul3A_472, %add3A_730 : i32
        %get3A_732 = arith.index_cast %add3A_731 : i32 to index
        %get3A_733 = arith.constant 16 : index
        %get3A_734 = tpu.vector_load %arg14[%get3A_732, %get3A_733] {strides = array<i32>} : memref<320x128xf32, #tpu.memory_space<vmem>>, vector<1x16xf32>,
        %get3A_735 = vector.shape_cast %get3A_734 : vector<1x16xf32> to vector<16xf32>
        %mul3A_736 = vector.broadcast %squeeze3A_441 : f32 to vector<16xf32>
        %mul3A_737 = arith.mulf %mul3A_736, %get3A_735 : vector<16xf32>
        %add3A_738 = arith.addf %add3A_666, %mul3A_737 : vector<16xf32>
        %add3A_739 = arith.constant 3 : i32
        %add3A_740 = arith.addi %mul3A_472, %add3A_739 : i32
        %get3A_741 = arith.index_cast %add3A_740 : i32 to index
        %get3A_742 = arith.constant 32 : index
        %get3A_743 = tpu.vector_load %arg14[%get3A_741, %get3A_742] {strides = array<i32>} : memref<320x128xf32, #tpu.memory_space<vmem>>, vector<1x16xf32>,
        %get3A_744 = vector.shape_cast %get3A_743 : vector<1x16xf32> to vector<16xf32>
        %mul3A_745 = vector.broadcast %squeeze3A_441 : f32 to vector<16xf32>
        %mul3A_746 = arith.mulf %mul3A_745, %get3A_744 : vector<16xf32>
        %add3A_747 = arith.addf %add3A_675, %mul3A_746 : vector<16xf32>
        %add3A_748 = arith.constant 3 : i32
        %add3A_749 = arith.addi %mul3A_472, %add3A_748 : i32
        %get3A_750 = arith.index_cast %add3A_749 : i32 to index
        %get3A_751 = arith.constant 48 : index
        %get3A_752 = tpu.vector_load %arg14[%get3A_750, %get3A_751] {strides = array<i32>} : memref<320x128xf32, #tpu.memory_space<vmem>>, vector<1x16xf32>,
        %get3A_753 = vector.shape_cast %get3A_752 : vector<1x16xf32> to vector<16xf32>
        %mul3A_754 = vector.broadcast %squeeze3A_441 : f32 to vector<16xf32>
        %mul3A_755 = arith.mulf %mul3A_754, %get3A_753 : vector<16xf32>
        %add3A_756 = arith.addf %add3A_684, %mul3A_755 : vector<16xf32>
        %add3A_757 = arith.constant 3 : i32
        %add3A_758 = arith.addi %mul3A_472, %add3A_757 : i32
        %get3A_759 = arith.index_cast %add3A_758 : i32 to index
        %get3A_760 = arith.constant 64 : index
        %get3A_761 = tpu.vector_load %arg14[%get3A_759, %get3A_760] {strides = array<i32>} : memref<320x128xf32, #tpu.memory_space<vmem>>, vector<1x16xf32>,
        %get3A_762 = vector.shape_cast %get3A_761 : vector<1x16xf32> to vector<16xf32>
        %mul3A_763 = vector.broadcast %squeeze3A_441 : f32 to vector<16xf32>
        %mul3A_764 = arith.mulf %mul3A_763, %get3A_762 : vector<16xf32>
        %add3A_765 = arith.addf %add3A_693, %mul3A_764 : vector<16xf32>
        %add3A_766 = arith.constant 3 : i32
        %add3A_767 = arith.addi %mul3A_472, %add3A_766 : i32
        %get3A_768 = arith.index_cast %add3A_767 : i32 to index
        %get3A_769 = arith.constant 80 : index
        %get3A_770 = tpu.vector_load %arg14[%get3A_768, %get3A_769] {strides = array<i32>} : memref<320x128xf32, #tpu.memory_space<vmem>>, vector<1x16xf32>,
        %get3A_771 = vector.shape_cast %get3A_770 : vector<1x16xf32> to vector<16xf32>
        %mul3A_772 = vector.broadcast %squeeze3A_441 : f32 to vector<16xf32>
        %mul3A_773 = arith.mulf %mul3A_772, %get3A_771 : vector<16xf32>
        %add3A_774 = arith.addf %add3A_702, %mul3A_773 : vector<16xf32>
        %add3A_775 = arith.constant 3 : i32
        %add3A_776 = arith.addi %mul3A_472, %add3A_775 : i32
        %get3A_777 = arith.index_cast %add3A_776 : i32 to index
        %get3A_778 = arith.constant 96 : index
        %get3A_779 = tpu.vector_load %arg14[%get3A_777, %get3A_778] {strides = array<i32>} : memref<320x128xf32, #tpu.memory_space<vmem>>, vector<1x16xf32>,
        %get3A_780 = vector.shape_cast %get3A_779 : vector<1x16xf32> to vector<16xf32>
        %mul3A_781 = vector.broadcast %squeeze3A_441 : f32 to vector<16xf32>
        %mul3A_782 = arith.mulf %mul3A_781, %get3A_780 : vector<16xf32>
        %add3A_783 = arith.addf %add3A_711, %mul3A_782 : vector<16xf32>
        %add3A_784 = arith.constant 3 : i32
        %add3A_785 = arith.addi %mul3A_472, %add3A_784 : i32
        %get3A_786 = arith.index_cast %add3A_785 : i32 to index
        %get3A_787 = arith.constant 112 : index
        %get3A_788 = tpu.vector_load %arg14[%get3A_786, %get3A_787] {strides = array<i32>} : memref<320x128xf32, #tpu.memory_space<vmem>>, vector<1x16xf32>,
        %get3A_789 = vector.shape_cast %get3A_788 : vector<1x16xf32> to vector<16xf32>
        %mul3A_790 = vector.broadcast %squeeze3A_441 : f32 to vector<16xf32>
        %mul3A_791 = arith.mulf %mul3A_790, %get3A_789 : vector<16xf32>
        %add3A_792 = arith.addf %add3A_720, %mul3A_791 : vector<16xf32>
        %add3A_793 = arith.constant 4 : i32
        %add3A_794 = arith.addi %mul3A_472, %add3A_793 : i32
        %get3A_795 = arith.index_cast %add3A_794 : i32 to index
        %get3A_796 = arith.constant 0 : index
        %get3A_797 = tpu.vector_load %arg14[%get3A_795, %get3A_796] {strides = array<i32>} : memref<320x128xf32, #tpu.memory_space<vmem>>, vector<1x16xf32>,
        %get3A_798 = vector.shape_cast %get3A_797 : vector<1x16xf32> to vector<16xf32>
        %mul3A_799 = vector.broadcast %squeeze3A_443 : f32 to vector<16xf32>
        %mul3A_800 = arith.mulf %mul3A_799, %get3A_798 : vector<16xf32>
        %add3A_801 = arith.addf %add3A_729, %mul3A_800 : vector<16xf32>
        %add3A_802 = arith.constant 4 : i32
        %add3A_803 = arith.addi %mul3A_472, %add3A_802 : i32
        %get3A_804 = arith.index_cast %add3A_803 : i32 to index
        %get3A_805 = arith.constant 16 : index
        %get3A_806 = tpu.vector_load %arg14[%get3A_804, %get3A_805] {strides = array<i32>} : memref<320x128xf32, #tpu.memory_space<vmem>>, vector<1x16xf32>,
        %get3A_807 = vector.shape_cast %get3A_806 : vector<1x16xf32> to vector<16xf32>
        %mul3A_808 = vector.broadcast %squeeze3A_443 : f32 to vector<16xf32>
        %mul3A_809 = arith.mulf %mul3A_808, %get3A_807 : vector<16xf32>
        %add3A_810 = arith.addf %add3A_738, %mul3A_809 : vector<16xf32>
        %add3A_811 = arith.constant 4 : i32
        %add3A_812 = arith.addi %mul3A_472, %add3A_811 : i32
        %get3A_813 = arith.index_cast %add3A_812 : i32 to index
        %get3A_814 = arith.constant 32 : index
        %get3A_815 = tpu.vector_load %arg14[%get3A_813, %get3A_814] {strides = array<i32>} : memref<320x128xf32, #tpu.memory_space<vmem>>, vector<1x16xf32>,
        %get3A_816 = vector.shape_cast %get3A_815 : vector<1x16xf32> to vector<16xf32>
        %mul3A_817 = vector.broadcast %squeeze3A_443 : f32 to vector<16xf32>
        %mul3A_818 = arith.mulf %mul3A_817, %get3A_816 : vector<16xf32>
        %add3A_819 = arith.addf %add3A_747, %mul3A_818 : vector<16xf32>
        %add3A_820 = arith.constant 4 : i32
        %add3A_821 = arith.addi %mul3A_472, %add3A_820 : i32
        %get3A_822 = arith.index_cast %add3A_821 : i32 to index
        %get3A_823 = arith.constant 48 : index
        %get3A_824 = tpu.vector_load %arg14[%get3A_822, %get3A_823] {strides = array<i32>} : memref<320x128xf32, #tpu.memory_space<vmem>>, vector<1x16xf32>,
        %get3A_825 = vector.shape_cast %get3A_824 : vector<1x16xf32> to vector<16xf32>
        %mul3A_826 = vector.broadcast %squeeze3A_443 : f32 to vector<16xf32>
        %mul3A_827 = arith.mulf %mul3A_826, %get3A_825 : vector<16xf32>
        %add3A_828 = arith.addf %add3A_756, %mul3A_827 : vector<16xf32>
        %add3A_829 = arith.constant 4 : i32
        %add3A_830 = arith.addi %mul3A_472, %add3A_829 : i32
        %get3A_831 = arith.index_cast %add3A_830 : i32 to index
        %get3A_832 = arith.constant 64 : index
        %get3A_833 = tpu.vector_load %arg14[%get3A_831, %get3A_832] {strides = array<i32>} : memref<320x128xf32, #tpu.memory_space<vmem>>, vector<1x16xf32>,
        %get3A_834 = vector.shape_cast %get3A_833 : vector<1x16xf32> to vector<16xf32>
        %mul3A_835 = vector.broadcast %squeeze3A_443 : f32 to vector<16xf32>
        %mul3A_836 = arith.mulf %mul3A_835, %get3A_834 : vector<16xf32>
        %add3A_837 = arith.addf %add3A_765, %mul3A_836 : vector<16xf32>
        %add3A_838 = arith.constant 4 : i32
        %add3A_839 = arith.addi %mul3A_472, %add3A_838 : i32
        %get3A_840 = arith.index_cast %add3A_839 : i32 to index
        %get3A_841 = arith.constant 80 : index
        %get3A_842 = tpu.vector_load %arg14[%get3A_840, %get3A_841] {strides = array<i32>} : memref<320x128xf32, #tpu.memory_space<vmem>>, vector<1x16xf32>,
        %get3A_843 = vector.shape_cast %get3A_842 : vector<1x16xf32> to vector<16xf32>
        %mul3A_844 = vector.broadcast %squeeze3A_443 : f32 to vector<16xf32>
        %mul3A_845 = arith.mulf %mul3A_844, %get3A_843 : vector<16xf32>
        %add3A_846 = arith.addf %add3A_774, %mul3A_845 : vector<16xf32>
        %add3A_847 = arith.constant 4 : i32
        %add3A_848 = arith.addi %mul3A_472, %add3A_847 : i32
        %get3A_849 = arith.index_cast %add3A_848 : i32 to index
        %get3A_850 = arith.constant 96 : index
        %get3A_851 = tpu.vector_load %arg14[%get3A_849, %get3A_850] {strides = array<i32>} : memref<320x128xf32, #tpu.memory_space<vmem>>, vector<1x16xf32>,
        %get3A_852 = vector.shape_cast %get3A_851 : vector<1x16xf32> to vector<16xf32>
        %mul3A_853 = vector.broadcast %squeeze3A_443 : f32 to vector<16xf32>
        %mul3A_854 = arith.mulf %mul3A_853, %get3A_852 : vector<16xf32>
        %add3A_855 = arith.addf %add3A_783, %mul3A_854 : vector<16xf32>
        %add3A_856 = arith.constant 4 : i32
        %add3A_857 = arith.addi %mul3A_472, %add3A_856 : i32
        %get3A_858 = arith.index_cast %add3A_857 : i32 to index
        %get3A_859 = arith.constant 112 : index
        %get3A_860 = tpu.vector_load %arg14[%get3A_858, %get3A_859] {strides = array<i32>} : memref<320x128xf32, #tpu.memory_space<vmem>>, vector<1x16xf32>,
        %get3A_861 = vector.shape_cast %get3A_860 : vector<1x16xf32> to vector<16xf32>
        %mul3A_862 = vector.broadcast %squeeze3A_443 : f32 to vector<16xf32>
        %mul3A_863 = arith.mulf %mul3A_862, %get3A_861 : vector<16xf32>
        %add3A_864 = arith.addf %add3A_792, %mul3A_863 : vector<16xf32>
        %add3A_865 = arith.constant 5 : i32
        %add3A_866 = arith.addi %mul3A_472, %add3A_865 : i32
        %get3A_867 = arith.index_cast %add3A_866 : i32 to index
        %get3A_868 = arith.constant 0 : index
        %get3A_869 = tpu.vector_load %arg14[%get3A_867, %get3A_868] {strides = array<i32>} : memref<320x128xf32, #tpu.memory_space<vmem>>, vector<1x16xf32>,
        %get3A_870 = vector.shape_cast %get3A_869 : vector<1x16xf32> to vector<16xf32>
        %mul3A_871 = vector.broadcast %squeeze3A_445 : f32 to vector<16xf32>
        %mul3A_872 = arith.mulf %mul3A_871, %get3A_870 : vector<16xf32>
        %add3A_873 = arith.addf %add3A_801, %mul3A_872 : vector<16xf32>
        %add3A_874 = arith.constant 5 : i32
        %add3A_875 = arith.addi %mul3A_472, %add3A_874 : i32
        %get3A_876 = arith.index_cast %add3A_875 : i32 to index
        %get3A_877 = arith.constant 16 : index
        %get3A_878 = tpu.vector_load %arg14[%get3A_876, %get3A_877] {strides = array<i32>} : memref<320x128xf32, #tpu.memory_space<vmem>>, vector<1x16xf32>,
        %get3A_879 = vector.shape_cast %get3A_878 : vector<1x16xf32> to vector<16xf32>
        %mul3A_880 = vector.broadcast %squeeze3A_445 : f32 to vector<16xf32>
        %mul3A_881 = arith.mulf %mul3A_880, %get3A_879 : vector<16xf32>
        %add3A_882 = arith.addf %add3A_810, %mul3A_881 : vector<16xf32>
        %add3A_883 = arith.constant 5 : i32
        %add3A_884 = arith.addi %mul3A_472, %add3A_883 : i32
        %get3A_885 = arith.index_cast %add3A_884 : i32 to index
        %get3A_886 = arith.constant 32 : index
        %get3A_887 = tpu.vector_load %arg14[%get3A_885, %get3A_886] {strides = array<i32>} : memref<320x128xf32, #tpu.memory_space<vmem>>, vector<1x16xf32>,
        %get3A_888 = vector.shape_cast %get3A_887 : vector<1x16xf32> to vector<16xf32>
        %mul3A_889 = vector.broadcast %squeeze3A_445 : f32 to vector<16xf32>
        %mul3A_890 = arith.mulf %mul3A_889, %get3A_888 : vector<16xf32>
        %add3A_891 = arith.addf %add3A_819, %mul3A_890 : vector<16xf32>
        %add3A_892 = arith.constant 5 : i32
        %add3A_893 = arith.addi %mul3A_472, %add3A_892 : i32
        %get3A_894 = arith.index_cast %add3A_893 : i32 to index
        %get3A_895 = arith.constant 48 : index
        %get3A_896 = tpu.vector_load %arg14[%get3A_894, %get3A_895] {strides = array<i32>} : memref<320x128xf32, #tpu.memory_space<vmem>>, vector<1x16xf32>,
        %get3A_897 = vector.shape_cast %get3A_896 : vector<1x16xf32> to vector<16xf32>
        %mul3A_898 = vector.broadcast %squeeze3A_445 : f32 to vector<16xf32>
        %mul3A_899 = arith.mulf %mul3A_898, %get3A_897 : vector<16xf32>
        %add3A_900 = arith.addf %add3A_828, %mul3A_899 : vector<16xf32>
        %add3A_901 = arith.constant 5 : i32
        %add3A_902 = arith.addi %mul3A_472, %add3A_901 : i32
        %get3A_903 = arith.index_cast %add3A_902 : i32 to index
        %get3A_904 = arith.constant 64 : index
        %get3A_905 = tpu.vector_load %arg14[%get3A_903, %get3A_904] {strides = array<i32>} : memref<320x128xf32, #tpu.memory_space<vmem>>, vector<1x16xf32>,
        %get3A_906 = vector.shape_cast %get3A_905 : vector<1x16xf32> to vector<16xf32>
        %mul3A_907 = vector.broadcast %squeeze3A_445 : f32 to vector<16xf32>
        %mul3A_908 = arith.mulf %mul3A_907, %get3A_906 : vector<16xf32>
        %add3A_909 = arith.addf %add3A_837, %mul3A_908 : vector<16xf32>
        %add3A_910 = arith.constant 5 : i32
        %add3A_911 = arith.addi %mul3A_472, %add3A_910 : i32
        %get3A_912 = arith.index_cast %add3A_911 : i32 to index
        %get3A_913 = arith.constant 80 : index
        %get3A_914 = tpu.vector_load %arg14[%get3A_912, %get3A_913] {strides = array<i32>} : memref<320x128xf32, #tpu.memory_space<vmem>>, vector<1x16xf32>,
        %get3A_915 = vector.shape_cast %get3A_914 : vector<1x16xf32> to vector<16xf32>
        %mul3A_916 = vector.broadcast %squeeze3A_445 : f32 to vector<16xf32>
        %mul3A_917 = arith.mulf %mul3A_916, %get3A_915 : vector<16xf32>
        %add3A_918 = arith.addf %add3A_846, %mul3A_917 : vector<16xf32>
        %add3A_919 = arith.constant 5 : i32
        %add3A_920 = arith.addi %mul3A_472, %add3A_919 : i32
        %get3A_921 = arith.index_cast %add3A_920 : i32 to index
        %get3A_922 = arith.constant 96 : index
        %get3A_923 = tpu.vector_load %arg14[%get3A_921, %get3A_922] {strides = array<i32>} : memref<320x128xf32, #tpu.memory_space<vmem>>, vector<1x16xf32>,
        %get3A_924 = vector.shape_cast %get3A_923 : vector<1x16xf32> to vector<16xf32>
        %mul3A_925 = vector.broadcast %squeeze3A_445 : f32 to vector<16xf32>
        %mul3A_926 = arith.mulf %mul3A_925, %get3A_924 : vector<16xf32>
        %add3A_927 = arith.addf %add3A_855, %mul3A_926 : vector<16xf32>
        %add3A_928 = arith.constant 5 : i32
        %add3A_929 = arith.addi %mul3A_472, %add3A_928 : i32
        %get3A_930 = arith.index_cast %add3A_929 : i32 to index
        %get3A_931 = arith.constant 112 : index
        %get3A_932 = tpu.vector_load %arg14[%get3A_930, %get3A_931] {strides = array<i32>} : memref<320x128xf32, #tpu.memory_space<vmem>>, vector<1x16xf32>,
        %get3A_933 = vector.shape_cast %get3A_932 : vector<1x16xf32> to vector<16xf32>
        %mul3A_934 = vector.broadcast %squeeze3A_445 : f32 to vector<16xf32>
        %mul3A_935 = arith.mulf %mul3A_934, %get3A_933 : vector<16xf32>
        %add3A_936 = arith.addf %add3A_864, %mul3A_935 : vector<16xf32>
        %add3A_937 = arith.constant 6 : i32
        %add3A_938 = arith.addi %mul3A_472, %add3A_937 : i32
        %get3A_939 = arith.index_cast %add3A_938 : i32 to index
        %get3A_940 = arith.constant 0 : index
        %get3A_941 = tpu.vector_load %arg14[%get3A_939, %get3A_940] {strides = array<i32>} : memref<320x128xf32, #tpu.memory_space<vmem>>, vector<1x16xf32>,
        %get3A_942 = vector.shape_cast %get3A_941 : vector<1x16xf32> to vector<16xf32>
        %mul3A_943 = vector.broadcast %squeeze3A_447 : f32 to vector<16xf32>
        %mul3A_944 = arith.mulf %mul3A_943, %get3A_942 : vector<16xf32>
        %add3A_945 = arith.addf %add3A_873, %mul3A_944 : vector<16xf32>
        %add3A_946 = arith.constant 6 : i32
        %add3A_947 = arith.addi %mul3A_472, %add3A_946 : i32
        %get3A_948 = arith.index_cast %add3A_947 : i32 to index
        %get3A_949 = arith.constant 16 : index
        %get3A_950 = tpu.vector_load %arg14[%get3A_948, %get3A_949] {strides = array<i32>} : memref<320x128xf32, #tpu.memory_space<vmem>>, vector<1x16xf32>,
        %get3A_951 = vector.shape_cast %get3A_950 : vector<1x16xf32> to vector<16xf32>
        %mul3A_952 = vector.broadcast %squeeze3A_447 : f32 to vector<16xf32>
        %mul3A_953 = arith.mulf %mul3A_952, %get3A_951 : vector<16xf32>
        %add3A_954 = arith.addf %add3A_882, %mul3A_953 : vector<16xf32>
        %add3A_955 = arith.constant 6 : i32
        %add3A_956 = arith.addi %mul3A_472, %add3A_955 : i32
        %get3A_957 = arith.index_cast %add3A_956 : i32 to index
        %get3A_958 = arith.constant 32 : index
        %get3A_959 = tpu.vector_load %arg14[%get3A_957, %get3A_958] {strides = array<i32>} : memref<320x128xf32, #tpu.memory_space<vmem>>, vector<1x16xf32>,
        %get3A_960 = vector.shape_cast %get3A_959 : vector<1x16xf32> to vector<16xf32>
        %mul3A_961 = vector.broadcast %squeeze3A_447 : f32 to vector<16xf32>
        %mul3A_962 = arith.mulf %mul3A_961, %get3A_960 : vector<16xf32>
        %add3A_963 = arith.addf %add3A_891, %mul3A_962 : vector<16xf32>
        %add3A_964 = arith.constant 6 : i32
        %add3A_965 = arith.addi %mul3A_472, %add3A_964 : i32
        %get3A_966 = arith.index_cast %add3A_965 : i32 to index
        %get3A_967 = arith.constant 48 : index
        %get3A_968 = tpu.vector_load %arg14[%get3A_966, %get3A_967] {strides = array<i32>} : memref<320x128xf32, #tpu.memory_space<vmem>>, vector<1x16xf32>,
        %get3A_969 = vector.shape_cast %get3A_968 : vector<1x16xf32> to vector<16xf32>
        %mul3A_970 = vector.broadcast %squeeze3A_447 : f32 to vector<16xf32>
        %mul3A_971 = arith.mulf %mul3A_970, %get3A_969 : vector<16xf32>
        %add3A_972 = arith.addf %add3A_900, %mul3A_971 : vector<16xf32>
        %add3A_973 = arith.constant 6 : i32
        %add3A_974 = arith.addi %mul3A_472, %add3A_973 : i32
        %get3A_975 = arith.index_cast %add3A_974 : i32 to index
        %get3A_976 = arith.constant 64 : index
        %get3A_977 = tpu.vector_load %arg14[%get3A_975, %get3A_976] {strides = array<i32>} : memref<320x128xf32, #tpu.memory_space<vmem>>, vector<1x16xf32>,
        %get3A_978 = vector.shape_cast %get3A_977 : vector<1x16xf32> to vector<16xf32>
        %mul3A_979 = vector.broadcast %squeeze3A_447 : f32 to vector<16xf32>
        %mul3A_980 = arith.mulf %mul3A_979, %get3A_978 : vector<16xf32>
        %add3A_981 = arith.addf %add3A_909, %mul3A_980 : vector<16xf32>
        %add3A_982 = arith.constant 6 : i32
        %add3A_983 = arith.addi %mul3A_472, %add3A_982 : i32
        %get3A_984 = arith.index_cast %add3A_983 : i32 to index
        %get3A_985 = arith.constant 80 : index
        %get3A_986 = tpu.vector_load %arg14[%get3A_984, %get3A_985] {strides = array<i32>} : memref<320x128xf32, #tpu.memory_space<vmem>>, vector<1x16xf32>,
        %get3A_987 = vector.shape_cast %get3A_986 : vector<1x16xf32> to vector<16xf32>
        %mul3A_988 = vector.broadcast %squeeze3A_447 : f32 to vector<16xf32>
        %mul3A_989 = arith.mulf %mul3A_988, %get3A_987 : vector<16xf32>
        %add3A_990 = arith.addf %add3A_918, %mul3A_989 : vector<16xf32>
        %add3A_991 = arith.constant 6 : i32
        %add3A_992 = arith.addi %mul3A_472, %add3A_991 : i32
        %get3A_993 = arith.index_cast %add3A_992 : i32 to index
        %get3A_994 = arith.constant 96 : index
        %get3A_995 = tpu.vector_load %arg14[%get3A_993, %get3A_994] {strides = array<i32>} : memref<320x128xf32, #tpu.memory_space<vmem>>, vector<1x16xf32>,
        %get3A_996 = vector.shape_cast %get3A_995 : vector<1x16xf32> to vector<16xf32>
        %mul3A_997 = vector.broadcast %squeeze3A_447 : f32 to vector<16xf32>
        %mul3A_998 = arith.mulf %mul3A_997, %get3A_996 : vector<16xf32>
        %add3A_999 = arith.addf %add3A_927, %mul3A_998 : vector<16xf32>
        %add3A_1000 = arith.constant 6 : i32
        %add3A_1001 = arith.addi %mul3A_472, %add3A_1000 : i32
        %get3A_1002 = arith.index_cast %add3A_1001 : i32 to index
        %get3A_1003 = arith.constant 112 : index
        %get3A_1004 = tpu.vector_load %arg14[%get3A_1002, %get3A_1003] {strides = array<i32>} : memref<320x128xf32, #tpu.memory_space<vmem>>, vector<1x16xf32>,
        %get3A_1005 = vector.shape_cast %get3A_1004 : vector<1x16xf32> to vector<16xf32>
        %mul3A_1006 = vector.broadcast %squeeze3A_447 : f32 to vector<16xf32>
        %mul3A_1007 = arith.mulf %mul3A_1006, %get3A_1005 : vector<16xf32>
        %add3A_1008 = arith.addf %add3A_936, %mul3A_1007 : vector<16xf32>
        %add3A_1009 = arith.constant 7 : i32
        %add3A_1010 = arith.addi %mul3A_472, %add3A_1009 : i32
        %get3A_1011 = arith.index_cast %add3A_1010 : i32 to index
        %get3A_1012 = arith.constant 0 : index
        %get3A_1013 = tpu.vector_load %arg14[%get3A_1011, %get3A_1012] {strides = array<i32>} : memref<320x128xf32, #tpu.memory_space<vmem>>, vector<1x16xf32>,
        %get3A_1014 = vector.shape_cast %get3A_1013 : vector<1x16xf32> to vector<16xf32>
        %mul3A_1015 = vector.broadcast %squeeze3A_449 : f32 to vector<16xf32>
        %mul3A_1016 = arith.mulf %mul3A_1015, %get3A_1014 : vector<16xf32>
        %add3A_1017 = arith.addf %add3A_945, %mul3A_1016 : vector<16xf32>
        %add3A_1018 = arith.constant 7 : i32
        %add3A_1019 = arith.addi %mul3A_472, %add3A_1018 : i32
        %get3A_1020 = arith.index_cast %add3A_1019 : i32 to index
        %get3A_1021 = arith.constant 16 : index
        %get3A_1022 = tpu.vector_load %arg14[%get3A_1020, %get3A_1021] {strides = array<i32>} : memref<320x128xf32, #tpu.memory_space<vmem>>, vector<1x16xf32>,
        %get3A_1023 = vector.shape_cast %get3A_1022 : vector<1x16xf32> to vector<16xf32>
        %mul3A_1024 = vector.broadcast %squeeze3A_449 : f32 to vector<16xf32>
        %mul3A_1025 = arith.mulf %mul3A_1024, %get3A_1023 : vector<16xf32>
        %add3A_1026 = arith.addf %add3A_954, %mul3A_1025 : vector<16xf32>
        %add3A_1027 = arith.constant 7 : i32
        %add3A_1028 = arith.addi %mul3A_472, %add3A_1027 : i32
        %get3A_1029 = arith.index_cast %add3A_1028 : i32 to index
        %get3A_1030 = arith.constant 32 : index
        %get3A_1031 = tpu.vector_load %arg14[%get3A_1029, %get3A_1030] {strides = array<i32>} : memref<320x128xf32, #tpu.memory_space<vmem>>, vector<1x16xf32>,
        %get3A_1032 = vector.shape_cast %get3A_1031 : vector<1x16xf32> to vector<16xf32>
        %mul3A_1033 = vector.broadcast %squeeze3A_449 : f32 to vector<16xf32>
        %mul3A_1034 = arith.mulf %mul3A_1033, %get3A_1032 : vector<16xf32>
        %add3A_1035 = arith.addf %add3A_963, %mul3A_1034 : vector<16xf32>
        %add3A_1036 = arith.constant 7 : i32
        %add3A_1037 = arith.addi %mul3A_472, %add3A_1036 : i32
        %get3A_1038 = arith.index_cast %add3A_1037 : i32 to index
        %get3A_1039 = arith.constant 48 : index
        %get3A_1040 = tpu.vector_load %arg14[%get3A_1038, %get3A_1039] {strides = array<i32>} : memref<320x128xf32, #tpu.memory_space<vmem>>, vector<1x16xf32>,
        %get3A_1041 = vector.shape_cast %get3A_1040 : vector<1x16xf32> to vector<16xf32>
        %mul3A_1042 = vector.broadcast %squeeze3A_449 : f32 to vector<16xf32>
        %mul3A_1043 = arith.mulf %mul3A_1042, %get3A_1041 : vector<16xf32>
        %add3A_1044 = arith.addf %add3A_972, %mul3A_1043 : vector<16xf32>
        %add3A_1045 = arith.constant 7 : i32
        %add3A_1046 = arith.addi %mul3A_472, %add3A_1045 : i32
        %get3A_1047 = arith.index_cast %add3A_1046 : i32 to index
        %get3A_1048 = arith.constant 64 : index
        %get3A_1049 = tpu.vector_load %arg14[%get3A_1047, %get3A_1048] {strides = array<i32>} : memref<320x128xf32, #tpu.memory_space<vmem>>, vector<1x16xf32>,
        %get3A_1050 = vector.shape_cast %get3A_1049 : vector<1x16xf32> to vector<16xf32>
        %mul3A_1051 = vector.broadcast %squeeze3A_449 : f32 to vector<16xf32>
        %mul3A_1052 = arith.mulf %mul3A_1051, %get3A_1050 : vector<16xf32>
        %add3A_1053 = arith.addf %add3A_981, %mul3A_1052 : vector<16xf32>
        %add3A_1054 = arith.constant 7 : i32
        %add3A_1055 = arith.addi %mul3A_472, %add3A_1054 : i32
        %get3A_1056 = arith.index_cast %add3A_1055 : i32 to index
        %get3A_1057 = arith.constant 80 : index
        %get3A_1058 = tpu.vector_load %arg14[%get3A_1056, %get3A_1057] {strides = array<i32>} : memref<320x128xf32, #tpu.memory_space<vmem>>, vector<1x16xf32>,
        %get3A_1059 = vector.shape_cast %get3A_1058 : vector<1x16xf32> to vector<16xf32>
        %mul3A_1060 = vector.broadcast %squeeze3A_449 : f32 to vector<16xf32>
        %mul3A_1061 = arith.mulf %mul3A_1060, %get3A_1059 : vector<16xf32>
        %add3A_1062 = arith.addf %add3A_990, %mul3A_1061 : vector<16xf32>
        %add3A_1063 = arith.constant 7 : i32
        %add3A_1064 = arith.addi %mul3A_472, %add3A_1063 : i32
        %get3A_1065 = arith.index_cast %add3A_1064 : i32 to index
        %get3A_1066 = arith.constant 96 : index
        %get3A_1067 = tpu.vector_load %arg14[%get3A_1065, %get3A_1066] {strides = array<i32>} : memref<320x128xf32, #tpu.memory_space<vmem>>, vector<1x16xf32>,
        %get3A_1068 = vector.shape_cast %get3A_1067 : vector<1x16xf32> to vector<16xf32>
        %mul3A_1069 = vector.broadcast %squeeze3A_449 : f32 to vector<16xf32>
        %mul3A_1070 = arith.mulf %mul3A_1069, %get3A_1068 : vector<16xf32>
        %add3A_1071 = arith.addf %add3A_999, %mul3A_1070 : vector<16xf32>
        %add3A_1072 = arith.constant 7 : i32
        %add3A_1073 = arith.addi %mul3A_472, %add3A_1072 : i32
        %get3A_1074 = arith.index_cast %add3A_1073 : i32 to index
        %get3A_1075 = arith.constant 112 : index
        %get3A_1076 = tpu.vector_load %arg14[%get3A_1074, %get3A_1075] {strides = array<i32>} : memref<320x128xf32, #tpu.memory_space<vmem>>, vector<1x16xf32>,
        %get3A_1077 = vector.shape_cast %get3A_1076 : vector<1x16xf32> to vector<16xf32>
        %mul3A_1078 = vector.broadcast %squeeze3A_449 : f32 to vector<16xf32>
        %mul3A_1079 = arith.mulf %mul3A_1078, %get3A_1077 : vector<16xf32>
        %add3A_1080 = arith.addf %add3A_1008, %mul3A_1079 : vector<16xf32>
        %add3A_1081 = arith.constant 8 : i32
        %add3A_1082 = arith.addi %mul3A_472, %add3A_1081 : i32
        %get3A_1083 = arith.index_cast %add3A_1082 : i32 to index
        %get3A_1084 = arith.constant 0 : index
        %get3A_1085 = tpu.vector_load %arg14[%get3A_1083, %get3A_1084] {strides = array<i32>} : memref<320x128xf32, #tpu.memory_space<vmem>>, vector<1x16xf32>,
        %get3A_1086 = vector.shape_cast %get3A_1085 : vector<1x16xf32> to vector<16xf32>
        %mul3A_1087 = vector.broadcast %squeeze3A_451 : f32 to vector<16xf32>
        %mul3A_1088 = arith.mulf %mul3A_1087, %get3A_1086 : vector<16xf32>
        %add3A_1089 = arith.addf %add3A_1017, %mul3A_1088 : vector<16xf32>
        %add3A_1090 = arith.constant 8 : i32
        %add3A_1091 = arith.addi %mul3A_472, %add3A_1090 : i32
        %get3A_1092 = arith.index_cast %add3A_1091 : i32 to index
        %get3A_1093 = arith.constant 16 : index
        %get3A_1094 = tpu.vector_load %arg14[%get3A_1092, %get3A_1093] {strides = array<i32>} : memref<320x128xf32, #tpu.memory_space<vmem>>, vector<1x16xf32>,
        %get3A_1095 = vector.shape_cast %get3A_1094 : vector<1x16xf32> to vector<16xf32>
        %mul3A_1096 = vector.broadcast %squeeze3A_451 : f32 to vector<16xf32>
        %mul3A_1097 = arith.mulf %mul3A_1096, %get3A_1095 : vector<16xf32>
        %add3A_1098 = arith.addf %add3A_1026, %mul3A_1097 : vector<16xf32>
        %add3A_1099 = arith.constant 8 : i32
        %add3A_1100 = arith.addi %mul3A_472, %add3A_1099 : i32
        %get3A_1101 = arith.index_cast %add3A_1100 : i32 to index
        %get3A_1102 = arith.constant 32 : index
        %get3A_1103 = tpu.vector_load %arg14[%get3A_1101, %get3A_1102] {strides = array<i32>} : memref<320x128xf32, #tpu.memory_space<vmem>>, vector<1x16xf32>,
        %get3A_1104 = vector.shape_cast %get3A_1103 : vector<1x16xf32> to vector<16xf32>
        %mul3A_1105 = vector.broadcast %squeeze3A_451 : f32 to vector<16xf32>
        %mul3A_1106 = arith.mulf %mul3A_1105, %get3A_1104 : vector<16xf32>
        %add3A_1107 = arith.addf %add3A_1035, %mul3A_1106 : vector<16xf32>
        %add3A_1108 = arith.constant 8 : i32
        %add3A_1109 = arith.addi %mul3A_472, %add3A_1108 : i32
        %get3A_1110 = arith.index_cast %add3A_1109 : i32 to index
        %get3A_1111 = arith.constant 48 : index
        %get3A_1112 = tpu.vector_load %arg14[%get3A_1110, %get3A_1111] {strides = array<i32>} : memref<320x128xf32, #tpu.memory_space<vmem>>, vector<1x16xf32>,
        %get3A_1113 = vector.shape_cast %get3A_1112 : vector<1x16xf32> to vector<16xf32>
        %mul3A_1114 = vector.broadcast %squeeze3A_451 : f32 to vector<16xf32>
        %mul3A_1115 = arith.mulf %mul3A_1114, %get3A_1113 : vector<16xf32>
        %add3A_1116 = arith.addf %add3A_1044, %mul3A_1115 : vector<16xf32>
        %add3A_1117 = arith.constant 8 : i32
        %add3A_1118 = arith.addi %mul3A_472, %add3A_1117 : i32
        %get3A_1119 = arith.index_cast %add3A_1118 : i32 to index
        %get3A_1120 = arith.constant 64 : index
        %get3A_1121 = tpu.vector_load %arg14[%get3A_1119, %get3A_1120] {strides = array<i32>} : memref<320x128xf32, #tpu.memory_space<vmem>>, vector<1x16xf32>,
        %get3A_1122 = vector.shape_cast %get3A_1121 : vector<1x16xf32> to vector<16xf32>
        %mul3A_1123 = vector.broadcast %squeeze3A_451 : f32 to vector<16xf32>
        %mul3A_1124 = arith.mulf %mul3A_1123, %get3A_1122 : vector<16xf32>
        %add3A_1125 = arith.addf %add3A_1053, %mul3A_1124 : vector<16xf32>
        %add3A_1126 = arith.constant 8 : i32
        %add3A_1127 = arith.addi %mul3A_472, %add3A_1126 : i32
        %get3A_1128 = arith.index_cast %add3A_1127 : i32 to index
        %get3A_1129 = arith.constant 80 : index
        %get3A_1130 = tpu.vector_load %arg14[%get3A_1128, %get3A_1129] {strides = array<i32>} : memref<320x128xf32, #tpu.memory_space<vmem>>, vector<1x16xf32>,
        %get3A_1131 = vector.shape_cast %get3A_1130 : vector<1x16xf32> to vector<16xf32>
        %mul3A_1132 = vector.broadcast %squeeze3A_451 : f32 to vector<16xf32>
        %mul3A_1133 = arith.mulf %mul3A_1132, %get3A_1131 : vector<16xf32>
        %add3A_1134 = arith.addf %add3A_1062, %mul3A_1133 : vector<16xf32>
        %add3A_1135 = arith.constant 8 : i32
        %add3A_1136 = arith.addi %mul3A_472, %add3A_1135 : i32
        %get3A_1137 = arith.index_cast %add3A_1136 : i32 to index
        %get3A_1138 = arith.constant 96 : index
        %get3A_1139 = tpu.vector_load %arg14[%get3A_1137, %get3A_1138] {strides = array<i32>} : memref<320x128xf32, #tpu.memory_space<vmem>>, vector<1x16xf32>,
        %get3A_1140 = vector.shape_cast %get3A_1139 : vector<1x16xf32> to vector<16xf32>
        %mul3A_1141 = vector.broadcast %squeeze3A_451 : f32 to vector<16xf32>
        %mul3A_1142 = arith.mulf %mul3A_1141, %get3A_1140 : vector<16xf32>
        %add3A_1143 = arith.addf %add3A_1071, %mul3A_1142 : vector<16xf32>
        %add3A_1144 = arith.constant 8 : i32
        %add3A_1145 = arith.addi %mul3A_472, %add3A_1144 : i32
        %get3A_1146 = arith.index_cast %add3A_1145 : i32 to index
        %get3A_1147 = arith.constant 112 : index
        %get3A_1148 = tpu.vector_load %arg14[%get3A_1146, %get3A_1147] {strides = array<i32>} : memref<320x128xf32, #tpu.memory_space<vmem>>, vector<1x16xf32>,
        %get3A_1149 = vector.shape_cast %get3A_1148 : vector<1x16xf32> to vector<16xf32>
        %mul3A_1150 = vector.broadcast %squeeze3A_451 : f32 to vector<16xf32>
        %mul3A_1151 = arith.mulf %mul3A_1150, %get3A_1149 : vector<16xf32>
        %add3A_1152 = arith.addf %add3A_1080, %mul3A_1151 : vector<16xf32>
        %add3A_1153 = arith.constant 9 : i32
        %add3A_1154 = arith.addi %mul3A_472, %add3A_1153 : i32
        %get3A_1155 = arith.index_cast %add3A_1154 : i32 to index
        %get3A_1156 = arith.constant 0 : index
        %get3A_1157 = tpu.vector_load %arg14[%get3A_1155, %get3A_1156] {strides = array<i32>} : memref<320x128xf32, #tpu.memory_space<vmem>>, vector<1x16xf32>,
        %get3A_1158 = vector.shape_cast %get3A_1157 : vector<1x16xf32> to vector<16xf32>
        %mul3A_1159 = vector.broadcast %squeeze3A_453 : f32 to vector<16xf32>
        %mul3A_1160 = arith.mulf %mul3A_1159, %get3A_1158 : vector<16xf32>
        %add3A_1161 = arith.addf %add3A_1089, %mul3A_1160 : vector<16xf32>
        %add3A_1162 = arith.constant 9 : i32
        %add3A_1163 = arith.addi %mul3A_472, %add3A_1162 : i32
        %get3A_1164 = arith.index_cast %add3A_1163 : i32 to index
        %get3A_1165 = arith.constant 16 : index
        %get3A_1166 = tpu.vector_load %arg14[%get3A_1164, %get3A_1165] {strides = array<i32>} : memref<320x128xf32, #tpu.memory_space<vmem>>, vector<1x16xf32>,
        %get3A_1167 = vector.shape_cast %get3A_1166 : vector<1x16xf32> to vector<16xf32>
        %mul3A_1168 = vector.broadcast %squeeze3A_453 : f32 to vector<16xf32>
        %mul3A_1169 = arith.mulf %mul3A_1168, %get3A_1167 : vector<16xf32>
        %add3A_1170 = arith.addf %add3A_1098, %mul3A_1169 : vector<16xf32>
        %add3A_1171 = arith.constant 9 : i32
        %add3A_1172 = arith.addi %mul3A_472, %add3A_1171 : i32
        %get3A_1173 = arith.index_cast %add3A_1172 : i32 to index
        %get3A_1174 = arith.constant 32 : index
        %get3A_1175 = tpu.vector_load %arg14[%get3A_1173, %get3A_1174] {strides = array<i32>} : memref<320x128xf32, #tpu.memory_space<vmem>>, vector<1x16xf32>,
        %get3A_1176 = vector.shape_cast %get3A_1175 : vector<1x16xf32> to vector<16xf32>
        %mul3A_1177 = vector.broadcast %squeeze3A_453 : f32 to vector<16xf32>
        %mul3A_1178 = arith.mulf %mul3A_1177, %get3A_1176 : vector<16xf32>
        %add3A_1179 = arith.addf %add3A_1107, %mul3A_1178 : vector<16xf32>
        %add3A_1180 = arith.constant 9 : i32
        %add3A_1181 = arith.addi %mul3A_472, %add3A_1180 : i32
        %get3A_1182 = arith.index_cast %add3A_1181 : i32 to index
        %get3A_1183 = arith.constant 48 : index
        %get3A_1184 = tpu.vector_load %arg14[%get3A_1182, %get3A_1183] {strides = array<i32>} : memref<320x128xf32, #tpu.memory_space<vmem>>, vector<1x16xf32>,
        %get3A_1185 = vector.shape_cast %get3A_1184 : vector<1x16xf32> to vector<16xf32>
        %mul3A_1186 = vector.broadcast %squeeze3A_453 : f32 to vector<16xf32>
        %mul3A_1187 = arith.mulf %mul3A_1186, %get3A_1185 : vector<16xf32>
        %add3A_1188 = arith.addf %add3A_1116, %mul3A_1187 : vector<16xf32>
        %add3A_1189 = arith.constant 9 : i32
        %add3A_1190 = arith.addi %mul3A_472, %add3A_1189 : i32
        %get3A_1191 = arith.index_cast %add3A_1190 : i32 to index
        %get3A_1192 = arith.constant 64 : index
        %get3A_1193 = tpu.vector_load %arg14[%get3A_1191, %get3A_1192] {strides = array<i32>} : memref<320x128xf32, #tpu.memory_space<vmem>>, vector<1x16xf32>,
        %get3A_1194 = vector.shape_cast %get3A_1193 : vector<1x16xf32> to vector<16xf32>
        %mul3A_1195 = vector.broadcast %squeeze3A_453 : f32 to vector<16xf32>
        %mul3A_1196 = arith.mulf %mul3A_1195, %get3A_1194 : vector<16xf32>
        %add3A_1197 = arith.addf %add3A_1125, %mul3A_1196 : vector<16xf32>
        %add3A_1198 = arith.constant 9 : i32
        %add3A_1199 = arith.addi %mul3A_472, %add3A_1198 : i32
        %get3A_1200 = arith.index_cast %add3A_1199 : i32 to index
        %get3A_1201 = arith.constant 80 : index
        %get3A_1202 = tpu.vector_load %arg14[%get3A_1200, %get3A_1201] {strides = array<i32>} : memref<320x128xf32, #tpu.memory_space<vmem>>, vector<1x16xf32>,
        %get3A_1203 = vector.shape_cast %get3A_1202 : vector<1x16xf32> to vector<16xf32>
        %mul3A_1204 = vector.broadcast %squeeze3A_453 : f32 to vector<16xf32>
        %mul3A_1205 = arith.mulf %mul3A_1204, %get3A_1203 : vector<16xf32>
        %add3A_1206 = arith.addf %add3A_1134, %mul3A_1205 : vector<16xf32>
        %add3A_1207 = arith.constant 9 : i32
        %add3A_1208 = arith.addi %mul3A_472, %add3A_1207 : i32
        %get3A_1209 = arith.index_cast %add3A_1208 : i32 to index
        %get3A_1210 = arith.constant 96 : index
        %get3A_1211 = tpu.vector_load %arg14[%get3A_1209, %get3A_1210] {strides = array<i32>} : memref<320x128xf32, #tpu.memory_space<vmem>>, vector<1x16xf32>,
        %get3A_1212 = vector.shape_cast %get3A_1211 : vector<1x16xf32> to vector<16xf32>
        %mul3A_1213 = vector.broadcast %squeeze3A_453 : f32 to vector<16xf32>
        %mul3A_1214 = arith.mulf %mul3A_1213, %get3A_1212 : vector<16xf32>
        %add3A_1215 = arith.addf %add3A_1143, %mul3A_1214 : vector<16xf32>
        %add3A_1216 = arith.constant 9 : i32
        %add3A_1217 = arith.addi %mul3A_472, %add3A_1216 : i32
        %get3A_1218 = arith.index_cast %add3A_1217 : i32 to index
        %get3A_1219 = arith.constant 112 : index
        %get3A_1220 = tpu.vector_load %arg14[%get3A_1218, %get3A_1219] {strides = array<i32>} : memref<320x128xf32, #tpu.memory_space<vmem>>, vector<1x16xf32>,
        %get3A_1221 = vector.shape_cast %get3A_1220 : vector<1x16xf32> to vector<16xf32>
        %mul3A_1222 = vector.broadcast %squeeze3A_453 : f32 to vector<16xf32>
        %mul3A_1223 = arith.mulf %mul3A_1222, %get3A_1221 : vector<16xf32>
        %add3A_1224 = arith.addf %add3A_1152, %mul3A_1223 : vector<16xf32>
        %mul3A_1225 = arith.mulf %add3A_1161, %div3A_470 : vector<16xf32>
        %swap3A = arith.index_cast %scan3A_429 : i32 to index
        %swap3A_1226 = arith.constant 0 : index
        %swap3A_1227 = tpu.vector_load %arg18[%swap3A, %swap3A_1226] {strides = array<i32>} : memref<32x128xf32, #tpu.memory_space<vmem>>, vector<1x16xf32>,
        %swap3A_1228 = vector.shape_cast %swap3A_1227 : vector<1x16xf32> to vector<16xf32>
        %swap3A_1229 = vector.shape_cast %mul3A_1225 : vector<16xf32> to vector<1x16xf32>
        tpu.vector_store %arg18[%swap3A, %swap3A_1226], %swap3A_1229 {strides = array<i32>} : memref<32x128xf32, #tpu.memory_space<vmem>>, vector<1x16xf32>,
        %mul3A_1230 = arith.mulf %add3A_1170, %div3A_470 : vector<16xf32>
        %swap3A_1231 = arith.index_cast %scan3A_429 : i32 to index
        %swap3A_1232 = arith.constant 16 : index
        %swap3A_1233 = tpu.vector_load %arg18[%swap3A_1231, %swap3A_1232] {strides = array<i32>} : memref<32x128xf32, #tpu.memory_space<vmem>>, vector<1x16xf32>,
        %swap3A_1234 = vector.shape_cast %swap3A_1233 : vector<1x16xf32> to vector<16xf32>
        %swap3A_1235 = vector.shape_cast %mul3A_1230 : vector<16xf32> to vector<1x16xf32>
        tpu.vector_store %arg18[%swap3A_1231, %swap3A_1232], %swap3A_1235 {strides = array<i32>} : memref<32x128xf32, #tpu.memory_space<vmem>>, vector<1x16xf32>,
        %mul3A_1236 = arith.mulf %add3A_1179, %div3A_470 : vector<16xf32>
        %swap3A_1237 = arith.index_cast %scan3A_429 : i32 to index
        %swap3A_1238 = arith.constant 32 : index
        %swap3A_1239 = tpu.vector_load %arg18[%swap3A_1237, %swap3A_1238] {strides = array<i32>} : memref<32x128xf32, #tpu.memory_space<vmem>>, vector<1x16xf32>,
        %swap3A_1240 = vector.shape_cast %swap3A_1239 : vector<1x16xf32> to vector<16xf32>
        %swap3A_1241 = vector.shape_cast %mul3A_1236 : vector<16xf32> to vector<1x16xf32>
        tpu.vector_store %arg18[%swap3A_1237, %swap3A_1238], %swap3A_1241 {strides = array<i32>} : memref<32x128xf32, #tpu.memory_space<vmem>>, vector<1x16xf32>,
        %mul3A_1242 = arith.mulf %add3A_1188, %div3A_470 : vector<16xf32>
        %swap3A_1243 = arith.index_cast %scan3A_429 : i32 to index
        %swap3A_1244 = arith.constant 48 : index
        %swap3A_1245 = tpu.vector_load %arg18[%swap3A_1243, %swap3A_1244] {strides = array<i32>} : memref<32x128xf32, #tpu.memory_space<vmem>>, vector<1x16xf32>,
        %swap3A_1246 = vector.shape_cast %swap3A_1245 : vector<1x16xf32> to vector<16xf32>
        %swap3A_1247 = vector.shape_cast %mul3A_1242 : vector<16xf32> to vector<1x16xf32>
        tpu.vector_store %arg18[%swap3A_1243, %swap3A_1244], %swap3A_1247 {strides = array<i32>} : memref<32x128xf32, #tpu.memory_space<vmem>>, vector<1x16xf32>,
        %mul3A_1248 = arith.mulf %add3A_1197, %div3A_470 : vector<16xf32>
        %swap3A_1249 = arith.index_cast %scan3A_429 : i32 to index
        %swap3A_1250 = arith.constant 64 : index
        %swap3A_1251 = tpu.vector_load %arg18[%swap3A_1249, %swap3A_1250] {strides = array<i32>} : memref<32x128xf32, #tpu.memory_space<vmem>>, vector<1x16xf32>,
        %swap3A_1252 = vector.shape_cast %swap3A_1251 : vector<1x16xf32> to vector<16xf32>
        %swap3A_1253 = vector.shape_cast %mul3A_1248 : vector<16xf32> to vector<1x16xf32>
        tpu.vector_store %arg18[%swap3A_1249, %swap3A_1250], %swap3A_1253 {strides = array<i32>} : memref<32x128xf32, #tpu.memory_space<vmem>>, vector<1x16xf32>,
        %mul3A_1254 = arith.mulf %add3A_1206, %div3A_470 : vector<16xf32>
        %swap3A_1255 = arith.index_cast %scan3A_429 : i32 to index
        %swap3A_1256 = arith.constant 80 : index
        %swap3A_1257 = tpu.vector_load %arg18[%swap3A_1255, %swap3A_1256] {strides = array<i32>} : memref<32x128xf32, #tpu.memory_space<vmem>>, vector<1x16xf32>,
        %swap3A_1258 = vector.shape_cast %swap3A_1257 : vector<1x16xf32> to vector<16xf32>
        %swap3A_1259 = vector.shape_cast %mul3A_1254 : vector<16xf32> to vector<1x16xf32>
        tpu.vector_store %arg18[%swap3A_1255, %swap3A_1256], %swap3A_1259 {strides = array<i32>} : memref<32x128xf32, #tpu.memory_space<vmem>>, vector<1x16xf32>,
        %mul3A_1260 = arith.mulf %add3A_1215, %div3A_470 : vector<16xf32>
        %swap3A_1261 = arith.index_cast %scan3A_429 : i32 to index
        %swap3A_1262 = arith.constant 96 : index
        %swap3A_1263 = tpu.vector_load %arg18[%swap3A_1261, %swap3A_1262] {strides = array<i32>} : memref<32x128xf32, #tpu.memory_space<vmem>>, vector<1x16xf32>,
        %swap3A_1264 = vector.shape_cast %swap3A_1263 : vector<1x16xf32> to vector<16xf32>
        %swap3A_1265 = vector.shape_cast %mul3A_1260 : vector<16xf32> to vector<1x16xf32>
        tpu.vector_store %arg18[%swap3A_1261, %swap3A_1262], %swap3A_1265 {strides = array<i32>} : memref<32x128xf32, #tpu.memory_space<vmem>>, vector<1x16xf32>,
        %mul3A_1266 = arith.mulf %add3A_1224, %div3A_470 : vector<16xf32>
        %swap3A_1267 = arith.index_cast %scan3A_429 : i32 to index
        %swap3A_1268 = arith.constant 112 : index
        %swap3A_1269 = tpu.vector_load %arg18[%swap3A_1267, %swap3A_1268] {strides = array<i32>} : memref<32x128xf32, #tpu.memory_space<vmem>>, vector<1x16xf32>,
        %swap3A_1270 = vector.shape_cast %swap3A_1269 : vector<1x16xf32> to vector<16xf32>
        %swap3A_1271 = vector.shape_cast %mul3A_1266 : vector<16xf32> to vector<1x16xf32>
        tpu.vector_store %arg18[%swap3A_1267, %swap3A_1268], %swap3A_1271 {strides = array<i32>} : memref<32x128xf32, #tpu.memory_space<vmem>>, vector<1x16xf32>,
      }
      %scan3A_397 = arith.constant 32 : i32
      %add3A_398 = arith.addi %add3A, %add3A_196 : i32
      %mul3A_399 = arith.constant 32 : i32
      %mul3A_400 = arith.muli %add3A_398, %mul3A_399 : i32
      %min3A_401 = arith.constant 49968 : i32
      %min3A_402 = arith.minsi %mul3A_400, %min3A_401 : i32
      %dma_start3A_403 = arith.constant 0 : i32
      %dma_start3A_404 = tpu.memref_slice %arg6[%min3A_402, %dma_start3A_403] : memref<50000x128xf32, #tpu.memory_space<hbm>> -> memref<32x128xf32, #tpu.memory_space<hbm>>
      %dma_start3A_405 = arith.constant 0 : i32
      %dma_start3A_406 = tpu.memref_slice %arg6[%min3A_402, %dma_start3A_405] : memref<50000x128xf32, #tpu.memory_space<hbm>> -> memref<32x128xf32, #tpu.memory_space<hbm>>
      tpu.enqueue_dma source(%arg18 : memref<32x128xf32, #tpu.memory_space<vmem>>) target(%dma_start3A_406 : memref<32x128xf32, #tpu.memory_space<hbm>>) target_semaphore(%arg24 : memref<!tpu.dma_semaphore, #tpu.memory_space<semaphore_mem>>)
      %add3A_407 = arith.constant 2 : i32
      %add3A_408 = arith.addi %add3A_196, %add3A_407 : i32
      %rem3A_409 = arith.remsi %add3A_408, %select_n3A_7 : i32
      %add3A_410 = arith.addi %add3A, %rem3A_409 : i32
      %mul3A_411 = arith.constant 32 : i32
      %mul3A_412 = arith.muli %add3A_410, %mul3A_411 : i32
      %min3A_413 = arith.constant 49968 : i32
      %min3A_414 = arith.minsi %mul3A_412, %min3A_413 : i32
      %mul3A_415 = arith.constant 10 : i32
      %mul3A_416 = arith.muli %min3A_414, %mul3A_415 : i32
      %mul3A_417 = arith.constant 10 : i32
      %mul3A_418 = arith.muli %min3A_414, %mul3A_417 : i32
      %dma_start3A_419 = tpu.memref_slice %arg2[%mul3A_416] : memref<500000xi32, #tpu.memory_space<hbm>> -> memref<320xi32, #tpu.memory_space<hbm>>
      %dma_start3A_420 = tpu.memref_slice %arg2[%mul3A_416] : memref<500000xi32, #tpu.memory_space<hbm>> -> memref<320xi32, #tpu.memory_space<hbm>>
      tpu.enqueue_dma source(%dma_start3A_420 : memref<320xi32, #tpu.memory_space<hbm>>) target(%arg8 : memref<320xi32, #tpu.memory_space<vmem>>) target_semaphore(%arg20 : memref<!tpu.dma_semaphore, #tpu.memory_space<semaphore_mem>>)
      %dma_start3A_421 = tpu.memref_slice %arg3[%min3A_414] : memref<50000xi32, #tpu.memory_space<hbm>> -> memref<32xi32, #tpu.memory_space<hbm>>
      %dma_start3A_422 = tpu.memref_slice %arg3[%min3A_414] : memref<50000xi32, #tpu.memory_space<hbm>> -> memref<32xi32, #tpu.memory_space<hbm>>
      tpu.enqueue_dma source(%dma_start3A_422 : memref<32xi32, #tpu.memory_space<hbm>>) target(%arg10 : memref<32xi32, #tpu.memory_space<vmem>>) target_semaphore(%arg20 : memref<!tpu.dma_semaphore, #tpu.memory_space<semaphore_mem>>)
      %dma_start3A_423 = arith.constant 0 : i32
      %dma_start3A_424 = tpu.memref_slice %arg12[%dma_start3A_423] : memref<336xf32, #tpu.memory_space<vmem>> -> memref<320xf32, #tpu.memory_space<vmem>>
      %dma_start3A_425 = tpu.memref_slice %arg4[%mul3A_418] : memref<500000xf32, #tpu.memory_space<hbm>> -> memref<320xf32, #tpu.memory_space<hbm>>
      %dma_start3A_426 = arith.constant 0 : i32
      %dma_start3A_427 = tpu.memref_slice %arg12[%dma_start3A_426] : memref<336xf32, #tpu.memory_space<vmem>> -> memref<320xf32, #tpu.memory_space<vmem>>
      %dma_start3A_428 = tpu.memref_slice %arg4[%mul3A_418] : memref<500000xf32, #tpu.memory_space<hbm>> -> memref<320xf32, #tpu.memory_space<hbm>>
      tpu.enqueue_dma source(%dma_start3A_428 : memref<320xf32, #tpu.memory_space<hbm>>) target(%dma_start3A_427 : memref<320xf32, #tpu.memory_space<vmem>>) target_semaphore(%arg20 : memref<!tpu.dma_semaphore, #tpu.memory_space<semaphore_mem>>)
    }
    %add3A_121 = arith.constant 1 : i32
    %add3A_122 = arith.addi %add3A, %add3A_121 : i32
    %mul3A_123 = arith.constant 32 : i32
    %mul3A_124 = arith.muli %add3A_122, %mul3A_123 : i32
    %min3A_125 = arith.constant 49968 : i32
    %min3A_126 = arith.minsi %mul3A_124, %min3A_125 : i32
    %mul3A_127 = arith.constant 10 : i32
    %mul3A_128 = arith.muli %min3A_126, %mul3A_127 : i32
    %mul3A_129 = arith.constant 10 : i32
    %mul3A_130 = arith.muli %min3A_126, %mul3A_129 : i32
    %dma_wait3A_131 = tpu.memref_slice %arg2[%mul3A_128] : memref<500000xi32, #tpu.memory_space<hbm>> -> memref<320xi32, #tpu.memory_space<hbm>>
    %dma_wait3A_132 = tpu.memref_slice %arg2[%mul3A_128] : memref<500000xi32, #tpu.memory_space<hbm>> -> memref<320xi32, #tpu.memory_space<hbm>>
    tpu.wait_dma2 semaphore(%arg20 : memref<!tpu.dma_semaphore, #tpu.memory_space<semaphore_mem>>) src(%dma_wait3A_132 : memref<320xi32, #tpu.memory_space<hbm>>) dst(%arg8 : memref<320xi32, #tpu.memory_space<vmem>>)
    %dma_wait3A_133 = tpu.memref_slice %arg3[%min3A_126] : memref<50000xi32, #tpu.memory_space<hbm>> -> memref<32xi32, #tpu.memory_space<hbm>>
    %dma_wait3A_134 = tpu.memref_slice %arg3[%min3A_126] : memref<50000xi32, #tpu.memory_space<hbm>> -> memref<32xi32, #tpu.memory_space<hbm>>
    tpu.wait_dma2 semaphore(%arg20 : memref<!tpu.dma_semaphore, #tpu.memory_space<semaphore_mem>>) src(%dma_wait3A_134 : memref<32xi32, #tpu.memory_space<hbm>>) dst(%arg10 : memref<32xi32, #tpu.memory_space<vmem>>)
    %dma_wait3A_135 = arith.constant 0 : i32
    %dma_wait3A_136 = tpu.memref_slice %arg12[%dma_wait3A_135] : memref<336xf32, #tpu.memory_space<vmem>> -> memref<320xf32, #tpu.memory_space<vmem>>
    %dma_wait3A_137 = tpu.memref_slice %arg4[%mul3A_130] : memref<500000xf32, #tpu.memory_space<hbm>> -> memref<320xf32, #tpu.memory_space<hbm>>
    %dma_wait3A_138 = arith.constant 0 : i32
    %dma_wait3A_139 = tpu.memref_slice %arg12[%dma_wait3A_138] : memref<336xf32, #tpu.memory_space<vmem>> -> memref<320xf32, #tpu.memory_space<vmem>>
    %dma_wait3A_140 = tpu.memref_slice %arg4[%mul3A_130] : memref<500000xf32, #tpu.memory_space<hbm>> -> memref<320xf32, #tpu.memory_space<hbm>>
    tpu.wait_dma2 semaphore(%arg20 : memref<!tpu.dma_semaphore, #tpu.memory_space<semaphore_mem>>) src(%dma_wait3A_140 : memref<320xf32, #tpu.memory_space<hbm>>) dst(%dma_wait3A_139 : memref<320xf32, #tpu.memory_space<vmem>>)
    %dma_wait3A_141 = arith.constant 0 : i32
    %dma_wait3A_142 = arith.constant 0 : i32
    %dma_wait3A_143 = tpu.memref_slice %arg13[%dma_wait3A_141, %dma_wait3A_142] : memref<320x128xf32, #tpu.memory_space<vmem>> -> memref<128x128xf32, #tpu.memory_space<vmem>>
    %dma_wait3A_144 = arith.constant 0 : i32
    %dma_wait3A_145 = tpu.memref_slice %arg7[%dma_wait3A_144] : memref<320xi32, #tpu.memory_space<vmem>> -> memref<128xi32, #tpu.memory_space<vmem>>
    %dma_wait3A_146 = arith.constant 0 : i32
    %dma_wait3A_147 = arith.constant 0 : i32
    %dma_wait3A_148 = tpu.memref_slice %arg5[%dma_wait3A_146, %dma_wait3A_147] : memref<100000x128xf32, #tpu.memory_space<hbm>> -> memref<100000x128xf32, #tpu.memory_space<hbm>>
    tpu.wait_indirect_dma semaphore(%arg21 : memref<!tpu.dma_semaphore, #tpu.memory_space<semaphore_mem>>) src(%dma_wait3A_148 : memref<100000x128xf32, #tpu.memory_space<hbm>>) dst(%dma_wait3A_143 : memref<128x128xf32, #tpu.memory_space<vmem>>)
    %dma_wait3A_149 = arith.constant 128 : i32
    %dma_wait3A_150 = arith.constant 0 : i32
    %dma_wait3A_151 = tpu.memref_slice %arg13[%dma_wait3A_149, %dma_wait3A_150] : memref<320x128xf32, #tpu.memory_space<vmem>> -> memref<128x128xf32, #tpu.memory_space<vmem>>
    %dma_wait3A_152 = arith.constant 128 : i32
    %dma_wait3A_153 = tpu.memref_slice %arg7[%dma_wait3A_152] : memref<320xi32, #tpu.memory_space<vmem>> -> memref<128xi32, #tpu.memory_space<vmem>>
    %dma_wait3A_154 = arith.constant 0 : i32
    %dma_wait3A_155 = arith.constant 0 : i32
    %dma_wait3A_156 = tpu.memref_slice %arg5[%dma_wait3A_154, %dma_wait3A_155] : memref<100000x128xf32, #tpu.memory_space<hbm>> -> memref<100000x128xf32, #tpu.memory_space<hbm>>
    tpu.wait_indirect_dma semaphore(%arg21 : memref<!tpu.dma_semaphore, #tpu.memory_space<semaphore_mem>>) src(%dma_wait3A_156 : memref<100000x128xf32, #tpu.memory_space<hbm>>) dst(%dma_wait3A_151 : memref<128x128xf32, #tpu.memory_space<vmem>>)
    %dma_wait3A_157 = arith.constant 256 : i32
    %dma_wait3A_158 = arith.constant 0 : i32
    %dma_wait3A_159 = tpu.memref_slice %arg13[%dma_wait3A_157, %dma_wait3A_158] : memref<320x128xf32, #tpu.memory_space<vmem>> -> memref<64x128xf32, #tpu.memory_space<vmem>>
    %dma_wait3A_160 = arith.constant 256 : i32
    %dma_wait3A_161 = tpu.memref_slice %arg7[%dma_wait3A_160] : memref<320xi32, #tpu.memory_space<vmem>> -> memref<64xi32, #tpu.memory_space<vmem>>
    %dma_wait3A_162 = arith.constant 0 : i32
    %dma_wait3A_163 = arith.constant 0 : i32
    %dma_wait3A_164 = tpu.memref_slice %arg5[%dma_wait3A_162, %dma_wait3A_163] : memref<100000x128xf32, #tpu.memory_space<hbm>> -> memref<100000x128xf32, #tpu.memory_space<hbm>>
    tpu.wait_indirect_dma semaphore(%arg21 : memref<!tpu.dma_semaphore, #tpu.memory_space<semaphore_mem>>) src(%dma_wait3A_164 : memref<100000x128xf32, #tpu.memory_space<hbm>>) dst(%dma_wait3A_159 : memref<64x128xf32, #tpu.memory_space<vmem>>)
    %dma_wait3A_165 = arith.constant 0 : i32
    %dma_wait3A_166 = arith.constant 0 : i32
    %dma_wait3A_167 = tpu.memref_slice %arg5[%dma_wait3A_165, %dma_wait3A_166] : memref<100000x128xf32, #tpu.memory_space<hbm>> -> memref<100000x128xf32, #tpu.memory_space<hbm>>
    tpu.wait_indirect_dma semaphore(%arg21 : memref<!tpu.dma_semaphore, #tpu.memory_space<semaphore_mem>>) src(%dma_wait3A_167 : memref<100000x128xf32, #tpu.memory_space<hbm>>) dst(%arg15 : memref<32x128xf32, #tpu.memory_space<vmem>>)
    %sub3A_168 = arith.constant 2 : i32
    %sub3A_169 = arith.subi %select_n3A_7, %sub3A_168 : i32
    %add3A_170 = arith.addi %add3A, %sub3A_169 : i32
    %mul3A_171 = arith.constant 32 : i32
    %mul3A_172 = arith.muli %add3A_170, %mul3A_171 : i32
    %min3A_173 = arith.constant 49968 : i32
    %min3A_174 = arith.minsi %mul3A_172, %min3A_173 : i32
    %dma_wait3A_175 = arith.constant 0 : i32
    %dma_wait3A_176 = tpu.memref_slice %arg6[%min3A_174, %dma_wait3A_175] : memref<50000x128xf32, #tpu.memory_space<hbm>> -> memref<32x128xf32, #tpu.memory_space<hbm>>
    %dma_wait3A_177 = arith.constant 0 : i32
    %dma_wait3A_178 = tpu.memref_slice %arg6[%min3A_174, %dma_wait3A_177] : memref<50000x128xf32, #tpu.memory_space<hbm>> -> memref<32x128xf32, #tpu.memory_space<hbm>>
    tpu.wait_dma2 semaphore(%arg23 : memref<!tpu.dma_semaphore, #tpu.memory_space<semaphore_mem>>) src(%arg17 : memref<32x128xf32, #tpu.memory_space<vmem>>) dst(%dma_wait3A_178 : memref<32x128xf32, #tpu.memory_space<hbm>>)
    %sub3A_179 = arith.constant 1 : i32
    %sub3A_180 = arith.subi %select_n3A_7, %sub3A_179 : i32
    %add3A_181 = arith.addi %add3A, %sub3A_180 : i32
    %mul3A_182 = arith.constant 32 : i32
    %mul3A_183 = arith.muli %add3A_181, %mul3A_182 : i32
    %min3A_184 = arith.constant 49968 : i32
    %min3A_185 = arith.minsi %mul3A_183, %min3A_184 : i32
    %dma_wait3A_186 = arith.constant 0 : i32
    %dma_wait3A_187 = tpu.memref_slice %arg6[%min3A_185, %dma_wait3A_186] : memref<50000x128xf32, #tpu.memory_space<hbm>> -> memref<32x128xf32, #tpu.memory_space<hbm>>
    %dma_wait3A_188 = arith.constant 0 : i32
    %dma_wait3A_189 = tpu.memref_slice %arg6[%min3A_185, %dma_wait3A_188] : memref<50000x128xf32, #tpu.memory_space<hbm>> -> memref<32x128xf32, #tpu.memory_space<hbm>>
    tpu.wait_dma2 semaphore(%arg24 : memref<!tpu.dma_semaphore, #tpu.memory_space<semaphore_mem>>) src(%arg18 : memref<32x128xf32, #tpu.memory_space<vmem>>) dst(%dma_wait3A_189 : memref<32x128xf32, #tpu.memory_space<hbm>>)
    return
  }
}

</mosaic_0001>

<sc_bundles>
// kernel: kernel.3.cloned.1.call-start
scs
__scs_entry_jumppad:
0x0: {  	(pc) =	sbr.rel $0x88, $3  }
0x1: {  	(tag) =	ssettag $0x0;
	lr =	simm.s32 $0x1  }
0x2: {  	[smem:$0x3F9C] =	sst lr;
	_ =	strace $0xD0000000  }
0x3: {  	_ = 	snop  }
0x4: {  	_ = 	snop  }
0x5: {  	_ = 	snop  }
0x6: {  	_ = 	snop  }
0x7: {  	_ = 	snop  }
__scs_overlays_trampoline_lowered:
0x8: {  	[smem:$0x3FAB] =	sst s0  }
0x9: {  	[smem:$0x3FAC] =	sst s1  }
0xa: {  	[smem:$0x3FAD] =	sst s2  }
0xb: {  	[smem:$0x3FAE] =	sst s3  }
0xc: {  	[smem:$0x3FAF] =	sst s4  }
0xd: {  	[smem:$0x3FB0] =	sst s5  }
0xe: {  	[smem:$0x3FB1] =	sst s6  }
0xf: {  	[smem:$0x3FB2] =	sst s7  }
0x10: {  	[smem:$0x3FB3] =	sst s8  }
0x11: {  	[smem:$0x3FB4] =	sst s9;
	s0 =	simm.s32 @!p0 $0x0  }
0x12: {  	s1 =	sld [smem:$0x3F9A];
	s0 =	simm.s32 @p0 $0x1  }
0x13: {  	[smem:$0x3FB5] =	sst s0;
	s0 =	simm.s32 @!p1 $0x0  }
0x14: {  	s2 =	sld [smem:$0x3F99];
	s0 =	simm.s32 @p1 $0x1  }
0x15: {  	[smem:$0x3FB6] =	sst s0;
	s0 =	simm.s32 @!p2 $0x0  }
0x16: {  	s3 =	sld [smem:$0x3FDB];
	s0 =	simm.s32 @p2 $0x1  }
0x17: {  	s4 =	simm.s32 $0x1BF5;
	[smem:$0x3FB8] =	sst s0  }
0x18: {  	s0 =	sld [smem:$0x3F9B];
	_ =	swait.ge [sflag:s4], $0x0  }
0x19: {  	s7 =	sld [smem:$0x3F9C]  }
0x1a: {  	s8 =	sadd.s32 $0xFFFFE003, lr  }
0x1b: {  	s9 =	sadd.s32 $0xFFFFFEF7, lr;
	s5 =	simm.s32 $0xFFFFFFFF;
	p2 =	slt.u32 s8, $0xFFFFF086  }
0x1c: {  	p1 =	slt.u32 s9, $0xF7A;
	s5 =	simm.s32 @!p2 $0x0  }
0x1d: {  	s5 =	simm.s32 @p1 $0x1;
	p0 =	seq.s32 s7, s2  }
0x1e: {  	s7 =	smul.u32 @!p0 $0xF7A, s2;
	p2 =	seq.s32 @!p0 s5, $0x0  }
0x1f: {  	s9 =	smul.u32 $0xF7A, s1;
	s8 =	simm.s32 @!p0 $0x1BF5;
	p2 =	por !p2, p0  }
0x20: {  	[sflag:s8] =	ssyncset.s32 @!p0 $0xFFFFF086;
	s6 =	sadd.s32 @!p0 s3, s7;
	s7 =	simm.s32 @!p0 $0x108  }
0x21: {  	s3 =	sadd.s32 s3, s9;
	s6 =	sadd.s32 @!p0 $0x88, s6;
	s7 =	simm.s32 @p2 $0x1082  }
0x22: {  	[simem:s7], [sflag:s8] =	dma.local @!p0 [hbm:s6], $0xF7A  }
0x23: {  	s9 =	sor.u32 $0xD0000000, s2;
	s6 =	simm.s32 $0x108;
	_ =	swait.ge @!p0 [sflag:s8], $0x0  }
0x24: {  	s3 =	sadd.s32 $0x88, s3;
	s6 =	simm.s32 @!p1 $0x1082;
	[sflag:s4] =	ssyncset.s32 $0xFFFFF086  }
0x25: {  	[simem:s6], [sflag:s4] =	dma.local [hbm:s3], $0xF7A  }
0x26: {  	[smem:$0x3F9C] =	sst s1;
	(tag) =	ssettag s2;
	_ =	strace s9  }
0x27: {  	s1 =	sld [smem:$0x3FAC]  }
0x28: {  	s2 =	sld [smem:$0x3FAD]  }
0x29: {  	s4 =	sld [smem:$0x3FAF]  }
0x2a: {  	p0 =	seq.s32 s5, $0x0;
	s5 =	sld [smem:$0x3FB0]  }
0x2b: {  	s6 =	sld [smem:$0x3FB1]  }
0x2c: {  	s7 =	sld [smem:$0x3FB2]  }
0x2d: {  	s3 =	simm.s32 $0x108;
	s8 =	sld [smem:$0x3FB3]  }
0x2e: {  	s3 =	simm.s32 @!p0 $0x1082;
	s9 =	sld [smem:$0x3FB4]  }
0x2f: {  	lr =	sadd.s32 s0, s3;
	s0 =	sld [smem:$0x3FAB]  }
0x30: {  	s3 =	sld [smem:$0x3FAE]  }
0x31: {  	[smem:$0x3FB7] =	sst s10  }
0x32: {  	s10 =	sld [smem:$0x3FB5];
	_ =	sdelay $0x3  }
0x33: {  	p0 =	seq.s32 s10, $0x1;
	s10 =	sld [smem:$0x3FB7];
	_ =	sdelay $0x3  }
0x34: {  	[smem:$0x3FB7] =	sst s10  }
0x35: {  	s10 =	sld [smem:$0x3FB6];
	_ =	sdelay $0x3  }
0x36: {  	p1 =	seq.s32 s10, $0x1;
	s10 =	sld [smem:$0x3FB7];
	_ =	sdelay $0x3  }
0x37: {  	[smem:$0x3FB7] =	sst s10  }
0x38: {  	s10 =	sld [smem:$0x3FB8]  }
0x39: {  	_ = 	snop;
	(pc) =	sbr.ind lr, $3  }
0x3a: {  	_ = 	snop  }
0x3b: {  	_ = 	snop  }
0x3c: {  	p2 =	seq.s32 s10, $0x1;
	s10 =	sld [smem:$0x3FB7]  }
0x3d: {  	_ =	shalt  }
0x3e: {  	_ =	shalt  }
0x3f: {  	_ =	shalt  }
0x40: {  	_ =	shalt  }
0x41: {  	_ =	shalt  }
0x42: {  	_ =	shalt  }
0x43: {  	_ =	shalt  }
0x44: {  	_ =	shalt  }
0x45: {  	_ =	shalt  }
0x46: {  	_ =	shalt  }
0x47: {  	_ =	shalt  }
0x48: {  	_ =	shalt  }
0x49: {  	_ =	shalt  }
0x4a: {  	_ =	shalt  }
0x4b: {  	_ =	shalt  }
0x4c: {  	_ =	shalt  }
0x4d: {  	_ =	shalt  }
0x4e: {  	_ =	shalt  }
0x4f: {  	_ =	shalt  }
0x50: {  	_ =	shalt  }
0x51: {  	_ =	shalt  }
0x52: {  	_ =	shalt  }
0x53: {  	_ =	shalt  }
0x54: {  	_ =	shalt  }
0x55: {  	_ =	shalt  }
0x56: {  	_ =	shalt  }
0x57: {  	_ =	shalt  }
0x58: {  	_ =	shalt  }
0x59: {  	_ =	shalt  }
0x5a: {  	_ =	shalt  }
0x5b: {  	_ =	shalt  }
0x5c: {  	_ =	shalt  }
0x5d: {  	_ =	shalt  }
0x5e: {  	_ =	shalt  }
0x5f: {  	_ =	shalt  }
0x60: {  	_ =	shalt  }
0x61: {  	_ =	shalt  }
0x62: {  	_ =	shalt  }
0x63: {  	_ =	shalt  }
0x64: {  	_ =	shalt  }
0x65: {  	_ =	shalt  }
0x66: {  	_ =	shalt  }
0x67: {  	_ =	shalt  }
0x68: {  	_ =	shalt  }
0x69: {  	_ =	shalt  }
0x6a: {  	_ =	shalt  }
0x6b: {  	_ =	shalt  }
0x6c: {  	_ =	shalt  }
0x6d: {  	_ =	shalt  }
0x6e: {  	_ =	shalt  }
0x6f: {  	_ =	shalt  }
0x70: {  	_ =	shalt  }
0x71: {  	_ =	shalt  }
0x72: {  	_ =	shalt  }
0x73: {  	_ =	shalt  }
0x74: {  	_ =	shalt  }
0x75: {  	_ =	shalt  }
0x76: {  	_ =	shalt  }
0x77: {  	_ =	shalt  }
0x78: {  	_ =	shalt  }
0x79: {  	_ =	shalt  }
0x7a: {  	_ =	shalt  }
0x7b: {  	_ =	shalt  }
0x7c: {  	_ =	shalt  }
0x7d: {  	_ =	shalt  }
0x7e: {  	_ =	shalt  }
0x7f: {  	_ =	shalt  }
0x80: {  	_ =	shalt  }
0x81: {  	_ =	shalt  }
0x82: {  	_ =	shalt  }
0x83: {  	_ =	shalt  }
0x84: {  	_ =	shalt  }
0x85: {  	_ =	shalt  }
0x86: {  	_ =	shalt  }
0x87: {  	_ =	shalt  }
.Lfunc_end0:
.L_simem_size_0:
called_computation_lowered:
.L_overlay_start_0:
0x88: {  	s2 =	sld [smem:$0x3FD9]  }
0x89: {  	s3 =	sld [smem:$0x3FFE];
	_ =	sdelay $0x1  }
0x8a: {  	s1 =	srdreg.scid  }
0x8b: {  	s0 =	sand.u32 $0x1, s1  }
0x8c: {  	s17 =	sshll.u32 s0, $0xA;
	s2 =	sadd.s32 s3, s2  }
0x8d: {  	s2 =	sadd.s32 s2, s17  }
0x8e: {  	[smem:$0x3FC3] =	sst s2  }
0x8f: {  	_ = 	snop  }
0x90: {  	s2 =	sld [smem:$0x3FC9]  }
0x91: {  	s18 =	sld [smem:$0x3FC6]  }
0x92: {  	s4 =	sld [smem:$0x3FD0];
	(tm) =	ssettm $0x1  }
0x93: {  	s5 =	sld [smem:$0x3FFB];
	_ =	sdelay $0x3  }
0x94: {  	_ =	strace s5  }
0x95: {  	s5 =	sld [smem:$0x3FFC];
	_ =	sdelay $0x3  }
0x96: {  	_ =	strace s5  }
0x97: {  	s5 =	sld [smem:$0x3FFD];
	_ =	sdelay $0x3  }
0x98: {  	_ =	strace s5  }
0x99: {  	_ =	strace $0x8FFFFFFF  }
0x9a: {  	s19 =	sld [smem:$0x3FDB];
	_ =	sdelay $0x1  }
0x9b: {  	s6 =	simm.s32 $_scs_section_size  }
0x9c: {  	s7 =	simm.s32 $_size__tile_overlayer_lowered;
	s8 =	simm.s32 $_tile_overlayer_lowered  }
0x9d: {  	s22 =	simm.s32 $0x1BFF;
	s21 =	sshll.u32 s8, $0x1;
	s5 =	sadd.s32 s6, s19  }
0x9e: {  	s9 =	simm.s32 $0x0;
	s20 =	sshll.u32 s7, $0x1;
	s7 =	sadd.s32 s21, s5  }
0x9f: {  	[timem:s9], [sflag:s22] =	dma.local [hbm:s7], s20  }
0xa0: {  	_ =	swait.ge [sflag:s22], s20  }
0xa1: {  	s6 =	ssub.s32 $0x0, s20;
	[sflag:s22] =	ssyncset.done $0x0  }
0xa2: {  	[sflag:s22] =	ssyncadd.s32 s6;
	_ =	sdelay $0x1  }
0xa3: {  	s23 =	simm.s32 $0x1B8B  }
0xa4: {  	_ =	swait.ge [sflag:s23], $0x1  }
0xa5: {  	[sflag:s23] =	ssyncset.done $0x0  }
0xa6: {  	s25 =	simm.s32 $0x1B8E;
	s24 =	sld [smem:$0x3FFE];
	[sflag:s23] =	ssyncadd.s32 $0xFFFFFFFF  }
0xa7: {  	s26 =	simm.s32 $execute0_lowered;
	[smem:$0x3FD2] =	sst s25  }
0xa8: {  	s7 =	sshll.u32 s26, $0x1;
	_ =	strace $0x80000046;
	[dreg:$0x1] =	wrdreg $0xFFFFFFFF  }
0xa9: {  	s28 =	simm.s32 $_size_execute0_lowered;
	s5 =	sadd.s32 s5, s7;
	[dreg:$0x0] =	wrdreg $0x0  }
0xaa: {  	s7 =	sshll.u32 s28, $0x1;
	[dreg:$0x2] =	wrdreg s5  }
0xab: {  	[dreg:$0x3] =	wrdreg s7  }
0xac: {  	[dreg:$0x4] =	wrdreg $0xC0  }
0xad: {  	_ =	task [dreg:s9], $0x5FFFF  }
0xae: {  	[dreg:$0x1] =	wrdreg $0xFFFFFFFF  }
0xaf: {  	[dreg:$0x0] =	wrdreg $0x60  }
0xb0: {  	[dreg:$0x2] =	wrdreg s24  }
0xb1: {  	[dreg:$0x3] =	wrdreg s18  }
0xb2: {  	[dreg:$0x4] =	wrdreg s2  }
0xb3: {  	[dreg:$0x5] =	wrdreg s4  }
0xb4: {  	[dreg:$0x6] =	wrdreg $0x9  }
0xb5: {  	_ =	task.clear_ibuf [dreg:s9], $0x7FFFF;
	_ =	strace $0x90000046  }
0xb6: {  	s29 =	simm.s32 $0x9;
	_ =	strace $0x80000048  }
0xb7: {  	_ =	swait.ge [sflag:s29], $0x1  }
0xb8: {  	[sflag:s29] =	ssyncadd.s32 $0xFFFFFFFF  }
0xb9: {  	_ =	strace $0x90000048  }
0xba: {  	_ =	sfence  }
0xbb: {  	s30 =	sld [smem:$0x0];
	_ =	sdelay $0x2  }
0xbc: {  	s31 =	sshll.u32 s1, $0xD;
	s1 =	sshrl.u32 s1, $0x2  }
0xbd: {  	s3 =	sand.u32 $0x4000, s31;
	s1 =	sadd.s32 s1, s30  }
0xbe: {  	s0 =	sor.u32 s3, s0;
	s1 =	sshll.u32 s1, $0x11  }
0xbf: {  	s0 =	sor.u32 s1, s0  }
0xc0: {  	s0 =	sadd.s32 $0x8F2B, s0  }
0xc1: {  	[sflag:s0] =	ssyncadd.remote.s32 $0x1  }
0xc2: {  	_ =	sfence.sel $0xFFFF  }
0xc3: {  	[dreg:$0x0] =	wrdreg $0xFFFFFFFF;
	(pc) =	sbr.abs _section_cstart, $3  }
0xc4: {  	[dreg:$0x1] =	wrdreg $0xFFFFFFFF  }
0xc5: {  	_ =	task.clear_ibuf [dreg:s9], $0x2FFFF;
	_ =	strace $0x9FFFFFFF  }
0xc6: {  	(tm) =	ssettm $0x7FFFFFFF  }
0xc7: {  	_ =	shalt  }
tec
execute0_lowered:
.L_overlay_start_1:
0x0: {  	(tag) =	ssettag $0x1  }
0x1: {  	s0 =	rddreg [dreg:$0x0]  }
0x2: {  	s1 =	rddreg [dreg:$0x1]  }
0x3: {  	s3 =	rddreg [dreg:$0x2]  }
0x4: {  	s4 =	rddreg [dreg:$0x3];
	s2 =	srdreg.scid  }
0x5: {  	s7 =	stileid.u32;
	s5 =	simm.s32 $0x0;
	s17 =	simm.s32 $0x300  }
0x6: {  	s19 =	simm.s32 $0x180;
	s28 =	simm.s32 $0x100;
	s29 =	simm.s32 $0x8700  }
0x7: {  	s30 =	simm.s32 $0x20;
	s31 =	simm.s32 $0x14700;
	s14 =	simm.s32 $0x3  }
0x8: {  	s2 =	sand.u32 $0x1, s2;
	s7 =	smul.u32 $0x64, s7;
	[smem:$0x7FF] =	sst s5  }
0x9: {  	s8 =	sadd.s32 $0x600, s0;
	s6 =	ssub.s32 $0x0, s2;
	s2 =	ssub.s32 $0x2, s2  }
0xa: {  	_ =	strace $0x80000047;
	s6 =	sand.u32 $0x32, s6;
	s10 =	sshrl.u32 s2, $0x1  }
0xb: {  	s6 =	sadd.s32 s7, s6;
	s7 =	sadd.s32 $0xFC00, s0;
	s2 =	ssub.s32 s2, s10  }
0xc: {  	s20 =	sshll.u32 s6, $0x5;
	s9 =	smul.u32 $0x28, s6;
	s11 =	sshll.u32 s6, $0x2  }
0xd: {  	s15 =	sor.u32 $0x1, s6;
	s26 =	smax.u32 s2, $0x1;
	s2 =	simm.s32 $0x4  }
0xe: {  	s0 =	sor.u32 $0x20, s20;
	s22 =	sadd.s32 s1, s11;
	[dreg:$0xb] =	wrdreg s26  }
0xf: {  	s20 =	simm.s32 $0x380;
	s26 =	simm.s32 $0x40;
	s11 =	simm.s32 $0x0  }
0x10: {  	s12 =	smul.u32 $0xA, s0;
	s21 =	sadd.s32 s7, s9;
	[dreg:$0x6] =	wrdreg s22  }
0x11: {  	s9 =	sadd.s32 s8, s9;
	s0 =	sshrl.u32 s0, $0x3;
	[dreg:$0x5] =	wrdreg s21  }
0x12: {  	[dreg:$0x7] =	wrdreg s9;
	s0 =	sadd.s32 s1, s0;
	s23 =	sshrl.u32 s12, $0x3  }
0x13: {  	s22 =	simm.s32 $0x1;
	[dreg:$0x9] =	wrdreg s0;
	s24 =	sadd.s32 s7, s23  }
0x14: {  	s0 =	simm.s32 $0x2;
	s25 =	sadd.s32 s8, s23;
	[dreg:$0x8] =	wrdreg s24  }
0x15: {  	s23 =	simm.s32 $0x80;
	[dreg:$0xa] =	wrdreg s25;
	s25 =	simm.s32 $0x4700  }
.LBB2_1:
0x16: {  	[dreg:$0xc] =	wrdreg s11  }
0x17: {  	s9 =	rddreg [dreg:$0x5]  }
0x18: {  	[tilespmem:s5], [sflag:$0x1] =	stream.linear.gather [hbm4b:s9+s5], $0x140, $0x38;
	[tilespmem:$0x18700] =	vst v63  }
0x19: {  	s11 =	rddreg [dreg:$0x6]  }
0x1a: {  	[tilespmem:s17], [sflag:$0x1] =	stream.linear.gather [hbm4b:s11+s5], $0x20, $0x38;
	[tilespmem:$0x18700] =	vst v63  }
0x1b: {  	s12 =	rddreg [dreg:$0x7];
	s10 =	simm.s32 $0x400  }
0x1c: {  	[tilespmem:s10], [sflag:$0x1] =	stream.linear.gather [hbm4b:s12+s5], $0x140, $0x38;
	[tilespmem:$0x18700] =	vst v63  }
0x1d: {  	s13 =	rddreg [dreg:$0x8]  }
0x1e: {  	[tilespmem:s19], [sflag:$0x2] =	stream.linear.gather [hbm4b:s13+s5], $0x140, $0x38;
	[tilespmem:$0x18700] =	vst v63  }
0x1f: {  	s16 =	rddreg [dreg:$0x9]  }
0x20: {  	[tilespmem:s20], [sflag:$0x2] =	stream.linear.gather [hbm4b:s16+s5], $0x20, $0x38;
	[tilespmem:$0x18700] =	vst v63  }
0x21: {  	s18 =	rddreg [dreg:$0xa];
	s21 =	simm.s32 $0x580  }
0x22: {  	[tilespmem:s21], [sflag:$0x2] =	stream.linear.gather [hbm4b:s18+s5], $0x140, $0x38;
	[tilespmem:$0x18700] =	vst v63  }
0x23: {  	_ =	swait.ge [sflag:s22], $0x140  }
0x24: {  	[sflag:s22] =	ssyncset.done $0x0  }
0x25: {  	[sflag:s22] =	ssyncadd.s32 $0xFFFFFEC0  }
0x26: {  	_ =	swait.ge [sflag:s22], $0x20  }
0x27: {  	[sflag:s22] =	ssyncset.done $0x0  }
0x28: {  	[sflag:s22] =	ssyncadd.s32 $0xFFFFFFE0  }
0x29: {  	_ =	swait.ge [sflag:s22], $0x140  }
0x2a: {  	[sflag:s22] =	ssyncset.done $0x0  }
0x2b: {  	s24 =	simm.s32 $0x700;
	[sflag:s22] =	ssyncadd.s32 $0xFFFFFEC0  }
0x2c: {  	[tilespmem:s24], [sflag:$0x3] =	stream.indirect.gather [hbm4b:s3+s23], $0x80, s5, s23, $0xb8;
	[tilespmem:$0x18700] =	vst v63  }
0x2d: {  	_ = 	snop  }
0x2e: {  	[tilespmem:s25], [sflag:$0x3] =	stream.indirect.gather [hbm4b:s3+s23], $0x80, s23, s23, $0xb8;
	[tilespmem:$0x18700] =	vst v63  }
0x2f: {  	_ = 	snop  }
0x30: {  	[tilespmem:s29], [sflag:$0x3] =	stream.indirect.gather [hbm4b:s3+s26], $0x80, s28, s26, $0xb8;
	[tilespmem:$0x18700] =	vst v63  }
0x31: {  	s10 =	simm.s32 $0x0  }
0x32: {  	[tilespmem:s31], [sflag:$0x3] =	stream.indirect.gather [hbm4b:s3+s30], $0x80, s17, s30, $0xb8;
	[tilespmem:$0x18700] =	vst v63  }
.LBB2_2:
0x33: {  	_ =	swait.ge [sflag:s0], $0x140  }
0x34: {  	[sflag:s0] =	ssyncset.done $0x0  }
0x35: {  	[sflag:s0] =	ssyncadd.s32 $0xFFFFFEC0  }
0x36: {  	_ =	swait.ge [sflag:s0], $0x20  }
0x37: {  	[sflag:s0] =	ssyncset.done $0x0  }
0x38: {  	[sflag:s0] =	ssyncadd.s32 $0xFFFFFFE0  }
0x39: {  	_ =	swait.ge [sflag:s0], $0x140  }
0x3a: {  	[sflag:s0] =	ssyncset.done $0x0  }
0x3b: {  	s9 =	simm.s32 $0xA700;
	[sflag:s0] =	ssyncadd.s32 $0xFFFFFEC0  }
0x3c: {  	[tilespmem:s9], [sflag:$0x4] =	stream.indirect.gather [hbm4b:s3+s23], $0x80, s19, s23, $0xb8;
	[tilespmem:$0x18700] =	vst v63  }
0x3d: {  	s16 =	simm.s32 $0x200;
	s11 =	simm.s32 $0xE700  }
0x3e: {  	[tilespmem:s11], [sflag:$0x4] =	stream.indirect.gather [hbm4b:s3+s23], $0x80, s16, s23, $0xb8;
	[tilespmem:$0x18700] =	vst v63  }
0x3f: {  	s18 =	simm.s32 $0x280;
	s21 =	simm.s32 $0x12700  }
0x40: {  	[tilespmem:s21], [sflag:$0x4] =	stream.indirect.gather [hbm4b:s3+s26], $0x80, s18, s26, $0xb8;
	[tilespmem:$0x18700] =	vst v63  }
0x41: {  	s24 =	simm.s32 $0x15700  }
0x42: {  	[tilespmem:s24], [sflag:$0x4] =	stream.indirect.gather [hbm4b:s3+s30], $0x80, s20, s30, $0xb8;
	[tilespmem:$0x18700] =	vst v63  }
0x43: {  	_ =	swait.ge [sflag:s14], $0x4000  }
0x44: {  	[sflag:s14] =	ssyncset.done $0x0  }
0x45: {  	[sflag:s14] =	ssyncadd.s32 $0xFFFFC000  }
0x46: {  	_ =	swait.ge [sflag:s14], $0x4000  }
0x47: {  	[sflag:s14] =	ssyncset.done $0x0  }
0x48: {  	[sflag:s14] =	ssyncadd.s32 $0xFFFFC000  }
0x49: {  	_ =	swait.ge [sflag:s14], $0x2000  }
0x4a: {  	[sflag:s14] =	ssyncset.done $0x0  }
0x4b: {  	[sflag:s14] =	ssyncadd.s32 $0xFFFFE000  }
0x4c: {  	_ =	swait.ge [sflag:s14], $0x1000  }
0x4d: {  	p0 =	seq.s32 s10, $0x0;
	[sflag:s14] =	ssyncset.done $0x0  }
0x4e: {  	s9 =	simm.s32 @!p0 $0x5;
	[sflag:s14] =	ssyncadd.s32 $0xFFFFF000  }
0x4f: {  	_ =	swait.ge @!p0 [sflag:s9], $0x1000  }
0x50: {  	[sflag:s9] =	ssyncset.done @!p0 $0x0  }
0x51: {  	s12 =	simm.s32 $0x0;
	[sflag:s9] =	ssyncadd.s32 @!p0 $0xFFFFF000  }
0x52: {  	v12 =	vld [tilespmem:s12+$0x14700]  }
0x53: {  	v16 =	vld [tilespmem:s12+$0x14710]  }
0x54: {  	v27 =	vld [tilespmem:s12+$0x14720]  }
0x55: {  	v8 =	vld [tilespmem:s12+$0x14730]  }
0x56: {  	v15 =	vld [tilespmem:s12+$0x14740]  }
0x57: {  	v18 =	vld [tilespmem:s12+$0x14750]  }
0x58: {  	v23 =	vld [tilespmem:s12+$0x14760]  }
0x59: {  	s13 =	simm.s32 $0x980;
	v24 =	vld [tilespmem:s12+$0x14770]  }
0x5a: {  	v0 =	vld [tilespmem:s13+$0x260]  }
0x5b: {  	v14 =	vld [tilespmem:s13+$0x250]  }
0x5c: {  	v1 =	vld [tilespmem:s13+$0x240]  }
0x5d: {  	v28 =	vld [tilespmem:s13+$0x150]  }
0x5e: {  	v2 =	vld [tilespmem:s13+$0x160]  }
0x5f: {  	v29 =	vld [tilespmem:s13+$0x270]  }
0x60: {  	v4 =	vld [tilespmem:s13+$0xD0]  }
0x61: {  	v30 =	vld [tilespmem:s13+$0x1F0]  }
0x62: {  	v31 =	vld [tilespmem:s13+$0x220]  }
0x63: {  	v6 =	vld [tilespmem:s13+$0x60]  }
0x64: {  	v7 =	vld [tilespmem:s13+$0xFFFFFFE0]  }
0x65: {  	v3 =	vld [tilespmem:s13+$0x180]  }
0x66: {  	v32 =	vld [tilespmem:s13+$0x140]  }
0x67: {  	v9 =	vld [tilespmem:s13+$0x30]  }
0x68: {  	v20 =	vld [tilespmem:s13+$0xC0]  }
0x69: {  	v10 =	vld [tilespmem:s13+$0xFFFFFDC0]  }
0x6a: {  	v11 =	vld [tilespmem:s13+$0xFFFFFFB0]  }
0x6b: {  	s16 =	simm.s32 $0x400;
	v13 =	vld [tilespmem:s13+$0xFFFFFF80]  }
0x6c: {  	v33 =	vld [tilespmem:s16+$0x0]  }
0x6d: {  	v19 =	vld [tilespmem:s13+$0xFFFFFDB0]  }
0x6e: {  	v22 =	vld [tilespmem:s13+$0xFFFFFD80]  }
0x6f: {  	v25 =	vld [tilespmem:s13+$0xFFFFFF70]  }
0x70: {  	v26 =	vld [tilespmem:s13+$0xFFFFFF50]  }
0x71: {  	v34 =	vld [tilespmem:s13+$0xFFFFFF30]  }
0x72: {  	v35 =	vld [tilespmem:s13+$0xFFFFFDA0]  }
0x73: {  	v36 =	vld [tilespmem:s13+$0x20];
	(v2sf) =	vpush v33, $0x0  }
0x74: {  	v37 =	vld [tilespmem:s13+$0x40]  }
0x75: {  	v38 =	vld [tilespmem:s13+$0xFFFFFFA0];
	v39 =	vbroadcast v33, $0x0;
	v17 =	vbroadcast v33, $0x4;
	(v2sf) =	vpush v33, $0x1  }
0x76: {  	v40 =	vld [tilespmem:s13+$0xFFFFFD90];
	v21 =	vbroadcast v33, $0x3;
	v5 =	vbroadcast v33, $0x5  }
0x77: {  	v41 =	vld [tilespmem:s13+$0xFFFFFFC0];
	v59 =	vbroadcast v33, $0x2;
	(v2sf) =	vpush v33, $0x2;
	v42 =	vmul.f32 v22, v39  }
0x78: {  	v43 =	vld [tilespmem:s13+$0xFFFFFF20];
	v44 =	vmul.f32 v19, v39;
	v25 =	vmul.f32 v25, v21  }
0x79: {  	v45 =	vld [tilespmem:s13+$0xFFFFFF40];
	v22 =	vmul.f32 v13, v17;
	v19 =	vmul.f32 v26, v21;
	(v2sf) =	vpush v33, $0x3  }
0x7a: {  	v46 =	vld [tilespmem:s13+$0xFFFFFEF0];
	v47 =	vmul.f32 v11, v17;
	v48 =	vmul.f32 v10, v39  }
0x7b: {  	v49 =	vld [tilespmem:s13+$0xFFFFFEE0];
	v34 =	vmul.f32 v34, v21;
	v35 =	vmul.f32 v35, v39;
	(v2sf) =	vpush v33, $0x4  }
0x7c: {  	v50 =	vld [tilespmem:s13+$0xFFFFFED0];
	v51 =	vmul.f32 v9, v5;
	v9 =	vmul.f32 v7, v17  }
0x7d: {  	v52 =	vld [tilespmem:s13+$0xFFFFFEC0];
	v26 =	vmul.f32 v36, v5;
	v36 =	vmul.f32 v37, v5;
	(v2sf) =	vpush v33, $0x5  }
0x7e: {  	v53 =	vld [tilespmem:s13+$0xFFFFFEA0];
	v38 =	vmul.f32 v38, v17;
	v7 =	vmul.f32 v6, v5  }
0x7f: {  	v55 =	vld [tilespmem:s13+$0xFFFFFE50];
	v40 =	vmul.f32 v40, v39;
	v41 =	vmul.f32 v41, v17;
	(v2sf) =	vpush v33, $0x6  }
0x80: {  	v56 =	vld [tilespmem:s13+$0xFFFFFE40];
	v43 =	vmul.f32 v43, v21;
	v6 =	vbroadcast v33, $0x9  }
0x81: {  	v37 =	vld [tilespmem:s13+$0xFFFFFEB0];
	v11 =	vbroadcast v33, $0x7;
	v44 =	vadd.f32 v44, v8;
	(v2sf) =	vpush v33, $0x7  }
0x82: {  	v8 =	vmul.f32 v14, v6;
	v14 =	vmul.f32 v29, v6;
	v29 =	vadd.f32 v48, v15;
	v48 =	vld [tilespmem:s13+$0xFFFFFDF0];
	s11 =	spop (v2sf)  }
0x83: {  	v10 =	vbroadcast v33, $0x8;
	v15 =	vmul.f32 v31, v6;
	v31 =	vld [tilespmem:s13+$0xFFFFFDE0];
	(v2sf) =	vpush v33, $0x8;
	s9 =	sadd.f32 $1.000000000e+00, s11  }
0x84: {  	v42 =	vadd.f32 v42, v12;
	v12 =	vmul.f32 v28, v11;
	v28 =	vadd.f32 v40, v16;
	v40 =	vld [tilespmem:s13+$0xFFFFFDD0];
	s18 =	spop (v2sf)  }
0x85: {  	v57 =	vld [tilespmem:s13+$0xFFFFFE30];
	v45 =	vmul.f32 v45, v21;
	v13 =	vbroadcast v33, $0x6;
	(v2sf) =	vpush v33, $0x9;
	s9 =	sadd.f32 s9, s18  }
0x86: {  	v58 =	vld [tilespmem:s13+$0xFFFFFE20];
	v46 =	vmul.f32 v46, v59;
	v16 =	vmul.f32 v30, v10;
	s21 =	spop (v2sf)  }
0x87: {  	v30 =	vld [tilespmem:s13+$0xFFFFFE10];
	v32 =	vmul.f32 v32, v11;
	v37 =	vmul.f32 v37, v59;
	s9 =	sadd.f32 s9, s21  }
0x88: {  	v27 =	vadd.f32 v35, v27;
	v35 =	vld [tilespmem:s13+$0xFFFFFE00];
	v31 =	vmul.f32 v31, v39;
	v33 =	vbroadcast v33, $0x1;
	s24 =	spop (v2sf)  }
0x89: {  	v60 =	vld [tilespmem:s13+$0xFFFFFE70];
	v48 =	vmul.f32 v48, v39;
	v39 =	vmul.f32 v40, v39;
	s9 =	sadd.f32 s9, s24  }
0x8a: {  	v54 =	vld [tilespmem:s13+$0xFFFFFE60];
	v23 =	vadd.f32 v31, v23;
	v31 =	vmul.f32 v49, v59;
	v63 =	vmul.f32 v56, v33;
	s18 =	spop (v2sf)  }
0x8b: {  	v24 =	vadd.f32 v48, v24;
	v61 =	vmul.f32 v57, v33;
	v62 =	vmul.f32 v58, v33;
	v57 =	vld [tilespmem:s13+$0xFFFFFE90];
	s9 =	sadd.f32 s9, s18  }
0x8c: {  	v39 =	vadd.f32 v39, v18;
	v55 =	vmul.f32 v55, v33;
	v58 =	vld [tilespmem:s13+$0xFFFFFE80];
	v30 =	vmul.f32 v30, v33;
	s21 =	spop (v2sf)  }
0x8d: {  	v35 =	vmul.f32 v35, v33;
	v29 =	vadd.f32 v63, v29;
	v44 =	vadd.f32 v61, v44;
	v61 =	vld [tilespmem:s13+$0xFFFFFF10];
	s9 =	sadd.f32 s9, s21  }
0x8e: {  	v63 =	vmul.f32 v60, v33;
	v27 =	vadd.f32 v62, v27;
	v60 =	vmul.f32 v53, v59;
	v62 =	vld [tilespmem:s13+$0xFFFFFFF0];
	s24 =	spop (v2sf)  }
0x8f: {  	v33 =	vmul.f32 v54, v33;
	v35 =	vadd.f32 v35, v42;
	v28 =	vadd.f32 v30, v28;
	v54 =	vld [tilespmem:s13+$0xFFFFFF60];
	s9 =	sadd.f32 s9, s24  }
0x90: {  	v37 =	vadd.f32 v37, v44;
	v44 =	vmul.f32 v52, v59;
	v24 =	vadd.f32 v63, v24;
	v63 =	vld [tilespmem:s13+$0xFFFFFF90];
	s18 =	spop (v2sf)  }
0x91: {  	v48 =	vmul.f32 v20, v13;
	v18 =	vadd.f32 v60, v27;
	v27 =	vld [tilespmem:s13+$0xFFFFFF00];
	v33 =	vadd.f32 v33, v23;
	s9 =	sadd.f32 s9, s18  }
0x92: {  	v60 =	vld [tilespmem:s13+$0x1C0];
	v23 =	vadd.f32 v55, v39;
	v56 =	vmul.f32 v58, v59;
	v29 =	vadd.f32 v44, v29;
	s21 =	spop (v2sf)  }
0x93: {  	v53 =	vmul.f32 v57, v59;
	v57 =	vld [tilespmem:s13+$0x70];
	v34 =	vadd.f32 v34, v37;
	v20 =	vadd.f32 v46, v24;
	s9 =	sadd.f32 s9, s21  }
0x94: {  	v52 =	vmul.f32 v50, v59;
	v59 =	vld [tilespmem:s13+$0xF0];
	v24 =	vadd.f32 v43, v18;
	v35 =	vadd.f32 v56, v35;
	s24 =	spop (v2sf)  }
0x95: {  	v37 =	vld [tilespmem:s13+$0xA0];
	v42 =	vmul.f32 v61, v21;
	v30 =	vadd.f32 v47, v34;
	v29 =	vadd.f32 v45, v29;
	s9 =	sadd.f32 s9, s24  }
0x96: {  	v58 =	vmul.f32 v62, v17;
	v61 =	vld [tilespmem:s13+$0x0];
	v20 =	vadd.f32 v25, v20;
	v47 =	vadd.f32 v53, v28  }
0x97: {  	v56 =	vld [tilespmem:s13+$0x1A0];
	v24 =	vadd.f32 v38, v24;
	v38 =	vadd.f32 v31, v33;
	v62 =	vmov s9  }
0x98: {  	v25 =	vld [tilespmem:s13+$0x80];
	v18 =	vmul.f32 v63, v17;
	v27 =	vmul.f32 v27, v21;
	v49 =	vmax.f32 v62, $9.999999970e-07  }
0x99: {  	v53 =	vld [tilespmem:s13+$0xB0];
	v28 =	vadd.f32 v41, v29;
	v30 =	vadd.f32 v51, v30;
	v45 =	vbroadcast v49, $0x0  }
0x9a: {  	v63 =	vld [tilespmem:s13+$0x120];
	v26 =	vadd.f32 v26, v24;
	v55 =	vmul.f32 v57, v5;
	v43 =	vadd.f32 v58, v20  }
0x9b: {  	v24 =	vmul.f32 v60, v10;
	v36 =	vadd.f32 v36, v28;
	v28 =	vld [tilespmem:s13+$0x130];
	(erf) = vrcp.f32 v45  }
0x9c: {  	v29 =	vld [tilespmem:s13+$0x100];
	v41 =	vadd.f32 v52, v23;
	v23 =	vmul.f32 v54, v21;
	v27 =	vadd.f32 v27, v35  }
0x9d: {  	v57 =	vld [tilespmem:s13+$0x1B0];
	v60 =	vmul.f32 v61, v5;
	v39 =	vadd.f32 v55, v43;
	v35 =	vmul.f32 v56, v10  }
0x9e: {  	v21 =	vld [tilespmem:s13+$0xFFFFFFD0];
	v58 =	vadd.f32 v22, v27;
	v22 =	vmul.f32 v37, v13;
	v27 =	vmul.f32 v53, v13  }
0x9f: {  	v61 =	vld [tilespmem:s13+$0x170];
	v25 =	vmul.f32 v25, v13;
	v37 =	vadd.f32 v42, v47;
	v40 =	vmul.f32 v63, v11  }
0xa0: {  	v22 =	vadd.f32 v22, v26;
	v26 =	vadd.f32 v27, v30;
	v27 =	vmul.f32 v28, v11;
	v28 =	vld [tilespmem:s13+$0x50]  }
0xa1: {  	v63 =	vmul.f32 v59, v13;
	v20 =	vmul.f32 v29, v11;
	v29 =	vld [tilespmem:s13+$0xE0];
	v31 =	vadd.f32 v60, v58  }
0xa2: {  	v34 =	vld [tilespmem:s13+$0x90];
	v30 =	vmul.f32 v57, v10;
	v62 =	vadd.f32 v48, v36;
	v36 =	vadd.f32 v40, v22  }
0xa3: {  	v33 =	vmul.f32 v21, v17;
	v21 =	vld [tilespmem:s13+$0x210];
	v27 =	vadd.f32 v27, v26;
	v26 =	vadd.f32 v19, v41  }
0xa4: {  	s11 =	sshll.u32 s10, $0x1;
	s18 =	simm.s32 $0x980;
	s9 =	simm.s32 $0x200;
	v22 =	vld [tilespmem:s13+$0x10];
	v17 =	vadd.f32 v32, v62;
	v32 =	vadd.f32 v63, v39;
	v39 =	vmul.f32 v61, v11;
	v19 =	vpop (erf)  }
.LBB2_3:
0xa5: {  	p1 =	sne.s32 s9, $0x3E00;
	v23 =	vadd.f32 v23, v38;
	v28 =	vmul.f32 v28, v5;
	v35 =	vadd.f32 v35, v36;
	v36 =	vld [tilespmem:s13+$0x230];
	s18 =	sadd.s32 $0x500, s18;
	s16 =	sadd.s32 $0xA, s16  }
0xa6: {  	v27 =	vadd.f32 v30, v27;
	s21 =	smov.u32 s9;
	s9 =	sadd.s32 $0x200, s9;
	v29 =	vmul.f32 v29, v13;
	v38 =	vld [tilespmem:s13+$0x110];
	v32 =	vadd.f32 v39, v32  }
0xa7: {  	v18 =	vadd.f32 v18, v37;
	v4 =	vmul.f32 v4, v13;
	v30 =	vld [tilespmem:s13+$0x1D0];
	v15 =	vadd.f32 v15, v35  }
0xa8: {  	v26 =	vadd.f32 v33, v26;
	v13 =	vmul.f32 v34, v13;
	v16 =	vadd.f32 v16, v32;
	v32 =	vld [tilespmem:s13+$0x200]  }
0xa9: {  	v5 =	vmul.f32 v22, v5;
	v22 =	vadd.f32 v25, v31;
	v25 =	vld [tilespmem:s13+$0x1E0];
	v15 =	vmul.f32 v15, v19  }
0xaa: {  	s21 =	sshra.s32 s21, $0x2;
	v23 =	vadd.f32 v9, v23;
	v31 =	vld [tilespmem:s13+$0x190];
	v33 =	vmul.f32 v36, v6;
	v14 =	vadd.f32 v14, v16;
	s13 =	smov.u32 s18  }
0xab: {  	v2 =	vmul.f32 v2, v11;
	v5 =	vadd.f32 v5, v18;
	v9 =	vld [tilespmem:s21+$0x14700];
	v18 =	vmul.f32 v38, v11;
	[tilespmem:s12+$0x16720] =	vst v15  }
0xac: {  	v11 =	vadd.f32 v28, v26;
	v15 =	vadd.f32 v7, v23;
	v16 =	vld [tilespmem:s21+$0x14710];
	v14 =	vmul.f32 v14, v19  }
0xad: {  	v3 =	vmul.f32 v3, v10;
	v5 =	vadd.f32 v13, v5;
	v13 =	vmul.f32 v30, v10;
	v7 =	vld [tilespmem:s21+$0x14720]  }
0xae: {  	v4 =	vadd.f32 v4, v11;
	v26 =	vld [tilespmem:s21+$0x14730];
	v23 =	vmul.f32 v25, v10;
	v25 =	vadd.f32 v33, v27;
	[tilespmem:s12+$0x16770] =	vst v14  }
0xaf: {  	v5 =	vadd.f32 v18, v5;
	v14 =	vadd.f32 v29, v15;
	v11 =	vld [tilespmem:s21+$0x14740];
	v10 =	vmul.f32 v31, v10  }
0xb0: {  	v15 =	vadd.f32 v20, v22;
	v4 =	vadd.f32 v12, v4;
	v18 =	vld [tilespmem:s21+$0x14750];
	v12 =	vmul.f32 v25, v19  }
0xb1: {  	v2 =	vadd.f32 v2, v14;
	v20 =	vld [tilespmem:s21+$0x14760];
	v5 =	vadd.f32 v10, v5;
	v10 =	vmul.f32 v21, v6  }
0xb2: {  	v14 =	vadd.f32 v24, v17;
	v4 =	vadd.f32 v13, v4;
	v13 =	vmul.f32 v32, v6;
	v22 =	vld [tilespmem:s21+$0x14770];
	[tilespmem:s12+$0x16730] =	vst v12  }
0xb3: {  	v1 =	vmul.f32 v1, v6;
	v3 =	vadd.f32 v3, v15;
	v5 =	vadd.f32 v10, v5  }
0xb4: {  	v0 =	vmul.f32 v0, v6;
	v2 =	vadd.f32 v23, v2;
	v4 =	vadd.f32 v8, v4  }
0xb5: {  	v1 =	vadd.f32 v1, v14;
	v3 =	vadd.f32 v13, v3;
	v5 =	vmul.f32 v5, v19  }
0xb6: {  	v0 =	vadd.f32 v0, v2;
	v2 =	vmul.f32 v4, v19  }
0xb7: {  	v1 =	vmul.f32 v1, v19;
	v3 =	vmul.f32 v3, v19;
	[tilespmem:s12+$0x16710] =	vst v5  }
0xb8: {  	v0 =	vmul.f32 v0, v19;
	[tilespmem:s12+$0x16750] =	vst v2  }
0xb9: {  	[tilespmem:s12+$0x16700] =	vst v3  }
0xba: {  	[tilespmem:s12+$0x16760] =	vst v0  }
0xbb: {  	[tilespmem:s12+$0x16740] =	vst v1;
	s12 =	smov.u32 s21  }
0xbc: {  	v0 =	vld [tilespmem:s18+$0x260]  }
0xbd: {  	v8 =	vld [tilespmem:s18+$0x250]  }
0xbe: {  	v1 =	vld [tilespmem:s18+$0x240]  }
0xbf: {  	v12 =	vld [tilespmem:s18+$0x150]  }
0xc0: {  	v2 =	vld [tilespmem:s18+$0x160]  }
0xc1: {  	v14 =	vld [tilespmem:s18+$0x270]  }
0xc2: {  	v4 =	vld [tilespmem:s18+$0xD0]  }
0xc3: {  	v32 =	vld [tilespmem:s18+$0x1F0]  }
0xc4: {  	v15 =	vld [tilespmem:s18+$0x220]  }
0xc5: {  	v6 =	vld [tilespmem:s18+$0x60]  }
0xc6: {  	v10 =	vld [tilespmem:s18+$0xFFFFFFE0]  }
0xc7: {  	v3 =	vld [tilespmem:s18+$0x180]  }
0xc8: {  	v35 =	vld [tilespmem:s18+$0x140]  }
0xc9: {  	v13 =	vld [tilespmem:s18+$0x30]  }
0xca: {  	v24 =	vld [tilespmem:s18+$0xC0]  }
0xcb: {  	v27 =	vld [tilespmem:s18+$0xFFFFFDC0]  }
0xcc: {  	v28 =	vld [tilespmem:s18+$0xFFFFFFB0]  }
0xcd: {  	v19 =	vld [tilespmem:s18+$0xFFFFFF80]  }
0xce: {  	v38 =	vld [tilespmem:s16+$0x0]  }
0xcf: {  	v23 =	vld [tilespmem:s18+$0xFFFFFDB0]  }
0xd0: {  	v25 =	vld [tilespmem:s18+$0xFFFFFD80]  }
0xd1: {  	v29 =	vld [tilespmem:s18+$0xFFFFFF70]  }
0xd2: {  	v30 =	vld [tilespmem:s18+$0xFFFFFF50]  }
0xd3: {  	v36 =	vbroadcast v38, $0x0;
	v31 =	vld [tilespmem:s18+$0xFFFFFF30];
	v17 =	vbroadcast v38, $0x4;
	(v2sf) =	vpush v38, $0x0  }
0xd4: {  	v21 =	vbroadcast v38, $0x3;
	v5 =	vbroadcast v38, $0x5;
	v34 =	vld [tilespmem:s18+$0xFFFFFDA0]  }
0xd5: {  	v33 =	vmul.f32 v25, v36;
	v37 =	vmul.f32 v23, v36;
	v39 =	vld [tilespmem:s18+$0x20];
	(v2sf) =	vpush v38, $0x1  }
0xd6: {  	v23 =	vmul.f32 v19, v17;
	v25 =	vmul.f32 v29, v21;
	v40 =	vld [tilespmem:s18+$0x40];
	(v2sf) =	vpush v38, $0x2  }
0xd7: {  	v29 =	vmul.f32 v28, v17;
	v41 =	vadd.f32 v37, v26;
	v19 =	vmul.f32 v30, v21;
	v30 =	vld [tilespmem:s18+$0xFFFFFFA0]  }
0xd8: {  	v33 =	vadd.f32 v33, v9;
	v9 =	vmul.f32 v27, v36;
	v42 =	vld [tilespmem:s18+$0xFFFFFD90];
	v37 =	vmul.f32 v31, v21  }
0xd9: {  	v27 =	vmul.f32 v13, v5;
	v28 =	vmul.f32 v34, v36;
	v34 =	vld [tilespmem:s18+$0xFFFFFFC0];
	(v2sf) =	vpush v38, $0x3  }
0xda: {  	v43 =	vadd.f32 v9, v11;
	v9 =	vmul.f32 v10, v17;
	v11 =	vld [tilespmem:s18+$0xFFFFFF20];
	v26 =	vmul.f32 v39, v5  }
0xdb: {  	v39 =	vadd.f32 v28, v7;
	v10 =	vld [tilespmem:s18+$0xFFFFFF40];
	v28 =	vmul.f32 v40, v5;
	(v2sf) =	vpush v38, $0x4  }
0xdc: {  	v7 =	vmul.f32 v6, v5;
	v40 =	vld [tilespmem:s18+$0xFFFFFEF0];
	v30 =	vmul.f32 v30, v17  }
0xdd: {  	v42 =	vmul.f32 v42, v36;
	v44 =	vld [tilespmem:s18+$0xFFFFFEE0];
	(v2sf) =	vpush v38, $0x5  }
0xde: {  	v31 =	vld [tilespmem:s18+$0xFFFFFED0];
	v34 =	vmul.f32 v34, v17  }
0xdf: {  	v45 =	vld [tilespmem:s18+$0xFFFFFEC0];
	v46 =	vmul.f32 v11, v21;
	(v2sf) =	vpush v38, $0x6  }
0xe0: {  	v47 =	vld [tilespmem:s18+$0xFFFFFEB0];
	v48 =	vmul.f32 v10, v21  }
0xe1: {  	v49 =	vld [tilespmem:s18+$0xFFFFFEA0];
	(v2sf) =	vpush v38, $0x7  }
0xe2: {  	v50 =	vld [tilespmem:s18+$0xFFFFFE60];
	s21 =	spop (v2sf)  }
0xe3: {  	s21 =	sadd.f32 $1.000000000e+00, s21;
	v51 =	vld [tilespmem:s18+$0xFFFFFE50];
	(v2sf) =	vpush v38, $0x8  }
0xe4: {  	v6 =	vbroadcast v38, $0x9;
	v10 =	vbroadcast v38, $0x8;
	v52 =	vld [tilespmem:s18+$0xFFFFFE40];
	s24 =	spop (v2sf)  }
0xe5: {  	v13 =	vbroadcast v38, $0x6;
	v11 =	vbroadcast v38, $0x7;
	s21 =	sadd.f32 s21, s24;
	v53 =	vld [tilespmem:s18+$0xFFFFFE30];
	s24 =	spop (v2sf);
	(v2sf) =	vpush v38, $0x9  }
0xe6: {  	v55 =	vbroadcast v38, $0x2;
	v8 =	vmul.f32 v8, v6;
	v54 =	vld [tilespmem:s18+$0xFFFFFE20]  }
0xe7: {  	v14 =	vmul.f32 v14, v6;
	v38 =	vbroadcast v38, $0x1;
	s21 =	sadd.f32 s21, s24;
	v56 =	vld [tilespmem:s18+$0xFFFFFE70]  }
0xe8: {  	v15 =	vmul.f32 v15, v6;
	v40 =	vmul.f32 v40, v55;
	v57 =	vld [tilespmem:s18+$0xFFFFFDF0];
	s24 =	spop (v2sf)  }
0xe9: {  	v12 =	vmul.f32 v12, v11;
	s21 =	sadd.f32 s21, s24;
	v58 =	vld [tilespmem:s18+$0xFFFFFDE0];
	v52 =	vmul.f32 v52, v38  }
0xea: {  	v42 =	vadd.f32 v42, v16;
	v16 =	vmul.f32 v32, v10;
	v59 =	vld [tilespmem:s18+$0xFFFFFDD0];
	v53 =	vmul.f32 v53, v38;
	s24 =	spop (v2sf)  }
0xeb: {  	v32 =	vmul.f32 v35, v11;
	s21 =	sadd.f32 s21, s24;
	v60 =	vld [tilespmem:s18+$0xFFFFFE10];
	v54 =	vmul.f32 v54, v38;
	v43 =	vadd.f32 v52, v43  }
0xec: {  	v47 =	vmul.f32 v47, v55;
	v35 =	vld [tilespmem:s18+$0xFFFFFE00];
	v41 =	vadd.f32 v53, v41;
	v52 =	vmul.f32 v56, v38;
	s24 =	spop (v2sf)  }
0xed: {  	v51 =	vmul.f32 v51, v38;
	s21 =	sadd.f32 s21, s24;
	v53 =	vmul.f32 v57, v36;
	v39 =	vadd.f32 v54, v39;
	v54 =	vld [tilespmem:s18+$0xFFFFFE90]  }
0xee: {  	v45 =	vmul.f32 v45, v55;
	v56 =	vmul.f32 v58, v36;
	v57 =	vld [tilespmem:s18+$0xFFFFFE80];
	v41 =	vadd.f32 v47, v41;
	s24 =	spop (v2sf)  }
0xef: {  	v47 =	vmul.f32 v49, v55;
	s21 =	sadd.f32 s21, s24;
	v36 =	vmul.f32 v59, v36;
	v22 =	vadd.f32 v53, v22;
	v49 =	vld [tilespmem:s18+$0xFFFFFF10]  }
0xf0: {  	v44 =	vmul.f32 v44, v55;
	v20 =	vadd.f32 v56, v20;
	v53 =	vmul.f32 v60, v38;
	v56 =	vld [tilespmem:s18+$0xFFFFFFF0];
	s24 =	spop (v2sf)  }
0xf1: {  	s21 =	sadd.f32 s21, s24;
	v35 =	vmul.f32 v35, v38;
	v38 =	vmul.f32 v50, v38;
	v22 =	vadd.f32 v52, v22;
	v50 =	vld [tilespmem:s18+$0xFFFFFF90]  }
0xf2: {  	v36 =	vadd.f32 v36, v18;
	v18 =	vadd.f32 v47, v39;
	v52 =	vmul.f32 v54, v55;
	v39 =	vld [tilespmem:s18+$0xFFFFFF00];
	s24 =	spop (v2sf)  }
0xf3: {  	v43 =	vadd.f32 v45, v43;
	v37 =	vadd.f32 v37, v41;
	s21 =	sadd.f32 s21, s24;
	v47 =	vmul.f32 v57, v55;
	v41 =	vld [tilespmem:s18+$0xA0]  }
0xf4: {  	v33 =	vadd.f32 v35, v33;
	v45 =	vmul.f32 v49, v21;
	v35 =	vld [tilespmem:s18+$0x70];
	v49 =	vmul.f32 v24, v13;
	s24 =	spop (v2sf)  }
0xf5: {  	v22 =	vadd.f32 v40, v22;
	v24 =	vadd.f32 v46, v18;
	s21 =	sadd.f32 s21, s24;
	v40 =	vmul.f32 v56, v17;
	v46 =	vld [tilespmem:s18+$0x1C0]  }
0xf6: {  	v42 =	vadd.f32 v53, v42;
	v29 =	vadd.f32 v29, v37;
	v18 =	vmul.f32 v50, v17;
	v37 =	vld [tilespmem:s18+$0x0]  }
0xf7: {  	v43 =	vadd.f32 v48, v43;
	v33 =	vadd.f32 v47, v33;
	v50 =	vmov s21;
	v47 =	vld [tilespmem:s18+$0x120]  }
0xf8: {  	v22 =	vadd.f32 v25, v22;
	v39 =	vmul.f32 v39, v21;
	v48 =	vmax.f32 v50, $9.999999970e-07;
	v25 =	vld [tilespmem:s18+$0x80]  }
0xf9: {  	v34 =	vadd.f32 v34, v43;
	v42 =	vadd.f32 v52, v42;
	v48 =	vbroadcast v48, $0x0;
	v43 =	vld [tilespmem:s18+$0x100]  }
0xfa: {  	v31 =	vmul.f32 v31, v55;
	v27 =	vadd.f32 v27, v29;
	v24 =	vadd.f32 v30, v24;
	v29 =	vld [tilespmem:s18+$0xB0]  }
0xfb: {  	v34 =	vadd.f32 v28, v34;
	v30 =	vadd.f32 v39, v33;
	v33 =	vld [tilespmem:s18+$0xFFFFFF60];
	(erf) = vrcp.f32 v48  }
0xfc: {  	v38 =	vadd.f32 v38, v20;
	v26 =	vadd.f32 v26, v24;
	v39 =	vmul.f32 v47, v11;
	v28 =	vld [tilespmem:s18+$0x130]  }
0xfd: {  	v36 =	vadd.f32 v51, v36;
	v35 =	vmul.f32 v35, v5;
	v25 =	vmul.f32 v25, v13;
	v47 =	vld [tilespmem:s18+$0x1A0]  }
0xfe: {  	v22 =	vadd.f32 v40, v22;
	v24 =	vmul.f32 v46, v10;
	v20 =	vmul.f32 v43, v11;
	v40 =	vld [tilespmem:s18+$0x1B0]  }
0xff: {  	v43 =	vadd.f32 v23, v30;
	v30 =	vmul.f32 v41, v13;
	v29 =	vmul.f32 v29, v13;
	v41 =	vld [tilespmem:s18+$0xF0]  }
0x100: {  	v31 =	vadd.f32 v31, v36;
	v46 =	vmul.f32 v37, v5;
	v23 =	vmul.f32 v33, v21;
	v21 =	vld [tilespmem:s18+$0xFFFFFFD0]  }
0x101: {  	v26 =	vadd.f32 v30, v26;
	v27 =	vadd.f32 v29, v27;
	v30 =	vmul.f32 v28, v11;
	v48 =	vld [tilespmem:s18+$0x170]  }
.Ltmp0:
0x102: {  	v49 =	vadd.f32 v49, v34;
	v50 =	vadd.f32 v35, v22;
	v28 =	vld [tilespmem:s18+$0x50];
	v35 =	vmul.f32 v47, v10;
	(pc) =	sbr.rel @p1 .LBB2_3-.Ltmp0, $4  }
0x103: {  	v36 =	vadd.f32 v39, v26;
	v29 =	vld [tilespmem:s18+$0xE0];
	v27 =	vadd.f32 v30, v27;
	v30 =	vmul.f32 v40, v10  }
0x104: {  	v38 =	vadd.f32 v44, v38;
	v26 =	vadd.f32 v19, v31;
	v22 =	vld [tilespmem:s18+$0x10];
	v39 =	vmul.f32 v41, v13;
	v19 =	vpop (erf)  }
0x105: {  	v37 =	vadd.f32 v45, v42;
	v33 =	vmul.f32 v21, v17;
	v34 =	vld [tilespmem:s18+$0x90];
	v17 =	vadd.f32 v32, v49  }
0x106: {  	v31 =	vadd.f32 v46, v43;
	v32 =	vadd.f32 v39, v50;
	v39 =	vmul.f32 v48, v11;
	v21 =	vld [tilespmem:s18+$0x210]  }
0x107: {  	v23 =	vadd.f32 v23, v38;
	v35 =	vadd.f32 v35, v36  }
0x108: {  	v28 =	vmul.f32 v28, v5;
	v27 =	vadd.f32 v30, v27;
	v18 =	vadd.f32 v18, v37  }
0x109: {  	v4 =	vmul.f32 v4, v13;
	v26 =	vadd.f32 v33, v26;
	v2 =	vmul.f32 v2, v11  }
0x10a: {  	v62 =	vld [tilespmem:s13+$0x110];
	v3 =	vmul.f32 v3, v10;
	v1 =	vmul.f32 v1, v6;
	v32 =	vadd.f32 v39, v32  }
0x10b: {  	v61 =	vld [tilespmem:s13+$0x230];
	v15 =	vadd.f32 v15, v35;
	v5 =	vmul.f32 v22, v5;
	v9 =	vadd.f32 v9, v23  }
0x10c: {  	v30 =	vld [tilespmem:s13+$0x1D0];
	v29 =	vmul.f32 v29, v13;
	v22 =	vadd.f32 v25, v31;
	v16 =	vadd.f32 v16, v32  }
0x10d: {  	v23 =	vld [tilespmem:s13+$0x190];
	v13 =	vmul.f32 v34, v13;
	v5 =	vadd.f32 v5, v18;
	v7 =	vadd.f32 v7, v9  }
0x10e: {  	v31 =	vld [tilespmem:s13+$0x1E0];
	v15 =	vmul.f32 v15, v19;
	v18 =	vadd.f32 v20, v22;
	v14 =	vadd.f32 v14, v16  }
0x10f: {  	v16 =	vmul.f32 v62, v11;
	v11 =	vadd.f32 v28, v26;
	v5 =	vadd.f32 v13, v5  }
0x110: {  	v25 =	vmul.f32 v61, v6;
	v7 =	vadd.f32 v29, v7;
	v3 =	vadd.f32 v3, v18  }
0x111: {  	v9 =	vmul.f32 v14, v19;
	v14 =	vmul.f32 v30, v10;
	v4 =	vadd.f32 v4, v11  }
0x112: {  	v13 =	vld [tilespmem:s13+$0x200];
	v5 =	vadd.f32 v16, v5;
	v16 =	vmul.f32 v23, v10;
	v2 =	vadd.f32 v2, v7  }
0x113: {  	v10 =	vmul.f32 v31, v10;
	v4 =	vadd.f32 v12, v4;
	v12 =	vadd.f32 v24, v17  }
0x114: {  	v11 =	vadd.f32 v25, v27;
	v7 =	vmul.f32 v21, v6;
	v5 =	vadd.f32 v16, v5  }
0x115: {  	v0 =	vmul.f32 v0, v6;
	s9 =	sadd.s32 $0x2, s11;
	v2 =	vadd.f32 v10, v2;
	v1 =	vadd.f32 v1, v12  }
0x116: {  	p1 =	seq.s32 s9, $0x32;
	[tilespmem:s12+$0x16720] =	vst v15;
	v11 =	vmul.f32 v11, v19;
	v4 =	vadd.f32 v14, v4;
	v5 =	vadd.f32 v7, v5  }
0x117: {  	s9 =	simm.s32 @p1 $0x0;
	[tilespmem:s12+$0x16770] =	vst v9;
	v13 =	vmul.f32 v13, v6;
	v0 =	vadd.f32 v0, v2;
	v1 =	vmul.f32 v1, v19  }
0x118: {  	s9 =	sadd.s32 s6, s9;
	[tilespmem:s12+$0x16730] =	vst v11;
	v4 =	vadd.f32 v8, v4;
	v5 =	vmul.f32 v5, v19  }
0x119: {  	s16 =	sadd.s32 s6, s11;
	s9 =	sshll.u32 s9, $0x5;
	v3 =	vadd.f32 v13, v3;
	v0 =	vmul.f32 v0, v19;
	[tilespmem:s12+$0x16740] =	vst v1  }
0x11a: {  	s9 =	smin.u32 s9, $0xC330;
	s13 =	sshll.u32 s16, $0x5;
	v2 =	vmul.f32 v4, v19;
	[tilespmem:s12+$0x16710] =	vst v5  }
0x11b: {  	s21 =	smul.u32 $0xA, s9;
	s13 =	smin.u32 s13, $0xC330;
	v3 =	vmul.f32 v3, v19;
	[tilespmem:s12+$0x16760] =	vst v0  }
0x11c: {  	s13 =	sshll.u32 s13, $0x4;
	[tilespmem:s12+$0x16750] =	vst v2  }
0x11d: {  	s16 =	simm.s32 $0x16700;
	s24 =	sshrl.u32 s21, $0x3;
	s18 =	sadd.s32 s4, s13;
	[tilespmem:s12+$0x16700] =	vst v3  }
0x11e: {  	[hbm4b:s18+s5] =	stream.linear.scatter [tilespmem:s16], [sflag:$0x5], $0x1000, $0x38;
	[tilespmem:$0x18700] =	vst v63  }
0x11f: {  	s9 =	sshrl.u32 s9, $0x3;
	s13 =	sadd.s32 s7, s24  }
0x120: {  	[tilespmem:s5], [sflag:$0x1] =	stream.linear.gather [hbm4b:s13+s5], $0x140, $0x38;
	[tilespmem:$0x18700] =	vst v63  }
0x121: {  	s9 =	sadd.s32 s1, s9  }
0x122: {  	[tilespmem:s17], [sflag:$0x1] =	stream.linear.gather [hbm4b:s9+s5], $0x20, $0x38;
	[tilespmem:$0x18700] =	vst v63  }
0x123: {  	s12 =	sadd.s32 s8, s24;
	s13 =	simm.s32 $0x400  }
0x124: {  	[tilespmem:s13], [sflag:$0x1] =	stream.linear.gather [hbm4b:s12+s5], $0x140, $0x38;
	[tilespmem:$0x18700] =	vst v63  }
0x125: {  	_ =	swait.ge [sflag:s22], $0x140  }
0x126: {  	[sflag:s22] =	ssyncset.done $0x0  }
0x127: {  	[sflag:s22] =	ssyncadd.s32 $0xFFFFFEC0  }
0x128: {  	_ =	swait.ge [sflag:s22], $0x20  }
0x129: {  	[sflag:s22] =	ssyncset.done $0x0  }
0x12a: {  	[sflag:s22] =	ssyncadd.s32 $0xFFFFFFE0  }
0x12b: {  	_ =	swait.ge [sflag:s22], $0x140  }
0x12c: {  	[sflag:s22] =	ssyncset.done $0x0  }
0x12d: {  	s16 =	simm.s32 $0x700;
	[sflag:s22] =	ssyncadd.s32 $0xFFFFFEC0  }
0x12e: {  	[tilespmem:s16], [sflag:$0x3] =	stream.indirect.gather [hbm4b:s3+s23], $0x80, s5, s23, $0xb8;
	[tilespmem:$0x18700] =	vst v63  }
0x12f: {  	_ = 	snop  }
0x130: {  	[tilespmem:s25], [sflag:$0x3] =	stream.indirect.gather [hbm4b:s3+s23], $0x80, s23, s23, $0xb8;
	[tilespmem:$0x18700] =	vst v63  }
0x131: {  	_ = 	snop  }
0x132: {  	[tilespmem:s29], [sflag:$0x3] =	stream.indirect.gather [hbm4b:s3+s26], $0x80, s28, s26, $0xb8;
	[tilespmem:$0x18700] =	vst v63  }
0x133: {  	_ = 	snop  }
0x134: {  	[tilespmem:s31], [sflag:$0x3] =	stream.indirect.gather [hbm4b:s3+s30], $0x80, s17, s30, $0xb8;
	[tilespmem:$0x18700] =	vst v63  }
0x135: {  	_ =	swait.ge [sflag:s2], $0x4000  }
0x136: {  	[sflag:s2] =	ssyncset.done $0x0  }
0x137: {  	[sflag:s2] =	ssyncadd.s32 $0xFFFFC000  }
0x138: {  	_ =	swait.ge [sflag:s2], $0x4000  }
0x139: {  	[sflag:s2] =	ssyncset.done $0x0  }
0x13a: {  	[sflag:s2] =	ssyncadd.s32 $0xFFFFC000  }
0x13b: {  	_ =	swait.ge [sflag:s2], $0x2000  }
0x13c: {  	[sflag:s2] =	ssyncset.done $0x0  }
0x13d: {  	[sflag:s2] =	ssyncadd.s32 $0xFFFFE000  }
0x13e: {  	_ =	swait.ge [sflag:s2], $0x1000  }
0x13f: {  	[sflag:s2] =	ssyncset.done $0x0  }
0x140: {  	s9 =	simm.s32 @!p0 $0x6;
	[sflag:s2] =	ssyncadd.s32 $0xFFFFF000  }
0x141: {  	_ =	swait.ge @!p0 [sflag:s9], $0x1000  }
0x142: {  	[sflag:s9] =	ssyncset.done @!p0 $0x0  }
0x143: {  	s12 =	simm.s32 $0x0;
	[sflag:s9] =	ssyncadd.s32 @!p0 $0xFFFFF000  }
0x144: {  	v12 =	vld [tilespmem:s12+$0x15700]  }
0x145: {  	v16 =	vld [tilespmem:s12+$0x15710]  }
0x146: {  	v27 =	vld [tilespmem:s12+$0x15720]  }
0x147: {  	v7 =	vld [tilespmem:s12+$0x15730]  }
0x148: {  	v15 =	vld [tilespmem:s12+$0x15740]  }
0x149: {  	v18 =	vld [tilespmem:s12+$0x15750]  }
0x14a: {  	v23 =	vld [tilespmem:s12+$0x15760]  }
0x14b: {  	s13 =	simm.s32 $0xA980;
	v24 =	vld [tilespmem:s12+$0x15770]  }
0x14c: {  	v0 =	vld [tilespmem:s13+$0x260]  }
0x14d: {  	v14 =	vld [tilespmem:s13+$0x250]  }
0x14e: {  	v1 =	vld [tilespmem:s13+$0x240]  }
0x14f: {  	v28 =	vld [tilespmem:s13+$0x150]  }
0x150: {  	v2 =	vld [tilespmem:s13+$0x160]  }
0x151: {  	v29 =	vld [tilespmem:s13+$0x270]  }
0x152: {  	v4 =	vld [tilespmem:s13+$0xD0]  }
0x153: {  	v30 =	vld [tilespmem:s13+$0x1F0]  }
0x154: {  	v31 =	vld [tilespmem:s13+$0x220]  }
0x155: {  	v6 =	vld [tilespmem:s13+$0x60]  }
0x156: {  	v8 =	vld [tilespmem:s13+$0xFFFFFFE0]  }
0x157: {  	v3 =	vld [tilespmem:s13+$0x180]  }
0x158: {  	v32 =	vld [tilespmem:s13+$0x140]  }
0x159: {  	v9 =	vld [tilespmem:s13+$0x30]  }
0x15a: {  	v20 =	vld [tilespmem:s13+$0xC0]  }
0x15b: {  	v10 =	vld [tilespmem:s13+$0xFFFFFDC0]  }
0x15c: {  	v11 =	vld [tilespmem:s13+$0xFFFFFFB0]  }
0x15d: {  	s16 =	simm.s32 $0x580;
	v13 =	vld [tilespmem:s13+$0xFFFFFF80]  }
0x15e: {  	v63 =	vld [tilespmem:s16+$0x0]  }
0x15f: {  	v19 =	vld [tilespmem:s13+$0xFFFFFDB0]  }
0x160: {  	v22 =	vld [tilespmem:s13+$0xFFFFFD80]  }
0x161: {  	v25 =	vld [tilespmem:s13+$0xFFFFFF70]  }
0x162: {  	v26 =	vld [tilespmem:s13+$0xFFFFFF50]  }
0x163: {  	v58 =	vld [tilespmem:s13+$0xFFFFFF30]  }
0x164: {  	v59 =	vld [tilespmem:s13+$0xFFFFFDA0]  }
0x165: {  	v60 =	vld [tilespmem:s13+$0x20];
	(v2sf) =	vpush v63, $0x0  }
0x166: {  	v61 =	vld [tilespmem:s13+$0x40]  }
0x167: {  	v62 =	vld [tilespmem:s13+$0xFFFFFFA0];
	v39 =	vbroadcast v63, $0x0;
	(v2sf) =	vpush v63, $0x1  }
0x168: {  	v40 =	vld [tilespmem:s13+$0xFFFFFD90];
	v17 =	vbroadcast v63, $0x4;
	v21 =	vbroadcast v63, $0x3  }
0x169: {  	v41 =	vld [tilespmem:s13+$0xFFFFFFC0];
	v5 =	vbroadcast v63, $0x5;
	v33 =	vbroadcast v63, $0x1;
	(v2sf) =	vpush v63, $0x2  }
0x16a: {  	v43 =	vld [tilespmem:s13+$0xFFFFFF20];
	v42 =	vmul.f32 v22, v39;
	v44 =	vmul.f32 v19, v39  }
0x16b: {  	v45 =	vld [tilespmem:s13+$0xFFFFFF40];
	v25 =	vmul.f32 v25, v21;
	v22 =	vmul.f32 v13, v17;
	(v2sf) =	vpush v63, $0x3  }
0x16c: {  	v46 =	vld [tilespmem:s13+$0xFFFFFEF0];
	v19 =	vmul.f32 v26, v21;
	v47 =	vmul.f32 v11, v17  }
0x16d: {  	v49 =	vld [tilespmem:s13+$0xFFFFFEE0];
	v48 =	vmul.f32 v10, v39;
	v34 =	vmul.f32 v58, v21;
	(v2sf) =	vpush v63, $0x4  }
0x16e: {  	v50 =	vld [tilespmem:s13+$0xFFFFFED0];
	v35 =	vmul.f32 v59, v39;
	v51 =	vmul.f32 v9, v5  }
0x16f: {  	v52 =	vld [tilespmem:s13+$0xFFFFFEC0];
	v9 =	vmul.f32 v8, v17;
	v26 =	vmul.f32 v60, v5;
	(v2sf) =	vpush v63, $0x5  }
0x170: {  	v37 =	vld [tilespmem:s13+$0xFFFFFEB0];
	v36 =	vmul.f32 v61, v5;
	v38 =	vmul.f32 v62, v17  }
0x171: {  	v53 =	vld [tilespmem:s13+$0xFFFFFEA0];
	v8 =	vmul.f32 v6, v5;
	v40 =	vmul.f32 v40, v39;
	(v2sf) =	vpush v63, $0x6  }
0x172: {  	v57 =	vld [tilespmem:s13+$0xFFFFFE30];
	v41 =	vmul.f32 v41, v17;
	v43 =	vmul.f32 v43, v21  }
0x173: {  	v55 =	vld [tilespmem:s13+$0xFFFFFE50];
	v45 =	vmul.f32 v45, v21;
	v10 =	vbroadcast v63, $0x8;
	(v2sf) =	vpush v63, $0x7  }
0x174: {  	v56 =	vld [tilespmem:s13+$0xFFFFFE40];
	v6 =	vbroadcast v63, $0x9;
	v11 =	vbroadcast v63, $0x7;
	s18 =	spop (v2sf)  }
0x175: {  	v58 =	vld [tilespmem:s13+$0xFFFFFE20];
	v59 =	vbroadcast v63, $0x2;
	v44 =	vadd.f32 v44, v7;
	(v2sf) =	vpush v63, $0x8;
	s9 =	sadd.f32 $1.000000000e+00, s18  }
0x176: {  	v7 =	vmul.f32 v14, v6;
	v14 =	vmul.f32 v29, v6;
	v29 =	vadd.f32 v48, v15;
	v48 =	vld [tilespmem:s13+$0xFFFFFDF0];
	s18 =	spop (v2sf)  }
0x177: {  	v61 =	vmul.f32 v57, v33;
	v15 =	vmul.f32 v31, v6;
	v31 =	vld [tilespmem:s13+$0xFFFFFDE0];
	(v2sf) =	vpush v63, $0x9;
	s9 =	sadd.f32 s9, s18  }
0x178: {  	v42 =	vadd.f32 v42, v12;
	v12 =	vmul.f32 v28, v11;
	v28 =	vadd.f32 v40, v16;
	v40 =	vld [tilespmem:s13+$0xFFFFFDD0];
	s21 =	spop (v2sf)  }
0x179: {  	v13 =	vbroadcast v63, $0x6;
	v55 =	vmul.f32 v55, v33;
	v27 =	vadd.f32 v35, v27;
	v35 =	vld [tilespmem:s13+$0xFFFFFE00];
	s9 =	sadd.f32 s9, s21  }
0x17a: {  	v16 =	vmul.f32 v30, v10;
	v30 =	vld [tilespmem:s13+$0xFFFFFE10];
	v37 =	vmul.f32 v37, v59;
	v44 =	vadd.f32 v61, v44;
	s24 =	spop (v2sf)  }
0x17b: {  	v60 =	vld [tilespmem:s13+$0xFFFFFE70];
	v46 =	vmul.f32 v46, v59;
	v62 =	vmul.f32 v58, v33;
	s9 =	sadd.f32 s9, s24  }
0x17c: {  	v32 =	vmul.f32 v32, v11;
	v61 =	vld [tilespmem:s13+$0xFFFFFF10];
	v37 =	vadd.f32 v37, v44;
	v44 =	vmul.f32 v52, v59;
	s21 =	spop (v2sf)  }
0x17d: {  	v58 =	vld [tilespmem:s13+$0xFFFFFE80];
	v48 =	vmul.f32 v48, v39;
	v27 =	vadd.f32 v62, v27;
	v31 =	vmul.f32 v31, v39;
	s9 =	sadd.f32 s9, s21  }
0x17e: {  	v57 =	vld [tilespmem:s13+$0xFFFFFE90];
	v39 =	vmul.f32 v40, v39;
	v35 =	vmul.f32 v35, v33;
	v34 =	vadd.f32 v34, v37;
	s24 =	spop (v2sf)  }
0x17f: {  	v54 =	vld [tilespmem:s13+$0xFFFFFE60];
	v30 =	vmul.f32 v30, v33;
	v24 =	vadd.f32 v48, v24;
	v23 =	vadd.f32 v31, v23;
	s9 =	sadd.f32 s9, s24  }
0x180: {  	v62 =	vld [tilespmem:s13+$0xFFFFFFF0];
	v39 =	vadd.f32 v39, v18;
	v35 =	vadd.f32 v35, v42;
	v63 =	vmul.f32 v56, v33;
	s21 =	spop (v2sf)  }
0x181: {  	v37 =	vld [tilespmem:s13+$0xA0];
	v42 =	vmul.f32 v61, v21;
	v28 =	vadd.f32 v30, v28;
	v30 =	vadd.f32 v47, v34;
	s9 =	sadd.f32 s9, s21  }
0x182: {  	v61 =	vld [tilespmem:s13+$0x0];
	v56 =	vmul.f32 v58, v59;
	v29 =	vadd.f32 v63, v29;
	v63 =	vmul.f32 v60, v33;
	s24 =	spop (v2sf)  }
0x183: {  	v30 =	vadd.f32 v51, v30;
	v60 =	vmul.f32 v53, v59;
	v53 =	vmul.f32 v57, v59;
	v57 =	vld [tilespmem:s13+$0x70];
	s9 =	sadd.f32 s9, s24  }
0x184: {  	v33 =	vmul.f32 v54, v33;
	v35 =	vadd.f32 v56, v35;
	v54 =	vld [tilespmem:s13+$0xFFFFFF60];
	v24 =	vadd.f32 v63, v24;
	s21 =	spop (v2sf)  }
0x185: {  	v52 =	vmul.f32 v50, v59;
	v56 =	vld [tilespmem:s13+$0x1A0];
	v18 =	vadd.f32 v60, v27;
	v29 =	vadd.f32 v44, v29;
	s9 =	sadd.f32 s9, s21  }
0x186: {  	v31 =	vmul.f32 v49, v59;
	v63 =	vld [tilespmem:s13+$0xFFFFFF90];
	v47 =	vadd.f32 v53, v28;
	v33 =	vadd.f32 v33, v23;
	s24 =	spop (v2sf)  }
0x187: {  	v48 =	vmul.f32 v20, v13;
	v27 =	vld [tilespmem:s13+$0xFFFFFF00];
	v23 =	vadd.f32 v55, v39;
	v20 =	vadd.f32 v46, v24;
	s9 =	sadd.f32 s9, s24  }
0x188: {  	v58 =	vmul.f32 v62, v17;
	v59 =	vld [tilespmem:s13+$0xF0];
	v24 =	vadd.f32 v43, v18;
	v29 =	vadd.f32 v45, v29  }
0x189: {  	v60 =	vld [tilespmem:s13+$0x1C0];
	v55 =	vmul.f32 v57, v5;
	v20 =	vadd.f32 v25, v20;
	v62 =	vmov s9  }
0x18a: {  	v53 =	vld [tilespmem:s13+$0xB0];
	v28 =	vadd.f32 v41, v29;
	v24 =	vadd.f32 v38, v24;
	v49 =	vmax.f32 v62, $9.999999970e-07  }
0x18b: {  	v25 =	vld [tilespmem:s13+$0x80];
	v41 =	vadd.f32 v52, v23;
	v23 =	vmul.f32 v54, v21;
	v45 =	vbroadcast v49, $0x0  }
0x18c: {  	v29 =	vld [tilespmem:s13+$0x100];
	v38 =	vadd.f32 v31, v33;
	v18 =	vmul.f32 v63, v17;
	v27 =	vmul.f32 v27, v21  }
0x18d: {  	v36 =	vadd.f32 v36, v28;
	v28 =	vld [tilespmem:s13+$0x130];
	v43 =	vadd.f32 v58, v20;
	(erf) = vrcp.f32 v45  }
0x18e: {  	v63 =	vld [tilespmem:s13+$0x120];
	v26 =	vadd.f32 v26, v24;
	v24 =	vmul.f32 v60, v10;
	v27 =	vadd.f32 v27, v35  }
0x18f: {  	v21 =	vld [tilespmem:s13+$0xFFFFFFD0];
	v60 =	vmul.f32 v61, v5;
	v35 =	vmul.f32 v56, v10;
	v39 =	vadd.f32 v55, v43  }
0x190: {  	v57 =	vld [tilespmem:s13+$0x1B0];
	v58 =	vadd.f32 v22, v27;
	v22 =	vmul.f32 v37, v13;
	v27 =	vmul.f32 v53, v13  }
0x191: {  	v61 =	vld [tilespmem:s13+$0x170];
	v25 =	vmul.f32 v25, v13;
	v20 =	vmul.f32 v29, v11;
	v37 =	vadd.f32 v42, v47  }
0x192: {  	v22 =	vadd.f32 v22, v26;
	v26 =	vadd.f32 v27, v30;
	v27 =	vmul.f32 v28, v11;
	v28 =	vld [tilespmem:s13+$0x50]  }
0x193: {  	v29 =	vld [tilespmem:s13+$0xE0];
	v40 =	vmul.f32 v63, v11;
	v63 =	vmul.f32 v59, v13;
	v31 =	vadd.f32 v60, v58  }
0x194: {  	v34 =	vld [tilespmem:s13+$0x90];
	v33 =	vmul.f32 v21, v17;
	v27 =	vadd.f32 v27, v26;
	v62 =	vadd.f32 v48, v36  }
0x195: {  	v21 =	vld [tilespmem:s13+$0x210];
	v30 =	vmul.f32 v57, v10;
	v26 =	vadd.f32 v19, v41;
	v36 =	vadd.f32 v40, v22  }
0x196: {  	s18 =	simm.s32 $0xA980;
	s9 =	simm.s32 $0x200;
	v22 =	vld [tilespmem:s13+$0x10];
	v17 =	vadd.f32 v32, v62;
	v32 =	vadd.f32 v63, v39;
	v39 =	vmul.f32 v61, v11;
	v19 =	vpop (erf)  }
.LBB2_5:
0x197: {  	p0 =	sne.s32 s9, $0x3E00;
	v23 =	vadd.f32 v23, v38;
	v28 =	vmul.f32 v28, v5;
	v35 =	vadd.f32 v35, v36;
	v36 =	vld [tilespmem:s13+$0x230];
	s18 =	sadd.s32 $0x500, s18;
	s16 =	sadd.s32 $0xA, s16  }
0x198: {  	v27 =	vadd.f32 v30, v27;
	s21 =	smov.u32 s9;
	s9 =	sadd.s32 $0x200, s9;
	v29 =	vmul.f32 v29, v13;
	v38 =	vld [tilespmem:s13+$0x110];
	v32 =	vadd.f32 v39, v32  }
0x199: {  	v18 =	vadd.f32 v18, v37;
	v4 =	vmul.f32 v4, v13;
	v30 =	vld [tilespmem:s13+$0x1D0];
	v15 =	vadd.f32 v15, v35  }
0x19a: {  	v26 =	vadd.f32 v33, v26;
	v13 =	vmul.f32 v34, v13;
	v16 =	vadd.f32 v16, v32;
	v32 =	vld [tilespmem:s13+$0x200]  }
0x19b: {  	v5 =	vmul.f32 v22, v5;
	v22 =	vadd.f32 v25, v31;
	v25 =	vld [tilespmem:s13+$0x1E0];
	v15 =	vmul.f32 v15, v19  }
0x19c: {  	s21 =	sshra.s32 s21, $0x2;
	v23 =	vadd.f32 v9, v23;
	v31 =	vld [tilespmem:s13+$0x190];
	v33 =	vmul.f32 v36, v6;
	v14 =	vadd.f32 v14, v16;
	s13 =	smov.u32 s18  }
0x19d: {  	v2 =	vmul.f32 v2, v11;
	v5 =	vadd.f32 v5, v18;
	v9 =	vld [tilespmem:s21+$0x15700];
	v18 =	vmul.f32 v38, v11;
	[tilespmem:s12+$0x17720] =	vst v15  }
0x19e: {  	v11 =	vadd.f32 v28, v26;
	v15 =	vadd.f32 v8, v23;
	v16 =	vld [tilespmem:s21+$0x15710];
	v14 =	vmul.f32 v14, v19  }
0x19f: {  	v3 =	vmul.f32 v3, v10;
	v5 =	vadd.f32 v13, v5;
	v13 =	vmul.f32 v30, v10;
	v8 =	vld [tilespmem:s21+$0x15720]  }
0x1a0: {  	v4 =	vadd.f32 v4, v11;
	v26 =	vld [tilespmem:s21+$0x15730];
	v23 =	vmul.f32 v25, v10;
	v25 =	vadd.f32 v33, v27;
	[tilespmem:s12+$0x17770] =	vst v14  }
0x1a1: {  	v5 =	vadd.f32 v18, v5;
	v14 =	vadd.f32 v29, v15;
	v11 =	vld [tilespmem:s21+$0x15740];
	v10 =	vmul.f32 v31, v10  }
0x1a2: {  	v15 =	vadd.f32 v20, v22;
	v4 =	vadd.f32 v12, v4;
	v18 =	vld [tilespmem:s21+$0x15750];
	v12 =	vmul.f32 v25, v19  }
0x1a3: {  	v2 =	vadd.f32 v2, v14;
	v20 =	vld [tilespmem:s21+$0x15760];
	v5 =	vadd.f32 v10, v5;
	v10 =	vmul.f32 v21, v6  }
0x1a4: {  	v14 =	vadd.f32 v24, v17;
	v4 =	vadd.f32 v13, v4;
	v13 =	vmul.f32 v32, v6;
	v22 =	vld [tilespmem:s21+$0x15770];
	[tilespmem:s12+$0x17730] =	vst v12  }
0x1a5: {  	v1 =	vmul.f32 v1, v6;
	v3 =	vadd.f32 v3, v15;
	v5 =	vadd.f32 v10, v5  }
0x1a6: {  	v0 =	vmul.f32 v0, v6;
	v2 =	vadd.f32 v23, v2;
	v4 =	vadd.f32 v7, v4  }
0x1a7: {  	v1 =	vadd.f32 v1, v14;
	v3 =	vadd.f32 v13, v3;
	v5 =	vmul.f32 v5, v19  }
0x1a8: {  	v0 =	vadd.f32 v0, v2;
	v2 =	vmul.f32 v4, v19  }
0x1a9: {  	v1 =	vmul.f32 v1, v19;
	v3 =	vmul.f32 v3, v19;
	[tilespmem:s12+$0x17710] =	vst v5  }
0x1aa: {  	v0 =	vmul.f32 v0, v19;
	[tilespmem:s12+$0x17750] =	vst v2  }
0x1ab: {  	[tilespmem:s12+$0x17700] =	vst v3  }
0x1ac: {  	[tilespmem:s12+$0x17760] =	vst v0  }
0x1ad: {  	[tilespmem:s12+$0x17740] =	vst v1;
	s12 =	smov.u32 s21  }
0x1ae: {  	v0 =	vld [tilespmem:s18+$0x260]  }
0x1af: {  	v7 =	vld [tilespmem:s18+$0x250]  }
0x1b0: {  	v1 =	vld [tilespmem:s18+$0x240]  }
0x1b1: {  	v12 =	vld [tilespmem:s18+$0x150]  }
0x1b2: {  	v2 =	vld [tilespmem:s18+$0x160]  }
0x1b3: {  	v14 =	vld [tilespmem:s18+$0x270]  }
0x1b4: {  	v4 =	vld [tilespmem:s18+$0xD0]  }
0x1b5: {  	v32 =	vld [tilespmem:s18+$0x1F0]  }
0x1b6: {  	v15 =	vld [tilespmem:s18+$0x220]  }
0x1b7: {  	v6 =	vld [tilespmem:s18+$0x60]  }
0x1b8: {  	v10 =	vld [tilespmem:s18+$0xFFFFFFE0]  }
0x1b9: {  	v3 =	vld [tilespmem:s18+$0x180]  }
0x1ba: {  	v35 =	vld [tilespmem:s18+$0x140]  }
0x1bb: {  	v13 =	vld [tilespmem:s18+$0x30]  }
0x1bc: {  	v24 =	vld [tilespmem:s18+$0xC0]  }
0x1bd: {  	v27 =	vld [tilespmem:s18+$0xFFFFFDC0]  }
0x1be: {  	v28 =	vld [tilespmem:s18+$0xFFFFFFB0]  }
0x1bf: {  	v19 =	vld [tilespmem:s18+$0xFFFFFF80]  }
0x1c0: {  	v38 =	vld [tilespmem:s16+$0x0]  }
0x1c1: {  	v23 =	vld [tilespmem:s18+$0xFFFFFDB0]  }
0x1c2: {  	v25 =	vld [tilespmem:s18+$0xFFFFFD80]  }
0x1c3: {  	v29 =	vld [tilespmem:s18+$0xFFFFFF70]  }
0x1c4: {  	v30 =	vld [tilespmem:s18+$0xFFFFFF50]  }
0x1c5: {  	v36 =	vbroadcast v38, $0x0;
	v31 =	vld [tilespmem:s18+$0xFFFFFF30];
	v17 =	vbroadcast v38, $0x4;
	(v2sf) =	vpush v38, $0x0  }
0x1c6: {  	v21 =	vbroadcast v38, $0x3;
	v5 =	vbroadcast v38, $0x5;
	v34 =	vld [tilespmem:s18+$0xFFFFFDA0]  }
0x1c7: {  	v33 =	vmul.f32 v25, v36;
	v37 =	vmul.f32 v23, v36;
	v39 =	vld [tilespmem:s18+$0x20];
	(v2sf) =	vpush v38, $0x1  }
0x1c8: {  	v23 =	vmul.f32 v19, v17;
	v25 =	vmul.f32 v29, v21;
	v40 =	vld [tilespmem:s18+$0x40];
	(v2sf) =	vpush v38, $0x2  }
0x1c9: {  	v29 =	vmul.f32 v28, v17;
	v41 =	vadd.f32 v37, v26;
	v19 =	vmul.f32 v30, v21;
	v30 =	vld [tilespmem:s18+$0xFFFFFFA0]  }
0x1ca: {  	v33 =	vadd.f32 v33, v9;
	v9 =	vmul.f32 v27, v36;
	v42 =	vld [tilespmem:s18+$0xFFFFFD90];
	v37 =	vmul.f32 v31, v21  }
0x1cb: {  	v27 =	vmul.f32 v13, v5;
	v28 =	vmul.f32 v34, v36;
	v34 =	vld [tilespmem:s18+$0xFFFFFFC0];
	(v2sf) =	vpush v38, $0x3  }
0x1cc: {  	v43 =	vadd.f32 v9, v11;
	v9 =	vmul.f32 v10, v17;
	v11 =	vld [tilespmem:s18+$0xFFFFFF20];
	v26 =	vmul.f32 v39, v5  }
0x1cd: {  	v39 =	vadd.f32 v28, v8;
	v10 =	vld [tilespmem:s18+$0xFFFFFF40];
	v28 =	vmul.f32 v40, v5;
	(v2sf) =	vpush v38, $0x4  }
0x1ce: {  	v8 =	vmul.f32 v6, v5;
	v40 =	vld [tilespmem:s18+$0xFFFFFEF0];
	v30 =	vmul.f32 v30, v17  }
0x1cf: {  	v42 =	vmul.f32 v42, v36;
	v44 =	vld [tilespmem:s18+$0xFFFFFEE0];
	(v2sf) =	vpush v38, $0x5  }
0x1d0: {  	v31 =	vld [tilespmem:s18+$0xFFFFFED0];
	v34 =	vmul.f32 v34, v17  }
0x1d1: {  	v45 =	vld [tilespmem:s18+$0xFFFFFEC0];
	v46 =	vmul.f32 v11, v21;
	(v2sf) =	vpush v38, $0x6  }
0x1d2: {  	v47 =	vld [tilespmem:s18+$0xFFFFFEB0];
	v48 =	vmul.f32 v10, v21  }
0x1d3: {  	v49 =	vld [tilespmem:s18+$0xFFFFFEA0];
	(v2sf) =	vpush v38, $0x7  }
0x1d4: {  	v50 =	vld [tilespmem:s18+$0xFFFFFE60];
	s21 =	spop (v2sf)  }
0x1d5: {  	s21 =	sadd.f32 $1.000000000e+00, s21;
	v51 =	vld [tilespmem:s18+$0xFFFFFE50];
	(v2sf) =	vpush v38, $0x8  }
0x1d6: {  	v6 =	vbroadcast v38, $0x9;
	v10 =	vbroadcast v38, $0x8;
	v52 =	vld [tilespmem:s18+$0xFFFFFE40];
	s24 =	spop (v2sf)  }
0x1d7: {  	v13 =	vbroadcast v38, $0x6;
	v11 =	vbroadcast v38, $0x7;
	s21 =	sadd.f32 s21, s24;
	v53 =	vld [tilespmem:s18+$0xFFFFFE30];
	s24 =	spop (v2sf);
	(v2sf) =	vpush v38, $0x9  }
0x1d8: {  	v55 =	vbroadcast v38, $0x2;
	v7 =	vmul.f32 v7, v6;
	v54 =	vld [tilespmem:s18+$0xFFFFFE20]  }
0x1d9: {  	v14 =	vmul.f32 v14, v6;
	v38 =	vbroadcast v38, $0x1;
	s21 =	sadd.f32 s21, s24;
	v56 =	vld [tilespmem:s18+$0xFFFFFE70]  }
0x1da: {  	v15 =	vmul.f32 v15, v6;
	v40 =	vmul.f32 v40, v55;
	v57 =	vld [tilespmem:s18+$0xFFFFFDF0];
	s24 =	spop (v2sf)  }
0x1db: {  	v12 =	vmul.f32 v12, v11;
	s21 =	sadd.f32 s21, s24;
	v58 =	vld [tilespmem:s18+$0xFFFFFDE0];
	v52 =	vmul.f32 v52, v38  }
0x1dc: {  	v42 =	vadd.f32 v42, v16;
	v16 =	vmul.f32 v32, v10;
	v59 =	vld [tilespmem:s18+$0xFFFFFDD0];
	v53 =	vmul.f32 v53, v38;
	s24 =	spop (v2sf)  }
0x1dd: {  	v32 =	vmul.f32 v35, v11;
	s21 =	sadd.f32 s21, s24;
	v60 =	vld [tilespmem:s18+$0xFFFFFE10];
	v54 =	vmul.f32 v54, v38;
	v43 =	vadd.f32 v52, v43  }
0x1de: {  	v47 =	vmul.f32 v47, v55;
	v35 =	vld [tilespmem:s18+$0xFFFFFE00];
	v41 =	vadd.f32 v53, v41;
	v52 =	vmul.f32 v56, v38;
	s24 =	spop (v2sf)  }
0x1df: {  	v51 =	vmul.f32 v51, v38;
	s21 =	sadd.f32 s21, s24;
	v53 =	vmul.f32 v57, v36;
	v39 =	vadd.f32 v54, v39;
	v54 =	vld [tilespmem:s18+$0xFFFFFE90]  }
0x1e0: {  	v45 =	vmul.f32 v45, v55;
	v56 =	vmul.f32 v58, v36;
	v57 =	vld [tilespmem:s18+$0xFFFFFE80];
	v41 =	vadd.f32 v47, v41;
	s24 =	spop (v2sf)  }
0x1e1: {  	v47 =	vmul.f32 v49, v55;
	s21 =	sadd.f32 s21, s24;
	v36 =	vmul.f32 v59, v36;
	v22 =	vadd.f32 v53, v22;
	v49 =	vld [tilespmem:s18+$0xFFFFFF10]  }
0x1e2: {  	v44 =	vmul.f32 v44, v55;
	v20 =	vadd.f32 v56, v20;
	v53 =	vmul.f32 v60, v38;
	v56 =	vld [tilespmem:s18+$0xFFFFFFF0];
	s24 =	spop (v2sf)  }
0x1e3: {  	s21 =	sadd.f32 s21, s24;
	v35 =	vmul.f32 v35, v38;
	v38 =	vmul.f32 v50, v38;
	v22 =	vadd.f32 v52, v22;
	v50 =	vld [tilespmem:s18+$0xFFFFFF90]  }
0x1e4: {  	v36 =	vadd.f32 v36, v18;
	v18 =	vadd.f32 v47, v39;
	v52 =	vmul.f32 v54, v55;
	v39 =	vld [tilespmem:s18+$0xFFFFFF00];
	s24 =	spop (v2sf)  }
0x1e5: {  	v43 =	vadd.f32 v45, v43;
	v37 =	vadd.f32 v37, v41;
	s21 =	sadd.f32 s21, s24;
	v47 =	vmul.f32 v57, v55;
	v41 =	vld [tilespmem:s18+$0xA0]  }
0x1e6: {  	v33 =	vadd.f32 v35, v33;
	v45 =	vmul.f32 v49, v21;
	v35 =	vld [tilespmem:s18+$0x70];
	v49 =	vmul.f32 v24, v13;
	s24 =	spop (v2sf)  }
0x1e7: {  	v22 =	vadd.f32 v40, v22;
	v24 =	vadd.f32 v46, v18;
	s21 =	sadd.f32 s21, s24;
	v40 =	vmul.f32 v56, v17;
	v46 =	vld [tilespmem:s18+$0x1C0]  }
0x1e8: {  	v42 =	vadd.f32 v53, v42;
	v29 =	vadd.f32 v29, v37;
	v18 =	vmul.f32 v50, v17;
	v37 =	vld [tilespmem:s18+$0x0]  }
0x1e9: {  	v43 =	vadd.f32 v48, v43;
	v33 =	vadd.f32 v47, v33;
	v50 =	vmov s21;
	v47 =	vld [tilespmem:s18+$0x120]  }
0x1ea: {  	v22 =	vadd.f32 v25, v22;
	v39 =	vmul.f32 v39, v21;
	v48 =	vmax.f32 v50, $9.999999970e-07;
	v25 =	vld [tilespmem:s18+$0x80]  }
0x1eb: {  	v34 =	vadd.f32 v34, v43;
	v42 =	vadd.f32 v52, v42;
	v48 =	vbroadcast v48, $0x0;
	v43 =	vld [tilespmem:s18+$0x100]  }
0x1ec: {  	v31 =	vmul.f32 v31, v55;
	v27 =	vadd.f32 v27, v29;
	v24 =	vadd.f32 v30, v24;
	v29 =	vld [tilespmem:s18+$0xB0]  }
0x1ed: {  	v34 =	vadd.f32 v28, v34;
	v30 =	vadd.f32 v39, v33;
	v33 =	vld [tilespmem:s18+$0xFFFFFF60];
	(erf) = vrcp.f32 v48  }
0x1ee: {  	v38 =	vadd.f32 v38, v20;
	v26 =	vadd.f32 v26, v24;
	v39 =	vmul.f32 v47, v11;
	v28 =	vld [tilespmem:s18+$0x130]  }
0x1ef: {  	v36 =	vadd.f32 v51, v36;
	v35 =	vmul.f32 v35, v5;
	v25 =	vmul.f32 v25, v13;
	v47 =	vld [tilespmem:s18+$0x1A0]  }
0x1f0: {  	v22 =	vadd.f32 v40, v22;
	v24 =	vmul.f32 v46, v10;
	v20 =	vmul.f32 v43, v11;
	v40 =	vld [tilespmem:s18+$0x1B0]  }
0x1f1: {  	v43 =	vadd.f32 v23, v30;
	v30 =	vmul.f32 v41, v13;
	v29 =	vmul.f32 v29, v13;
	v41 =	vld [tilespmem:s18+$0xF0]  }
0x1f2: {  	v31 =	vadd.f32 v31, v36;
	v46 =	vmul.f32 v37, v5;
	v23 =	vmul.f32 v33, v21;
	v21 =	vld [tilespmem:s18+$0xFFFFFFD0]  }
0x1f3: {  	v26 =	vadd.f32 v30, v26;
	v27 =	vadd.f32 v29, v27;
	v30 =	vmul.f32 v28, v11;
	v48 =	vld [tilespmem:s18+$0x170]  }
.Ltmp1:
0x1f4: {  	v49 =	vadd.f32 v49, v34;
	v50 =	vadd.f32 v35, v22;
	v28 =	vld [tilespmem:s18+$0x50];
	v35 =	vmul.f32 v47, v10;
	(pc) =	sbr.rel @p0 .LBB2_5-.Ltmp1, $4  }
0x1f5: {  	v36 =	vadd.f32 v39, v26;
	v29 =	vld [tilespmem:s18+$0xE0];
	v27 =	vadd.f32 v30, v27;
	v30 =	vmul.f32 v40, v10  }
0x1f6: {  	v38 =	vadd.f32 v44, v38;
	v26 =	vadd.f32 v19, v31;
	v22 =	vld [tilespmem:s18+$0x10];
	v39 =	vmul.f32 v41, v13;
	v19 =	vpop (erf)  }
0x1f7: {  	v37 =	vadd.f32 v45, v42;
	v33 =	vmul.f32 v21, v17;
	v34 =	vld [tilespmem:s18+$0x90];
	v17 =	vadd.f32 v32, v49  }
0x1f8: {  	v31 =	vadd.f32 v46, v43;
	v32 =	vadd.f32 v39, v50;
	v39 =	vmul.f32 v48, v11;
	v21 =	vld [tilespmem:s18+$0x210]  }
0x1f9: {  	v23 =	vadd.f32 v23, v38;
	v35 =	vadd.f32 v35, v36  }
0x1fa: {  	v28 =	vmul.f32 v28, v5;
	v27 =	vadd.f32 v30, v27;
	v18 =	vadd.f32 v18, v37  }
0x1fb: {  	v4 =	vmul.f32 v4, v13;
	v26 =	vadd.f32 v33, v26;
	v2 =	vmul.f32 v2, v11  }
0x1fc: {  	v3 =	vmul.f32 v3, v10;
	v62 =	vadd.f32 v24, v17;
	v0 =	vmul.f32 v0, v6  }
0x1fd: {  	v43 =	vld [tilespmem:s13+$0x230];
	v1 =	vmul.f32 v1, v6;
	v32 =	vadd.f32 v39, v32;
	v48 =	vadd.f32 v25, v31  }
0x1fe: {  	v44 =	vld [tilespmem:s13+$0x110];
	v29 =	vmul.f32 v29, v13;
	v15 =	vadd.f32 v15, v35;
	v9 =	vadd.f32 v9, v23  }
0x1ff: {  	v46 =	vld [tilespmem:s13+$0x1D0];
	v47 =	vmul.f32 v22, v5;
	v53 =	vadd.f32 v28, v26;
	v1 =	vadd.f32 v1, v62  }
0x200: {  	v49 =	vld [tilespmem:s13+$0x190];
	v45 =	vmul.f32 v34, v13;
	v16 =	vadd.f32 v16, v32;
	v60 =	vadd.f32 v20, v48  }
0x201: {  	v55 =	vld [tilespmem:s13+$0x200];
	v15 =	vmul.f32 v15, v19;
	v5 =	vadd.f32 v47, v18;
	v8 =	vadd.f32 v8, v9  }
0x202: {  	v51 =	vld [tilespmem:s13+$0x1E0];
	v4 =	vadd.f32 v4, v53;
	v61 =	vmul.f32 v21, v6;
	v1 =	vmul.f32 v1, v19  }
0x203: {  	s9 =	sadd.s32 $0x3, s11;
	v50 =	vmul.f32 v43, v6;
	v14 =	vadd.f32 v14, v16;
	v52 =	vmul.f32 v44, v11  }
0x204: {  	s18 =	smulhi.u32 $0x51EB851F, s9;
	v56 =	vmul.f32 v46, v10;
	v3 =	vadd.f32 v3, v60;
	v5 =	vadd.f32 v45, v5  }
0x205: {  	v58 =	vmul.f32 v49, v10;
	v8 =	vadd.f32 v29, v8;
	v4 =	vadd.f32 v12, v4  }
0x206: {  	s13 =	sshrl.u32 s18, $0x4;
	v13 =	vmul.f32 v55, v6;
	v57 =	vadd.f32 v50, v27;
	v5 =	vadd.f32 v52, v5  }
0x207: {  	s13 =	smul.u32 $0x32, s13;
	v59 =	vmul.f32 v51, v10;
	v2 =	vadd.f32 v2, v8;
	v4 =	vadd.f32 v56, v4  }
0x208: {  	[tilespmem:s12+$0x17720] =	vst v15;
	v54 =	vmul.f32 v14, v19;
	v3 =	vadd.f32 v13, v3;
	v5 =	vadd.f32 v58, v5  }
0x209: {  	s9 =	ssub.s32 s9, s13;
	[tilespmem:s12+$0x17740] =	vst v1;
	v11 =	vmul.f32 v57, v19;
	v2 =	vadd.f32 v59, v2;
	v4 =	vadd.f32 v7, v4  }
0x20a: {  	s9 =	sadd.s32 s6, s9;
	[tilespmem:s12+$0x17770] =	vst v54;
	v3 =	vmul.f32 v3, v19;
	v5 =	vadd.f32 v61, v5  }
0x20b: {  	s21 =	sadd.s32 s11, s15;
	s9 =	sshll.u32 s9, $0x5;
	[tilespmem:s12+$0x17730] =	vst v11;
	v0 =	vadd.f32 v0, v2;
	v63 =	vmul.f32 v4, v19  }
0x20c: {  	s11 =	sshll.u32 s21, $0x5;
	s9 =	smin.u32 s9, $0xC330;
	[tilespmem:s12+$0x17700] =	vst v3;
	v5 =	vmul.f32 v5, v19  }
0x20d: {  	s11 =	smin.u32 s11, $0xC330;
	s24 =	smul.u32 $0xA, s9;
	[tilespmem:s12+$0x17750] =	vst v63;
	v0 =	vmul.f32 v0, v19  }
0x20e: {  	s16 =	simm.s32 $0x17700;
	s11 =	sshll.u32 s11, $0x4;
	[tilespmem:s12+$0x17710] =	vst v5  }
0x20f: {  	s10 =	sadd.s32 $0x1, s10;
	s11 =	sadd.s32 s4, s11;
	s18 =	sshrl.u32 s24, $0x3;
	[tilespmem:s12+$0x17760] =	vst v0  }
0x210: {  	[hbm4b:s11+s5] =	stream.linear.scatter [tilespmem:s16], [sflag:$0x6], $0x1000, $0x38;
	[tilespmem:$0x18700] =	vst v63  }
0x211: {  	p0 =	sne.s32 s10, $0x19;
	s12 =	sadd.s32 s7, s18  }
0x212: {  	[tilespmem:s19], [sflag:$0x2] =	stream.linear.gather [hbm4b:s12+s5], $0x140, $0x38;
	[tilespmem:$0x18700] =	vst v63  }
.Ltmp2:
0x213: {  	s9 =	sshrl.u32 s9, $0x3;
	(pc) =	sbr.rel @p0 .LBB2_2-.Ltmp2, $4  }
0x214: {  	s9 =	sadd.s32 s1, s9  }
0x215: {  	[tilespmem:s20], [sflag:$0x2] =	stream.linear.gather [hbm4b:s9+s5], $0x20, $0x38;
	[tilespmem:$0x18700] =	vst v63  }
0x216: {  	s24 =	simm.s32 $0x580;
	s21 =	sadd.s32 s8, s18  }
0x217: {  	[tilespmem:s24], [sflag:$0x2] =	stream.linear.gather [hbm4b:s21+s5], $0x140, $0x38;
	[tilespmem:$0x18700] =	vst v63  }
0x218: {  	_ =	swait.ge [sflag:s0], $0x140  }
0x219: {  	[sflag:s0] =	ssyncset.done $0x0  }
0x21a: {  	[sflag:s0] =	ssyncadd.s32 $0xFFFFFEC0  }
0x21b: {  	_ =	swait.ge [sflag:s0], $0x20  }
0x21c: {  	[sflag:s0] =	ssyncset.done $0x0  }
0x21d: {  	[sflag:s0] =	ssyncadd.s32 $0xFFFFFFE0  }
0x21e: {  	_ =	swait.ge [sflag:s0], $0x140  }
0x21f: {  	[sflag:s0] =	ssyncset.done $0x0  }
0x220: {  	[sflag:s0] =	ssyncadd.s32 $0xFFFFFEC0  }
0x221: {  	_ =	swait.ge [sflag:s14], $0x4000  }
0x222: {  	[sflag:s14] =	ssyncset.done $0x0  }
0x223: {  	[sflag:s14] =	ssyncadd.s32 $0xFFFFC000  }
0x224: {  	_ =	swait.ge [sflag:s14], $0x4000  }
0x225: {  	[sflag:s14] =	ssyncset.done $0x0  }
0x226: {  	[sflag:s14] =	ssyncadd.s32 $0xFFFFC000  }
0x227: {  	_ =	swait.ge [sflag:s14], $0x2000  }
0x228: {  	[sflag:s14] =	ssyncset.done $0x0  }
0x229: {  	[sflag:s14] =	ssyncadd.s32 $0xFFFFE000  }
0x22a: {  	_ =	swait.ge [sflag:s14], $0x1000  }
0x22b: {  	[sflag:s14] =	ssyncset.done $0x0  }
0x22c: {  	s9 =	simm.s32 $0x5;
	[sflag:s14] =	ssyncadd.s32 $0xFFFFF000  }
0x22d: {  	_ =	swait.ge [sflag:s9], $0x1000  }
0x22e: {  	[sflag:s9] =	ssyncset.done $0x0  }
0x22f: {  	s10 =	simm.s32 $0x6;
	[sflag:s9] =	ssyncadd.s32 $0xFFFFF000  }
0x230: {  	_ =	swait.ge [sflag:s10], $0x1000  }
0x231: {  	s11 =	rddreg [dreg:$0xc]  }
0x232: {  	s24 =	rddreg [dreg:$0xb];
	s11 =	sadd.s32 $0x1, s11  }
0x233: {  	p0 =	sne.s32 s11, s24  }
.Ltmp3:
0x234: {  	_ = 	snop;
	(pc) =	sbr.rel @p0 .LBB2_1-.Ltmp3, $3  }
0x235: {  	_ =	sdelay $0x1  }
0x236: {  	[sflag:s10] =	ssyncset.done $0x0  }
0x237: {  	[sflag:s10] =	ssyncadd.s32 $0xFFFFF000  }
0x238: {  	_ =	sfence.sel $0x180000  }
0x239: {  	[bflag:$0x0] =	sbarrier.arrive $0xFFFF  }
0x23a: {  	_ =	strace $0x90000047  }
0x23b: {  	s0 =	stileid.u32;
	[bflag:$0x2] =	sbarrier.arrive $0xFFFF  }
0x23c: {  	p0 =	sne.s32 s0, $0x0;
	s0 =	rddreg [dreg:$0x4]  }
0x23d: {  	s0 =	sadd.s32 @!p0 $0x100000, s0  }
0x23e: {  	[sflag:s0] =	ssyncadd.tile.s32 @!p0 $0x1;
	_ =	shalt  }
.Lfunc_end2:
_tile_overlayer_lowered:
.L_overlay_start_2:
0x23f: {  	(tag) =	ssettag $0x2  }
0x240: {  	s0 =	rddreg [dreg:$0x0];
	s2 =	stileid.u32  }
0x241: {  	s1 =	rddreg [dreg:$0x1];
	p0 =	sne.s32 s2, $0x0  }
0x242: {  	s3 =	rddreg [dreg:$0x2];
	[bflag:$0x3] =	sbarrier.arrive $0xFFFF;
	s2 =	simm.s32 @!p0 $0x1C07  }
0x243: {  	[timem:s3], [sflag:s2] =	dma.local @!p0 [hbm:s0], s1  }
0x244: {  	s0 =	simm.s32 @!p0 $0x7  }
0x245: {  	_ =	swait.ge @!p0 [sflag:s0], s1  }
0x246: {  	s1 =	ssub.s32 @!p0 $0x0, s1;
	[sflag:s0] =	ssyncset.done @!p0 $0x0  }
0x247: {  	[sflag:s0] =	ssyncadd.s32 @!p0 s1  }
0x248: {  	[bflag:$0x3] =	sbarrier.arrive $0xFFFF  }
0x249: {  	_ =	shalt  }

</sc_bundles>
